<compile_context>
chip_gen: v7x
topology: tpu7x:2x2x1
jax: 0.10.2.dev20260603
libtpu: 0.0.44.dev20260713+nightly
codegen_flags: <defaults>
</compile_context>

<pallas_src>
import functools

import jax
import jax.numpy as jnp
from jax import lax
from jax.experimental import pallas as pl
from jax.experimental.pallas import tpu as pltpu
from jax.experimental.pallas import tpu_sc as plsc

B = 1024
H = 128
N_TOT = 4097
NUM_IMG = 100000
TEMP = 0.07
PAD_COLS = 100352
TOTAL = B * N_TOT
IDX_ROWS = 33280
PAD_CNT = IDX_ROWS * 128 - TOTAL
SAFE_IDX = PAD_COLS - 1

_info = plsc.get_sparse_core_info()
NC, NS = _info.num_cores, _info.num_subcores
NW = NC * NS
ROWS_PER_W = IDX_ROWS // NW
CHUNK_ROWS = 16
N_CHUNKS = ROWS_PER_W // CHUNK_ROWS


_MM_NBLK = 1024


def _mm_body(iv_ref, mb_ref, s_ref):
    t = lax.dot_general(
        iv_ref[...], mb_ref[...],
        dimension_numbers=(((1,), (1,)), ((), ())),
        preferred_element_type=jnp.float32)
    s_ref[...] = t.reshape(B, _MM_NBLK // 128, 128)


def _matmul(iv, mb_pad):
    return pl.pallas_call(
        _mm_body,
        grid=(PAD_COLS // _MM_NBLK,),
        in_specs=[pl.BlockSpec((B, H), lambda i: (0, 0)),
                  pl.BlockSpec((_MM_NBLK, H), lambda i: (i, 0))],
        out_specs=pl.BlockSpec((B, _MM_NBLK // 128, 128),
                               lambda i: (0, i, 0)),
        out_shape=jax.ShapeDtypeStruct((B, PAD_COLS // 128, 128),
                                       jnp.float32),
    )(iv, mb_pad)


_INV_T = 1.0 / TEMP

_sc_mesh = plsc.VectorSubcoreMesh(core_axis_name="c", subcore_axis_name="s")


@functools.partial(
    pl.kernel,
    mesh=_sc_mesh,
    out_type=[jax.ShapeDtypeStruct((IDX_ROWS, 128), jnp.float32),
              jax.ShapeDtypeStruct((NW, 16), jnp.float32)],
    scratch_types=[pltpu.VMEM((CHUNK_ROWS, 128), jnp.int32),
                   pltpu.VMEM((CHUNK_ROWS, 128), jnp.float32),
                   pltpu.VMEM((CHUNK_ROWS, 128), jnp.float32),
                   pltpu.VMEM((16,), jnp.float32),
                   pltpu.SemaphoreType.DMA],
)
def _sc_gather_exp(s_hbm, idx_hbm, probs_hbm, part_hbm,
                   idx_v, rows_v, prob_v, acc_v, sem):
    cid = lax.axis_index("c")
    sid = lax.axis_index("s")
    r_fast, r_slow = 1360, 720
    base = jnp.where(cid == 0, sid * r_fast,
                     NS * r_fast + sid * r_slow)
    n_chunks = jnp.where(cid == 0, r_fast // CHUNK_ROWS,
                         r_slow // CHUNK_ROWS)

    def chunk(c, acc):
        row0 = base + c * CHUNK_ROWS
        pltpu.sync_copy(idx_hbm.at[pl.ds(row0, CHUNK_ROWS)], idx_v)
        descs = [pltpu.async_copy(s_hbm.at[idx_v.at[j]], rows_v.at[j], sem)
                 for j in range(CHUNK_ROWS)]
        for d in descs:
            d.wait()
        for j in range(CHUNK_ROWS):
            for k in range(8):
                v = rows_v[j, pl.ds(k * 16, 16)]
                p = jnp.exp(v * _INV_T)
                acc = acc + p
                prob_v[j, pl.ds(k * 16, 16)] = p
        pltpu.sync_copy(prob_v, probs_hbm.at[pl.ds(row0, CHUNK_ROWS)])
        return acc

    acc = lax.fori_loop(0, n_chunks, chunk, jnp.zeros((16,), jnp.float32))
    acc_v[...] = acc
    pltpu.sync_copy(acc_v, part_hbm.at[sid * NC + cid])


def _scale_body(part_ref, probs_ref, out_ref):
    s = jnp.sum(part_ref[...]) - float(PAD_CNT)
    z = s / float(TOTAL) * float(NUM_IMG)
    out_ref[...] = probs_ref[...] / z


_SC_RBLK = 4160


def _normalize(partials, probs_pad):
    return pl.pallas_call(
        _scale_body,
        grid=(IDX_ROWS // _SC_RBLK,),
        in_specs=[pl.BlockSpec((NW, 16), lambda i: (0, 0)),
                  pl.BlockSpec((_SC_RBLK, 128), lambda i: (i, 0))],
        out_specs=pl.BlockSpec((_SC_RBLK, 128), lambda i: (i, 0)),
        out_shape=jax.ShapeDtypeStruct((IDX_ROWS, 128), jnp.float32),
    )(partials, probs_pad)


def kernel(image_vectors, image_index, memory_bank):
    skey = jax.random.key(12345)
    samp = jax.random.randint(skey, (B, N_TOT), 0, NUM_IMG, dtype=jnp.int32)
    samp = samp.at[:, 0].set(image_index)
    flat_idx = (jnp.arange(B, dtype=jnp.int32)[:, None] * PAD_COLS
                + samp).reshape(-1)
    flat_idx = jnp.concatenate(
        [flat_idx, jnp.full((PAD_CNT,), SAFE_IDX, jnp.int32)])
    idx2d = flat_idx.reshape(IDX_ROWS, 128)

    mb_pad = jnp.pad(memory_bank, ((0, PAD_COLS - NUM_IMG), (0, 0)))
    s = _matmul(image_vectors, mb_pad)
    probs_pad, partials = _sc_gather_exp(s.reshape(-1), idx2d)
    out_pad = _normalize(partials, probs_pad)
    return out_pad.reshape(-1)[:TOTAL].reshape(B, N_TOT)

# --- scband reference (transcript-rebuilt; emitter-appended) ---
"""Pipeline reference for scband-nceaverage-21208548508052 (READ-ONLY COPY).

The authoritative reference and input builder live on the scoring server;
editing this copy changes nothing except your own understanding.
"""

import jax, jax.numpy as jnp
import numpy as np

NUM_IMAGES = 100000
HIDDEN = 128
NUM_NOISE = 4096
TEMPERATURE = 0.07
BATCH = 1024


def setup_inputs(seed: int = 0) -> dict:
    key = jax.random.key(seed)
    k1, k2, k3 = jax.random.split(key, 3)
    iv = jax.random.normal(k1, (BATCH, HIDDEN), dtype=jnp.float32)
    iv = iv / jnp.linalg.norm(iv, axis=1, keepdims=True)
    idx = jax.random.randint(k2, (BATCH,), 0, NUM_IMAGES, dtype=jnp.int32)
    stdv = 1.0 / np.sqrt(HIDDEN / 3.0)
    mb = jax.random.uniform(k3, (NUM_IMAGES, HIDDEN), dtype=jnp.float32, minval=-stdv, maxval=stdv)
    return {"image_vectors": iv, "image_index": idx, "memory_bank": mb}


def reference(image_vectors, image_index, memory_bank):
    b = image_vectors.shape[0]
    skey = jax.random.key(12345)
    sample_indices = jax.random.randint(skey, (b, NUM_NOISE + 1), 0, NUM_IMAGES, dtype=jnp.int32)
    sample_indices = sample_indices.at[:, 0].set(image_index)
    # gather from memory bank: [B, NUM_NOISE+1, HIDDEN]
    weights = jnp.take(memory_bank, sample_indices, axis=0)
    # bmm(weights, image_vectors.unsqueeze(-1)).squeeze(-1)
    logits = jnp.einsum('bnd,bd->bn', weights, image_vectors)
    # torch code mutates logits in place: div_(T).exp_() then div_(Z), so the
    # returned tensor is actually the normalized probs
    probs = jnp.exp(logits / TEMPERATURE)
    z = probs.mean() * NUM_IMAGES  # normalization_constant set on first call
    return probs / z

if __name__ == "__main__":
    import jax
    _d = setup_inputs()
    print(jax.jit(kernel)(*tuple(_d.values())))

</pallas_src>

<mosaic_0001>
#map = affine_map<(d0, d1) -> (0)>
#map1 = affine_map<(d0, d1) -> (0, 0)>
module attributes {stable_mosaic.version = 14 : i64} {
  func.func @_sc_gather_exp(%arg0: i32, %arg1: i32, %arg2: memref<102760448xf32, #tpu.memory_space<hbm>>, %arg3: memref<33280x128xi32, #tpu.memory_space<hbm>>, %arg4: memref<33280x128xf32, #tpu.memory_space<hbm>>, %arg5: memref<32x16xf32, #tpu.memory_space<hbm>>, %arg6: memref<16x128xi32, #tpu.memory_space<vmem>>, %arg7: memref<16x128xf32, #tpu.memory_space<vmem>>, %arg8: memref<16x128xf32, #tpu.memory_space<vmem>>, %arg9: memref<16xf32, #tpu.memory_space<vmem>>, %arg10: memref<!tpu.dma_semaphore, #tpu.memory_space<semaphore_mem>>) attributes {dimension_semantics = [#tpu.dimension_semantics<core_parallel>, #tpu.dimension_semantics<subcore_parallel>], iteration_bounds = array<i64: 2, 16>, scalar_prefetch = 0 : i64, scratch_operands = 5 : i64, tpu.core_type = #tpu.core_type<sc_vector_subcore>, window_params = [{transform_indices = #map}, {transform_indices = #map1}, {transform_indices = #map1}, {transform_indices = #map1}]} {
    %eq3A = arith.constant 0 : i32
    %eq3A_0 = arith.cmpi eq, %arg0, %eq3A : i32
    %mul3A = arith.constant 1360 : i32
    %mul3A_1 = arith.muli %arg1, %mul3A : i32
    %mul3A_2 = arith.constant 720 : i32
    %mul3A_3 = arith.muli %arg1, %mul3A_2 : i32
    %add3A = arith.constant 21760 : i32
    %add3A_4 = arith.addi %add3A, %mul3A_3 : i32
    %select_n3A = arith.select %eq3A_0, %mul3A_1, %add3A_4 : i32
    %eq3A_5 = arith.constant 0 : i32
    %eq3A_6 = arith.cmpi eq, %arg0, %eq3A_5 : i32
    %jit3A = arith.constant 85 : i32
    %jit3A_7 = arith.constant 45 : i32
    %select_n3A_8 = arith.select %eq3A_6, %jit3A, %jit3A_7 : i32
    %broadcast_in_dim3A = arith.constant 0.000000e+00 : f32
    %broadcast_in_dim3A_9 = vector.broadcast %broadcast_in_dim3A : f32 to vector<16xf32>
    %while3A = arith.constant 0 : i32
    %while3A_10 = arith.subi %select_n3A_8, %while3A : i32
    %while3A_11 = arith.addi %while3A, %while3A_10 : i32
    %while3A_12 = arith.constant 1 : i32
    %while3A_13 = arith.divsi %while3A_10, %while3A_12 : i32
    %while3A_14 = arith.muli %while3A_13, %while3A_12 : i32
    %while3A_15 = arith.addi %while3A, %while3A_14 : i32
    %while3A_16 = arith.constant 1 : i32
    %while3A_17 = scf.for %while3A_26 = %while3A to %while3A_15 step %while3A_16 iter_args(%while3A_27 = %broadcast_in_dim3A_9) -> (vector<16xf32>)  : i32 {
      %mul3A_28 = arith.constant 16 : i32
      %mul3A_29 = arith.muli %while3A_26, %mul3A_28 : i32
      %add3A_30 = arith.addi %select_n3A, %mul3A_29 : i32
      "tpu.region"() ({
        %run_scoped3A = tpu.sem_alloc : memref<!tpu.dma_semaphore, #tpu.memory_space<semaphore_mem>>
        %dma_start3A_2395 = arith.constant 0 : i32
        %dma_start3A_2396 = tpu.memref_slice %arg3[%add3A_30, %dma_start3A_2395] : memref<33280x128xi32, #tpu.memory_space<hbm>> -> memref<16x128xi32, #tpu.memory_space<hbm>>
        %dma_start3A_2397 = arith.constant 0 : i32
        %dma_start3A_2398 = tpu.memref_slice %arg3[%add3A_30, %dma_start3A_2397] : memref<33280x128xi32, #tpu.memory_space<hbm>> -> memref<16x128xi32, #tpu.memory_space<hbm>>
        tpu.enqueue_dma source(%dma_start3A_2398 : memref<16x128xi32, #tpu.memory_space<hbm>>) target(%arg6 : memref<16x128xi32, #tpu.memory_space<vmem>>) target_semaphore(%run_scoped3A : memref<!tpu.dma_semaphore, #tpu.memory_space<semaphore_mem>>)
        %dma_wait3A_2399 = arith.constant 0 : i32
        %dma_wait3A_2400 = tpu.memref_slice %arg3[%add3A_30, %dma_wait3A_2399] : memref<33280x128xi32, #tpu.memory_space<hbm>> -> memref<16x128xi32, #tpu.memory_space<hbm>>
        %dma_wait3A_2401 = arith.constant 0 : i32
        %dma_wait3A_2402 = tpu.memref_slice %arg3[%add3A_30, %dma_wait3A_2401] : memref<33280x128xi32, #tpu.memory_space<hbm>> -> memref<16x128xi32, #tpu.memory_space<hbm>>
        tpu.wait_dma2 semaphore(%run_scoped3A : memref<!tpu.dma_semaphore, #tpu.memory_space<semaphore_mem>>) src(%dma_wait3A_2402 : memref<16x128xi32, #tpu.memory_space<hbm>>) dst(%arg6 : memref<16x128xi32, #tpu.memory_space<vmem>>)
        tpu.yield
      }) : () -> ()
      %dma_start3A = arith.constant 0 : i32
      %dma_start3A_31 = arith.constant 0 : i32
      %dma_start3A_32 = arith.constant 0 : i32
      %dma_start3A_33 = tpu.memref_slice %arg7[%dma_start3A_31, %dma_start3A_32] : memref<16x128xf32, #tpu.memory_space<vmem>> -> memref<1x128xf32, #tpu.memory_space<vmem>>
      %dma_start3A_34 = tpu.memref_squeeze %dma_start3A_33 : memref<1x128xf32, #tpu.memory_space<vmem>> -> memref<128xf32, #tpu.memory_space<vmem>>
      %dma_start3A_35 = arith.constant 0 : i32
      %dma_start3A_36 = tpu.memref_slice %arg6[%dma_start3A, %dma_start3A_35] : memref<16x128xi32, #tpu.memory_space<vmem>> -> memref<1x128xi32, #tpu.memory_space<vmem>>
      %dma_start3A_37 = tpu.memref_squeeze %dma_start3A_36 : memref<1x128xi32, #tpu.memory_space<vmem>> -> memref<128xi32, #tpu.memory_space<vmem>>
      %dma_start3A_38 = arith.constant 0 : i32
      %dma_start3A_39 = tpu.memref_slice %arg2[%dma_start3A_38] : memref<102760448xf32, #tpu.memory_space<hbm>> -> memref<102760448xf32, #tpu.memory_space<hbm>>
      tpu.enqueue_indirect_dma source(%dma_start3A_39 : memref<102760448xf32, #tpu.memory_space<hbm>>) target(%dma_start3A_34 : memref<128xf32, #tpu.memory_space<vmem>>) offsets(%dma_start3A_37 : memref<128xi32, #tpu.memory_space<vmem>>) semaphore(%arg10 : memref<!tpu.dma_semaphore, #tpu.memory_space<semaphore_mem>>)
      %dma_start3A_40 = arith.constant 1 : i32
      %dma_start3A_41 = arith.constant 1 : i32
      %dma_start3A_42 = arith.constant 0 : i32
      %dma_start3A_43 = tpu.memref_slice %arg7[%dma_start3A_41, %dma_start3A_42] : memref<16x128xf32, #tpu.memory_space<vmem>> -> memref<1x128xf32, #tpu.memory_space<vmem>>
      %dma_start3A_44 = tpu.memref_squeeze %dma_start3A_43 : memref<1x128xf32, #tpu.memory_space<vmem>> -> memref<128xf32, #tpu.memory_space<vmem>>
      %dma_start3A_45 = arith.constant 0 : i32
      %dma_start3A_46 = tpu.memref_slice %arg6[%dma_start3A_40, %dma_start3A_45] : memref<16x128xi32, #tpu.memory_space<vmem>> -> memref<1x128xi32, #tpu.memory_space<vmem>>
      %dma_start3A_47 = tpu.memref_squeeze %dma_start3A_46 : memref<1x128xi32, #tpu.memory_space<vmem>> -> memref<128xi32, #tpu.memory_space<vmem>>
      %dma_start3A_48 = arith.constant 0 : i32
      %dma_start3A_49 = tpu.memref_slice %arg2[%dma_start3A_48] : memref<102760448xf32, #tpu.memory_space<hbm>> -> memref<102760448xf32, #tpu.memory_space<hbm>>
      tpu.enqueue_indirect_dma source(%dma_start3A_49 : memref<102760448xf32, #tpu.memory_space<hbm>>) target(%dma_start3A_44 : memref<128xf32, #tpu.memory_space<vmem>>) offsets(%dma_start3A_47 : memref<128xi32, #tpu.memory_space<vmem>>) semaphore(%arg10 : memref<!tpu.dma_semaphore, #tpu.memory_space<semaphore_mem>>)
      %dma_start3A_50 = arith.constant 2 : i32
      %dma_start3A_51 = arith.constant 2 : i32
      %dma_start3A_52 = arith.constant 0 : i32
      %dma_start3A_53 = tpu.memref_slice %arg7[%dma_start3A_51, %dma_start3A_52] : memref<16x128xf32, #tpu.memory_space<vmem>> -> memref<1x128xf32, #tpu.memory_space<vmem>>
      %dma_start3A_54 = tpu.memref_squeeze %dma_start3A_53 : memref<1x128xf32, #tpu.memory_space<vmem>> -> memref<128xf32, #tpu.memory_space<vmem>>
      %dma_start3A_55 = arith.constant 0 : i32
      %dma_start3A_56 = tpu.memref_slice %arg6[%dma_start3A_50, %dma_start3A_55] : memref<16x128xi32, #tpu.memory_space<vmem>> -> memref<1x128xi32, #tpu.memory_space<vmem>>
      %dma_start3A_57 = tpu.memref_squeeze %dma_start3A_56 : memref<1x128xi32, #tpu.memory_space<vmem>> -> memref<128xi32, #tpu.memory_space<vmem>>
      %dma_start3A_58 = arith.constant 0 : i32
      %dma_start3A_59 = tpu.memref_slice %arg2[%dma_start3A_58] : memref<102760448xf32, #tpu.memory_space<hbm>> -> memref<102760448xf32, #tpu.memory_space<hbm>>
      tpu.enqueue_indirect_dma source(%dma_start3A_59 : memref<102760448xf32, #tpu.memory_space<hbm>>) target(%dma_start3A_54 : memref<128xf32, #tpu.memory_space<vmem>>) offsets(%dma_start3A_57 : memref<128xi32, #tpu.memory_space<vmem>>) semaphore(%arg10 : memref<!tpu.dma_semaphore, #tpu.memory_space<semaphore_mem>>)
      %dma_start3A_60 = arith.constant 3 : i32
      %dma_start3A_61 = arith.constant 3 : i32
      %dma_start3A_62 = arith.constant 0 : i32
      %dma_start3A_63 = tpu.memref_slice %arg7[%dma_start3A_61, %dma_start3A_62] : memref<16x128xf32, #tpu.memory_space<vmem>> -> memref<1x128xf32, #tpu.memory_space<vmem>>
      %dma_start3A_64 = tpu.memref_squeeze %dma_start3A_63 : memref<1x128xf32, #tpu.memory_space<vmem>> -> memref<128xf32, #tpu.memory_space<vmem>>
      %dma_start3A_65 = arith.constant 0 : i32
      %dma_start3A_66 = tpu.memref_slice %arg6[%dma_start3A_60, %dma_start3A_65] : memref<16x128xi32, #tpu.memory_space<vmem>> -> memref<1x128xi32, #tpu.memory_space<vmem>>
      %dma_start3A_67 = tpu.memref_squeeze %dma_start3A_66 : memref<1x128xi32, #tpu.memory_space<vmem>> -> memref<128xi32, #tpu.memory_space<vmem>>
      %dma_start3A_68 = arith.constant 0 : i32
      %dma_start3A_69 = tpu.memref_slice %arg2[%dma_start3A_68] : memref<102760448xf32, #tpu.memory_space<hbm>> -> memref<102760448xf32, #tpu.memory_space<hbm>>
      tpu.enqueue_indirect_dma source(%dma_start3A_69 : memref<102760448xf32, #tpu.memory_space<hbm>>) target(%dma_start3A_64 : memref<128xf32, #tpu.memory_space<vmem>>) offsets(%dma_start3A_67 : memref<128xi32, #tpu.memory_space<vmem>>) semaphore(%arg10 : memref<!tpu.dma_semaphore, #tpu.memory_space<semaphore_mem>>)
      %dma_start3A_70 = arith.constant 4 : i32
      %dma_start3A_71 = arith.constant 4 : i32
      %dma_start3A_72 = arith.constant 0 : i32
      %dma_start3A_73 = tpu.memref_slice %arg7[%dma_start3A_71, %dma_start3A_72] : memref<16x128xf32, #tpu.memory_space<vmem>> -> memref<1x128xf32, #tpu.memory_space<vmem>>
      %dma_start3A_74 = tpu.memref_squeeze %dma_start3A_73 : memref<1x128xf32, #tpu.memory_space<vmem>> -> memref<128xf32, #tpu.memory_space<vmem>>
      %dma_start3A_75 = arith.constant 0 : i32
      %dma_start3A_76 = tpu.memref_slice %arg6[%dma_start3A_70, %dma_start3A_75] : memref<16x128xi32, #tpu.memory_space<vmem>> -> memref<1x128xi32, #tpu.memory_space<vmem>>
      %dma_start3A_77 = tpu.memref_squeeze %dma_start3A_76 : memref<1x128xi32, #tpu.memory_space<vmem>> -> memref<128xi32, #tpu.memory_space<vmem>>
      %dma_start3A_78 = arith.constant 0 : i32
      %dma_start3A_79 = tpu.memref_slice %arg2[%dma_start3A_78] : memref<102760448xf32, #tpu.memory_space<hbm>> -> memref<102760448xf32, #tpu.memory_space<hbm>>
      tpu.enqueue_indirect_dma source(%dma_start3A_79 : memref<102760448xf32, #tpu.memory_space<hbm>>) target(%dma_start3A_74 : memref<128xf32, #tpu.memory_space<vmem>>) offsets(%dma_start3A_77 : memref<128xi32, #tpu.memory_space<vmem>>) semaphore(%arg10 : memref<!tpu.dma_semaphore, #tpu.memory_space<semaphore_mem>>)
      %dma_start3A_80 = arith.constant 5 : i32
      %dma_start3A_81 = arith.constant 5 : i32
      %dma_start3A_82 = arith.constant 0 : i32
      %dma_start3A_83 = tpu.memref_slice %arg7[%dma_start3A_81, %dma_start3A_82] : memref<16x128xf32, #tpu.memory_space<vmem>> -> memref<1x128xf32, #tpu.memory_space<vmem>>
      %dma_start3A_84 = tpu.memref_squeeze %dma_start3A_83 : memref<1x128xf32, #tpu.memory_space<vmem>> -> memref<128xf32, #tpu.memory_space<vmem>>
      %dma_start3A_85 = arith.constant 0 : i32
      %dma_start3A_86 = tpu.memref_slice %arg6[%dma_start3A_80, %dma_start3A_85] : memref<16x128xi32, #tpu.memory_space<vmem>> -> memref<1x128xi32, #tpu.memory_space<vmem>>
      %dma_start3A_87 = tpu.memref_squeeze %dma_start3A_86 : memref<1x128xi32, #tpu.memory_space<vmem>> -> memref<128xi32, #tpu.memory_space<vmem>>
      %dma_start3A_88 = arith.constant 0 : i32
      %dma_start3A_89 = tpu.memref_slice %arg2[%dma_start3A_88] : memref<102760448xf32, #tpu.memory_space<hbm>> -> memref<102760448xf32, #tpu.memory_space<hbm>>
      tpu.enqueue_indirect_dma source(%dma_start3A_89 : memref<102760448xf32, #tpu.memory_space<hbm>>) target(%dma_start3A_84 : memref<128xf32, #tpu.memory_space<vmem>>) offsets(%dma_start3A_87 : memref<128xi32, #tpu.memory_space<vmem>>) semaphore(%arg10 : memref<!tpu.dma_semaphore, #tpu.memory_space<semaphore_mem>>)
      %dma_start3A_90 = arith.constant 6 : i32
      %dma_start3A_91 = arith.constant 6 : i32
      %dma_start3A_92 = arith.constant 0 : i32
      %dma_start3A_93 = tpu.memref_slice %arg7[%dma_start3A_91, %dma_start3A_92] : memref<16x128xf32, #tpu.memory_space<vmem>> -> memref<1x128xf32, #tpu.memory_space<vmem>>
      %dma_start3A_94 = tpu.memref_squeeze %dma_start3A_93 : memref<1x128xf32, #tpu.memory_space<vmem>> -> memref<128xf32, #tpu.memory_space<vmem>>
      %dma_start3A_95 = arith.constant 0 : i32
      %dma_start3A_96 = tpu.memref_slice %arg6[%dma_start3A_90, %dma_start3A_95] : memref<16x128xi32, #tpu.memory_space<vmem>> -> memref<1x128xi32, #tpu.memory_space<vmem>>
      %dma_start3A_97 = tpu.memref_squeeze %dma_start3A_96 : memref<1x128xi32, #tpu.memory_space<vmem>> -> memref<128xi32, #tpu.memory_space<vmem>>
      %dma_start3A_98 = arith.constant 0 : i32
      %dma_start3A_99 = tpu.memref_slice %arg2[%dma_start3A_98] : memref<102760448xf32, #tpu.memory_space<hbm>> -> memref<102760448xf32, #tpu.memory_space<hbm>>
      tpu.enqueue_indirect_dma source(%dma_start3A_99 : memref<102760448xf32, #tpu.memory_space<hbm>>) target(%dma_start3A_94 : memref<128xf32, #tpu.memory_space<vmem>>) offsets(%dma_start3A_97 : memref<128xi32, #tpu.memory_space<vmem>>) semaphore(%arg10 : memref<!tpu.dma_semaphore, #tpu.memory_space<semaphore_mem>>)
      %dma_start3A_100 = arith.constant 7 : i32
      %dma_start3A_101 = arith.constant 7 : i32
      %dma_start3A_102 = arith.constant 0 : i32
      %dma_start3A_103 = tpu.memref_slice %arg7[%dma_start3A_101, %dma_start3A_102] : memref<16x128xf32, #tpu.memory_space<vmem>> -> memref<1x128xf32, #tpu.memory_space<vmem>>
      %dma_start3A_104 = tpu.memref_squeeze %dma_start3A_103 : memref<1x128xf32, #tpu.memory_space<vmem>> -> memref<128xf32, #tpu.memory_space<vmem>>
      %dma_start3A_105 = arith.constant 0 : i32
      %dma_start3A_106 = tpu.memref_slice %arg6[%dma_start3A_100, %dma_start3A_105] : memref<16x128xi32, #tpu.memory_space<vmem>> -> memref<1x128xi32, #tpu.memory_space<vmem>>
      %dma_start3A_107 = tpu.memref_squeeze %dma_start3A_106 : memref<1x128xi32, #tpu.memory_space<vmem>> -> memref<128xi32, #tpu.memory_space<vmem>>
      %dma_start3A_108 = arith.constant 0 : i32
      %dma_start3A_109 = tpu.memref_slice %arg2[%dma_start3A_108] : memref<102760448xf32, #tpu.memory_space<hbm>> -> memref<102760448xf32, #tpu.memory_space<hbm>>
      tpu.enqueue_indirect_dma source(%dma_start3A_109 : memref<102760448xf32, #tpu.memory_space<hbm>>) target(%dma_start3A_104 : memref<128xf32, #tpu.memory_space<vmem>>) offsets(%dma_start3A_107 : memref<128xi32, #tpu.memory_space<vmem>>) semaphore(%arg10 : memref<!tpu.dma_semaphore, #tpu.memory_space<semaphore_mem>>)
      %dma_start3A_110 = arith.constant 8 : i32
      %dma_start3A_111 = arith.constant 8 : i32
      %dma_start3A_112 = arith.constant 0 : i32
      %dma_start3A_113 = tpu.memref_slice %arg7[%dma_start3A_111, %dma_start3A_112] : memref<16x128xf32, #tpu.memory_space<vmem>> -> memref<1x128xf32, #tpu.memory_space<vmem>>
      %dma_start3A_114 = tpu.memref_squeeze %dma_start3A_113 : memref<1x128xf32, #tpu.memory_space<vmem>> -> memref<128xf32, #tpu.memory_space<vmem>>
      %dma_start3A_115 = arith.constant 0 : i32
      %dma_start3A_116 = tpu.memref_slice %arg6[%dma_start3A_110, %dma_start3A_115] : memref<16x128xi32, #tpu.memory_space<vmem>> -> memref<1x128xi32, #tpu.memory_space<vmem>>
      %dma_start3A_117 = tpu.memref_squeeze %dma_start3A_116 : memref<1x128xi32, #tpu.memory_space<vmem>> -> memref<128xi32, #tpu.memory_space<vmem>>
      %dma_start3A_118 = arith.constant 0 : i32
      %dma_start3A_119 = tpu.memref_slice %arg2[%dma_start3A_118] : memref<102760448xf32, #tpu.memory_space<hbm>> -> memref<102760448xf32, #tpu.memory_space<hbm>>
      tpu.enqueue_indirect_dma source(%dma_start3A_119 : memref<102760448xf32, #tpu.memory_space<hbm>>) target(%dma_start3A_114 : memref<128xf32, #tpu.memory_space<vmem>>) offsets(%dma_start3A_117 : memref<128xi32, #tpu.memory_space<vmem>>) semaphore(%arg10 : memref<!tpu.dma_semaphore, #tpu.memory_space<semaphore_mem>>)
      %dma_start3A_120 = arith.constant 9 : i32
      %dma_start3A_121 = arith.constant 9 : i32
      %dma_start3A_122 = arith.constant 0 : i32
      %dma_start3A_123 = tpu.memref_slice %arg7[%dma_start3A_121, %dma_start3A_122] : memref<16x128xf32, #tpu.memory_space<vmem>> -> memref<1x128xf32, #tpu.memory_space<vmem>>
      %dma_start3A_124 = tpu.memref_squeeze %dma_start3A_123 : memref<1x128xf32, #tpu.memory_space<vmem>> -> memref<128xf32, #tpu.memory_space<vmem>>
      %dma_start3A_125 = arith.constant 0 : i32
      %dma_start3A_126 = tpu.memref_slice %arg6[%dma_start3A_120, %dma_start3A_125] : memref<16x128xi32, #tpu.memory_space<vmem>> -> memref<1x128xi32, #tpu.memory_space<vmem>>
      %dma_start3A_127 = tpu.memref_squeeze %dma_start3A_126 : memref<1x128xi32, #tpu.memory_space<vmem>> -> memref<128xi32, #tpu.memory_space<vmem>>
      %dma_start3A_128 = arith.constant 0 : i32
      %dma_start3A_129 = tpu.memref_slice %arg2[%dma_start3A_128] : memref<102760448xf32, #tpu.memory_space<hbm>> -> memref<102760448xf32, #tpu.memory_space<hbm>>
      tpu.enqueue_indirect_dma source(%dma_start3A_129 : memref<102760448xf32, #tpu.memory_space<hbm>>) target(%dma_start3A_124 : memref<128xf32, #tpu.memory_space<vmem>>) offsets(%dma_start3A_127 : memref<128xi32, #tpu.memory_space<vmem>>) semaphore(%arg10 : memref<!tpu.dma_semaphore, #tpu.memory_space<semaphore_mem>>)
      %dma_start3A_130 = arith.constant 10 : i32
      %dma_start3A_131 = arith.constant 10 : i32
      %dma_start3A_132 = arith.constant 0 : i32
      %dma_start3A_133 = tpu.memref_slice %arg7[%dma_start3A_131, %dma_start3A_132] : memref<16x128xf32, #tpu.memory_space<vmem>> -> memref<1x128xf32, #tpu.memory_space<vmem>>
      %dma_start3A_134 = tpu.memref_squeeze %dma_start3A_133 : memref<1x128xf32, #tpu.memory_space<vmem>> -> memref<128xf32, #tpu.memory_space<vmem>>
      %dma_start3A_135 = arith.constant 0 : i32
      %dma_start3A_136 = tpu.memref_slice %arg6[%dma_start3A_130, %dma_start3A_135] : memref<16x128xi32, #tpu.memory_space<vmem>> -> memref<1x128xi32, #tpu.memory_space<vmem>>
      %dma_start3A_137 = tpu.memref_squeeze %dma_start3A_136 : memref<1x128xi32, #tpu.memory_space<vmem>> -> memref<128xi32, #tpu.memory_space<vmem>>
      %dma_start3A_138 = arith.constant 0 : i32
      %dma_start3A_139 = tpu.memref_slice %arg2[%dma_start3A_138] : memref<102760448xf32, #tpu.memory_space<hbm>> -> memref<102760448xf32, #tpu.memory_space<hbm>>
      tpu.enqueue_indirect_dma source(%dma_start3A_139 : memref<102760448xf32, #tpu.memory_space<hbm>>) target(%dma_start3A_134 : memref<128xf32, #tpu.memory_space<vmem>>) offsets(%dma_start3A_137 : memref<128xi32, #tpu.memory_space<vmem>>) semaphore(%arg10 : memref<!tpu.dma_semaphore, #tpu.memory_space<semaphore_mem>>)
      %dma_start3A_140 = arith.constant 11 : i32
      %dma_start3A_141 = arith.constant 11 : i32
      %dma_start3A_142 = arith.constant 0 : i32
      %dma_start3A_143 = tpu.memref_slice %arg7[%dma_start3A_141, %dma_start3A_142] : memref<16x128xf32, #tpu.memory_space<vmem>> -> memref<1x128xf32, #tpu.memory_space<vmem>>
      %dma_start3A_144 = tpu.memref_squeeze %dma_start3A_143 : memref<1x128xf32, #tpu.memory_space<vmem>> -> memref<128xf32, #tpu.memory_space<vmem>>
      %dma_start3A_145 = arith.constant 0 : i32
      %dma_start3A_146 = tpu.memref_slice %arg6[%dma_start3A_140, %dma_start3A_145] : memref<16x128xi32, #tpu.memory_space<vmem>> -> memref<1x128xi32, #tpu.memory_space<vmem>>
      %dma_start3A_147 = tpu.memref_squeeze %dma_start3A_146 : memref<1x128xi32, #tpu.memory_space<vmem>> -> memref<128xi32, #tpu.memory_space<vmem>>
      %dma_start3A_148 = arith.constant 0 : i32
      %dma_start3A_149 = tpu.memref_slice %arg2[%dma_start3A_148] : memref<102760448xf32, #tpu.memory_space<hbm>> -> memref<102760448xf32, #tpu.memory_space<hbm>>
      tpu.enqueue_indirect_dma source(%dma_start3A_149 : memref<102760448xf32, #tpu.memory_space<hbm>>) target(%dma_start3A_144 : memref<128xf32, #tpu.memory_space<vmem>>) offsets(%dma_start3A_147 : memref<128xi32, #tpu.memory_space<vmem>>) semaphore(%arg10 : memref<!tpu.dma_semaphore, #tpu.memory_space<semaphore_mem>>)
      %dma_start3A_150 = arith.constant 12 : i32
      %dma_start3A_151 = arith.constant 12 : i32
      %dma_start3A_152 = arith.constant 0 : i32
      %dma_start3A_153 = tpu.memref_slice %arg7[%dma_start3A_151, %dma_start3A_152] : memref<16x128xf32, #tpu.memory_space<vmem>> -> memref<1x128xf32, #tpu.memory_space<vmem>>
      %dma_start3A_154 = tpu.memref_squeeze %dma_start3A_153 : memref<1x128xf32, #tpu.memory_space<vmem>> -> memref<128xf32, #tpu.memory_space<vmem>>
      %dma_start3A_155 = arith.constant 0 : i32
      %dma_start3A_156 = tpu.memref_slice %arg6[%dma_start3A_150, %dma_start3A_155] : memref<16x128xi32, #tpu.memory_space<vmem>> -> memref<1x128xi32, #tpu.memory_space<vmem>>
      %dma_start3A_157 = tpu.memref_squeeze %dma_start3A_156 : memref<1x128xi32, #tpu.memory_space<vmem>> -> memref<128xi32, #tpu.memory_space<vmem>>
      %dma_start3A_158 = arith.constant 0 : i32
      %dma_start3A_159 = tpu.memref_slice %arg2[%dma_start3A_158] : memref<102760448xf32, #tpu.memory_space<hbm>> -> memref<102760448xf32, #tpu.memory_space<hbm>>
      tpu.enqueue_indirect_dma source(%dma_start3A_159 : memref<102760448xf32, #tpu.memory_space<hbm>>) target(%dma_start3A_154 : memref<128xf32, #tpu.memory_space<vmem>>) offsets(%dma_start3A_157 : memref<128xi32, #tpu.memory_space<vmem>>) semaphore(%arg10 : memref<!tpu.dma_semaphore, #tpu.memory_space<semaphore_mem>>)
      %dma_start3A_160 = arith.constant 13 : i32
      %dma_start3A_161 = arith.constant 13 : i32
      %dma_start3A_162 = arith.constant 0 : i32
      %dma_start3A_163 = tpu.memref_slice %arg7[%dma_start3A_161, %dma_start3A_162] : memref<16x128xf32, #tpu.memory_space<vmem>> -> memref<1x128xf32, #tpu.memory_space<vmem>>
      %dma_start3A_164 = tpu.memref_squeeze %dma_start3A_163 : memref<1x128xf32, #tpu.memory_space<vmem>> -> memref<128xf32, #tpu.memory_space<vmem>>
      %dma_start3A_165 = arith.constant 0 : i32
      %dma_start3A_166 = tpu.memref_slice %arg6[%dma_start3A_160, %dma_start3A_165] : memref<16x128xi32, #tpu.memory_space<vmem>> -> memref<1x128xi32, #tpu.memory_space<vmem>>
      %dma_start3A_167 = tpu.memref_squeeze %dma_start3A_166 : memref<1x128xi32, #tpu.memory_space<vmem>> -> memref<128xi32, #tpu.memory_space<vmem>>
      %dma_start3A_168 = arith.constant 0 : i32
      %dma_start3A_169 = tpu.memref_slice %arg2[%dma_start3A_168] : memref<102760448xf32, #tpu.memory_space<hbm>> -> memref<102760448xf32, #tpu.memory_space<hbm>>
      tpu.enqueue_indirect_dma source(%dma_start3A_169 : memref<102760448xf32, #tpu.memory_space<hbm>>) target(%dma_start3A_164 : memref<128xf32, #tpu.memory_space<vmem>>) offsets(%dma_start3A_167 : memref<128xi32, #tpu.memory_space<vmem>>) semaphore(%arg10 : memref<!tpu.dma_semaphore, #tpu.memory_space<semaphore_mem>>)
      %dma_start3A_170 = arith.constant 14 : i32
      %dma_start3A_171 = arith.constant 14 : i32
      %dma_start3A_172 = arith.constant 0 : i32
      %dma_start3A_173 = tpu.memref_slice %arg7[%dma_start3A_171, %dma_start3A_172] : memref<16x128xf32, #tpu.memory_space<vmem>> -> memref<1x128xf32, #tpu.memory_space<vmem>>
      %dma_start3A_174 = tpu.memref_squeeze %dma_start3A_173 : memref<1x128xf32, #tpu.memory_space<vmem>> -> memref<128xf32, #tpu.memory_space<vmem>>
      %dma_start3A_175 = arith.constant 0 : i32
      %dma_start3A_176 = tpu.memref_slice %arg6[%dma_start3A_170, %dma_start3A_175] : memref<16x128xi32, #tpu.memory_space<vmem>> -> memref<1x128xi32, #tpu.memory_space<vmem>>
      %dma_start3A_177 = tpu.memref_squeeze %dma_start3A_176 : memref<1x128xi32, #tpu.memory_space<vmem>> -> memref<128xi32, #tpu.memory_space<vmem>>
      %dma_start3A_178 = arith.constant 0 : i32
      %dma_start3A_179 = tpu.memref_slice %arg2[%dma_start3A_178] : memref<102760448xf32, #tpu.memory_space<hbm>> -> memref<102760448xf32, #tpu.memory_space<hbm>>
      tpu.enqueue_indirect_dma source(%dma_start3A_179 : memref<102760448xf32, #tpu.memory_space<hbm>>) target(%dma_start3A_174 : memref<128xf32, #tpu.memory_space<vmem>>) offsets(%dma_start3A_177 : memref<128xi32, #tpu.memory_space<vmem>>) semaphore(%arg10 : memref<!tpu.dma_semaphore, #tpu.memory_space<semaphore_mem>>)
      %dma_start3A_180 = arith.constant 15 : i32
      %dma_start3A_181 = arith.constant 15 : i32
      %dma_start3A_182 = arith.constant 0 : i32
      %dma_start3A_183 = tpu.memref_slice %arg7[%dma_start3A_181, %dma_start3A_182] : memref<16x128xf32, #tpu.memory_space<vmem>> -> memref<1x128xf32, #tpu.memory_space<vmem>>
      %dma_start3A_184 = tpu.memref_squeeze %dma_start3A_183 : memref<1x128xf32, #tpu.memory_space<vmem>> -> memref<128xf32, #tpu.memory_space<vmem>>
      %dma_start3A_185 = arith.constant 0 : i32
      %dma_start3A_186 = tpu.memref_slice %arg6[%dma_start3A_180, %dma_start3A_185] : memref<16x128xi32, #tpu.memory_space<vmem>> -> memref<1x128xi32, #tpu.memory_space<vmem>>
      %dma_start3A_187 = tpu.memref_squeeze %dma_start3A_186 : memref<1x128xi32, #tpu.memory_space<vmem>> -> memref<128xi32, #tpu.memory_space<vmem>>
      %dma_start3A_188 = arith.constant 0 : i32
      %dma_start3A_189 = tpu.memref_slice %arg2[%dma_start3A_188] : memref<102760448xf32, #tpu.memory_space<hbm>> -> memref<102760448xf32, #tpu.memory_space<hbm>>
      tpu.enqueue_indirect_dma source(%dma_start3A_189 : memref<102760448xf32, #tpu.memory_space<hbm>>) target(%dma_start3A_184 : memref<128xf32, #tpu.memory_space<vmem>>) offsets(%dma_start3A_187 : memref<128xi32, #tpu.memory_space<vmem>>) semaphore(%arg10 : memref<!tpu.dma_semaphore, #tpu.memory_space<semaphore_mem>>)
      %dma_wait3A = arith.constant 0 : i32
      %dma_wait3A_190 = arith.constant 0 : i32
      %dma_wait3A_191 = arith.constant 0 : i32
      %dma_wait3A_192 = tpu.memref_slice %arg7[%dma_wait3A_190, %dma_wait3A_191] : memref<16x128xf32, #tpu.memory_space<vmem>> -> memref<1x128xf32, #tpu.memory_space<vmem>>
      %dma_wait3A_193 = tpu.memref_squeeze %dma_wait3A_192 : memref<1x128xf32, #tpu.memory_space<vmem>> -> memref<128xf32, #tpu.memory_space<vmem>>
      %dma_wait3A_194 = arith.constant 0 : i32
      %dma_wait3A_195 = tpu.memref_slice %arg6[%dma_wait3A, %dma_wait3A_194] : memref<16x128xi32, #tpu.memory_space<vmem>> -> memref<1x128xi32, #tpu.memory_space<vmem>>
      %dma_wait3A_196 = tpu.memref_squeeze %dma_wait3A_195 : memref<1x128xi32, #tpu.memory_space<vmem>> -> memref<128xi32, #tpu.memory_space<vmem>>
      %dma_wait3A_197 = arith.constant 0 : i32
      %dma_wait3A_198 = tpu.memref_slice %arg2[%dma_wait3A_197] : memref<102760448xf32, #tpu.memory_space<hbm>> -> memref<102760448xf32, #tpu.memory_space<hbm>>
      tpu.wait_indirect_dma semaphore(%arg10 : memref<!tpu.dma_semaphore, #tpu.memory_space<semaphore_mem>>) src(%dma_wait3A_198 : memref<102760448xf32, #tpu.memory_space<hbm>>) dst(%dma_wait3A_193 : memref<128xf32, #tpu.memory_space<vmem>>)
      %dma_wait3A_199 = arith.constant 1 : i32
      %dma_wait3A_200 = arith.constant 1 : i32
      %dma_wait3A_201 = arith.constant 0 : i32
      %dma_wait3A_202 = tpu.memref_slice %arg7[%dma_wait3A_200, %dma_wait3A_201] : memref<16x128xf32, #tpu.memory_space<vmem>> -> memref<1x128xf32, #tpu.memory_space<vmem>>
      %dma_wait3A_203 = tpu.memref_squeeze %dma_wait3A_202 : memref<1x128xf32, #tpu.memory_space<vmem>> -> memref<128xf32, #tpu.memory_space<vmem>>
      %dma_wait3A_204 = arith.constant 0 : i32
      %dma_wait3A_205 = tpu.memref_slice %arg6[%dma_wait3A_199, %dma_wait3A_204] : memref<16x128xi32, #tpu.memory_space<vmem>> -> memref<1x128xi32, #tpu.memory_space<vmem>>
      %dma_wait3A_206 = tpu.memref_squeeze %dma_wait3A_205 : memref<1x128xi32, #tpu.memory_space<vmem>> -> memref<128xi32, #tpu.memory_space<vmem>>
      %dma_wait3A_207 = arith.constant 0 : i32
      %dma_wait3A_208 = tpu.memref_slice %arg2[%dma_wait3A_207] : memref<102760448xf32, #tpu.memory_space<hbm>> -> memref<102760448xf32, #tpu.memory_space<hbm>>
      tpu.wait_indirect_dma semaphore(%arg10 : memref<!tpu.dma_semaphore, #tpu.memory_space<semaphore_mem>>) src(%dma_wait3A_208 : memref<102760448xf32, #tpu.memory_space<hbm>>) dst(%dma_wait3A_203 : memref<128xf32, #tpu.memory_space<vmem>>)
      %dma_wait3A_209 = arith.constant 2 : i32
      %dma_wait3A_210 = arith.constant 2 : i32
      %dma_wait3A_211 = arith.constant 0 : i32
      %dma_wait3A_212 = tpu.memref_slice %arg7[%dma_wait3A_210, %dma_wait3A_211] : memref<16x128xf32, #tpu.memory_space<vmem>> -> memref<1x128xf32, #tpu.memory_space<vmem>>
      %dma_wait3A_213 = tpu.memref_squeeze %dma_wait3A_212 : memref<1x128xf32, #tpu.memory_space<vmem>> -> memref<128xf32, #tpu.memory_space<vmem>>
      %dma_wait3A_214 = arith.constant 0 : i32
      %dma_wait3A_215 = tpu.memref_slice %arg6[%dma_wait3A_209, %dma_wait3A_214] : memref<16x128xi32, #tpu.memory_space<vmem>> -> memref<1x128xi32, #tpu.memory_space<vmem>>
      %dma_wait3A_216 = tpu.memref_squeeze %dma_wait3A_215 : memref<1x128xi32, #tpu.memory_space<vmem>> -> memref<128xi32, #tpu.memory_space<vmem>>
      %dma_wait3A_217 = arith.constant 0 : i32
      %dma_wait3A_218 = tpu.memref_slice %arg2[%dma_wait3A_217] : memref<102760448xf32, #tpu.memory_space<hbm>> -> memref<102760448xf32, #tpu.memory_space<hbm>>
      tpu.wait_indirect_dma semaphore(%arg10 : memref<!tpu.dma_semaphore, #tpu.memory_space<semaphore_mem>>) src(%dma_wait3A_218 : memref<102760448xf32, #tpu.memory_space<hbm>>) dst(%dma_wait3A_213 : memref<128xf32, #tpu.memory_space<vmem>>)
      %dma_wait3A_219 = arith.constant 3 : i32
      %dma_wait3A_220 = arith.constant 3 : i32
      %dma_wait3A_221 = arith.constant 0 : i32
      %dma_wait3A_222 = tpu.memref_slice %arg7[%dma_wait3A_220, %dma_wait3A_221] : memref<16x128xf32, #tpu.memory_space<vmem>> -> memref<1x128xf32, #tpu.memory_space<vmem>>
      %dma_wait3A_223 = tpu.memref_squeeze %dma_wait3A_222 : memref<1x128xf32, #tpu.memory_space<vmem>> -> memref<128xf32, #tpu.memory_space<vmem>>
      %dma_wait3A_224 = arith.constant 0 : i32
      %dma_wait3A_225 = tpu.memref_slice %arg6[%dma_wait3A_219, %dma_wait3A_224] : memref<16x128xi32, #tpu.memory_space<vmem>> -> memref<1x128xi32, #tpu.memory_space<vmem>>
      %dma_wait3A_226 = tpu.memref_squeeze %dma_wait3A_225 : memref<1x128xi32, #tpu.memory_space<vmem>> -> memref<128xi32, #tpu.memory_space<vmem>>
      %dma_wait3A_227 = arith.constant 0 : i32
      %dma_wait3A_228 = tpu.memref_slice %arg2[%dma_wait3A_227] : memref<102760448xf32, #tpu.memory_space<hbm>> -> memref<102760448xf32, #tpu.memory_space<hbm>>
      tpu.wait_indirect_dma semaphore(%arg10 : memref<!tpu.dma_semaphore, #tpu.memory_space<semaphore_mem>>) src(%dma_wait3A_228 : memref<102760448xf32, #tpu.memory_space<hbm>>) dst(%dma_wait3A_223 : memref<128xf32, #tpu.memory_space<vmem>>)
      %dma_wait3A_229 = arith.constant 4 : i32
      %dma_wait3A_230 = arith.constant 4 : i32
      %dma_wait3A_231 = arith.constant 0 : i32
      %dma_wait3A_232 = tpu.memref_slice %arg7[%dma_wait3A_230, %dma_wait3A_231] : memref<16x128xf32, #tpu.memory_space<vmem>> -> memref<1x128xf32, #tpu.memory_space<vmem>>
      %dma_wait3A_233 = tpu.memref_squeeze %dma_wait3A_232 : memref<1x128xf32, #tpu.memory_space<vmem>> -> memref<128xf32, #tpu.memory_space<vmem>>
      %dma_wait3A_234 = arith.constant 0 : i32
      %dma_wait3A_235 = tpu.memref_slice %arg6[%dma_wait3A_229, %dma_wait3A_234] : memref<16x128xi32, #tpu.memory_space<vmem>> -> memref<1x128xi32, #tpu.memory_space<vmem>>
      %dma_wait3A_236 = tpu.memref_squeeze %dma_wait3A_235 : memref<1x128xi32, #tpu.memory_space<vmem>> -> memref<128xi32, #tpu.memory_space<vmem>>
      %dma_wait3A_237 = arith.constant 0 : i32
      %dma_wait3A_238 = tpu.memref_slice %arg2[%dma_wait3A_237] : memref<102760448xf32, #tpu.memory_space<hbm>> -> memref<102760448xf32, #tpu.memory_space<hbm>>
      tpu.wait_indirect_dma semaphore(%arg10 : memref<!tpu.dma_semaphore, #tpu.memory_space<semaphore_mem>>) src(%dma_wait3A_238 : memref<102760448xf32, #tpu.memory_space<hbm>>) dst(%dma_wait3A_233 : memref<128xf32, #tpu.memory_space<vmem>>)
      %dma_wait3A_239 = arith.constant 5 : i32
      %dma_wait3A_240 = arith.constant 5 : i32
      %dma_wait3A_241 = arith.constant 0 : i32
      %dma_wait3A_242 = tpu.memref_slice %arg7[%dma_wait3A_240, %dma_wait3A_241] : memref<16x128xf32, #tpu.memory_space<vmem>> -> memref<1x128xf32, #tpu.memory_space<vmem>>
      %dma_wait3A_243 = tpu.memref_squeeze %dma_wait3A_242 : memref<1x128xf32, #tpu.memory_space<vmem>> -> memref<128xf32, #tpu.memory_space<vmem>>
      %dma_wait3A_244 = arith.constant 0 : i32
      %dma_wait3A_245 = tpu.memref_slice %arg6[%dma_wait3A_239, %dma_wait3A_244] : memref<16x128xi32, #tpu.memory_space<vmem>> -> memref<1x128xi32, #tpu.memory_space<vmem>>
      %dma_wait3A_246 = tpu.memref_squeeze %dma_wait3A_245 : memref<1x128xi32, #tpu.memory_space<vmem>> -> memref<128xi32, #tpu.memory_space<vmem>>
      %dma_wait3A_247 = arith.constant 0 : i32
      %dma_wait3A_248 = tpu.memref_slice %arg2[%dma_wait3A_247] : memref<102760448xf32, #tpu.memory_space<hbm>> -> memref<102760448xf32, #tpu.memory_space<hbm>>
      tpu.wait_indirect_dma semaphore(%arg10 : memref<!tpu.dma_semaphore, #tpu.memory_space<semaphore_mem>>) src(%dma_wait3A_248 : memref<102760448xf32, #tpu.memory_space<hbm>>) dst(%dma_wait3A_243 : memref<128xf32, #tpu.memory_space<vmem>>)
      %dma_wait3A_249 = arith.constant 6 : i32
      %dma_wait3A_250 = arith.constant 6 : i32
      %dma_wait3A_251 = arith.constant 0 : i32
      %dma_wait3A_252 = tpu.memref_slice %arg7[%dma_wait3A_250, %dma_wait3A_251] : memref<16x128xf32, #tpu.memory_space<vmem>> -> memref<1x128xf32, #tpu.memory_space<vmem>>
      %dma_wait3A_253 = tpu.memref_squeeze %dma_wait3A_252 : memref<1x128xf32, #tpu.memory_space<vmem>> -> memref<128xf32, #tpu.memory_space<vmem>>
      %dma_wait3A_254 = arith.constant 0 : i32
      %dma_wait3A_255 = tpu.memref_slice %arg6[%dma_wait3A_249, %dma_wait3A_254] : memref<16x128xi32, #tpu.memory_space<vmem>> -> memref<1x128xi32, #tpu.memory_space<vmem>>
      %dma_wait3A_256 = tpu.memref_squeeze %dma_wait3A_255 : memref<1x128xi32, #tpu.memory_space<vmem>> -> memref<128xi32, #tpu.memory_space<vmem>>
      %dma_wait3A_257 = arith.constant 0 : i32
      %dma_wait3A_258 = tpu.memref_slice %arg2[%dma_wait3A_257] : memref<102760448xf32, #tpu.memory_space<hbm>> -> memref<102760448xf32, #tpu.memory_space<hbm>>
      tpu.wait_indirect_dma semaphore(%arg10 : memref<!tpu.dma_semaphore, #tpu.memory_space<semaphore_mem>>) src(%dma_wait3A_258 : memref<102760448xf32, #tpu.memory_space<hbm>>) dst(%dma_wait3A_253 : memref<128xf32, #tpu.memory_space<vmem>>)
      %dma_wait3A_259 = arith.constant 7 : i32
      %dma_wait3A_260 = arith.constant 7 : i32
      %dma_wait3A_261 = arith.constant 0 : i32
      %dma_wait3A_262 = tpu.memref_slice %arg7[%dma_wait3A_260, %dma_wait3A_261] : memref<16x128xf32, #tpu.memory_space<vmem>> -> memref<1x128xf32, #tpu.memory_space<vmem>>
      %dma_wait3A_263 = tpu.memref_squeeze %dma_wait3A_262 : memref<1x128xf32, #tpu.memory_space<vmem>> -> memref<128xf32, #tpu.memory_space<vmem>>
      %dma_wait3A_264 = arith.constant 0 : i32
      %dma_wait3A_265 = tpu.memref_slice %arg6[%dma_wait3A_259, %dma_wait3A_264] : memref<16x128xi32, #tpu.memory_space<vmem>> -> memref<1x128xi32, #tpu.memory_space<vmem>>
      %dma_wait3A_266 = tpu.memref_squeeze %dma_wait3A_265 : memref<1x128xi32, #tpu.memory_space<vmem>> -> memref<128xi32, #tpu.memory_space<vmem>>
      %dma_wait3A_267 = arith.constant 0 : i32
      %dma_wait3A_268 = tpu.memref_slice %arg2[%dma_wait3A_267] : memref<102760448xf32, #tpu.memory_space<hbm>> -> memref<102760448xf32, #tpu.memory_space<hbm>>
      tpu.wait_indirect_dma semaphore(%arg10 : memref<!tpu.dma_semaphore, #tpu.memory_space<semaphore_mem>>) src(%dma_wait3A_268 : memref<102760448xf32, #tpu.memory_space<hbm>>) dst(%dma_wait3A_263 : memref<128xf32, #tpu.memory_space<vmem>>)
      %dma_wait3A_269 = arith.constant 8 : i32
      %dma_wait3A_270 = arith.constant 8 : i32
      %dma_wait3A_271 = arith.constant 0 : i32
      %dma_wait3A_272 = tpu.memref_slice %arg7[%dma_wait3A_270, %dma_wait3A_271] : memref<16x128xf32, #tpu.memory_space<vmem>> -> memref<1x128xf32, #tpu.memory_space<vmem>>
      %dma_wait3A_273 = tpu.memref_squeeze %dma_wait3A_272 : memref<1x128xf32, #tpu.memory_space<vmem>> -> memref<128xf32, #tpu.memory_space<vmem>>
      %dma_wait3A_274 = arith.constant 0 : i32
      %dma_wait3A_275 = tpu.memref_slice %arg6[%dma_wait3A_269, %dma_wait3A_274] : memref<16x128xi32, #tpu.memory_space<vmem>> -> memref<1x128xi32, #tpu.memory_space<vmem>>
      %dma_wait3A_276 = tpu.memref_squeeze %dma_wait3A_275 : memref<1x128xi32, #tpu.memory_space<vmem>> -> memref<128xi32, #tpu.memory_space<vmem>>
      %dma_wait3A_277 = arith.constant 0 : i32
      %dma_wait3A_278 = tpu.memref_slice %arg2[%dma_wait3A_277] : memref<102760448xf32, #tpu.memory_space<hbm>> -> memref<102760448xf32, #tpu.memory_space<hbm>>
      tpu.wait_indirect_dma semaphore(%arg10 : memref<!tpu.dma_semaphore, #tpu.memory_space<semaphore_mem>>) src(%dma_wait3A_278 : memref<102760448xf32, #tpu.memory_space<hbm>>) dst(%dma_wait3A_273 : memref<128xf32, #tpu.memory_space<vmem>>)
      %dma_wait3A_279 = arith.constant 9 : i32
      %dma_wait3A_280 = arith.constant 9 : i32
      %dma_wait3A_281 = arith.constant 0 : i32
      %dma_wait3A_282 = tpu.memref_slice %arg7[%dma_wait3A_280, %dma_wait3A_281] : memref<16x128xf32, #tpu.memory_space<vmem>> -> memref<1x128xf32, #tpu.memory_space<vmem>>
      %dma_wait3A_283 = tpu.memref_squeeze %dma_wait3A_282 : memref<1x128xf32, #tpu.memory_space<vmem>> -> memref<128xf32, #tpu.memory_space<vmem>>
      %dma_wait3A_284 = arith.constant 0 : i32
      %dma_wait3A_285 = tpu.memref_slice %arg6[%dma_wait3A_279, %dma_wait3A_284] : memref<16x128xi32, #tpu.memory_space<vmem>> -> memref<1x128xi32, #tpu.memory_space<vmem>>
      %dma_wait3A_286 = tpu.memref_squeeze %dma_wait3A_285 : memref<1x128xi32, #tpu.memory_space<vmem>> -> memref<128xi32, #tpu.memory_space<vmem>>
      %dma_wait3A_287 = arith.constant 0 : i32
      %dma_wait3A_288 = tpu.memref_slice %arg2[%dma_wait3A_287] : memref<102760448xf32, #tpu.memory_space<hbm>> -> memref<102760448xf32, #tpu.memory_space<hbm>>
      tpu.wait_indirect_dma semaphore(%arg10 : memref<!tpu.dma_semaphore, #tpu.memory_space<semaphore_mem>>) src(%dma_wait3A_288 : memref<102760448xf32, #tpu.memory_space<hbm>>) dst(%dma_wait3A_283 : memref<128xf32, #tpu.memory_space<vmem>>)
      %dma_wait3A_289 = arith.constant 10 : i32
      %dma_wait3A_290 = arith.constant 10 : i32
      %dma_wait3A_291 = arith.constant 0 : i32
      %dma_wait3A_292 = tpu.memref_slice %arg7[%dma_wait3A_290, %dma_wait3A_291] : memref<16x128xf32, #tpu.memory_space<vmem>> -> memref<1x128xf32, #tpu.memory_space<vmem>>
      %dma_wait3A_293 = tpu.memref_squeeze %dma_wait3A_292 : memref<1x128xf32, #tpu.memory_space<vmem>> -> memref<128xf32, #tpu.memory_space<vmem>>
      %dma_wait3A_294 = arith.constant 0 : i32
      %dma_wait3A_295 = tpu.memref_slice %arg6[%dma_wait3A_289, %dma_wait3A_294] : memref<16x128xi32, #tpu.memory_space<vmem>> -> memref<1x128xi32, #tpu.memory_space<vmem>>
      %dma_wait3A_296 = tpu.memref_squeeze %dma_wait3A_295 : memref<1x128xi32, #tpu.memory_space<vmem>> -> memref<128xi32, #tpu.memory_space<vmem>>
      %dma_wait3A_297 = arith.constant 0 : i32
      %dma_wait3A_298 = tpu.memref_slice %arg2[%dma_wait3A_297] : memref<102760448xf32, #tpu.memory_space<hbm>> -> memref<102760448xf32, #tpu.memory_space<hbm>>
      tpu.wait_indirect_dma semaphore(%arg10 : memref<!tpu.dma_semaphore, #tpu.memory_space<semaphore_mem>>) src(%dma_wait3A_298 : memref<102760448xf32, #tpu.memory_space<hbm>>) dst(%dma_wait3A_293 : memref<128xf32, #tpu.memory_space<vmem>>)
      %dma_wait3A_299 = arith.constant 11 : i32
      %dma_wait3A_300 = arith.constant 11 : i32
      %dma_wait3A_301 = arith.constant 0 : i32
      %dma_wait3A_302 = tpu.memref_slice %arg7[%dma_wait3A_300, %dma_wait3A_301] : memref<16x128xf32, #tpu.memory_space<vmem>> -> memref<1x128xf32, #tpu.memory_space<vmem>>
      %dma_wait3A_303 = tpu.memref_squeeze %dma_wait3A_302 : memref<1x128xf32, #tpu.memory_space<vmem>> -> memref<128xf32, #tpu.memory_space<vmem>>
      %dma_wait3A_304 = arith.constant 0 : i32
      %dma_wait3A_305 = tpu.memref_slice %arg6[%dma_wait3A_299, %dma_wait3A_304] : memref<16x128xi32, #tpu.memory_space<vmem>> -> memref<1x128xi32, #tpu.memory_space<vmem>>
      %dma_wait3A_306 = tpu.memref_squeeze %dma_wait3A_305 : memref<1x128xi32, #tpu.memory_space<vmem>> -> memref<128xi32, #tpu.memory_space<vmem>>
      %dma_wait3A_307 = arith.constant 0 : i32
      %dma_wait3A_308 = tpu.memref_slice %arg2[%dma_wait3A_307] : memref<102760448xf32, #tpu.memory_space<hbm>> -> memref<102760448xf32, #tpu.memory_space<hbm>>
      tpu.wait_indirect_dma semaphore(%arg10 : memref<!tpu.dma_semaphore, #tpu.memory_space<semaphore_mem>>) src(%dma_wait3A_308 : memref<102760448xf32, #tpu.memory_space<hbm>>) dst(%dma_wait3A_303 : memref<128xf32, #tpu.memory_space<vmem>>)
      %dma_wait3A_309 = arith.constant 12 : i32
      %dma_wait3A_310 = arith.constant 12 : i32
      %dma_wait3A_311 = arith.constant 0 : i32
      %dma_wait3A_312 = tpu.memref_slice %arg7[%dma_wait3A_310, %dma_wait3A_311] : memref<16x128xf32, #tpu.memory_space<vmem>> -> memref<1x128xf32, #tpu.memory_space<vmem>>
      %dma_wait3A_313 = tpu.memref_squeeze %dma_wait3A_312 : memref<1x128xf32, #tpu.memory_space<vmem>> -> memref<128xf32, #tpu.memory_space<vmem>>
      %dma_wait3A_314 = arith.constant 0 : i32
      %dma_wait3A_315 = tpu.memref_slice %arg6[%dma_wait3A_309, %dma_wait3A_314] : memref<16x128xi32, #tpu.memory_space<vmem>> -> memref<1x128xi32, #tpu.memory_space<vmem>>
      %dma_wait3A_316 = tpu.memref_squeeze %dma_wait3A_315 : memref<1x128xi32, #tpu.memory_space<vmem>> -> memref<128xi32, #tpu.memory_space<vmem>>
      %dma_wait3A_317 = arith.constant 0 : i32
      %dma_wait3A_318 = tpu.memref_slice %arg2[%dma_wait3A_317] : memref<102760448xf32, #tpu.memory_space<hbm>> -> memref<102760448xf32, #tpu.memory_space<hbm>>
      tpu.wait_indirect_dma semaphore(%arg10 : memref<!tpu.dma_semaphore, #tpu.memory_space<semaphore_mem>>) src(%dma_wait3A_318 : memref<102760448xf32, #tpu.memory_space<hbm>>) dst(%dma_wait3A_313 : memref<128xf32, #tpu.memory_space<vmem>>)
      %dma_wait3A_319 = arith.constant 13 : i32
      %dma_wait3A_320 = arith.constant 13 : i32
      %dma_wait3A_321 = arith.constant 0 : i32
      %dma_wait3A_322 = tpu.memref_slice %arg7[%dma_wait3A_320, %dma_wait3A_321] : memref<16x128xf32, #tpu.memory_space<vmem>> -> memref<1x128xf32, #tpu.memory_space<vmem>>
      %dma_wait3A_323 = tpu.memref_squeeze %dma_wait3A_322 : memref<1x128xf32, #tpu.memory_space<vmem>> -> memref<128xf32, #tpu.memory_space<vmem>>
      %dma_wait3A_324 = arith.constant 0 : i32
      %dma_wait3A_325 = tpu.memref_slice %arg6[%dma_wait3A_319, %dma_wait3A_324] : memref<16x128xi32, #tpu.memory_space<vmem>> -> memref<1x128xi32, #tpu.memory_space<vmem>>
      %dma_wait3A_326 = tpu.memref_squeeze %dma_wait3A_325 : memref<1x128xi32, #tpu.memory_space<vmem>> -> memref<128xi32, #tpu.memory_space<vmem>>
      %dma_wait3A_327 = arith.constant 0 : i32
      %dma_wait3A_328 = tpu.memref_slice %arg2[%dma_wait3A_327] : memref<102760448xf32, #tpu.memory_space<hbm>> -> memref<102760448xf32, #tpu.memory_space<hbm>>
      tpu.wait_indirect_dma semaphore(%arg10 : memref<!tpu.dma_semaphore, #tpu.memory_space<semaphore_mem>>) src(%dma_wait3A_328 : memref<102760448xf32, #tpu.memory_space<hbm>>) dst(%dma_wait3A_323 : memref<128xf32, #tpu.memory_space<vmem>>)
      %dma_wait3A_329 = arith.constant 14 : i32
      %dma_wait3A_330 = arith.constant 14 : i32
      %dma_wait3A_331 = arith.constant 0 : i32
      %dma_wait3A_332 = tpu.memref_slice %arg7[%dma_wait3A_330, %dma_wait3A_331] : memref<16x128xf32, #tpu.memory_space<vmem>> -> memref<1x128xf32, #tpu.memory_space<vmem>>
      %dma_wait3A_333 = tpu.memref_squeeze %dma_wait3A_332 : memref<1x128xf32, #tpu.memory_space<vmem>> -> memref<128xf32, #tpu.memory_space<vmem>>
      %dma_wait3A_334 = arith.constant 0 : i32
      %dma_wait3A_335 = tpu.memref_slice %arg6[%dma_wait3A_329, %dma_wait3A_334] : memref<16x128xi32, #tpu.memory_space<vmem>> -> memref<1x128xi32, #tpu.memory_space<vmem>>
      %dma_wait3A_336 = tpu.memref_squeeze %dma_wait3A_335 : memref<1x128xi32, #tpu.memory_space<vmem>> -> memref<128xi32, #tpu.memory_space<vmem>>
      %dma_wait3A_337 = arith.constant 0 : i32
      %dma_wait3A_338 = tpu.memref_slice %arg2[%dma_wait3A_337] : memref<102760448xf32, #tpu.memory_space<hbm>> -> memref<102760448xf32, #tpu.memory_space<hbm>>
      tpu.wait_indirect_dma semaphore(%arg10 : memref<!tpu.dma_semaphore, #tpu.memory_space<semaphore_mem>>) src(%dma_wait3A_338 : memref<102760448xf32, #tpu.memory_space<hbm>>) dst(%dma_wait3A_333 : memref<128xf32, #tpu.memory_space<vmem>>)
      %dma_wait3A_339 = arith.constant 15 : i32
      %dma_wait3A_340 = arith.constant 15 : i32
      %dma_wait3A_341 = arith.constant 0 : i32
      %dma_wait3A_342 = tpu.memref_slice %arg7[%dma_wait3A_340, %dma_wait3A_341] : memref<16x128xf32, #tpu.memory_space<vmem>> -> memref<1x128xf32, #tpu.memory_space<vmem>>
      %dma_wait3A_343 = tpu.memref_squeeze %dma_wait3A_342 : memref<1x128xf32, #tpu.memory_space<vmem>> -> memref<128xf32, #tpu.memory_space<vmem>>
      %dma_wait3A_344 = arith.constant 0 : i32
      %dma_wait3A_345 = tpu.memref_slice %arg6[%dma_wait3A_339, %dma_wait3A_344] : memref<16x128xi32, #tpu.memory_space<vmem>> -> memref<1x128xi32, #tpu.memory_space<vmem>>
      %dma_wait3A_346 = tpu.memref_squeeze %dma_wait3A_345 : memref<1x128xi32, #tpu.memory_space<vmem>> -> memref<128xi32, #tpu.memory_space<vmem>>
      %dma_wait3A_347 = arith.constant 0 : i32
      %dma_wait3A_348 = tpu.memref_slice %arg2[%dma_wait3A_347] : memref<102760448xf32, #tpu.memory_space<hbm>> -> memref<102760448xf32, #tpu.memory_space<hbm>>
      tpu.wait_indirect_dma semaphore(%arg10 : memref<!tpu.dma_semaphore, #tpu.memory_space<semaphore_mem>>) src(%dma_wait3A_348 : memref<102760448xf32, #tpu.memory_space<hbm>>) dst(%dma_wait3A_343 : memref<128xf32, #tpu.memory_space<vmem>>)
      %get3A = arith.constant 0 : i32
      %get3A_349 = arith.index_cast %get3A : i32 to index
      %get3A_350 = arith.constant 0 : index
      %get3A_351 = tpu.vector_load %arg7[%get3A_349, %get3A_350] {strides = array<i32>} : memref<16x128xf32, #tpu.memory_space<vmem>>, vector<1x16xf32>,
      %get3A_352 = vector.shape_cast %get3A_351 : vector<1x16xf32> to vector<16xf32>
      %mul3A_353 = arith.constant 14.2857141 : f32
      %mul3A_354 = vector.broadcast %mul3A_353 : f32 to vector<16xf32>
      %mul3A_355 = arith.mulf %get3A_352, %mul3A_354 : vector<16xf32>
      %exp3A = math.exp %mul3A_355 : vector<16xf32>
      %add3A_356 = arith.addf %while3A_27, %exp3A : vector<16xf32>
      %swap3A_357 = arith.constant 0 : i32
      %swap3A_358 = arith.index_cast %swap3A_357 : i32 to index
      %swap3A_359 = arith.constant 0 : index
      %swap3A_360 = tpu.vector_load %arg8[%swap3A_358, %swap3A_359] {strides = array<i32>} : memref<16x128xf32, #tpu.memory_space<vmem>>, vector<1x16xf32>,
      %swap3A_361 = vector.shape_cast %swap3A_360 : vector<1x16xf32> to vector<16xf32>
      %swap3A_362 = vector.shape_cast %exp3A : vector<16xf32> to vector<1x16xf32>
      tpu.vector_store %arg8[%swap3A_358, %swap3A_359], %swap3A_362 {strides = array<i32>} : memref<16x128xf32, #tpu.memory_space<vmem>>, vector<1x16xf32>,
      %get3A_363 = arith.constant 0 : i32
      %get3A_364 = arith.index_cast %get3A_363 : i32 to index
      %get3A_365 = arith.constant 16 : index
      %get3A_366 = tpu.vector_load %arg7[%get3A_364, %get3A_365] {strides = array<i32>} : memref<16x128xf32, #tpu.memory_space<vmem>>, vector<1x16xf32>,
      %get3A_367 = vector.shape_cast %get3A_366 : vector<1x16xf32> to vector<16xf32>
      %mul3A_368 = arith.constant 14.2857141 : f32
      %mul3A_369 = vector.broadcast %mul3A_368 : f32 to vector<16xf32>
      %mul3A_370 = arith.mulf %get3A_367, %mul3A_369 : vector<16xf32>
      %exp3A_371 = math.exp %mul3A_370 : vector<16xf32>
      %add3A_372 = arith.addf %add3A_356, %exp3A_371 : vector<16xf32>
      %swap3A_373 = arith.constant 0 : i32
      %swap3A_374 = arith.index_cast %swap3A_373 : i32 to index
      %swap3A_375 = arith.constant 16 : index
      %swap3A_376 = tpu.vector_load %arg8[%swap3A_374, %swap3A_375] {strides = array<i32>} : memref<16x128xf32, #tpu.memory_space<vmem>>, vector<1x16xf32>,
      %swap3A_377 = vector.shape_cast %swap3A_376 : vector<1x16xf32> to vector<16xf32>
      %swap3A_378 = vector.shape_cast %exp3A_371 : vector<16xf32> to vector<1x16xf32>
      tpu.vector_store %arg8[%swap3A_374, %swap3A_375], %swap3A_378 {strides = array<i32>} : memref<16x128xf32, #tpu.memory_space<vmem>>, vector<1x16xf32>,
      %get3A_379 = arith.constant 0 : i32
      %get3A_380 = arith.index_cast %get3A_379 : i32 to index
      %get3A_381 = arith.constant 32 : index
      %get3A_382 = tpu.vector_load %arg7[%get3A_380, %get3A_381] {strides = array<i32>} : memref<16x128xf32, #tpu.memory_space<vmem>>, vector<1x16xf32>,
      %get3A_383 = vector.shape_cast %get3A_382 : vector<1x16xf32> to vector<16xf32>
      %mul3A_384 = arith.constant 14.2857141 : f32
      %mul3A_385 = vector.broadcast %mul3A_384 : f32 to vector<16xf32>
      %mul3A_386 = arith.mulf %get3A_383, %mul3A_385 : vector<16xf32>
      %exp3A_387 = math.exp %mul3A_386 : vector<16xf32>
      %add3A_388 = arith.addf %add3A_372, %exp3A_387 : vector<16xf32>
      %swap3A_389 = arith.constant 0 : i32
      %swap3A_390 = arith.index_cast %swap3A_389 : i32 to index
      %swap3A_391 = arith.constant 32 : index
      %swap3A_392 = tpu.vector_load %arg8[%swap3A_390, %swap3A_391] {strides = array<i32>} : memref<16x128xf32, #tpu.memory_space<vmem>>, vector<1x16xf32>,
      %swap3A_393 = vector.shape_cast %swap3A_392 : vector<1x16xf32> to vector<16xf32>
      %swap3A_394 = vector.shape_cast %exp3A_387 : vector<16xf32> to vector<1x16xf32>
      tpu.vector_store %arg8[%swap3A_390, %swap3A_391], %swap3A_394 {strides = array<i32>} : memref<16x128xf32, #tpu.memory_space<vmem>>, vector<1x16xf32>,
      %get3A_395 = arith.constant 0 : i32
      %get3A_396 = arith.index_cast %get3A_395 : i32 to index
      %get3A_397 = arith.constant 48 : index
      %get3A_398 = tpu.vector_load %arg7[%get3A_396, %get3A_397] {strides = array<i32>} : memref<16x128xf32, #tpu.memory_space<vmem>>, vector<1x16xf32>,
      %get3A_399 = vector.shape_cast %get3A_398 : vector<1x16xf32> to vector<16xf32>
      %mul3A_400 = arith.constant 14.2857141 : f32
      %mul3A_401 = vector.broadcast %mul3A_400 : f32 to vector<16xf32>
      %mul3A_402 = arith.mulf %get3A_399, %mul3A_401 : vector<16xf32>
      %exp3A_403 = math.exp %mul3A_402 : vector<16xf32>
      %add3A_404 = arith.addf %add3A_388, %exp3A_403 : vector<16xf32>
      %swap3A_405 = arith.constant 0 : i32
      %swap3A_406 = arith.index_cast %swap3A_405 : i32 to index
      %swap3A_407 = arith.constant 48 : index
      %swap3A_408 = tpu.vector_load %arg8[%swap3A_406, %swap3A_407] {strides = array<i32>} : memref<16x128xf32, #tpu.memory_space<vmem>>, vector<1x16xf32>,
      %swap3A_409 = vector.shape_cast %swap3A_408 : vector<1x16xf32> to vector<16xf32>
      %swap3A_410 = vector.shape_cast %exp3A_403 : vector<16xf32> to vector<1x16xf32>
      tpu.vector_store %arg8[%swap3A_406, %swap3A_407], %swap3A_410 {strides = array<i32>} : memref<16x128xf32, #tpu.memory_space<vmem>>, vector<1x16xf32>,
      %get3A_411 = arith.constant 0 : i32
      %get3A_412 = arith.index_cast %get3A_411 : i32 to index
      %get3A_413 = arith.constant 64 : index
      %get3A_414 = tpu.vector_load %arg7[%get3A_412, %get3A_413] {strides = array<i32>} : memref<16x128xf32, #tpu.memory_space<vmem>>, vector<1x16xf32>,
      %get3A_415 = vector.shape_cast %get3A_414 : vector<1x16xf32> to vector<16xf32>
      %mul3A_416 = arith.constant 14.2857141 : f32
      %mul3A_417 = vector.broadcast %mul3A_416 : f32 to vector<16xf32>
      %mul3A_418 = arith.mulf %get3A_415, %mul3A_417 : vector<16xf32>
      %exp3A_419 = math.exp %mul3A_418 : vector<16xf32>
      %add3A_420 = arith.addf %add3A_404, %exp3A_419 : vector<16xf32>
      %swap3A_421 = arith.constant 0 : i32
      %swap3A_422 = arith.index_cast %swap3A_421 : i32 to index
      %swap3A_423 = arith.constant 64 : index
      %swap3A_424 = tpu.vector_load %arg8[%swap3A_422, %swap3A_423] {strides = array<i32>} : memref<16x128xf32, #tpu.memory_space<vmem>>, vector<1x16xf32>,
      %swap3A_425 = vector.shape_cast %swap3A_424 : vector<1x16xf32> to vector<16xf32>
      %swap3A_426 = vector.shape_cast %exp3A_419 : vector<16xf32> to vector<1x16xf32>
      tpu.vector_store %arg8[%swap3A_422, %swap3A_423], %swap3A_426 {strides = array<i32>} : memref<16x128xf32, #tpu.memory_space<vmem>>, vector<1x16xf32>,
      %get3A_427 = arith.constant 0 : i32
      %get3A_428 = arith.index_cast %get3A_427 : i32 to index
      %get3A_429 = arith.constant 80 : index
      %get3A_430 = tpu.vector_load %arg7[%get3A_428, %get3A_429] {strides = array<i32>} : memref<16x128xf32, #tpu.memory_space<vmem>>, vector<1x16xf32>,
      %get3A_431 = vector.shape_cast %get3A_430 : vector<1x16xf32> to vector<16xf32>
      %mul3A_432 = arith.constant 14.2857141 : f32
      %mul3A_433 = vector.broadcast %mul3A_432 : f32 to vector<16xf32>
      %mul3A_434 = arith.mulf %get3A_431, %mul3A_433 : vector<16xf32>
      %exp3A_435 = math.exp %mul3A_434 : vector<16xf32>
      %add3A_436 = arith.addf %add3A_420, %exp3A_435 : vector<16xf32>
      %swap3A_437 = arith.constant 0 : i32
      %swap3A_438 = arith.index_cast %swap3A_437 : i32 to index
      %swap3A_439 = arith.constant 80 : index
      %swap3A_440 = tpu.vector_load %arg8[%swap3A_438, %swap3A_439] {strides = array<i32>} : memref<16x128xf32, #tpu.memory_space<vmem>>, vector<1x16xf32>,
      %swap3A_441 = vector.shape_cast %swap3A_440 : vector<1x16xf32> to vector<16xf32>
      %swap3A_442 = vector.shape_cast %exp3A_435 : vector<16xf32> to vector<1x16xf32>
      tpu.vector_store %arg8[%swap3A_438, %swap3A_439], %swap3A_442 {strides = array<i32>} : memref<16x128xf32, #tpu.memory_space<vmem>>, vector<1x16xf32>,
      %get3A_443 = arith.constant 0 : i32
      %get3A_444 = arith.index_cast %get3A_443 : i32 to index
      %get3A_445 = arith.constant 96 : index
      %get3A_446 = tpu.vector_load %arg7[%get3A_444, %get3A_445] {strides = array<i32>} : memref<16x128xf32, #tpu.memory_space<vmem>>, vector<1x16xf32>,
      %get3A_447 = vector.shape_cast %get3A_446 : vector<1x16xf32> to vector<16xf32>
      %mul3A_448 = arith.constant 14.2857141 : f32
      %mul3A_449 = vector.broadcast %mul3A_448 : f32 to vector<16xf32>
      %mul3A_450 = arith.mulf %get3A_447, %mul3A_449 : vector<16xf32>
      %exp3A_451 = math.exp %mul3A_450 : vector<16xf32>
      %add3A_452 = arith.addf %add3A_436, %exp3A_451 : vector<16xf32>
      %swap3A_453 = arith.constant 0 : i32
      %swap3A_454 = arith.index_cast %swap3A_453 : i32 to index
      %swap3A_455 = arith.constant 96 : index
      %swap3A_456 = tpu.vector_load %arg8[%swap3A_454, %swap3A_455] {strides = array<i32>} : memref<16x128xf32, #tpu.memory_space<vmem>>, vector<1x16xf32>,
      %swap3A_457 = vector.shape_cast %swap3A_456 : vector<1x16xf32> to vector<16xf32>
      %swap3A_458 = vector.shape_cast %exp3A_451 : vector<16xf32> to vector<1x16xf32>
      tpu.vector_store %arg8[%swap3A_454, %swap3A_455], %swap3A_458 {strides = array<i32>} : memref<16x128xf32, #tpu.memory_space<vmem>>, vector<1x16xf32>,
      %get3A_459 = arith.constant 0 : i32
      %get3A_460 = arith.index_cast %get3A_459 : i32 to index
      %get3A_461 = arith.constant 112 : index
      %get3A_462 = tpu.vector_load %arg7[%get3A_460, %get3A_461] {strides = array<i32>} : memref<16x128xf32, #tpu.memory_space<vmem>>, vector<1x16xf32>,
      %get3A_463 = vector.shape_cast %get3A_462 : vector<1x16xf32> to vector<16xf32>
      %mul3A_464 = arith.constant 14.2857141 : f32
      %mul3A_465 = vector.broadcast %mul3A_464 : f32 to vector<16xf32>
      %mul3A_466 = arith.mulf %get3A_463, %mul3A_465 : vector<16xf32>
      %exp3A_467 = math.exp %mul3A_466 : vector<16xf32>
      %add3A_468 = arith.addf %add3A_452, %exp3A_467 : vector<16xf32>
      %swap3A_469 = arith.constant 0 : i32
      %swap3A_470 = arith.index_cast %swap3A_469 : i32 to index
      %swap3A_471 = arith.constant 112 : index
      %swap3A_472 = tpu.vector_load %arg8[%swap3A_470, %swap3A_471] {strides = array<i32>} : memref<16x128xf32, #tpu.memory_space<vmem>>, vector<1x16xf32>,
      %swap3A_473 = vector.shape_cast %swap3A_472 : vector<1x16xf32> to vector<16xf32>
      %swap3A_474 = vector.shape_cast %exp3A_467 : vector<16xf32> to vector<1x16xf32>
      tpu.vector_store %arg8[%swap3A_470, %swap3A_471], %swap3A_474 {strides = array<i32>} : memref<16x128xf32, #tpu.memory_space<vmem>>, vector<1x16xf32>,
      %get3A_475 = arith.constant 1 : i32
      %get3A_476 = arith.index_cast %get3A_475 : i32 to index
      %get3A_477 = arith.constant 0 : index
      %get3A_478 = tpu.vector_load %arg7[%get3A_476, %get3A_477] {strides = array<i32>} : memref<16x128xf32, #tpu.memory_space<vmem>>, vector<1x16xf32>,
      %get3A_479 = vector.shape_cast %get3A_478 : vector<1x16xf32> to vector<16xf32>
      %mul3A_480 = arith.constant 14.2857141 : f32
      %mul3A_481 = vector.broadcast %mul3A_480 : f32 to vector<16xf32>
      %mul3A_482 = arith.mulf %get3A_479, %mul3A_481 : vector<16xf32>
      %exp3A_483 = math.exp %mul3A_482 : vector<16xf32>
      %add3A_484 = arith.addf %add3A_468, %exp3A_483 : vector<16xf32>
      %swap3A_485 = arith.constant 1 : i32
      %swap3A_486 = arith.index_cast %swap3A_485 : i32 to index
      %swap3A_487 = arith.constant 0 : index
      %swap3A_488 = tpu.vector_load %arg8[%swap3A_486, %swap3A_487] {strides = array<i32>} : memref<16x128xf32, #tpu.memory_space<vmem>>, vector<1x16xf32>,
      %swap3A_489 = vector.shape_cast %swap3A_488 : vector<1x16xf32> to vector<16xf32>
      %swap3A_490 = vector.shape_cast %exp3A_483 : vector<16xf32> to vector<1x16xf32>
      tpu.vector_store %arg8[%swap3A_486, %swap3A_487], %swap3A_490 {strides = array<i32>} : memref<16x128xf32, #tpu.memory_space<vmem>>, vector<1x16xf32>,
      %get3A_491 = arith.constant 1 : i32
      %get3A_492 = arith.index_cast %get3A_491 : i32 to index
      %get3A_493 = arith.constant 16 : index
      %get3A_494 = tpu.vector_load %arg7[%get3A_492, %get3A_493] {strides = array<i32>} : memref<16x128xf32, #tpu.memory_space<vmem>>, vector<1x16xf32>,
      %get3A_495 = vector.shape_cast %get3A_494 : vector<1x16xf32> to vector<16xf32>
      %mul3A_496 = arith.constant 14.2857141 : f32
      %mul3A_497 = vector.broadcast %mul3A_496 : f32 to vector<16xf32>
      %mul3A_498 = arith.mulf %get3A_495, %mul3A_497 : vector<16xf32>
      %exp3A_499 = math.exp %mul3A_498 : vector<16xf32>
      %add3A_500 = arith.addf %add3A_484, %exp3A_499 : vector<16xf32>
      %swap3A_501 = arith.constant 1 : i32
      %swap3A_502 = arith.index_cast %swap3A_501 : i32 to index
      %swap3A_503 = arith.constant 16 : index
      %swap3A_504 = tpu.vector_load %arg8[%swap3A_502, %swap3A_503] {strides = array<i32>} : memref<16x128xf32, #tpu.memory_space<vmem>>, vector<1x16xf32>,
      %swap3A_505 = vector.shape_cast %swap3A_504 : vector<1x16xf32> to vector<16xf32>
      %swap3A_506 = vector.shape_cast %exp3A_499 : vector<16xf32> to vector<1x16xf32>
      tpu.vector_store %arg8[%swap3A_502, %swap3A_503], %swap3A_506 {strides = array<i32>} : memref<16x128xf32, #tpu.memory_space<vmem>>, vector<1x16xf32>,
      %get3A_507 = arith.constant 1 : i32
      %get3A_508 = arith.index_cast %get3A_507 : i32 to index
      %get3A_509 = arith.constant 32 : index
      %get3A_510 = tpu.vector_load %arg7[%get3A_508, %get3A_509] {strides = array<i32>} : memref<16x128xf32, #tpu.memory_space<vmem>>, vector<1x16xf32>,
      %get3A_511 = vector.shape_cast %get3A_510 : vector<1x16xf32> to vector<16xf32>
      %mul3A_512 = arith.constant 14.2857141 : f32
      %mul3A_513 = vector.broadcast %mul3A_512 : f32 to vector<16xf32>
      %mul3A_514 = arith.mulf %get3A_511, %mul3A_513 : vector<16xf32>
      %exp3A_515 = math.exp %mul3A_514 : vector<16xf32>
      %add3A_516 = arith.addf %add3A_500, %exp3A_515 : vector<16xf32>
      %swap3A_517 = arith.constant 1 : i32
      %swap3A_518 = arith.index_cast %swap3A_517 : i32 to index
      %swap3A_519 = arith.constant 32 : index
      %swap3A_520 = tpu.vector_load %arg8[%swap3A_518, %swap3A_519] {strides = array<i32>} : memref<16x128xf32, #tpu.memory_space<vmem>>, vector<1x16xf32>,
      %swap3A_521 = vector.shape_cast %swap3A_520 : vector<1x16xf32> to vector<16xf32>
      %swap3A_522 = vector.shape_cast %exp3A_515 : vector<16xf32> to vector<1x16xf32>
      tpu.vector_store %arg8[%swap3A_518, %swap3A_519], %swap3A_522 {strides = array<i32>} : memref<16x128xf32, #tpu.memory_space<vmem>>, vector<1x16xf32>,
      %get3A_523 = arith.constant 1 : i32
      %get3A_524 = arith.index_cast %get3A_523 : i32 to index
      %get3A_525 = arith.constant 48 : index
      %get3A_526 = tpu.vector_load %arg7[%get3A_524, %get3A_525] {strides = array<i32>} : memref<16x128xf32, #tpu.memory_space<vmem>>, vector<1x16xf32>,
      %get3A_527 = vector.shape_cast %get3A_526 : vector<1x16xf32> to vector<16xf32>
      %mul3A_528 = arith.constant 14.2857141 : f32
      %mul3A_529 = vector.broadcast %mul3A_528 : f32 to vector<16xf32>
      %mul3A_530 = arith.mulf %get3A_527, %mul3A_529 : vector<16xf32>
      %exp3A_531 = math.exp %mul3A_530 : vector<16xf32>
      %add3A_532 = arith.addf %add3A_516, %exp3A_531 : vector<16xf32>
      %swap3A_533 = arith.constant 1 : i32
      %swap3A_534 = arith.index_cast %swap3A_533 : i32 to index
      %swap3A_535 = arith.constant 48 : index
      %swap3A_536 = tpu.vector_load %arg8[%swap3A_534, %swap3A_535] {strides = array<i32>} : memref<16x128xf32, #tpu.memory_space<vmem>>, vector<1x16xf32>,
      %swap3A_537 = vector.shape_cast %swap3A_536 : vector<1x16xf32> to vector<16xf32>
      %swap3A_538 = vector.shape_cast %exp3A_531 : vector<16xf32> to vector<1x16xf32>
      tpu.vector_store %arg8[%swap3A_534, %swap3A_535], %swap3A_538 {strides = array<i32>} : memref<16x128xf32, #tpu.memory_space<vmem>>, vector<1x16xf32>,
      %get3A_539 = arith.constant 1 : i32
      %get3A_540 = arith.index_cast %get3A_539 : i32 to index
      %get3A_541 = arith.constant 64 : index
      %get3A_542 = tpu.vector_load %arg7[%get3A_540, %get3A_541] {strides = array<i32>} : memref<16x128xf32, #tpu.memory_space<vmem>>, vector<1x16xf32>,
      %get3A_543 = vector.shape_cast %get3A_542 : vector<1x16xf32> to vector<16xf32>
      %mul3A_544 = arith.constant 14.2857141 : f32
      %mul3A_545 = vector.broadcast %mul3A_544 : f32 to vector<16xf32>
      %mul3A_546 = arith.mulf %get3A_543, %mul3A_545 : vector<16xf32>
      %exp3A_547 = math.exp %mul3A_546 : vector<16xf32>
      %add3A_548 = arith.addf %add3A_532, %exp3A_547 : vector<16xf32>
      %swap3A_549 = arith.constant 1 : i32
      %swap3A_550 = arith.index_cast %swap3A_549 : i32 to index
      %swap3A_551 = arith.constant 64 : index
      %swap3A_552 = tpu.vector_load %arg8[%swap3A_550, %swap3A_551] {strides = array<i32>} : memref<16x128xf32, #tpu.memory_space<vmem>>, vector<1x16xf32>,
      %swap3A_553 = vector.shape_cast %swap3A_552 : vector<1x16xf32> to vector<16xf32>
      %swap3A_554 = vector.shape_cast %exp3A_547 : vector<16xf32> to vector<1x16xf32>
      tpu.vector_store %arg8[%swap3A_550, %swap3A_551], %swap3A_554 {strides = array<i32>} : memref<16x128xf32, #tpu.memory_space<vmem>>, vector<1x16xf32>,
      %get3A_555 = arith.constant 1 : i32
      %get3A_556 = arith.index_cast %get3A_555 : i32 to index
      %get3A_557 = arith.constant 80 : index
      %get3A_558 = tpu.vector_load %arg7[%get3A_556, %get3A_557] {strides = array<i32>} : memref<16x128xf32, #tpu.memory_space<vmem>>, vector<1x16xf32>,
      %get3A_559 = vector.shape_cast %get3A_558 : vector<1x16xf32> to vector<16xf32>
      %mul3A_560 = arith.constant 14.2857141 : f32
      %mul3A_561 = vector.broadcast %mul3A_560 : f32 to vector<16xf32>
      %mul3A_562 = arith.mulf %get3A_559, %mul3A_561 : vector<16xf32>
      %exp3A_563 = math.exp %mul3A_562 : vector<16xf32>
      %add3A_564 = arith.addf %add3A_548, %exp3A_563 : vector<16xf32>
      %swap3A_565 = arith.constant 1 : i32
      %swap3A_566 = arith.index_cast %swap3A_565 : i32 to index
      %swap3A_567 = arith.constant 80 : index
      %swap3A_568 = tpu.vector_load %arg8[%swap3A_566, %swap3A_567] {strides = array<i32>} : memref<16x128xf32, #tpu.memory_space<vmem>>, vector<1x16xf32>,
      %swap3A_569 = vector.shape_cast %swap3A_568 : vector<1x16xf32> to vector<16xf32>
      %swap3A_570 = vector.shape_cast %exp3A_563 : vector<16xf32> to vector<1x16xf32>
      tpu.vector_store %arg8[%swap3A_566, %swap3A_567], %swap3A_570 {strides = array<i32>} : memref<16x128xf32, #tpu.memory_space<vmem>>, vector<1x16xf32>,
      %get3A_571 = arith.constant 1 : i32
      %get3A_572 = arith.index_cast %get3A_571 : i32 to index
      %get3A_573 = arith.constant 96 : index
      %get3A_574 = tpu.vector_load %arg7[%get3A_572, %get3A_573] {strides = array<i32>} : memref<16x128xf32, #tpu.memory_space<vmem>>, vector<1x16xf32>,
      %get3A_575 = vector.shape_cast %get3A_574 : vector<1x16xf32> to vector<16xf32>
      %mul3A_576 = arith.constant 14.2857141 : f32
      %mul3A_577 = vector.broadcast %mul3A_576 : f32 to vector<16xf32>
      %mul3A_578 = arith.mulf %get3A_575, %mul3A_577 : vector<16xf32>
      %exp3A_579 = math.exp %mul3A_578 : vector<16xf32>
      %add3A_580 = arith.addf %add3A_564, %exp3A_579 : vector<16xf32>
      %swap3A_581 = arith.constant 1 : i32
      %swap3A_582 = arith.index_cast %swap3A_581 : i32 to index
      %swap3A_583 = arith.constant 96 : index
      %swap3A_584 = tpu.vector_load %arg8[%swap3A_582, %swap3A_583] {strides = array<i32>} : memref<16x128xf32, #tpu.memory_space<vmem>>, vector<1x16xf32>,
      %swap3A_585 = vector.shape_cast %swap3A_584 : vector<1x16xf32> to vector<16xf32>
      %swap3A_586 = vector.shape_cast %exp3A_579 : vector<16xf32> to vector<1x16xf32>
      tpu.vector_store %arg8[%swap3A_582, %swap3A_583], %swap3A_586 {strides = array<i32>} : memref<16x128xf32, #tpu.memory_space<vmem>>, vector<1x16xf32>,
      %get3A_587 = arith.constant 1 : i32
      %get3A_588 = arith.index_cast %get3A_587 : i32 to index
      %get3A_589 = arith.constant 112 : index
      %get3A_590 = tpu.vector_load %arg7[%get3A_588, %get3A_589] {strides = array<i32>} : memref<16x128xf32, #tpu.memory_space<vmem>>, vector<1x16xf32>,
      %get3A_591 = vector.shape_cast %get3A_590 : vector<1x16xf32> to vector<16xf32>
      %mul3A_592 = arith.constant 14.2857141 : f32
      %mul3A_593 = vector.broadcast %mul3A_592 : f32 to vector<16xf32>
      %mul3A_594 = arith.mulf %get3A_591, %mul3A_593 : vector<16xf32>
      %exp3A_595 = math.exp %mul3A_594 : vector<16xf32>
      %add3A_596 = arith.addf %add3A_580, %exp3A_595 : vector<16xf32>
      %swap3A_597 = arith.constant 1 : i32
      %swap3A_598 = arith.index_cast %swap3A_597 : i32 to index
      %swap3A_599 = arith.constant 112 : index
      %swap3A_600 = tpu.vector_load %arg8[%swap3A_598, %swap3A_599] {strides = array<i32>} : memref<16x128xf32, #tpu.memory_space<vmem>>, vector<1x16xf32>,
      %swap3A_601 = vector.shape_cast %swap3A_600 : vector<1x16xf32> to vector<16xf32>
      %swap3A_602 = vector.shape_cast %exp3A_595 : vector<16xf32> to vector<1x16xf32>
      tpu.vector_store %arg8[%swap3A_598, %swap3A_599], %swap3A_602 {strides = array<i32>} : memref<16x128xf32, #tpu.memory_space<vmem>>, vector<1x16xf32>,
      %get3A_603 = arith.constant 2 : i32
      %get3A_604 = arith.index_cast %get3A_603 : i32 to index
      %get3A_605 = arith.constant 0 : index
      %get3A_606 = tpu.vector_load %arg7[%get3A_604, %get3A_605] {strides = array<i32>} : memref<16x128xf32, #tpu.memory_space<vmem>>, vector<1x16xf32>,
      %get3A_607 = vector.shape_cast %get3A_606 : vector<1x16xf32> to vector<16xf32>
      %mul3A_608 = arith.constant 14.2857141 : f32
      %mul3A_609 = vector.broadcast %mul3A_608 : f32 to vector<16xf32>
      %mul3A_610 = arith.mulf %get3A_607, %mul3A_609 : vector<16xf32>
      %exp3A_611 = math.exp %mul3A_610 : vector<16xf32>
      %add3A_612 = arith.addf %add3A_596, %exp3A_611 : vector<16xf32>
      %swap3A_613 = arith.constant 2 : i32
      %swap3A_614 = arith.index_cast %swap3A_613 : i32 to index
      %swap3A_615 = arith.constant 0 : index
      %swap3A_616 = tpu.vector_load %arg8[%swap3A_614, %swap3A_615] {strides = array<i32>} : memref<16x128xf32, #tpu.memory_space<vmem>>, vector<1x16xf32>,
      %swap3A_617 = vector.shape_cast %swap3A_616 : vector<1x16xf32> to vector<16xf32>
      %swap3A_618 = vector.shape_cast %exp3A_611 : vector<16xf32> to vector<1x16xf32>
      tpu.vector_store %arg8[%swap3A_614, %swap3A_615], %swap3A_618 {strides = array<i32>} : memref<16x128xf32, #tpu.memory_space<vmem>>, vector<1x16xf32>,
      %get3A_619 = arith.constant 2 : i32
      %get3A_620 = arith.index_cast %get3A_619 : i32 to index
      %get3A_621 = arith.constant 16 : index
      %get3A_622 = tpu.vector_load %arg7[%get3A_620, %get3A_621] {strides = array<i32>} : memref<16x128xf32, #tpu.memory_space<vmem>>, vector<1x16xf32>,
      %get3A_623 = vector.shape_cast %get3A_622 : vector<1x16xf32> to vector<16xf32>
      %mul3A_624 = arith.constant 14.2857141 : f32
      %mul3A_625 = vector.broadcast %mul3A_624 : f32 to vector<16xf32>
      %mul3A_626 = arith.mulf %get3A_623, %mul3A_625 : vector<16xf32>
      %exp3A_627 = math.exp %mul3A_626 : vector<16xf32>
      %add3A_628 = arith.addf %add3A_612, %exp3A_627 : vector<16xf32>
      %swap3A_629 = arith.constant 2 : i32
      %swap3A_630 = arith.index_cast %swap3A_629 : i32 to index
      %swap3A_631 = arith.constant 16 : index
      %swap3A_632 = tpu.vector_load %arg8[%swap3A_630, %swap3A_631] {strides = array<i32>} : memref<16x128xf32, #tpu.memory_space<vmem>>, vector<1x16xf32>,
      %swap3A_633 = vector.shape_cast %swap3A_632 : vector<1x16xf32> to vector<16xf32>
      %swap3A_634 = vector.shape_cast %exp3A_627 : vector<16xf32> to vector<1x16xf32>
      tpu.vector_store %arg8[%swap3A_630, %swap3A_631], %swap3A_634 {strides = array<i32>} : memref<16x128xf32, #tpu.memory_space<vmem>>, vector<1x16xf32>,
      %get3A_635 = arith.constant 2 : i32
      %get3A_636 = arith.index_cast %get3A_635 : i32 to index
      %get3A_637 = arith.constant 32 : index
      %get3A_638 = tpu.vector_load %arg7[%get3A_636, %get3A_637] {strides = array<i32>} : memref<16x128xf32, #tpu.memory_space<vmem>>, vector<1x16xf32>,
      %get3A_639 = vector.shape_cast %get3A_638 : vector<1x16xf32> to vector<16xf32>
      %mul3A_640 = arith.constant 14.2857141 : f32
      %mul3A_641 = vector.broadcast %mul3A_640 : f32 to vector<16xf32>
      %mul3A_642 = arith.mulf %get3A_639, %mul3A_641 : vector<16xf32>
      %exp3A_643 = math.exp %mul3A_642 : vector<16xf32>
      %add3A_644 = arith.addf %add3A_628, %exp3A_643 : vector<16xf32>
      %swap3A_645 = arith.constant 2 : i32
      %swap3A_646 = arith.index_cast %swap3A_645 : i32 to index
      %swap3A_647 = arith.constant 32 : index
      %swap3A_648 = tpu.vector_load %arg8[%swap3A_646, %swap3A_647] {strides = array<i32>} : memref<16x128xf32, #tpu.memory_space<vmem>>, vector<1x16xf32>,
      %swap3A_649 = vector.shape_cast %swap3A_648 : vector<1x16xf32> to vector<16xf32>
      %swap3A_650 = vector.shape_cast %exp3A_643 : vector<16xf32> to vector<1x16xf32>
      tpu.vector_store %arg8[%swap3A_646, %swap3A_647], %swap3A_650 {strides = array<i32>} : memref<16x128xf32, #tpu.memory_space<vmem>>, vector<1x16xf32>,
      %get3A_651 = arith.constant 2 : i32
      %get3A_652 = arith.index_cast %get3A_651 : i32 to index
      %get3A_653 = arith.constant 48 : index
      %get3A_654 = tpu.vector_load %arg7[%get3A_652, %get3A_653] {strides = array<i32>} : memref<16x128xf32, #tpu.memory_space<vmem>>, vector<1x16xf32>,
      %get3A_655 = vector.shape_cast %get3A_654 : vector<1x16xf32> to vector<16xf32>
      %mul3A_656 = arith.constant 14.2857141 : f32
      %mul3A_657 = vector.broadcast %mul3A_656 : f32 to vector<16xf32>
      %mul3A_658 = arith.mulf %get3A_655, %mul3A_657 : vector<16xf32>
      %exp3A_659 = math.exp %mul3A_658 : vector<16xf32>
      %add3A_660 = arith.addf %add3A_644, %exp3A_659 : vector<16xf32>
      %swap3A_661 = arith.constant 2 : i32
      %swap3A_662 = arith.index_cast %swap3A_661 : i32 to index
      %swap3A_663 = arith.constant 48 : index
      %swap3A_664 = tpu.vector_load %arg8[%swap3A_662, %swap3A_663] {strides = array<i32>} : memref<16x128xf32, #tpu.memory_space<vmem>>, vector<1x16xf32>,
      %swap3A_665 = vector.shape_cast %swap3A_664 : vector<1x16xf32> to vector<16xf32>
      %swap3A_666 = vector.shape_cast %exp3A_659 : vector<16xf32> to vector<1x16xf32>
      tpu.vector_store %arg8[%swap3A_662, %swap3A_663], %swap3A_666 {strides = array<i32>} : memref<16x128xf32, #tpu.memory_space<vmem>>, vector<1x16xf32>,
      %get3A_667 = arith.constant 2 : i32
      %get3A_668 = arith.index_cast %get3A_667 : i32 to index
      %get3A_669 = arith.constant 64 : index
      %get3A_670 = tpu.vector_load %arg7[%get3A_668, %get3A_669] {strides = array<i32>} : memref<16x128xf32, #tpu.memory_space<vmem>>, vector<1x16xf32>,
      %get3A_671 = vector.shape_cast %get3A_670 : vector<1x16xf32> to vector<16xf32>
      %mul3A_672 = arith.constant 14.2857141 : f32
      %mul3A_673 = vector.broadcast %mul3A_672 : f32 to vector<16xf32>
      %mul3A_674 = arith.mulf %get3A_671, %mul3A_673 : vector<16xf32>
      %exp3A_675 = math.exp %mul3A_674 : vector<16xf32>
      %add3A_676 = arith.addf %add3A_660, %exp3A_675 : vector<16xf32>
      %swap3A_677 = arith.constant 2 : i32
      %swap3A_678 = arith.index_cast %swap3A_677 : i32 to index
      %swap3A_679 = arith.constant 64 : index
      %swap3A_680 = tpu.vector_load %arg8[%swap3A_678, %swap3A_679] {strides = array<i32>} : memref<16x128xf32, #tpu.memory_space<vmem>>, vector<1x16xf32>,
      %swap3A_681 = vector.shape_cast %swap3A_680 : vector<1x16xf32> to vector<16xf32>
      %swap3A_682 = vector.shape_cast %exp3A_675 : vector<16xf32> to vector<1x16xf32>
      tpu.vector_store %arg8[%swap3A_678, %swap3A_679], %swap3A_682 {strides = array<i32>} : memref<16x128xf32, #tpu.memory_space<vmem>>, vector<1x16xf32>,
      %get3A_683 = arith.constant 2 : i32
      %get3A_684 = arith.index_cast %get3A_683 : i32 to index
      %get3A_685 = arith.constant 80 : index
      %get3A_686 = tpu.vector_load %arg7[%get3A_684, %get3A_685] {strides = array<i32>} : memref<16x128xf32, #tpu.memory_space<vmem>>, vector<1x16xf32>,
      %get3A_687 = vector.shape_cast %get3A_686 : vector<1x16xf32> to vector<16xf32>
      %mul3A_688 = arith.constant 14.2857141 : f32
      %mul3A_689 = vector.broadcast %mul3A_688 : f32 to vector<16xf32>
      %mul3A_690 = arith.mulf %get3A_687, %mul3A_689 : vector<16xf32>
      %exp3A_691 = math.exp %mul3A_690 : vector<16xf32>
      %add3A_692 = arith.addf %add3A_676, %exp3A_691 : vector<16xf32>
      %swap3A_693 = arith.constant 2 : i32
      %swap3A_694 = arith.index_cast %swap3A_693 : i32 to index
      %swap3A_695 = arith.constant 80 : index
      %swap3A_696 = tpu.vector_load %arg8[%swap3A_694, %swap3A_695] {strides = array<i32>} : memref<16x128xf32, #tpu.memory_space<vmem>>, vector<1x16xf32>,
      %swap3A_697 = vector.shape_cast %swap3A_696 : vector<1x16xf32> to vector<16xf32>
      %swap3A_698 = vector.shape_cast %exp3A_691 : vector<16xf32> to vector<1x16xf32>
      tpu.vector_store %arg8[%swap3A_694, %swap3A_695], %swap3A_698 {strides = array<i32>} : memref<16x128xf32, #tpu.memory_space<vmem>>, vector<1x16xf32>,
      %get3A_699 = arith.constant 2 : i32
      %get3A_700 = arith.index_cast %get3A_699 : i32 to index
      %get3A_701 = arith.constant 96 : index
      %get3A_702 = tpu.vector_load %arg7[%get3A_700, %get3A_701] {strides = array<i32>} : memref<16x128xf32, #tpu.memory_space<vmem>>, vector<1x16xf32>,
      %get3A_703 = vector.shape_cast %get3A_702 : vector<1x16xf32> to vector<16xf32>
      %mul3A_704 = arith.constant 14.2857141 : f32
      %mul3A_705 = vector.broadcast %mul3A_704 : f32 to vector<16xf32>
      %mul3A_706 = arith.mulf %get3A_703, %mul3A_705 : vector<16xf32>
      %exp3A_707 = math.exp %mul3A_706 : vector<16xf32>
      %add3A_708 = arith.addf %add3A_692, %exp3A_707 : vector<16xf32>
      %swap3A_709 = arith.constant 2 : i32
      %swap3A_710 = arith.index_cast %swap3A_709 : i32 to index
      %swap3A_711 = arith.constant 96 : index
      %swap3A_712 = tpu.vector_load %arg8[%swap3A_710, %swap3A_711] {strides = array<i32>} : memref<16x128xf32, #tpu.memory_space<vmem>>, vector<1x16xf32>,
      %swap3A_713 = vector.shape_cast %swap3A_712 : vector<1x16xf32> to vector<16xf32>
      %swap3A_714 = vector.shape_cast %exp3A_707 : vector<16xf32> to vector<1x16xf32>
      tpu.vector_store %arg8[%swap3A_710, %swap3A_711], %swap3A_714 {strides = array<i32>} : memref<16x128xf32, #tpu.memory_space<vmem>>, vector<1x16xf32>,
      %get3A_715 = arith.constant 2 : i32
      %get3A_716 = arith.index_cast %get3A_715 : i32 to index
      %get3A_717 = arith.constant 112 : index
      %get3A_718 = tpu.vector_load %arg7[%get3A_716, %get3A_717] {strides = array<i32>} : memref<16x128xf32, #tpu.memory_space<vmem>>, vector<1x16xf32>,
      %get3A_719 = vector.shape_cast %get3A_718 : vector<1x16xf32> to vector<16xf32>
      %mul3A_720 = arith.constant 14.2857141 : f32
      %mul3A_721 = vector.broadcast %mul3A_720 : f32 to vector<16xf32>
      %mul3A_722 = arith.mulf %get3A_719, %mul3A_721 : vector<16xf32>
      %exp3A_723 = math.exp %mul3A_722 : vector<16xf32>
      %add3A_724 = arith.addf %add3A_708, %exp3A_723 : vector<16xf32>
      %swap3A_725 = arith.constant 2 : i32
      %swap3A_726 = arith.index_cast %swap3A_725 : i32 to index
      %swap3A_727 = arith.constant 112 : index
      %swap3A_728 = tpu.vector_load %arg8[%swap3A_726, %swap3A_727] {strides = array<i32>} : memref<16x128xf32, #tpu.memory_space<vmem>>, vector<1x16xf32>,
      %swap3A_729 = vector.shape_cast %swap3A_728 : vector<1x16xf32> to vector<16xf32>
      %swap3A_730 = vector.shape_cast %exp3A_723 : vector<16xf32> to vector<1x16xf32>
      tpu.vector_store %arg8[%swap3A_726, %swap3A_727], %swap3A_730 {strides = array<i32>} : memref<16x128xf32, #tpu.memory_space<vmem>>, vector<1x16xf32>,
      %get3A_731 = arith.constant 3 : i32
      %get3A_732 = arith.index_cast %get3A_731 : i32 to index
      %get3A_733 = arith.constant 0 : index
      %get3A_734 = tpu.vector_load %arg7[%get3A_732, %get3A_733] {strides = array<i32>} : memref<16x128xf32, #tpu.memory_space<vmem>>, vector<1x16xf32>,
      %get3A_735 = vector.shape_cast %get3A_734 : vector<1x16xf32> to vector<16xf32>
      %mul3A_736 = arith.constant 14.2857141 : f32
      %mul3A_737 = vector.broadcast %mul3A_736 : f32 to vector<16xf32>
      %mul3A_738 = arith.mulf %get3A_735, %mul3A_737 : vector<16xf32>
      %exp3A_739 = math.exp %mul3A_738 : vector<16xf32>
      %add3A_740 = arith.addf %add3A_724, %exp3A_739 : vector<16xf32>
      %swap3A_741 = arith.constant 3 : i32
      %swap3A_742 = arith.index_cast %swap3A_741 : i32 to index
      %swap3A_743 = arith.constant 0 : index
      %swap3A_744 = tpu.vector_load %arg8[%swap3A_742, %swap3A_743] {strides = array<i32>} : memref<16x128xf32, #tpu.memory_space<vmem>>, vector<1x16xf32>,
      %swap3A_745 = vector.shape_cast %swap3A_744 : vector<1x16xf32> to vector<16xf32>
      %swap3A_746 = vector.shape_cast %exp3A_739 : vector<16xf32> to vector<1x16xf32>
      tpu.vector_store %arg8[%swap3A_742, %swap3A_743], %swap3A_746 {strides = array<i32>} : memref<16x128xf32, #tpu.memory_space<vmem>>, vector<1x16xf32>,
      %get3A_747 = arith.constant 3 : i32
      %get3A_748 = arith.index_cast %get3A_747 : i32 to index
      %get3A_749 = arith.constant 16 : index
      %get3A_750 = tpu.vector_load %arg7[%get3A_748, %get3A_749] {strides = array<i32>} : memref<16x128xf32, #tpu.memory_space<vmem>>, vector<1x16xf32>,
      %get3A_751 = vector.shape_cast %get3A_750 : vector<1x16xf32> to vector<16xf32>
      %mul3A_752 = arith.constant 14.2857141 : f32
      %mul3A_753 = vector.broadcast %mul3A_752 : f32 to vector<16xf32>
      %mul3A_754 = arith.mulf %get3A_751, %mul3A_753 : vector<16xf32>
      %exp3A_755 = math.exp %mul3A_754 : vector<16xf32>
      %add3A_756 = arith.addf %add3A_740, %exp3A_755 : vector<16xf32>
      %swap3A_757 = arith.constant 3 : i32
      %swap3A_758 = arith.index_cast %swap3A_757 : i32 to index
      %swap3A_759 = arith.constant 16 : index
      %swap3A_760 = tpu.vector_load %arg8[%swap3A_758, %swap3A_759] {strides = array<i32>} : memref<16x128xf32, #tpu.memory_space<vmem>>, vector<1x16xf32>,
      %swap3A_761 = vector.shape_cast %swap3A_760 : vector<1x16xf32> to vector<16xf32>
      %swap3A_762 = vector.shape_cast %exp3A_755 : vector<16xf32> to vector<1x16xf32>
      tpu.vector_store %arg8[%swap3A_758, %swap3A_759], %swap3A_762 {strides = array<i32>} : memref<16x128xf32, #tpu.memory_space<vmem>>, vector<1x16xf32>,
      %get3A_763 = arith.constant 3 : i32
      %get3A_764 = arith.index_cast %get3A_763 : i32 to index
      %get3A_765 = arith.constant 32 : index
      %get3A_766 = tpu.vector_load %arg7[%get3A_764, %get3A_765] {strides = array<i32>} : memref<16x128xf32, #tpu.memory_space<vmem>>, vector<1x16xf32>,
      %get3A_767 = vector.shape_cast %get3A_766 : vector<1x16xf32> to vector<16xf32>
      %mul3A_768 = arith.constant 14.2857141 : f32
      %mul3A_769 = vector.broadcast %mul3A_768 : f32 to vector<16xf32>
      %mul3A_770 = arith.mulf %get3A_767, %mul3A_769 : vector<16xf32>
      %exp3A_771 = math.exp %mul3A_770 : vector<16xf32>
      %add3A_772 = arith.addf %add3A_756, %exp3A_771 : vector<16xf32>
      %swap3A_773 = arith.constant 3 : i32
      %swap3A_774 = arith.index_cast %swap3A_773 : i32 to index
      %swap3A_775 = arith.constant 32 : index
      %swap3A_776 = tpu.vector_load %arg8[%swap3A_774, %swap3A_775] {strides = array<i32>} : memref<16x128xf32, #tpu.memory_space<vmem>>, vector<1x16xf32>,
      %swap3A_777 = vector.shape_cast %swap3A_776 : vector<1x16xf32> to vector<16xf32>
      %swap3A_778 = vector.shape_cast %exp3A_771 : vector<16xf32> to vector<1x16xf32>
      tpu.vector_store %arg8[%swap3A_774, %swap3A_775], %swap3A_778 {strides = array<i32>} : memref<16x128xf32, #tpu.memory_space<vmem>>, vector<1x16xf32>,
      %get3A_779 = arith.constant 3 : i32
      %get3A_780 = arith.index_cast %get3A_779 : i32 to index
      %get3A_781 = arith.constant 48 : index
      %get3A_782 = tpu.vector_load %arg7[%get3A_780, %get3A_781] {strides = array<i32>} : memref<16x128xf32, #tpu.memory_space<vmem>>, vector<1x16xf32>,
      %get3A_783 = vector.shape_cast %get3A_782 : vector<1x16xf32> to vector<16xf32>
      %mul3A_784 = arith.constant 14.2857141 : f32
      %mul3A_785 = vector.broadcast %mul3A_784 : f32 to vector<16xf32>
      %mul3A_786 = arith.mulf %get3A_783, %mul3A_785 : vector<16xf32>
      %exp3A_787 = math.exp %mul3A_786 : vector<16xf32>
      %add3A_788 = arith.addf %add3A_772, %exp3A_787 : vector<16xf32>
      %swap3A_789 = arith.constant 3 : i32
      %swap3A_790 = arith.index_cast %swap3A_789 : i32 to index
      %swap3A_791 = arith.constant 48 : index
      %swap3A_792 = tpu.vector_load %arg8[%swap3A_790, %swap3A_791] {strides = array<i32>} : memref<16x128xf32, #tpu.memory_space<vmem>>, vector<1x16xf32>,
      %swap3A_793 = vector.shape_cast %swap3A_792 : vector<1x16xf32> to vector<16xf32>
      %swap3A_794 = vector.shape_cast %exp3A_787 : vector<16xf32> to vector<1x16xf32>
      tpu.vector_store %arg8[%swap3A_790, %swap3A_791], %swap3A_794 {strides = array<i32>} : memref<16x128xf32, #tpu.memory_space<vmem>>, vector<1x16xf32>,
      %get3A_795 = arith.constant 3 : i32
      %get3A_796 = arith.index_cast %get3A_795 : i32 to index
      %get3A_797 = arith.constant 64 : index
      %get3A_798 = tpu.vector_load %arg7[%get3A_796, %get3A_797] {strides = array<i32>} : memref<16x128xf32, #tpu.memory_space<vmem>>, vector<1x16xf32>,
      %get3A_799 = vector.shape_cast %get3A_798 : vector<1x16xf32> to vector<16xf32>
      %mul3A_800 = arith.constant 14.2857141 : f32
      %mul3A_801 = vector.broadcast %mul3A_800 : f32 to vector<16xf32>
      %mul3A_802 = arith.mulf %get3A_799, %mul3A_801 : vector<16xf32>
      %exp3A_803 = math.exp %mul3A_802 : vector<16xf32>
      %add3A_804 = arith.addf %add3A_788, %exp3A_803 : vector<16xf32>
      %swap3A_805 = arith.constant 3 : i32
      %swap3A_806 = arith.index_cast %swap3A_805 : i32 to index
      %swap3A_807 = arith.constant 64 : index
      %swap3A_808 = tpu.vector_load %arg8[%swap3A_806, %swap3A_807] {strides = array<i32>} : memref<16x128xf32, #tpu.memory_space<vmem>>, vector<1x16xf32>,
      %swap3A_809 = vector.shape_cast %swap3A_808 : vector<1x16xf32> to vector<16xf32>
      %swap3A_810 = vector.shape_cast %exp3A_803 : vector<16xf32> to vector<1x16xf32>
      tpu.vector_store %arg8[%swap3A_806, %swap3A_807], %swap3A_810 {strides = array<i32>} : memref<16x128xf32, #tpu.memory_space<vmem>>, vector<1x16xf32>,
      %get3A_811 = arith.constant 3 : i32
      %get3A_812 = arith.index_cast %get3A_811 : i32 to index
      %get3A_813 = arith.constant 80 : index
      %get3A_814 = tpu.vector_load %arg7[%get3A_812, %get3A_813] {strides = array<i32>} : memref<16x128xf32, #tpu.memory_space<vmem>>, vector<1x16xf32>,
      %get3A_815 = vector.shape_cast %get3A_814 : vector<1x16xf32> to vector<16xf32>
      %mul3A_816 = arith.constant 14.2857141 : f32
      %mul3A_817 = vector.broadcast %mul3A_816 : f32 to vector<16xf32>
      %mul3A_818 = arith.mulf %get3A_815, %mul3A_817 : vector<16xf32>
      %exp3A_819 = math.exp %mul3A_818 : vector<16xf32>
      %add3A_820 = arith.addf %add3A_804, %exp3A_819 : vector<16xf32>
      %swap3A_821 = arith.constant 3 : i32
      %swap3A_822 = arith.index_cast %swap3A_821 : i32 to index
      %swap3A_823 = arith.constant 80 : index
      %swap3A_824 = tpu.vector_load %arg8[%swap3A_822, %swap3A_823] {strides = array<i32>} : memref<16x128xf32, #tpu.memory_space<vmem>>, vector<1x16xf32>,
      %swap3A_825 = vector.shape_cast %swap3A_824 : vector<1x16xf32> to vector<16xf32>
      %swap3A_826 = vector.shape_cast %exp3A_819 : vector<16xf32> to vector<1x16xf32>
      tpu.vector_store %arg8[%swap3A_822, %swap3A_823], %swap3A_826 {strides = array<i32>} : memref<16x128xf32, #tpu.memory_space<vmem>>, vector<1x16xf32>,
      %get3A_827 = arith.constant 3 : i32
      %get3A_828 = arith.index_cast %get3A_827 : i32 to index
      %get3A_829 = arith.constant 96 : index
      %get3A_830 = tpu.vector_load %arg7[%get3A_828, %get3A_829] {strides = array<i32>} : memref<16x128xf32, #tpu.memory_space<vmem>>, vector<1x16xf32>,
      %get3A_831 = vector.shape_cast %get3A_830 : vector<1x16xf32> to vector<16xf32>
      %mul3A_832 = arith.constant 14.2857141 : f32
      %mul3A_833 = vector.broadcast %mul3A_832 : f32 to vector<16xf32>
      %mul3A_834 = arith.mulf %get3A_831, %mul3A_833 : vector<16xf32>
      %exp3A_835 = math.exp %mul3A_834 : vector<16xf32>
      %add3A_836 = arith.addf %add3A_820, %exp3A_835 : vector<16xf32>
      %swap3A_837 = arith.constant 3 : i32
      %swap3A_838 = arith.index_cast %swap3A_837 : i32 to index
      %swap3A_839 = arith.constant 96 : index
      %swap3A_840 = tpu.vector_load %arg8[%swap3A_838, %swap3A_839] {strides = array<i32>} : memref<16x128xf32, #tpu.memory_space<vmem>>, vector<1x16xf32>,
      %swap3A_841 = vector.shape_cast %swap3A_840 : vector<1x16xf32> to vector<16xf32>
      %swap3A_842 = vector.shape_cast %exp3A_835 : vector<16xf32> to vector<1x16xf32>
      tpu.vector_store %arg8[%swap3A_838, %swap3A_839], %swap3A_842 {strides = array<i32>} : memref<16x128xf32, #tpu.memory_space<vmem>>, vector<1x16xf32>,
      %get3A_843 = arith.constant 3 : i32
      %get3A_844 = arith.index_cast %get3A_843 : i32 to index
      %get3A_845 = arith.constant 112 : index
      %get3A_846 = tpu.vector_load %arg7[%get3A_844, %get3A_845] {strides = array<i32>} : memref<16x128xf32, #tpu.memory_space<vmem>>, vector<1x16xf32>,
      %get3A_847 = vector.shape_cast %get3A_846 : vector<1x16xf32> to vector<16xf32>
      %mul3A_848 = arith.constant 14.2857141 : f32
      %mul3A_849 = vector.broadcast %mul3A_848 : f32 to vector<16xf32>
      %mul3A_850 = arith.mulf %get3A_847, %mul3A_849 : vector<16xf32>
      %exp3A_851 = math.exp %mul3A_850 : vector<16xf32>
      %add3A_852 = arith.addf %add3A_836, %exp3A_851 : vector<16xf32>
      %swap3A_853 = arith.constant 3 : i32
      %swap3A_854 = arith.index_cast %swap3A_853 : i32 to index
      %swap3A_855 = arith.constant 112 : index
      %swap3A_856 = tpu.vector_load %arg8[%swap3A_854, %swap3A_855] {strides = array<i32>} : memref<16x128xf32, #tpu.memory_space<vmem>>, vector<1x16xf32>,
      %swap3A_857 = vector.shape_cast %swap3A_856 : vector<1x16xf32> to vector<16xf32>
      %swap3A_858 = vector.shape_cast %exp3A_851 : vector<16xf32> to vector<1x16xf32>
      tpu.vector_store %arg8[%swap3A_854, %swap3A_855], %swap3A_858 {strides = array<i32>} : memref<16x128xf32, #tpu.memory_space<vmem>>, vector<1x16xf32>,
      %get3A_859 = arith.constant 4 : i32
      %get3A_860 = arith.index_cast %get3A_859 : i32 to index
      %get3A_861 = arith.constant 0 : index
      %get3A_862 = tpu.vector_load %arg7[%get3A_860, %get3A_861] {strides = array<i32>} : memref<16x128xf32, #tpu.memory_space<vmem>>, vector<1x16xf32>,
      %get3A_863 = vector.shape_cast %get3A_862 : vector<1x16xf32> to vector<16xf32>
      %mul3A_864 = arith.constant 14.2857141 : f32
      %mul3A_865 = vector.broadcast %mul3A_864 : f32 to vector<16xf32>
      %mul3A_866 = arith.mulf %get3A_863, %mul3A_865 : vector<16xf32>
      %exp3A_867 = math.exp %mul3A_866 : vector<16xf32>
      %add3A_868 = arith.addf %add3A_852, %exp3A_867 : vector<16xf32>
      %swap3A_869 = arith.constant 4 : i32
      %swap3A_870 = arith.index_cast %swap3A_869 : i32 to index
      %swap3A_871 = arith.constant 0 : index
      %swap3A_872 = tpu.vector_load %arg8[%swap3A_870, %swap3A_871] {strides = array<i32>} : memref<16x128xf32, #tpu.memory_space<vmem>>, vector<1x16xf32>,
      %swap3A_873 = vector.shape_cast %swap3A_872 : vector<1x16xf32> to vector<16xf32>
      %swap3A_874 = vector.shape_cast %exp3A_867 : vector<16xf32> to vector<1x16xf32>
      tpu.vector_store %arg8[%swap3A_870, %swap3A_871], %swap3A_874 {strides = array<i32>} : memref<16x128xf32, #tpu.memory_space<vmem>>, vector<1x16xf32>,
      %get3A_875 = arith.constant 4 : i32
      %get3A_876 = arith.index_cast %get3A_875 : i32 to index
      %get3A_877 = arith.constant 16 : index
      %get3A_878 = tpu.vector_load %arg7[%get3A_876, %get3A_877] {strides = array<i32>} : memref<16x128xf32, #tpu.memory_space<vmem>>, vector<1x16xf32>,
      %get3A_879 = vector.shape_cast %get3A_878 : vector<1x16xf32> to vector<16xf32>
      %mul3A_880 = arith.constant 14.2857141 : f32
      %mul3A_881 = vector.broadcast %mul3A_880 : f32 to vector<16xf32>
      %mul3A_882 = arith.mulf %get3A_879, %mul3A_881 : vector<16xf32>
      %exp3A_883 = math.exp %mul3A_882 : vector<16xf32>
      %add3A_884 = arith.addf %add3A_868, %exp3A_883 : vector<16xf32>
      %swap3A_885 = arith.constant 4 : i32
      %swap3A_886 = arith.index_cast %swap3A_885 : i32 to index
      %swap3A_887 = arith.constant 16 : index
      %swap3A_888 = tpu.vector_load %arg8[%swap3A_886, %swap3A_887] {strides = array<i32>} : memref<16x128xf32, #tpu.memory_space<vmem>>, vector<1x16xf32>,
      %swap3A_889 = vector.shape_cast %swap3A_888 : vector<1x16xf32> to vector<16xf32>
      %swap3A_890 = vector.shape_cast %exp3A_883 : vector<16xf32> to vector<1x16xf32>
      tpu.vector_store %arg8[%swap3A_886, %swap3A_887], %swap3A_890 {strides = array<i32>} : memref<16x128xf32, #tpu.memory_space<vmem>>, vector<1x16xf32>,
      %get3A_891 = arith.constant 4 : i32
      %get3A_892 = arith.index_cast %get3A_891 : i32 to index
      %get3A_893 = arith.constant 32 : index
      %get3A_894 = tpu.vector_load %arg7[%get3A_892, %get3A_893] {strides = array<i32>} : memref<16x128xf32, #tpu.memory_space<vmem>>, vector<1x16xf32>,
      %get3A_895 = vector.shape_cast %get3A_894 : vector<1x16xf32> to vector<16xf32>
      %mul3A_896 = arith.constant 14.2857141 : f32
      %mul3A_897 = vector.broadcast %mul3A_896 : f32 to vector<16xf32>
      %mul3A_898 = arith.mulf %get3A_895, %mul3A_897 : vector<16xf32>
      %exp3A_899 = math.exp %mul3A_898 : vector<16xf32>
      %add3A_900 = arith.addf %add3A_884, %exp3A_899 : vector<16xf32>
      %swap3A_901 = arith.constant 4 : i32
      %swap3A_902 = arith.index_cast %swap3A_901 : i32 to index
      %swap3A_903 = arith.constant 32 : index
      %swap3A_904 = tpu.vector_load %arg8[%swap3A_902, %swap3A_903] {strides = array<i32>} : memref<16x128xf32, #tpu.memory_space<vmem>>, vector<1x16xf32>,
      %swap3A_905 = vector.shape_cast %swap3A_904 : vector<1x16xf32> to vector<16xf32>
      %swap3A_906 = vector.shape_cast %exp3A_899 : vector<16xf32> to vector<1x16xf32>
      tpu.vector_store %arg8[%swap3A_902, %swap3A_903], %swap3A_906 {strides = array<i32>} : memref<16x128xf32, #tpu.memory_space<vmem>>, vector<1x16xf32>,
      %get3A_907 = arith.constant 4 : i32
      %get3A_908 = arith.index_cast %get3A_907 : i32 to index
      %get3A_909 = arith.constant 48 : index
      %get3A_910 = tpu.vector_load %arg7[%get3A_908, %get3A_909] {strides = array<i32>} : memref<16x128xf32, #tpu.memory_space<vmem>>, vector<1x16xf32>,
      %get3A_911 = vector.shape_cast %get3A_910 : vector<1x16xf32> to vector<16xf32>
      %mul3A_912 = arith.constant 14.2857141 : f32
      %mul3A_913 = vector.broadcast %mul3A_912 : f32 to vector<16xf32>
      %mul3A_914 = arith.mulf %get3A_911, %mul3A_913 : vector<16xf32>
      %exp3A_915 = math.exp %mul3A_914 : vector<16xf32>
      %add3A_916 = arith.addf %add3A_900, %exp3A_915 : vector<16xf32>
      %swap3A_917 = arith.constant 4 : i32
      %swap3A_918 = arith.index_cast %swap3A_917 : i32 to index
      %swap3A_919 = arith.constant 48 : index
      %swap3A_920 = tpu.vector_load %arg8[%swap3A_918, %swap3A_919] {strides = array<i32>} : memref<16x128xf32, #tpu.memory_space<vmem>>, vector<1x16xf32>,
      %swap3A_921 = vector.shape_cast %swap3A_920 : vector<1x16xf32> to vector<16xf32>
      %swap3A_922 = vector.shape_cast %exp3A_915 : vector<16xf32> to vector<1x16xf32>
      tpu.vector_store %arg8[%swap3A_918, %swap3A_919], %swap3A_922 {strides = array<i32>} : memref<16x128xf32, #tpu.memory_space<vmem>>, vector<1x16xf32>,
      %get3A_923 = arith.constant 4 : i32
      %get3A_924 = arith.index_cast %get3A_923 : i32 to index
      %get3A_925 = arith.constant 64 : index
      %get3A_926 = tpu.vector_load %arg7[%get3A_924, %get3A_925] {strides = array<i32>} : memref<16x128xf32, #tpu.memory_space<vmem>>, vector<1x16xf32>,
      %get3A_927 = vector.shape_cast %get3A_926 : vector<1x16xf32> to vector<16xf32>
      %mul3A_928 = arith.constant 14.2857141 : f32
      %mul3A_929 = vector.broadcast %mul3A_928 : f32 to vector<16xf32>
      %mul3A_930 = arith.mulf %get3A_927, %mul3A_929 : vector<16xf32>
      %exp3A_931 = math.exp %mul3A_930 : vector<16xf32>
      %add3A_932 = arith.addf %add3A_916, %exp3A_931 : vector<16xf32>
      %swap3A_933 = arith.constant 4 : i32
      %swap3A_934 = arith.index_cast %swap3A_933 : i32 to index
      %swap3A_935 = arith.constant 64 : index
      %swap3A_936 = tpu.vector_load %arg8[%swap3A_934, %swap3A_935] {strides = array<i32>} : memref<16x128xf32, #tpu.memory_space<vmem>>, vector<1x16xf32>,
      %swap3A_937 = vector.shape_cast %swap3A_936 : vector<1x16xf32> to vector<16xf32>
      %swap3A_938 = vector.shape_cast %exp3A_931 : vector<16xf32> to vector<1x16xf32>
      tpu.vector_store %arg8[%swap3A_934, %swap3A_935], %swap3A_938 {strides = array<i32>} : memref<16x128xf32, #tpu.memory_space<vmem>>, vector<1x16xf32>,
      %get3A_939 = arith.constant 4 : i32
      %get3A_940 = arith.index_cast %get3A_939 : i32 to index
      %get3A_941 = arith.constant 80 : index
      %get3A_942 = tpu.vector_load %arg7[%get3A_940, %get3A_941] {strides = array<i32>} : memref<16x128xf32, #tpu.memory_space<vmem>>, vector<1x16xf32>,
      %get3A_943 = vector.shape_cast %get3A_942 : vector<1x16xf32> to vector<16xf32>
      %mul3A_944 = arith.constant 14.2857141 : f32
      %mul3A_945 = vector.broadcast %mul3A_944 : f32 to vector<16xf32>
      %mul3A_946 = arith.mulf %get3A_943, %mul3A_945 : vector<16xf32>
      %exp3A_947 = math.exp %mul3A_946 : vector<16xf32>
      %add3A_948 = arith.addf %add3A_932, %exp3A_947 : vector<16xf32>
      %swap3A_949 = arith.constant 4 : i32
      %swap3A_950 = arith.index_cast %swap3A_949 : i32 to index
      %swap3A_951 = arith.constant 80 : index
      %swap3A_952 = tpu.vector_load %arg8[%swap3A_950, %swap3A_951] {strides = array<i32>} : memref<16x128xf32, #tpu.memory_space<vmem>>, vector<1x16xf32>,
      %swap3A_953 = vector.shape_cast %swap3A_952 : vector<1x16xf32> to vector<16xf32>
      %swap3A_954 = vector.shape_cast %exp3A_947 : vector<16xf32> to vector<1x16xf32>
      tpu.vector_store %arg8[%swap3A_950, %swap3A_951], %swap3A_954 {strides = array<i32>} : memref<16x128xf32, #tpu.memory_space<vmem>>, vector<1x16xf32>,
      %get3A_955 = arith.constant 4 : i32
      %get3A_956 = arith.index_cast %get3A_955 : i32 to index
      %get3A_957 = arith.constant 96 : index
      %get3A_958 = tpu.vector_load %arg7[%get3A_956, %get3A_957] {strides = array<i32>} : memref<16x128xf32, #tpu.memory_space<vmem>>, vector<1x16xf32>,
      %get3A_959 = vector.shape_cast %get3A_958 : vector<1x16xf32> to vector<16xf32>
      %mul3A_960 = arith.constant 14.2857141 : f32
      %mul3A_961 = vector.broadcast %mul3A_960 : f32 to vector<16xf32>
      %mul3A_962 = arith.mulf %get3A_959, %mul3A_961 : vector<16xf32>
      %exp3A_963 = math.exp %mul3A_962 : vector<16xf32>
      %add3A_964 = arith.addf %add3A_948, %exp3A_963 : vector<16xf32>
      %swap3A_965 = arith.constant 4 : i32
      %swap3A_966 = arith.index_cast %swap3A_965 : i32 to index
      %swap3A_967 = arith.constant 96 : index
      %swap3A_968 = tpu.vector_load %arg8[%swap3A_966, %swap3A_967] {strides = array<i32>} : memref<16x128xf32, #tpu.memory_space<vmem>>, vector<1x16xf32>,
      %swap3A_969 = vector.shape_cast %swap3A_968 : vector<1x16xf32> to vector<16xf32>
      %swap3A_970 = vector.shape_cast %exp3A_963 : vector<16xf32> to vector<1x16xf32>
      tpu.vector_store %arg8[%swap3A_966, %swap3A_967], %swap3A_970 {strides = array<i32>} : memref<16x128xf32, #tpu.memory_space<vmem>>, vector<1x16xf32>,
      %get3A_971 = arith.constant 4 : i32
      %get3A_972 = arith.index_cast %get3A_971 : i32 to index
      %get3A_973 = arith.constant 112 : index
      %get3A_974 = tpu.vector_load %arg7[%get3A_972, %get3A_973] {strides = array<i32>} : memref<16x128xf32, #tpu.memory_space<vmem>>, vector<1x16xf32>,
      %get3A_975 = vector.shape_cast %get3A_974 : vector<1x16xf32> to vector<16xf32>
      %mul3A_976 = arith.constant 14.2857141 : f32
      %mul3A_977 = vector.broadcast %mul3A_976 : f32 to vector<16xf32>
      %mul3A_978 = arith.mulf %get3A_975, %mul3A_977 : vector<16xf32>
      %exp3A_979 = math.exp %mul3A_978 : vector<16xf32>
      %add3A_980 = arith.addf %add3A_964, %exp3A_979 : vector<16xf32>
      %swap3A_981 = arith.constant 4 : i32
      %swap3A_982 = arith.index_cast %swap3A_981 : i32 to index
      %swap3A_983 = arith.constant 112 : index
      %swap3A_984 = tpu.vector_load %arg8[%swap3A_982, %swap3A_983] {strides = array<i32>} : memref<16x128xf32, #tpu.memory_space<vmem>>, vector<1x16xf32>,
      %swap3A_985 = vector.shape_cast %swap3A_984 : vector<1x16xf32> to vector<16xf32>
      %swap3A_986 = vector.shape_cast %exp3A_979 : vector<16xf32> to vector<1x16xf32>
      tpu.vector_store %arg8[%swap3A_982, %swap3A_983], %swap3A_986 {strides = array<i32>} : memref<16x128xf32, #tpu.memory_space<vmem>>, vector<1x16xf32>,
      %get3A_987 = arith.constant 5 : i32
      %get3A_988 = arith.index_cast %get3A_987 : i32 to index
      %get3A_989 = arith.constant 0 : index
      %get3A_990 = tpu.vector_load %arg7[%get3A_988, %get3A_989] {strides = array<i32>} : memref<16x128xf32, #tpu.memory_space<vmem>>, vector<1x16xf32>,
      %get3A_991 = vector.shape_cast %get3A_990 : vector<1x16xf32> to vector<16xf32>
      %mul3A_992 = arith.constant 14.2857141 : f32
      %mul3A_993 = vector.broadcast %mul3A_992 : f32 to vector<16xf32>
      %mul3A_994 = arith.mulf %get3A_991, %mul3A_993 : vector<16xf32>
      %exp3A_995 = math.exp %mul3A_994 : vector<16xf32>
      %add3A_996 = arith.addf %add3A_980, %exp3A_995 : vector<16xf32>
      %swap3A_997 = arith.constant 5 : i32
      %swap3A_998 = arith.index_cast %swap3A_997 : i32 to index
      %swap3A_999 = arith.constant 0 : index
      %swap3A_1000 = tpu.vector_load %arg8[%swap3A_998, %swap3A_999] {strides = array<i32>} : memref<16x128xf32, #tpu.memory_space<vmem>>, vector<1x16xf32>,
      %swap3A_1001 = vector.shape_cast %swap3A_1000 : vector<1x16xf32> to vector<16xf32>
      %swap3A_1002 = vector.shape_cast %exp3A_995 : vector<16xf32> to vector<1x16xf32>
      tpu.vector_store %arg8[%swap3A_998, %swap3A_999], %swap3A_1002 {strides = array<i32>} : memref<16x128xf32, #tpu.memory_space<vmem>>, vector<1x16xf32>,
      %get3A_1003 = arith.constant 5 : i32
      %get3A_1004 = arith.index_cast %get3A_1003 : i32 to index
      %get3A_1005 = arith.constant 16 : index
      %get3A_1006 = tpu.vector_load %arg7[%get3A_1004, %get3A_1005] {strides = array<i32>} : memref<16x128xf32, #tpu.memory_space<vmem>>, vector<1x16xf32>,
      %get3A_1007 = vector.shape_cast %get3A_1006 : vector<1x16xf32> to vector<16xf32>
      %mul3A_1008 = arith.constant 14.2857141 : f32
      %mul3A_1009 = vector.broadcast %mul3A_1008 : f32 to vector<16xf32>
      %mul3A_1010 = arith.mulf %get3A_1007, %mul3A_1009 : vector<16xf32>
      %exp3A_1011 = math.exp %mul3A_1010 : vector<16xf32>
      %add3A_1012 = arith.addf %add3A_996, %exp3A_1011 : vector<16xf32>
      %swap3A_1013 = arith.constant 5 : i32
      %swap3A_1014 = arith.index_cast %swap3A_1013 : i32 to index
      %swap3A_1015 = arith.constant 16 : index
      %swap3A_1016 = tpu.vector_load %arg8[%swap3A_1014, %swap3A_1015] {strides = array<i32>} : memref<16x128xf32, #tpu.memory_space<vmem>>, vector<1x16xf32>,
      %swap3A_1017 = vector.shape_cast %swap3A_1016 : vector<1x16xf32> to vector<16xf32>
      %swap3A_1018 = vector.shape_cast %exp3A_1011 : vector<16xf32> to vector<1x16xf32>
      tpu.vector_store %arg8[%swap3A_1014, %swap3A_1015], %swap3A_1018 {strides = array<i32>} : memref<16x128xf32, #tpu.memory_space<vmem>>, vector<1x16xf32>,
      %get3A_1019 = arith.constant 5 : i32
      %get3A_1020 = arith.index_cast %get3A_1019 : i32 to index
      %get3A_1021 = arith.constant 32 : index
      %get3A_1022 = tpu.vector_load %arg7[%get3A_1020, %get3A_1021] {strides = array<i32>} : memref<16x128xf32, #tpu.memory_space<vmem>>, vector<1x16xf32>,
      %get3A_1023 = vector.shape_cast %get3A_1022 : vector<1x16xf32> to vector<16xf32>
      %mul3A_1024 = arith.constant 14.2857141 : f32
      %mul3A_1025 = vector.broadcast %mul3A_1024 : f32 to vector<16xf32>
      %mul3A_1026 = arith.mulf %get3A_1023, %mul3A_1025 : vector<16xf32>
      %exp3A_1027 = math.exp %mul3A_1026 : vector<16xf32>
      %add3A_1028 = arith.addf %add3A_1012, %exp3A_1027 : vector<16xf32>
      %swap3A_1029 = arith.constant 5 : i32
      %swap3A_1030 = arith.index_cast %swap3A_1029 : i32 to index
      %swap3A_1031 = arith.constant 32 : index
      %swap3A_1032 = tpu.vector_load %arg8[%swap3A_1030, %swap3A_1031] {strides = array<i32>} : memref<16x128xf32, #tpu.memory_space<vmem>>, vector<1x16xf32>,
      %swap3A_1033 = vector.shape_cast %swap3A_1032 : vector<1x16xf32> to vector<16xf32>
      %swap3A_1034 = vector.shape_cast %exp3A_1027 : vector<16xf32> to vector<1x16xf32>
      tpu.vector_store %arg8[%swap3A_1030, %swap3A_1031], %swap3A_1034 {strides = array<i32>} : memref<16x128xf32, #tpu.memory_space<vmem>>, vector<1x16xf32>,
      %get3A_1035 = arith.constant 5 : i32
      %get3A_1036 = arith.index_cast %get3A_1035 : i32 to index
      %get3A_1037 = arith.constant 48 : index
      %get3A_1038 = tpu.vector_load %arg7[%get3A_1036, %get3A_1037] {strides = array<i32>} : memref<16x128xf32, #tpu.memory_space<vmem>>, vector<1x16xf32>,
      %get3A_1039 = vector.shape_cast %get3A_1038 : vector<1x16xf32> to vector<16xf32>
      %mul3A_1040 = arith.constant 14.2857141 : f32
      %mul3A_1041 = vector.broadcast %mul3A_1040 : f32 to vector<16xf32>
      %mul3A_1042 = arith.mulf %get3A_1039, %mul3A_1041 : vector<16xf32>
      %exp3A_1043 = math.exp %mul3A_1042 : vector<16xf32>
      %add3A_1044 = arith.addf %add3A_1028, %exp3A_1043 : vector<16xf32>
      %swap3A_1045 = arith.constant 5 : i32
      %swap3A_1046 = arith.index_cast %swap3A_1045 : i32 to index
      %swap3A_1047 = arith.constant 48 : index
      %swap3A_1048 = tpu.vector_load %arg8[%swap3A_1046, %swap3A_1047] {strides = array<i32>} : memref<16x128xf32, #tpu.memory_space<vmem>>, vector<1x16xf32>,
      %swap3A_1049 = vector.shape_cast %swap3A_1048 : vector<1x16xf32> to vector<16xf32>
      %swap3A_1050 = vector.shape_cast %exp3A_1043 : vector<16xf32> to vector<1x16xf32>
      tpu.vector_store %arg8[%swap3A_1046, %swap3A_1047], %swap3A_1050 {strides = array<i32>} : memref<16x128xf32, #tpu.memory_space<vmem>>, vector<1x16xf32>,
      %get3A_1051 = arith.constant 5 : i32
      %get3A_1052 = arith.index_cast %get3A_1051 : i32 to index
      %get3A_1053 = arith.constant 64 : index
      %get3A_1054 = tpu.vector_load %arg7[%get3A_1052, %get3A_1053] {strides = array<i32>} : memref<16x128xf32, #tpu.memory_space<vmem>>, vector<1x16xf32>,
      %get3A_1055 = vector.shape_cast %get3A_1054 : vector<1x16xf32> to vector<16xf32>
      %mul3A_1056 = arith.constant 14.2857141 : f32
      %mul3A_1057 = vector.broadcast %mul3A_1056 : f32 to vector<16xf32>
      %mul3A_1058 = arith.mulf %get3A_1055, %mul3A_1057 : vector<16xf32>
      %exp3A_1059 = math.exp %mul3A_1058 : vector<16xf32>
      %add3A_1060 = arith.addf %add3A_1044, %exp3A_1059 : vector<16xf32>
      %swap3A_1061 = arith.constant 5 : i32
      %swap3A_1062 = arith.index_cast %swap3A_1061 : i32 to index
      %swap3A_1063 = arith.constant 64 : index
      %swap3A_1064 = tpu.vector_load %arg8[%swap3A_1062, %swap3A_1063] {strides = array<i32>} : memref<16x128xf32, #tpu.memory_space<vmem>>, vector<1x16xf32>,
      %swap3A_1065 = vector.shape_cast %swap3A_1064 : vector<1x16xf32> to vector<16xf32>
      %swap3A_1066 = vector.shape_cast %exp3A_1059 : vector<16xf32> to vector<1x16xf32>
      tpu.vector_store %arg8[%swap3A_1062, %swap3A_1063], %swap3A_1066 {strides = array<i32>} : memref<16x128xf32, #tpu.memory_space<vmem>>, vector<1x16xf32>,
      %get3A_1067 = arith.constant 5 : i32
      %get3A_1068 = arith.index_cast %get3A_1067 : i32 to index
      %get3A_1069 = arith.constant 80 : index
      %get3A_1070 = tpu.vector_load %arg7[%get3A_1068, %get3A_1069] {strides = array<i32>} : memref<16x128xf32, #tpu.memory_space<vmem>>, vector<1x16xf32>,
      %get3A_1071 = vector.shape_cast %get3A_1070 : vector<1x16xf32> to vector<16xf32>
      %mul3A_1072 = arith.constant 14.2857141 : f32
      %mul3A_1073 = vector.broadcast %mul3A_1072 : f32 to vector<16xf32>
      %mul3A_1074 = arith.mulf %get3A_1071, %mul3A_1073 : vector<16xf32>
      %exp3A_1075 = math.exp %mul3A_1074 : vector<16xf32>
      %add3A_1076 = arith.addf %add3A_1060, %exp3A_1075 : vector<16xf32>
      %swap3A_1077 = arith.constant 5 : i32
      %swap3A_1078 = arith.index_cast %swap3A_1077 : i32 to index
      %swap3A_1079 = arith.constant 80 : index
      %swap3A_1080 = tpu.vector_load %arg8[%swap3A_1078, %swap3A_1079] {strides = array<i32>} : memref<16x128xf32, #tpu.memory_space<vmem>>, vector<1x16xf32>,
      %swap3A_1081 = vector.shape_cast %swap3A_1080 : vector<1x16xf32> to vector<16xf32>
      %swap3A_1082 = vector.shape_cast %exp3A_1075 : vector<16xf32> to vector<1x16xf32>
      tpu.vector_store %arg8[%swap3A_1078, %swap3A_1079], %swap3A_1082 {strides = array<i32>} : memref<16x128xf32, #tpu.memory_space<vmem>>, vector<1x16xf32>,
      %get3A_1083 = arith.constant 5 : i32
      %get3A_1084 = arith.index_cast %get3A_1083 : i32 to index
      %get3A_1085 = arith.constant 96 : index
      %get3A_1086 = tpu.vector_load %arg7[%get3A_1084, %get3A_1085] {strides = array<i32>} : memref<16x128xf32, #tpu.memory_space<vmem>>, vector<1x16xf32>,
      %get3A_1087 = vector.shape_cast %get3A_1086 : vector<1x16xf32> to vector<16xf32>
      %mul3A_1088 = arith.constant 14.2857141 : f32
      %mul3A_1089 = vector.broadcast %mul3A_1088 : f32 to vector<16xf32>
      %mul3A_1090 = arith.mulf %get3A_1087, %mul3A_1089 : vector<16xf32>
      %exp3A_1091 = math.exp %mul3A_1090 : vector<16xf32>
      %add3A_1092 = arith.addf %add3A_1076, %exp3A_1091 : vector<16xf32>
      %swap3A_1093 = arith.constant 5 : i32
      %swap3A_1094 = arith.index_cast %swap3A_1093 : i32 to index
      %swap3A_1095 = arith.constant 96 : index
      %swap3A_1096 = tpu.vector_load %arg8[%swap3A_1094, %swap3A_1095] {strides = array<i32>} : memref<16x128xf32, #tpu.memory_space<vmem>>, vector<1x16xf32>,
      %swap3A_1097 = vector.shape_cast %swap3A_1096 : vector<1x16xf32> to vector<16xf32>
      %swap3A_1098 = vector.shape_cast %exp3A_1091 : vector<16xf32> to vector<1x16xf32>
      tpu.vector_store %arg8[%swap3A_1094, %swap3A_1095], %swap3A_1098 {strides = array<i32>} : memref<16x128xf32, #tpu.memory_space<vmem>>, vector<1x16xf32>,
      %get3A_1099 = arith.constant 5 : i32
      %get3A_1100 = arith.index_cast %get3A_1099 : i32 to index
      %get3A_1101 = arith.constant 112 : index
      %get3A_1102 = tpu.vector_load %arg7[%get3A_1100, %get3A_1101] {strides = array<i32>} : memref<16x128xf32, #tpu.memory_space<vmem>>, vector<1x16xf32>,
      %get3A_1103 = vector.shape_cast %get3A_1102 : vector<1x16xf32> to vector<16xf32>
      %mul3A_1104 = arith.constant 14.2857141 : f32
      %mul3A_1105 = vector.broadcast %mul3A_1104 : f32 to vector<16xf32>
      %mul3A_1106 = arith.mulf %get3A_1103, %mul3A_1105 : vector<16xf32>
      %exp3A_1107 = math.exp %mul3A_1106 : vector<16xf32>
      %add3A_1108 = arith.addf %add3A_1092, %exp3A_1107 : vector<16xf32>
      %swap3A_1109 = arith.constant 5 : i32
      %swap3A_1110 = arith.index_cast %swap3A_1109 : i32 to index
      %swap3A_1111 = arith.constant 112 : index
      %swap3A_1112 = tpu.vector_load %arg8[%swap3A_1110, %swap3A_1111] {strides = array<i32>} : memref<16x128xf32, #tpu.memory_space<vmem>>, vector<1x16xf32>,
      %swap3A_1113 = vector.shape_cast %swap3A_1112 : vector<1x16xf32> to vector<16xf32>
      %swap3A_1114 = vector.shape_cast %exp3A_1107 : vector<16xf32> to vector<1x16xf32>
      tpu.vector_store %arg8[%swap3A_1110, %swap3A_1111], %swap3A_1114 {strides = array<i32>} : memref<16x128xf32, #tpu.memory_space<vmem>>, vector<1x16xf32>,
      %get3A_1115 = arith.constant 6 : i32
      %get3A_1116 = arith.index_cast %get3A_1115 : i32 to index
      %get3A_1117 = arith.constant 0 : index
      %get3A_1118 = tpu.vector_load %arg7[%get3A_1116, %get3A_1117] {strides = array<i32>} : memref<16x128xf32, #tpu.memory_space<vmem>>, vector<1x16xf32>,
      %get3A_1119 = vector.shape_cast %get3A_1118 : vector<1x16xf32> to vector<16xf32>
      %mul3A_1120 = arith.constant 14.2857141 : f32
      %mul3A_1121 = vector.broadcast %mul3A_1120 : f32 to vector<16xf32>
      %mul3A_1122 = arith.mulf %get3A_1119, %mul3A_1121 : vector<16xf32>
      %exp3A_1123 = math.exp %mul3A_1122 : vector<16xf32>
      %add3A_1124 = arith.addf %add3A_1108, %exp3A_1123 : vector<16xf32>
      %swap3A_1125 = arith.constant 6 : i32
      %swap3A_1126 = arith.index_cast %swap3A_1125 : i32 to index
      %swap3A_1127 = arith.constant 0 : index
      %swap3A_1128 = tpu.vector_load %arg8[%swap3A_1126, %swap3A_1127] {strides = array<i32>} : memref<16x128xf32, #tpu.memory_space<vmem>>, vector<1x16xf32>,
      %swap3A_1129 = vector.shape_cast %swap3A_1128 : vector<1x16xf32> to vector<16xf32>
      %swap3A_1130 = vector.shape_cast %exp3A_1123 : vector<16xf32> to vector<1x16xf32>
      tpu.vector_store %arg8[%swap3A_1126, %swap3A_1127], %swap3A_1130 {strides = array<i32>} : memref<16x128xf32, #tpu.memory_space<vmem>>, vector<1x16xf32>,
      %get3A_1131 = arith.constant 6 : i32
      %get3A_1132 = arith.index_cast %get3A_1131 : i32 to index
      %get3A_1133 = arith.constant 16 : index
      %get3A_1134 = tpu.vector_load %arg7[%get3A_1132, %get3A_1133] {strides = array<i32>} : memref<16x128xf32, #tpu.memory_space<vmem>>, vector<1x16xf32>,
      %get3A_1135 = vector.shape_cast %get3A_1134 : vector<1x16xf32> to vector<16xf32>
      %mul3A_1136 = arith.constant 14.2857141 : f32
      %mul3A_1137 = vector.broadcast %mul3A_1136 : f32 to vector<16xf32>
      %mul3A_1138 = arith.mulf %get3A_1135, %mul3A_1137 : vector<16xf32>
      %exp3A_1139 = math.exp %mul3A_1138 : vector<16xf32>
      %add3A_1140 = arith.addf %add3A_1124, %exp3A_1139 : vector<16xf32>
      %swap3A_1141 = arith.constant 6 : i32
      %swap3A_1142 = arith.index_cast %swap3A_1141 : i32 to index
      %swap3A_1143 = arith.constant 16 : index
      %swap3A_1144 = tpu.vector_load %arg8[%swap3A_1142, %swap3A_1143] {strides = array<i32>} : memref<16x128xf32, #tpu.memory_space<vmem>>, vector<1x16xf32>,
      %swap3A_1145 = vector.shape_cast %swap3A_1144 : vector<1x16xf32> to vector<16xf32>
      %swap3A_1146 = vector.shape_cast %exp3A_1139 : vector<16xf32> to vector<1x16xf32>
      tpu.vector_store %arg8[%swap3A_1142, %swap3A_1143], %swap3A_1146 {strides = array<i32>} : memref<16x128xf32, #tpu.memory_space<vmem>>, vector<1x16xf32>,
      %get3A_1147 = arith.constant 6 : i32
      %get3A_1148 = arith.index_cast %get3A_1147 : i32 to index
      %get3A_1149 = arith.constant 32 : index
      %get3A_1150 = tpu.vector_load %arg7[%get3A_1148, %get3A_1149] {strides = array<i32>} : memref<16x128xf32, #tpu.memory_space<vmem>>, vector<1x16xf32>,
      %get3A_1151 = vector.shape_cast %get3A_1150 : vector<1x16xf32> to vector<16xf32>
      %mul3A_1152 = arith.constant 14.2857141 : f32
      %mul3A_1153 = vector.broadcast %mul3A_1152 : f32 to vector<16xf32>
      %mul3A_1154 = arith.mulf %get3A_1151, %mul3A_1153 : vector<16xf32>
      %exp3A_1155 = math.exp %mul3A_1154 : vector<16xf32>
      %add3A_1156 = arith.addf %add3A_1140, %exp3A_1155 : vector<16xf32>
      %swap3A_1157 = arith.constant 6 : i32
      %swap3A_1158 = arith.index_cast %swap3A_1157 : i32 to index
      %swap3A_1159 = arith.constant 32 : index
      %swap3A_1160 = tpu.vector_load %arg8[%swap3A_1158, %swap3A_1159] {strides = array<i32>} : memref<16x128xf32, #tpu.memory_space<vmem>>, vector<1x16xf32>,
      %swap3A_1161 = vector.shape_cast %swap3A_1160 : vector<1x16xf32> to vector<16xf32>
      %swap3A_1162 = vector.shape_cast %exp3A_1155 : vector<16xf32> to vector<1x16xf32>
      tpu.vector_store %arg8[%swap3A_1158, %swap3A_1159], %swap3A_1162 {strides = array<i32>} : memref<16x128xf32, #tpu.memory_space<vmem>>, vector<1x16xf32>,
      %get3A_1163 = arith.constant 6 : i32
      %get3A_1164 = arith.index_cast %get3A_1163 : i32 to index
      %get3A_1165 = arith.constant 48 : index
      %get3A_1166 = tpu.vector_load %arg7[%get3A_1164, %get3A_1165] {strides = array<i32>} : memref<16x128xf32, #tpu.memory_space<vmem>>, vector<1x16xf32>,
      %get3A_1167 = vector.shape_cast %get3A_1166 : vector<1x16xf32> to vector<16xf32>
      %mul3A_1168 = arith.constant 14.2857141 : f32
      %mul3A_1169 = vector.broadcast %mul3A_1168 : f32 to vector<16xf32>
      %mul3A_1170 = arith.mulf %get3A_1167, %mul3A_1169 : vector<16xf32>
      %exp3A_1171 = math.exp %mul3A_1170 : vector<16xf32>
      %add3A_1172 = arith.addf %add3A_1156, %exp3A_1171 : vector<16xf32>
      %swap3A_1173 = arith.constant 6 : i32
      %swap3A_1174 = arith.index_cast %swap3A_1173 : i32 to index
      %swap3A_1175 = arith.constant 48 : index
      %swap3A_1176 = tpu.vector_load %arg8[%swap3A_1174, %swap3A_1175] {strides = array<i32>} : memref<16x128xf32, #tpu.memory_space<vmem>>, vector<1x16xf32>,
      %swap3A_1177 = vector.shape_cast %swap3A_1176 : vector<1x16xf32> to vector<16xf32>
      %swap3A_1178 = vector.shape_cast %exp3A_1171 : vector<16xf32> to vector<1x16xf32>
      tpu.vector_store %arg8[%swap3A_1174, %swap3A_1175], %swap3A_1178 {strides = array<i32>} : memref<16x128xf32, #tpu.memory_space<vmem>>, vector<1x16xf32>,
      %get3A_1179 = arith.constant 6 : i32
      %get3A_1180 = arith.index_cast %get3A_1179 : i32 to index
      %get3A_1181 = arith.constant 64 : index
      %get3A_1182 = tpu.vector_load %arg7[%get3A_1180, %get3A_1181] {strides = array<i32>} : memref<16x128xf32, #tpu.memory_space<vmem>>, vector<1x16xf32>,
      %get3A_1183 = vector.shape_cast %get3A_1182 : vector<1x16xf32> to vector<16xf32>
      %mul3A_1184 = arith.constant 14.2857141 : f32
      %mul3A_1185 = vector.broadcast %mul3A_1184 : f32 to vector<16xf32>
      %mul3A_1186 = arith.mulf %get3A_1183, %mul3A_1185 : vector<16xf32>
      %exp3A_1187 = math.exp %mul3A_1186 : vector<16xf32>
      %add3A_1188 = arith.addf %add3A_1172, %exp3A_1187 : vector<16xf32>
      %swap3A_1189 = arith.constant 6 : i32
      %swap3A_1190 = arith.index_cast %swap3A_1189 : i32 to index
      %swap3A_1191 = arith.constant 64 : index
      %swap3A_1192 = tpu.vector_load %arg8[%swap3A_1190, %swap3A_1191] {strides = array<i32>} : memref<16x128xf32, #tpu.memory_space<vmem>>, vector<1x16xf32>,
      %swap3A_1193 = vector.shape_cast %swap3A_1192 : vector<1x16xf32> to vector<16xf32>
      %swap3A_1194 = vector.shape_cast %exp3A_1187 : vector<16xf32> to vector<1x16xf32>
      tpu.vector_store %arg8[%swap3A_1190, %swap3A_1191], %swap3A_1194 {strides = array<i32>} : memref<16x128xf32, #tpu.memory_space<vmem>>, vector<1x16xf32>,
      %get3A_1195 = arith.constant 6 : i32
      %get3A_1196 = arith.index_cast %get3A_1195 : i32 to index
      %get3A_1197 = arith.constant 80 : index
      %get3A_1198 = tpu.vector_load %arg7[%get3A_1196, %get3A_1197] {strides = array<i32>} : memref<16x128xf32, #tpu.memory_space<vmem>>, vector<1x16xf32>,
      %get3A_1199 = vector.shape_cast %get3A_1198 : vector<1x16xf32> to vector<16xf32>
      %mul3A_1200 = arith.constant 14.2857141 : f32
      %mul3A_1201 = vector.broadcast %mul3A_1200 : f32 to vector<16xf32>
      %mul3A_1202 = arith.mulf %get3A_1199, %mul3A_1201 : vector<16xf32>
      %exp3A_1203 = math.exp %mul3A_1202 : vector<16xf32>
      %add3A_1204 = arith.addf %add3A_1188, %exp3A_1203 : vector<16xf32>
      %swap3A_1205 = arith.constant 6 : i32
      %swap3A_1206 = arith.index_cast %swap3A_1205 : i32 to index
      %swap3A_1207 = arith.constant 80 : index
      %swap3A_1208 = tpu.vector_load %arg8[%swap3A_1206, %swap3A_1207] {strides = array<i32>} : memref<16x128xf32, #tpu.memory_space<vmem>>, vector<1x16xf32>,
      %swap3A_1209 = vector.shape_cast %swap3A_1208 : vector<1x16xf32> to vector<16xf32>
      %swap3A_1210 = vector.shape_cast %exp3A_1203 : vector<16xf32> to vector<1x16xf32>
      tpu.vector_store %arg8[%swap3A_1206, %swap3A_1207], %swap3A_1210 {strides = array<i32>} : memref<16x128xf32, #tpu.memory_space<vmem>>, vector<1x16xf32>,
      %get3A_1211 = arith.constant 6 : i32
      %get3A_1212 = arith.index_cast %get3A_1211 : i32 to index
      %get3A_1213 = arith.constant 96 : index
      %get3A_1214 = tpu.vector_load %arg7[%get3A_1212, %get3A_1213] {strides = array<i32>} : memref<16x128xf32, #tpu.memory_space<vmem>>, vector<1x16xf32>,
      %get3A_1215 = vector.shape_cast %get3A_1214 : vector<1x16xf32> to vector<16xf32>
      %mul3A_1216 = arith.constant 14.2857141 : f32
      %mul3A_1217 = vector.broadcast %mul3A_1216 : f32 to vector<16xf32>
      %mul3A_1218 = arith.mulf %get3A_1215, %mul3A_1217 : vector<16xf32>
      %exp3A_1219 = math.exp %mul3A_1218 : vector<16xf32>
      %add3A_1220 = arith.addf %add3A_1204, %exp3A_1219 : vector<16xf32>
      %swap3A_1221 = arith.constant 6 : i32
      %swap3A_1222 = arith.index_cast %swap3A_1221 : i32 to index
      %swap3A_1223 = arith.constant 96 : index
      %swap3A_1224 = tpu.vector_load %arg8[%swap3A_1222, %swap3A_1223] {strides = array<i32>} : memref<16x128xf32, #tpu.memory_space<vmem>>, vector<1x16xf32>,
      %swap3A_1225 = vector.shape_cast %swap3A_1224 : vector<1x16xf32> to vector<16xf32>
      %swap3A_1226 = vector.shape_cast %exp3A_1219 : vector<16xf32> to vector<1x16xf32>
      tpu.vector_store %arg8[%swap3A_1222, %swap3A_1223], %swap3A_1226 {strides = array<i32>} : memref<16x128xf32, #tpu.memory_space<vmem>>, vector<1x16xf32>,
      %get3A_1227 = arith.constant 6 : i32
      %get3A_1228 = arith.index_cast %get3A_1227 : i32 to index
      %get3A_1229 = arith.constant 112 : index
      %get3A_1230 = tpu.vector_load %arg7[%get3A_1228, %get3A_1229] {strides = array<i32>} : memref<16x128xf32, #tpu.memory_space<vmem>>, vector<1x16xf32>,
      %get3A_1231 = vector.shape_cast %get3A_1230 : vector<1x16xf32> to vector<16xf32>
      %mul3A_1232 = arith.constant 14.2857141 : f32
      %mul3A_1233 = vector.broadcast %mul3A_1232 : f32 to vector<16xf32>
      %mul3A_1234 = arith.mulf %get3A_1231, %mul3A_1233 : vector<16xf32>
      %exp3A_1235 = math.exp %mul3A_1234 : vector<16xf32>
      %add3A_1236 = arith.addf %add3A_1220, %exp3A_1235 : vector<16xf32>
      %swap3A_1237 = arith.constant 6 : i32
      %swap3A_1238 = arith.index_cast %swap3A_1237 : i32 to index
      %swap3A_1239 = arith.constant 112 : index
      %swap3A_1240 = tpu.vector_load %arg8[%swap3A_1238, %swap3A_1239] {strides = array<i32>} : memref<16x128xf32, #tpu.memory_space<vmem>>, vector<1x16xf32>,
      %swap3A_1241 = vector.shape_cast %swap3A_1240 : vector<1x16xf32> to vector<16xf32>
      %swap3A_1242 = vector.shape_cast %exp3A_1235 : vector<16xf32> to vector<1x16xf32>
      tpu.vector_store %arg8[%swap3A_1238, %swap3A_1239], %swap3A_1242 {strides = array<i32>} : memref<16x128xf32, #tpu.memory_space<vmem>>, vector<1x16xf32>,
      %get3A_1243 = arith.constant 7 : i32
      %get3A_1244 = arith.index_cast %get3A_1243 : i32 to index
      %get3A_1245 = arith.constant 0 : index
      %get3A_1246 = tpu.vector_load %arg7[%get3A_1244, %get3A_1245] {strides = array<i32>} : memref<16x128xf32, #tpu.memory_space<vmem>>, vector<1x16xf32>,
      %get3A_1247 = vector.shape_cast %get3A_1246 : vector<1x16xf32> to vector<16xf32>
      %mul3A_1248 = arith.constant 14.2857141 : f32
      %mul3A_1249 = vector.broadcast %mul3A_1248 : f32 to vector<16xf32>
      %mul3A_1250 = arith.mulf %get3A_1247, %mul3A_1249 : vector<16xf32>
      %exp3A_1251 = math.exp %mul3A_1250 : vector<16xf32>
      %add3A_1252 = arith.addf %add3A_1236, %exp3A_1251 : vector<16xf32>
      %swap3A_1253 = arith.constant 7 : i32
      %swap3A_1254 = arith.index_cast %swap3A_1253 : i32 to index
      %swap3A_1255 = arith.constant 0 : index
      %swap3A_1256 = tpu.vector_load %arg8[%swap3A_1254, %swap3A_1255] {strides = array<i32>} : memref<16x128xf32, #tpu.memory_space<vmem>>, vector<1x16xf32>,
      %swap3A_1257 = vector.shape_cast %swap3A_1256 : vector<1x16xf32> to vector<16xf32>
      %swap3A_1258 = vector.shape_cast %exp3A_1251 : vector<16xf32> to vector<1x16xf32>
      tpu.vector_store %arg8[%swap3A_1254, %swap3A_1255], %swap3A_1258 {strides = array<i32>} : memref<16x128xf32, #tpu.memory_space<vmem>>, vector<1x16xf32>,
      %get3A_1259 = arith.constant 7 : i32
      %get3A_1260 = arith.index_cast %get3A_1259 : i32 to index
      %get3A_1261 = arith.constant 16 : index
      %get3A_1262 = tpu.vector_load %arg7[%get3A_1260, %get3A_1261] {strides = array<i32>} : memref<16x128xf32, #tpu.memory_space<vmem>>, vector<1x16xf32>,
      %get3A_1263 = vector.shape_cast %get3A_1262 : vector<1x16xf32> to vector<16xf32>
      %mul3A_1264 = arith.constant 14.2857141 : f32
      %mul3A_1265 = vector.broadcast %mul3A_1264 : f32 to vector<16xf32>
      %mul3A_1266 = arith.mulf %get3A_1263, %mul3A_1265 : vector<16xf32>
      %exp3A_1267 = math.exp %mul3A_1266 : vector<16xf32>
      %add3A_1268 = arith.addf %add3A_1252, %exp3A_1267 : vector<16xf32>
      %swap3A_1269 = arith.constant 7 : i32
      %swap3A_1270 = arith.index_cast %swap3A_1269 : i32 to index
      %swap3A_1271 = arith.constant 16 : index
      %swap3A_1272 = tpu.vector_load %arg8[%swap3A_1270, %swap3A_1271] {strides = array<i32>} : memref<16x128xf32, #tpu.memory_space<vmem>>, vector<1x16xf32>,
      %swap3A_1273 = vector.shape_cast %swap3A_1272 : vector<1x16xf32> to vector<16xf32>
      %swap3A_1274 = vector.shape_cast %exp3A_1267 : vector<16xf32> to vector<1x16xf32>
      tpu.vector_store %arg8[%swap3A_1270, %swap3A_1271], %swap3A_1274 {strides = array<i32>} : memref<16x128xf32, #tpu.memory_space<vmem>>, vector<1x16xf32>,
      %get3A_1275 = arith.constant 7 : i32
      %get3A_1276 = arith.index_cast %get3A_1275 : i32 to index
      %get3A_1277 = arith.constant 32 : index
      %get3A_1278 = tpu.vector_load %arg7[%get3A_1276, %get3A_1277] {strides = array<i32>} : memref<16x128xf32, #tpu.memory_space<vmem>>, vector<1x16xf32>,
      %get3A_1279 = vector.shape_cast %get3A_1278 : vector<1x16xf32> to vector<16xf32>
      %mul3A_1280 = arith.constant 14.2857141 : f32
      %mul3A_1281 = vector.broadcast %mul3A_1280 : f32 to vector<16xf32>
      %mul3A_1282 = arith.mulf %get3A_1279, %mul3A_1281 : vector<16xf32>
      %exp3A_1283 = math.exp %mul3A_1282 : vector<16xf32>
      %add3A_1284 = arith.addf %add3A_1268, %exp3A_1283 : vector<16xf32>
      %swap3A_1285 = arith.constant 7 : i32
      %swap3A_1286 = arith.index_cast %swap3A_1285 : i32 to index
      %swap3A_1287 = arith.constant 32 : index
      %swap3A_1288 = tpu.vector_load %arg8[%swap3A_1286, %swap3A_1287] {strides = array<i32>} : memref<16x128xf32, #tpu.memory_space<vmem>>, vector<1x16xf32>,
      %swap3A_1289 = vector.shape_cast %swap3A_1288 : vector<1x16xf32> to vector<16xf32>
      %swap3A_1290 = vector.shape_cast %exp3A_1283 : vector<16xf32> to vector<1x16xf32>
      tpu.vector_store %arg8[%swap3A_1286, %swap3A_1287], %swap3A_1290 {strides = array<i32>} : memref<16x128xf32, #tpu.memory_space<vmem>>, vector<1x16xf32>,
      %get3A_1291 = arith.constant 7 : i32
      %get3A_1292 = arith.index_cast %get3A_1291 : i32 to index
      %get3A_1293 = arith.constant 48 : index
      %get3A_1294 = tpu.vector_load %arg7[%get3A_1292, %get3A_1293] {strides = array<i32>} : memref<16x128xf32, #tpu.memory_space<vmem>>, vector<1x16xf32>,
      %get3A_1295 = vector.shape_cast %get3A_1294 : vector<1x16xf32> to vector<16xf32>
      %mul3A_1296 = arith.constant 14.2857141 : f32
      %mul3A_1297 = vector.broadcast %mul3A_1296 : f32 to vector<16xf32>
      %mul3A_1298 = arith.mulf %get3A_1295, %mul3A_1297 : vector<16xf32>
      %exp3A_1299 = math.exp %mul3A_1298 : vector<16xf32>
      %add3A_1300 = arith.addf %add3A_1284, %exp3A_1299 : vector<16xf32>
      %swap3A_1301 = arith.constant 7 : i32
      %swap3A_1302 = arith.index_cast %swap3A_1301 : i32 to index
      %swap3A_1303 = arith.constant 48 : index
      %swap3A_1304 = tpu.vector_load %arg8[%swap3A_1302, %swap3A_1303] {strides = array<i32>} : memref<16x128xf32, #tpu.memory_space<vmem>>, vector<1x16xf32>,
      %swap3A_1305 = vector.shape_cast %swap3A_1304 : vector<1x16xf32> to vector<16xf32>
      %swap3A_1306 = vector.shape_cast %exp3A_1299 : vector<16xf32> to vector<1x16xf32>
      tpu.vector_store %arg8[%swap3A_1302, %swap3A_1303], %swap3A_1306 {strides = array<i32>} : memref<16x128xf32, #tpu.memory_space<vmem>>, vector<1x16xf32>,
      %get3A_1307 = arith.constant 7 : i32
      %get3A_1308 = arith.index_cast %get3A_1307 : i32 to index
      %get3A_1309 = arith.constant 64 : index
      %get3A_1310 = tpu.vector_load %arg7[%get3A_1308, %get3A_1309] {strides = array<i32>} : memref<16x128xf32, #tpu.memory_space<vmem>>, vector<1x16xf32>,
      %get3A_1311 = vector.shape_cast %get3A_1310 : vector<1x16xf32> to vector<16xf32>
      %mul3A_1312 = arith.constant 14.2857141 : f32
      %mul3A_1313 = vector.broadcast %mul3A_1312 : f32 to vector<16xf32>
      %mul3A_1314 = arith.mulf %get3A_1311, %mul3A_1313 : vector<16xf32>
      %exp3A_1315 = math.exp %mul3A_1314 : vector<16xf32>
      %add3A_1316 = arith.addf %add3A_1300, %exp3A_1315 : vector<16xf32>
      %swap3A_1317 = arith.constant 7 : i32
      %swap3A_1318 = arith.index_cast %swap3A_1317 : i32 to index
      %swap3A_1319 = arith.constant 64 : index
      %swap3A_1320 = tpu.vector_load %arg8[%swap3A_1318, %swap3A_1319] {strides = array<i32>} : memref<16x128xf32, #tpu.memory_space<vmem>>, vector<1x16xf32>,
      %swap3A_1321 = vector.shape_cast %swap3A_1320 : vector<1x16xf32> to vector<16xf32>
      %swap3A_1322 = vector.shape_cast %exp3A_1315 : vector<16xf32> to vector<1x16xf32>
      tpu.vector_store %arg8[%swap3A_1318, %swap3A_1319], %swap3A_1322 {strides = array<i32>} : memref<16x128xf32, #tpu.memory_space<vmem>>, vector<1x16xf32>,
      %get3A_1323 = arith.constant 7 : i32
      %get3A_1324 = arith.index_cast %get3A_1323 : i32 to index
      %get3A_1325 = arith.constant 80 : index
      %get3A_1326 = tpu.vector_load %arg7[%get3A_1324, %get3A_1325] {strides = array<i32>} : memref<16x128xf32, #tpu.memory_space<vmem>>, vector<1x16xf32>,
      %get3A_1327 = vector.shape_cast %get3A_1326 : vector<1x16xf32> to vector<16xf32>
      %mul3A_1328 = arith.constant 14.2857141 : f32
      %mul3A_1329 = vector.broadcast %mul3A_1328 : f32 to vector<16xf32>
      %mul3A_1330 = arith.mulf %get3A_1327, %mul3A_1329 : vector<16xf32>
      %exp3A_1331 = math.exp %mul3A_1330 : vector<16xf32>
      %add3A_1332 = arith.addf %add3A_1316, %exp3A_1331 : vector<16xf32>
      %swap3A_1333 = arith.constant 7 : i32
      %swap3A_1334 = arith.index_cast %swap3A_1333 : i32 to index
      %swap3A_1335 = arith.constant 80 : index
      %swap3A_1336 = tpu.vector_load %arg8[%swap3A_1334, %swap3A_1335] {strides = array<i32>} : memref<16x128xf32, #tpu.memory_space<vmem>>, vector<1x16xf32>,
      %swap3A_1337 = vector.shape_cast %swap3A_1336 : vector<1x16xf32> to vector<16xf32>
      %swap3A_1338 = vector.shape_cast %exp3A_1331 : vector<16xf32> to vector<1x16xf32>
      tpu.vector_store %arg8[%swap3A_1334, %swap3A_1335], %swap3A_1338 {strides = array<i32>} : memref<16x128xf32, #tpu.memory_space<vmem>>, vector<1x16xf32>,
      %get3A_1339 = arith.constant 7 : i32
      %get3A_1340 = arith.index_cast %get3A_1339 : i32 to index
      %get3A_1341 = arith.constant 96 : index
      %get3A_1342 = tpu.vector_load %arg7[%get3A_1340, %get3A_1341] {strides = array<i32>} : memref<16x128xf32, #tpu.memory_space<vmem>>, vector<1x16xf32>,
      %get3A_1343 = vector.shape_cast %get3A_1342 : vector<1x16xf32> to vector<16xf32>
      %mul3A_1344 = arith.constant 14.2857141 : f32
      %mul3A_1345 = vector.broadcast %mul3A_1344 : f32 to vector<16xf32>
      %mul3A_1346 = arith.mulf %get3A_1343, %mul3A_1345 : vector<16xf32>
      %exp3A_1347 = math.exp %mul3A_1346 : vector<16xf32>
      %add3A_1348 = arith.addf %add3A_1332, %exp3A_1347 : vector<16xf32>
      %swap3A_1349 = arith.constant 7 : i32
      %swap3A_1350 = arith.index_cast %swap3A_1349 : i32 to index
      %swap3A_1351 = arith.constant 96 : index
      %swap3A_1352 = tpu.vector_load %arg8[%swap3A_1350, %swap3A_1351] {strides = array<i32>} : memref<16x128xf32, #tpu.memory_space<vmem>>, vector<1x16xf32>,
      %swap3A_1353 = vector.shape_cast %swap3A_1352 : vector<1x16xf32> to vector<16xf32>
      %swap3A_1354 = vector.shape_cast %exp3A_1347 : vector<16xf32> to vector<1x16xf32>
      tpu.vector_store %arg8[%swap3A_1350, %swap3A_1351], %swap3A_1354 {strides = array<i32>} : memref<16x128xf32, #tpu.memory_space<vmem>>, vector<1x16xf32>,
      %get3A_1355 = arith.constant 7 : i32
      %get3A_1356 = arith.index_cast %get3A_1355 : i32 to index
      %get3A_1357 = arith.constant 112 : index
      %get3A_1358 = tpu.vector_load %arg7[%get3A_1356, %get3A_1357] {strides = array<i32>} : memref<16x128xf32, #tpu.memory_space<vmem>>, vector<1x16xf32>,
      %get3A_1359 = vector.shape_cast %get3A_1358 : vector<1x16xf32> to vector<16xf32>
      %mul3A_1360 = arith.constant 14.2857141 : f32
      %mul3A_1361 = vector.broadcast %mul3A_1360 : f32 to vector<16xf32>
      %mul3A_1362 = arith.mulf %get3A_1359, %mul3A_1361 : vector<16xf32>
      %exp3A_1363 = math.exp %mul3A_1362 : vector<16xf32>
      %add3A_1364 = arith.addf %add3A_1348, %exp3A_1363 : vector<16xf32>
      %swap3A_1365 = arith.constant 7 : i32
      %swap3A_1366 = arith.index_cast %swap3A_1365 : i32 to index
      %swap3A_1367 = arith.constant 112 : index
      %swap3A_1368 = tpu.vector_load %arg8[%swap3A_1366, %swap3A_1367] {strides = array<i32>} : memref<16x128xf32, #tpu.memory_space<vmem>>, vector<1x16xf32>,
      %swap3A_1369 = vector.shape_cast %swap3A_1368 : vector<1x16xf32> to vector<16xf32>
      %swap3A_1370 = vector.shape_cast %exp3A_1363 : vector<16xf32> to vector<1x16xf32>
      tpu.vector_store %arg8[%swap3A_1366, %swap3A_1367], %swap3A_1370 {strides = array<i32>} : memref<16x128xf32, #tpu.memory_space<vmem>>, vector<1x16xf32>,
      %get3A_1371 = arith.constant 8 : i32
      %get3A_1372 = arith.index_cast %get3A_1371 : i32 to index
      %get3A_1373 = arith.constant 0 : index
      %get3A_1374 = tpu.vector_load %arg7[%get3A_1372, %get3A_1373] {strides = array<i32>} : memref<16x128xf32, #tpu.memory_space<vmem>>, vector<1x16xf32>,
      %get3A_1375 = vector.shape_cast %get3A_1374 : vector<1x16xf32> to vector<16xf32>
      %mul3A_1376 = arith.constant 14.2857141 : f32
      %mul3A_1377 = vector.broadcast %mul3A_1376 : f32 to vector<16xf32>
      %mul3A_1378 = arith.mulf %get3A_1375, %mul3A_1377 : vector<16xf32>
      %exp3A_1379 = math.exp %mul3A_1378 : vector<16xf32>
      %add3A_1380 = arith.addf %add3A_1364, %exp3A_1379 : vector<16xf32>
      %swap3A_1381 = arith.constant 8 : i32
      %swap3A_1382 = arith.index_cast %swap3A_1381 : i32 to index
      %swap3A_1383 = arith.constant 0 : index
      %swap3A_1384 = tpu.vector_load %arg8[%swap3A_1382, %swap3A_1383] {strides = array<i32>} : memref<16x128xf32, #tpu.memory_space<vmem>>, vector<1x16xf32>,
      %swap3A_1385 = vector.shape_cast %swap3A_1384 : vector<1x16xf32> to vector<16xf32>
      %swap3A_1386 = vector.shape_cast %exp3A_1379 : vector<16xf32> to vector<1x16xf32>
      tpu.vector_store %arg8[%swap3A_1382, %swap3A_1383], %swap3A_1386 {strides = array<i32>} : memref<16x128xf32, #tpu.memory_space<vmem>>, vector<1x16xf32>,
      %get3A_1387 = arith.constant 8 : i32
      %get3A_1388 = arith.index_cast %get3A_1387 : i32 to index
      %get3A_1389 = arith.constant 16 : index
      %get3A_1390 = tpu.vector_load %arg7[%get3A_1388, %get3A_1389] {strides = array<i32>} : memref<16x128xf32, #tpu.memory_space<vmem>>, vector<1x16xf32>,
      %get3A_1391 = vector.shape_cast %get3A_1390 : vector<1x16xf32> to vector<16xf32>
      %mul3A_1392 = arith.constant 14.2857141 : f32
      %mul3A_1393 = vector.broadcast %mul3A_1392 : f32 to vector<16xf32>
      %mul3A_1394 = arith.mulf %get3A_1391, %mul3A_1393 : vector<16xf32>
      %exp3A_1395 = math.exp %mul3A_1394 : vector<16xf32>
      %add3A_1396 = arith.addf %add3A_1380, %exp3A_1395 : vector<16xf32>
      %swap3A_1397 = arith.constant 8 : i32
      %swap3A_1398 = arith.index_cast %swap3A_1397 : i32 to index
      %swap3A_1399 = arith.constant 16 : index
      %swap3A_1400 = tpu.vector_load %arg8[%swap3A_1398, %swap3A_1399] {strides = array<i32>} : memref<16x128xf32, #tpu.memory_space<vmem>>, vector<1x16xf32>,
      %swap3A_1401 = vector.shape_cast %swap3A_1400 : vector<1x16xf32> to vector<16xf32>
      %swap3A_1402 = vector.shape_cast %exp3A_1395 : vector<16xf32> to vector<1x16xf32>
      tpu.vector_store %arg8[%swap3A_1398, %swap3A_1399], %swap3A_1402 {strides = array<i32>} : memref<16x128xf32, #tpu.memory_space<vmem>>, vector<1x16xf32>,
      %get3A_1403 = arith.constant 8 : i32
      %get3A_1404 = arith.index_cast %get3A_1403 : i32 to index
      %get3A_1405 = arith.constant 32 : index
      %get3A_1406 = tpu.vector_load %arg7[%get3A_1404, %get3A_1405] {strides = array<i32>} : memref<16x128xf32, #tpu.memory_space<vmem>>, vector<1x16xf32>,
      %get3A_1407 = vector.shape_cast %get3A_1406 : vector<1x16xf32> to vector<16xf32>
      %mul3A_1408 = arith.constant 14.2857141 : f32
      %mul3A_1409 = vector.broadcast %mul3A_1408 : f32 to vector<16xf32>
      %mul3A_1410 = arith.mulf %get3A_1407, %mul3A_1409 : vector<16xf32>
      %exp3A_1411 = math.exp %mul3A_1410 : vector<16xf32>
      %add3A_1412 = arith.addf %add3A_1396, %exp3A_1411 : vector<16xf32>
      %swap3A_1413 = arith.constant 8 : i32
      %swap3A_1414 = arith.index_cast %swap3A_1413 : i32 to index
      %swap3A_1415 = arith.constant 32 : index
      %swap3A_1416 = tpu.vector_load %arg8[%swap3A_1414, %swap3A_1415] {strides = array<i32>} : memref<16x128xf32, #tpu.memory_space<vmem>>, vector<1x16xf32>,
      %swap3A_1417 = vector.shape_cast %swap3A_1416 : vector<1x16xf32> to vector<16xf32>
      %swap3A_1418 = vector.shape_cast %exp3A_1411 : vector<16xf32> to vector<1x16xf32>
      tpu.vector_store %arg8[%swap3A_1414, %swap3A_1415], %swap3A_1418 {strides = array<i32>} : memref<16x128xf32, #tpu.memory_space<vmem>>, vector<1x16xf32>,
      %get3A_1419 = arith.constant 8 : i32
      %get3A_1420 = arith.index_cast %get3A_1419 : i32 to index
      %get3A_1421 = arith.constant 48 : index
      %get3A_1422 = tpu.vector_load %arg7[%get3A_1420, %get3A_1421] {strides = array<i32>} : memref<16x128xf32, #tpu.memory_space<vmem>>, vector<1x16xf32>,
      %get3A_1423 = vector.shape_cast %get3A_1422 : vector<1x16xf32> to vector<16xf32>
      %mul3A_1424 = arith.constant 14.2857141 : f32
      %mul3A_1425 = vector.broadcast %mul3A_1424 : f32 to vector<16xf32>
      %mul3A_1426 = arith.mulf %get3A_1423, %mul3A_1425 : vector<16xf32>
      %exp3A_1427 = math.exp %mul3A_1426 : vector<16xf32>
      %add3A_1428 = arith.addf %add3A_1412, %exp3A_1427 : vector<16xf32>
      %swap3A_1429 = arith.constant 8 : i32
      %swap3A_1430 = arith.index_cast %swap3A_1429 : i32 to index
      %swap3A_1431 = arith.constant 48 : index
      %swap3A_1432 = tpu.vector_load %arg8[%swap3A_1430, %swap3A_1431] {strides = array<i32>} : memref<16x128xf32, #tpu.memory_space<vmem>>, vector<1x16xf32>,
      %swap3A_1433 = vector.shape_cast %swap3A_1432 : vector<1x16xf32> to vector<16xf32>
      %swap3A_1434 = vector.shape_cast %exp3A_1427 : vector<16xf32> to vector<1x16xf32>
      tpu.vector_store %arg8[%swap3A_1430, %swap3A_1431], %swap3A_1434 {strides = array<i32>} : memref<16x128xf32, #tpu.memory_space<vmem>>, vector<1x16xf32>,
      %get3A_1435 = arith.constant 8 : i32
      %get3A_1436 = arith.index_cast %get3A_1435 : i32 to index
      %get3A_1437 = arith.constant 64 : index
      %get3A_1438 = tpu.vector_load %arg7[%get3A_1436, %get3A_1437] {strides = array<i32>} : memref<16x128xf32, #tpu.memory_space<vmem>>, vector<1x16xf32>,
      %get3A_1439 = vector.shape_cast %get3A_1438 : vector<1x16xf32> to vector<16xf32>
      %mul3A_1440 = arith.constant 14.2857141 : f32
      %mul3A_1441 = vector.broadcast %mul3A_1440 : f32 to vector<16xf32>
      %mul3A_1442 = arith.mulf %get3A_1439, %mul3A_1441 : vector<16xf32>
      %exp3A_1443 = math.exp %mul3A_1442 : vector<16xf32>
      %add3A_1444 = arith.addf %add3A_1428, %exp3A_1443 : vector<16xf32>
      %swap3A_1445 = arith.constant 8 : i32
      %swap3A_1446 = arith.index_cast %swap3A_1445 : i32 to index
      %swap3A_1447 = arith.constant 64 : index
      %swap3A_1448 = tpu.vector_load %arg8[%swap3A_1446, %swap3A_1447] {strides = array<i32>} : memref<16x128xf32, #tpu.memory_space<vmem>>, vector<1x16xf32>,
      %swap3A_1449 = vector.shape_cast %swap3A_1448 : vector<1x16xf32> to vector<16xf32>
      %swap3A_1450 = vector.shape_cast %exp3A_1443 : vector<16xf32> to vector<1x16xf32>
      tpu.vector_store %arg8[%swap3A_1446, %swap3A_1447], %swap3A_1450 {strides = array<i32>} : memref<16x128xf32, #tpu.memory_space<vmem>>, vector<1x16xf32>,
      %get3A_1451 = arith.constant 8 : i32
      %get3A_1452 = arith.index_cast %get3A_1451 : i32 to index
      %get3A_1453 = arith.constant 80 : index
      %get3A_1454 = tpu.vector_load %arg7[%get3A_1452, %get3A_1453] {strides = array<i32>} : memref<16x128xf32, #tpu.memory_space<vmem>>, vector<1x16xf32>,
      %get3A_1455 = vector.shape_cast %get3A_1454 : vector<1x16xf32> to vector<16xf32>
      %mul3A_1456 = arith.constant 14.2857141 : f32
      %mul3A_1457 = vector.broadcast %mul3A_1456 : f32 to vector<16xf32>
      %mul3A_1458 = arith.mulf %get3A_1455, %mul3A_1457 : vector<16xf32>
      %exp3A_1459 = math.exp %mul3A_1458 : vector<16xf32>
      %add3A_1460 = arith.addf %add3A_1444, %exp3A_1459 : vector<16xf32>
      %swap3A_1461 = arith.constant 8 : i32
      %swap3A_1462 = arith.index_cast %swap3A_1461 : i32 to index
      %swap3A_1463 = arith.constant 80 : index
      %swap3A_1464 = tpu.vector_load %arg8[%swap3A_1462, %swap3A_1463] {strides = array<i32>} : memref<16x128xf32, #tpu.memory_space<vmem>>, vector<1x16xf32>,
      %swap3A_1465 = vector.shape_cast %swap3A_1464 : vector<1x16xf32> to vector<16xf32>
      %swap3A_1466 = vector.shape_cast %exp3A_1459 : vector<16xf32> to vector<1x16xf32>
      tpu.vector_store %arg8[%swap3A_1462, %swap3A_1463], %swap3A_1466 {strides = array<i32>} : memref<16x128xf32, #tpu.memory_space<vmem>>, vector<1x16xf32>,
      %get3A_1467 = arith.constant 8 : i32
      %get3A_1468 = arith.index_cast %get3A_1467 : i32 to index
      %get3A_1469 = arith.constant 96 : index
      %get3A_1470 = tpu.vector_load %arg7[%get3A_1468, %get3A_1469] {strides = array<i32>} : memref<16x128xf32, #tpu.memory_space<vmem>>, vector<1x16xf32>,
      %get3A_1471 = vector.shape_cast %get3A_1470 : vector<1x16xf32> to vector<16xf32>
      %mul3A_1472 = arith.constant 14.2857141 : f32
      %mul3A_1473 = vector.broadcast %mul3A_1472 : f32 to vector<16xf32>
      %mul3A_1474 = arith.mulf %get3A_1471, %mul3A_1473 : vector<16xf32>
      %exp3A_1475 = math.exp %mul3A_1474 : vector<16xf32>
      %add3A_1476 = arith.addf %add3A_1460, %exp3A_1475 : vector<16xf32>
      %swap3A_1477 = arith.constant 8 : i32
      %swap3A_1478 = arith.index_cast %swap3A_1477 : i32 to index
      %swap3A_1479 = arith.constant 96 : index
      %swap3A_1480 = tpu.vector_load %arg8[%swap3A_1478, %swap3A_1479] {strides = array<i32>} : memref<16x128xf32, #tpu.memory_space<vmem>>, vector<1x16xf32>,
      %swap3A_1481 = vector.shape_cast %swap3A_1480 : vector<1x16xf32> to vector<16xf32>
      %swap3A_1482 = vector.shape_cast %exp3A_1475 : vector<16xf32> to vector<1x16xf32>
      tpu.vector_store %arg8[%swap3A_1478, %swap3A_1479], %swap3A_1482 {strides = array<i32>} : memref<16x128xf32, #tpu.memory_space<vmem>>, vector<1x16xf32>,
      %get3A_1483 = arith.constant 8 : i32
      %get3A_1484 = arith.index_cast %get3A_1483 : i32 to index
      %get3A_1485 = arith.constant 112 : index
      %get3A_1486 = tpu.vector_load %arg7[%get3A_1484, %get3A_1485] {strides = array<i32>} : memref<16x128xf32, #tpu.memory_space<vmem>>, vector<1x16xf32>,
      %get3A_1487 = vector.shape_cast %get3A_1486 : vector<1x16xf32> to vector<16xf32>
      %mul3A_1488 = arith.constant 14.2857141 : f32
      %mul3A_1489 = vector.broadcast %mul3A_1488 : f32 to vector<16xf32>
      %mul3A_1490 = arith.mulf %get3A_1487, %mul3A_1489 : vector<16xf32>
      %exp3A_1491 = math.exp %mul3A_1490 : vector<16xf32>
      %add3A_1492 = arith.addf %add3A_1476, %exp3A_1491 : vector<16xf32>
      %swap3A_1493 = arith.constant 8 : i32
      %swap3A_1494 = arith.index_cast %swap3A_1493 : i32 to index
      %swap3A_1495 = arith.constant 112 : index
      %swap3A_1496 = tpu.vector_load %arg8[%swap3A_1494, %swap3A_1495] {strides = array<i32>} : memref<16x128xf32, #tpu.memory_space<vmem>>, vector<1x16xf32>,
      %swap3A_1497 = vector.shape_cast %swap3A_1496 : vector<1x16xf32> to vector<16xf32>
      %swap3A_1498 = vector.shape_cast %exp3A_1491 : vector<16xf32> to vector<1x16xf32>
      tpu.vector_store %arg8[%swap3A_1494, %swap3A_1495], %swap3A_1498 {strides = array<i32>} : memref<16x128xf32, #tpu.memory_space<vmem>>, vector<1x16xf32>,
      %get3A_1499 = arith.constant 9 : i32
      %get3A_1500 = arith.index_cast %get3A_1499 : i32 to index
      %get3A_1501 = arith.constant 0 : index
      %get3A_1502 = tpu.vector_load %arg7[%get3A_1500, %get3A_1501] {strides = array<i32>} : memref<16x128xf32, #tpu.memory_space<vmem>>, vector<1x16xf32>,
      %get3A_1503 = vector.shape_cast %get3A_1502 : vector<1x16xf32> to vector<16xf32>
      %mul3A_1504 = arith.constant 14.2857141 : f32
      %mul3A_1505 = vector.broadcast %mul3A_1504 : f32 to vector<16xf32>
      %mul3A_1506 = arith.mulf %get3A_1503, %mul3A_1505 : vector<16xf32>
      %exp3A_1507 = math.exp %mul3A_1506 : vector<16xf32>
      %add3A_1508 = arith.addf %add3A_1492, %exp3A_1507 : vector<16xf32>
      %swap3A_1509 = arith.constant 9 : i32
      %swap3A_1510 = arith.index_cast %swap3A_1509 : i32 to index
      %swap3A_1511 = arith.constant 0 : index
      %swap3A_1512 = tpu.vector_load %arg8[%swap3A_1510, %swap3A_1511] {strides = array<i32>} : memref<16x128xf32, #tpu.memory_space<vmem>>, vector<1x16xf32>,
      %swap3A_1513 = vector.shape_cast %swap3A_1512 : vector<1x16xf32> to vector<16xf32>
      %swap3A_1514 = vector.shape_cast %exp3A_1507 : vector<16xf32> to vector<1x16xf32>
      tpu.vector_store %arg8[%swap3A_1510, %swap3A_1511], %swap3A_1514 {strides = array<i32>} : memref<16x128xf32, #tpu.memory_space<vmem>>, vector<1x16xf32>,
      %get3A_1515 = arith.constant 9 : i32
      %get3A_1516 = arith.index_cast %get3A_1515 : i32 to index
      %get3A_1517 = arith.constant 16 : index
      %get3A_1518 = tpu.vector_load %arg7[%get3A_1516, %get3A_1517] {strides = array<i32>} : memref<16x128xf32, #tpu.memory_space<vmem>>, vector<1x16xf32>,
      %get3A_1519 = vector.shape_cast %get3A_1518 : vector<1x16xf32> to vector<16xf32>
      %mul3A_1520 = arith.constant 14.2857141 : f32
      %mul3A_1521 = vector.broadcast %mul3A_1520 : f32 to vector<16xf32>
      %mul3A_1522 = arith.mulf %get3A_1519, %mul3A_1521 : vector<16xf32>
      %exp3A_1523 = math.exp %mul3A_1522 : vector<16xf32>
      %add3A_1524 = arith.addf %add3A_1508, %exp3A_1523 : vector<16xf32>
      %swap3A_1525 = arith.constant 9 : i32
      %swap3A_1526 = arith.index_cast %swap3A_1525 : i32 to index
      %swap3A_1527 = arith.constant 16 : index
      %swap3A_1528 = tpu.vector_load %arg8[%swap3A_1526, %swap3A_1527] {strides = array<i32>} : memref<16x128xf32, #tpu.memory_space<vmem>>, vector<1x16xf32>,
      %swap3A_1529 = vector.shape_cast %swap3A_1528 : vector<1x16xf32> to vector<16xf32>
      %swap3A_1530 = vector.shape_cast %exp3A_1523 : vector<16xf32> to vector<1x16xf32>
      tpu.vector_store %arg8[%swap3A_1526, %swap3A_1527], %swap3A_1530 {strides = array<i32>} : memref<16x128xf32, #tpu.memory_space<vmem>>, vector<1x16xf32>,
      %get3A_1531 = arith.constant 9 : i32
      %get3A_1532 = arith.index_cast %get3A_1531 : i32 to index
      %get3A_1533 = arith.constant 32 : index
      %get3A_1534 = tpu.vector_load %arg7[%get3A_1532, %get3A_1533] {strides = array<i32>} : memref<16x128xf32, #tpu.memory_space<vmem>>, vector<1x16xf32>,
      %get3A_1535 = vector.shape_cast %get3A_1534 : vector<1x16xf32> to vector<16xf32>
      %mul3A_1536 = arith.constant 14.2857141 : f32
      %mul3A_1537 = vector.broadcast %mul3A_1536 : f32 to vector<16xf32>
      %mul3A_1538 = arith.mulf %get3A_1535, %mul3A_1537 : vector<16xf32>
      %exp3A_1539 = math.exp %mul3A_1538 : vector<16xf32>
      %add3A_1540 = arith.addf %add3A_1524, %exp3A_1539 : vector<16xf32>
      %swap3A_1541 = arith.constant 9 : i32
      %swap3A_1542 = arith.index_cast %swap3A_1541 : i32 to index
      %swap3A_1543 = arith.constant 32 : index
      %swap3A_1544 = tpu.vector_load %arg8[%swap3A_1542, %swap3A_1543] {strides = array<i32>} : memref<16x128xf32, #tpu.memory_space<vmem>>, vector<1x16xf32>,
      %swap3A_1545 = vector.shape_cast %swap3A_1544 : vector<1x16xf32> to vector<16xf32>
      %swap3A_1546 = vector.shape_cast %exp3A_1539 : vector<16xf32> to vector<1x16xf32>
      tpu.vector_store %arg8[%swap3A_1542, %swap3A_1543], %swap3A_1546 {strides = array<i32>} : memref<16x128xf32, #tpu.memory_space<vmem>>, vector<1x16xf32>,
      %get3A_1547 = arith.constant 9 : i32
      %get3A_1548 = arith.index_cast %get3A_1547 : i32 to index
      %get3A_1549 = arith.constant 48 : index
      %get3A_1550 = tpu.vector_load %arg7[%get3A_1548, %get3A_1549] {strides = array<i32>} : memref<16x128xf32, #tpu.memory_space<vmem>>, vector<1x16xf32>,
      %get3A_1551 = vector.shape_cast %get3A_1550 : vector<1x16xf32> to vector<16xf32>
      %mul3A_1552 = arith.constant 14.2857141 : f32
      %mul3A_1553 = vector.broadcast %mul3A_1552 : f32 to vector<16xf32>
      %mul3A_1554 = arith.mulf %get3A_1551, %mul3A_1553 : vector<16xf32>
      %exp3A_1555 = math.exp %mul3A_1554 : vector<16xf32>
      %add3A_1556 = arith.addf %add3A_1540, %exp3A_1555 : vector<16xf32>
      %swap3A_1557 = arith.constant 9 : i32
      %swap3A_1558 = arith.index_cast %swap3A_1557 : i32 to index
      %swap3A_1559 = arith.constant 48 : index
      %swap3A_1560 = tpu.vector_load %arg8[%swap3A_1558, %swap3A_1559] {strides = array<i32>} : memref<16x128xf32, #tpu.memory_space<vmem>>, vector<1x16xf32>,
      %swap3A_1561 = vector.shape_cast %swap3A_1560 : vector<1x16xf32> to vector<16xf32>
      %swap3A_1562 = vector.shape_cast %exp3A_1555 : vector<16xf32> to vector<1x16xf32>
      tpu.vector_store %arg8[%swap3A_1558, %swap3A_1559], %swap3A_1562 {strides = array<i32>} : memref<16x128xf32, #tpu.memory_space<vmem>>, vector<1x16xf32>,
      %get3A_1563 = arith.constant 9 : i32
      %get3A_1564 = arith.index_cast %get3A_1563 : i32 to index
      %get3A_1565 = arith.constant 64 : index
      %get3A_1566 = tpu.vector_load %arg7[%get3A_1564, %get3A_1565] {strides = array<i32>} : memref<16x128xf32, #tpu.memory_space<vmem>>, vector<1x16xf32>,
      %get3A_1567 = vector.shape_cast %get3A_1566 : vector<1x16xf32> to vector<16xf32>
      %mul3A_1568 = arith.constant 14.2857141 : f32
      %mul3A_1569 = vector.broadcast %mul3A_1568 : f32 to vector<16xf32>
      %mul3A_1570 = arith.mulf %get3A_1567, %mul3A_1569 : vector<16xf32>
      %exp3A_1571 = math.exp %mul3A_1570 : vector<16xf32>
      %add3A_1572 = arith.addf %add3A_1556, %exp3A_1571 : vector<16xf32>
      %swap3A_1573 = arith.constant 9 : i32
      %swap3A_1574 = arith.index_cast %swap3A_1573 : i32 to index
      %swap3A_1575 = arith.constant 64 : index
      %swap3A_1576 = tpu.vector_load %arg8[%swap3A_1574, %swap3A_1575] {strides = array<i32>} : memref<16x128xf32, #tpu.memory_space<vmem>>, vector<1x16xf32>,
      %swap3A_1577 = vector.shape_cast %swap3A_1576 : vector<1x16xf32> to vector<16xf32>
      %swap3A_1578 = vector.shape_cast %exp3A_1571 : vector<16xf32> to vector<1x16xf32>
      tpu.vector_store %arg8[%swap3A_1574, %swap3A_1575], %swap3A_1578 {strides = array<i32>} : memref<16x128xf32, #tpu.memory_space<vmem>>, vector<1x16xf32>,
      %get3A_1579 = arith.constant 9 : i32
      %get3A_1580 = arith.index_cast %get3A_1579 : i32 to index
      %get3A_1581 = arith.constant 80 : index
      %get3A_1582 = tpu.vector_load %arg7[%get3A_1580, %get3A_1581] {strides = array<i32>} : memref<16x128xf32, #tpu.memory_space<vmem>>, vector<1x16xf32>,
      %get3A_1583 = vector.shape_cast %get3A_1582 : vector<1x16xf32> to vector<16xf32>
      %mul3A_1584 = arith.constant 14.2857141 : f32
      %mul3A_1585 = vector.broadcast %mul3A_1584 : f32 to vector<16xf32>
      %mul3A_1586 = arith.mulf %get3A_1583, %mul3A_1585 : vector<16xf32>
      %exp3A_1587 = math.exp %mul3A_1586 : vector<16xf32>
      %add3A_1588 = arith.addf %add3A_1572, %exp3A_1587 : vector<16xf32>
      %swap3A_1589 = arith.constant 9 : i32
      %swap3A_1590 = arith.index_cast %swap3A_1589 : i32 to index
      %swap3A_1591 = arith.constant 80 : index
      %swap3A_1592 = tpu.vector_load %arg8[%swap3A_1590, %swap3A_1591] {strides = array<i32>} : memref<16x128xf32, #tpu.memory_space<vmem>>, vector<1x16xf32>,
      %swap3A_1593 = vector.shape_cast %swap3A_1592 : vector<1x16xf32> to vector<16xf32>
      %swap3A_1594 = vector.shape_cast %exp3A_1587 : vector<16xf32> to vector<1x16xf32>
      tpu.vector_store %arg8[%swap3A_1590, %swap3A_1591], %swap3A_1594 {strides = array<i32>} : memref<16x128xf32, #tpu.memory_space<vmem>>, vector<1x16xf32>,
      %get3A_1595 = arith.constant 9 : i32
      %get3A_1596 = arith.index_cast %get3A_1595 : i32 to index
      %get3A_1597 = arith.constant 96 : index
      %get3A_1598 = tpu.vector_load %arg7[%get3A_1596, %get3A_1597] {strides = array<i32>} : memref<16x128xf32, #tpu.memory_space<vmem>>, vector<1x16xf32>,
      %get3A_1599 = vector.shape_cast %get3A_1598 : vector<1x16xf32> to vector<16xf32>
      %mul3A_1600 = arith.constant 14.2857141 : f32
      %mul3A_1601 = vector.broadcast %mul3A_1600 : f32 to vector<16xf32>
      %mul3A_1602 = arith.mulf %get3A_1599, %mul3A_1601 : vector<16xf32>
      %exp3A_1603 = math.exp %mul3A_1602 : vector<16xf32>
      %add3A_1604 = arith.addf %add3A_1588, %exp3A_1603 : vector<16xf32>
      %swap3A_1605 = arith.constant 9 : i32
      %swap3A_1606 = arith.index_cast %swap3A_1605 : i32 to index
      %swap3A_1607 = arith.constant 96 : index
      %swap3A_1608 = tpu.vector_load %arg8[%swap3A_1606, %swap3A_1607] {strides = array<i32>} : memref<16x128xf32, #tpu.memory_space<vmem>>, vector<1x16xf32>,
      %swap3A_1609 = vector.shape_cast %swap3A_1608 : vector<1x16xf32> to vector<16xf32>
      %swap3A_1610 = vector.shape_cast %exp3A_1603 : vector<16xf32> to vector<1x16xf32>
      tpu.vector_store %arg8[%swap3A_1606, %swap3A_1607], %swap3A_1610 {strides = array<i32>} : memref<16x128xf32, #tpu.memory_space<vmem>>, vector<1x16xf32>,
      %get3A_1611 = arith.constant 9 : i32
      %get3A_1612 = arith.index_cast %get3A_1611 : i32 to index
      %get3A_1613 = arith.constant 112 : index
      %get3A_1614 = tpu.vector_load %arg7[%get3A_1612, %get3A_1613] {strides = array<i32>} : memref<16x128xf32, #tpu.memory_space<vmem>>, vector<1x16xf32>,
      %get3A_1615 = vector.shape_cast %get3A_1614 : vector<1x16xf32> to vector<16xf32>
      %mul3A_1616 = arith.constant 14.2857141 : f32
      %mul3A_1617 = vector.broadcast %mul3A_1616 : f32 to vector<16xf32>
      %mul3A_1618 = arith.mulf %get3A_1615, %mul3A_1617 : vector<16xf32>
      %exp3A_1619 = math.exp %mul3A_1618 : vector<16xf32>
      %add3A_1620 = arith.addf %add3A_1604, %exp3A_1619 : vector<16xf32>
      %swap3A_1621 = arith.constant 9 : i32
      %swap3A_1622 = arith.index_cast %swap3A_1621 : i32 to index
      %swap3A_1623 = arith.constant 112 : index
      %swap3A_1624 = tpu.vector_load %arg8[%swap3A_1622, %swap3A_1623] {strides = array<i32>} : memref<16x128xf32, #tpu.memory_space<vmem>>, vector<1x16xf32>,
      %swap3A_1625 = vector.shape_cast %swap3A_1624 : vector<1x16xf32> to vector<16xf32>
      %swap3A_1626 = vector.shape_cast %exp3A_1619 : vector<16xf32> to vector<1x16xf32>
      tpu.vector_store %arg8[%swap3A_1622, %swap3A_1623], %swap3A_1626 {strides = array<i32>} : memref<16x128xf32, #tpu.memory_space<vmem>>, vector<1x16xf32>,
      %get3A_1627 = arith.constant 10 : i32
      %get3A_1628 = arith.index_cast %get3A_1627 : i32 to index
      %get3A_1629 = arith.constant 0 : index
      %get3A_1630 = tpu.vector_load %arg7[%get3A_1628, %get3A_1629] {strides = array<i32>} : memref<16x128xf32, #tpu.memory_space<vmem>>, vector<1x16xf32>,
      %get3A_1631 = vector.shape_cast %get3A_1630 : vector<1x16xf32> to vector<16xf32>
      %mul3A_1632 = arith.constant 14.2857141 : f32
      %mul3A_1633 = vector.broadcast %mul3A_1632 : f32 to vector<16xf32>
      %mul3A_1634 = arith.mulf %get3A_1631, %mul3A_1633 : vector<16xf32>
      %exp3A_1635 = math.exp %mul3A_1634 : vector<16xf32>
      %add3A_1636 = arith.addf %add3A_1620, %exp3A_1635 : vector<16xf32>
      %swap3A_1637 = arith.constant 10 : i32
      %swap3A_1638 = arith.index_cast %swap3A_1637 : i32 to index
      %swap3A_1639 = arith.constant 0 : index
      %swap3A_1640 = tpu.vector_load %arg8[%swap3A_1638, %swap3A_1639] {strides = array<i32>} : memref<16x128xf32, #tpu.memory_space<vmem>>, vector<1x16xf32>,
      %swap3A_1641 = vector.shape_cast %swap3A_1640 : vector<1x16xf32> to vector<16xf32>
      %swap3A_1642 = vector.shape_cast %exp3A_1635 : vector<16xf32> to vector<1x16xf32>
      tpu.vector_store %arg8[%swap3A_1638, %swap3A_1639], %swap3A_1642 {strides = array<i32>} : memref<16x128xf32, #tpu.memory_space<vmem>>, vector<1x16xf32>,
      %get3A_1643 = arith.constant 10 : i32
      %get3A_1644 = arith.index_cast %get3A_1643 : i32 to index
      %get3A_1645 = arith.constant 16 : index
      %get3A_1646 = tpu.vector_load %arg7[%get3A_1644, %get3A_1645] {strides = array<i32>} : memref<16x128xf32, #tpu.memory_space<vmem>>, vector<1x16xf32>,
      %get3A_1647 = vector.shape_cast %get3A_1646 : vector<1x16xf32> to vector<16xf32>
      %mul3A_1648 = arith.constant 14.2857141 : f32
      %mul3A_1649 = vector.broadcast %mul3A_1648 : f32 to vector<16xf32>
      %mul3A_1650 = arith.mulf %get3A_1647, %mul3A_1649 : vector<16xf32>
      %exp3A_1651 = math.exp %mul3A_1650 : vector<16xf32>
      %add3A_1652 = arith.addf %add3A_1636, %exp3A_1651 : vector<16xf32>
      %swap3A_1653 = arith.constant 10 : i32
      %swap3A_1654 = arith.index_cast %swap3A_1653 : i32 to index
      %swap3A_1655 = arith.constant 16 : index
      %swap3A_1656 = tpu.vector_load %arg8[%swap3A_1654, %swap3A_1655] {strides = array<i32>} : memref<16x128xf32, #tpu.memory_space<vmem>>, vector<1x16xf32>,
      %swap3A_1657 = vector.shape_cast %swap3A_1656 : vector<1x16xf32> to vector<16xf32>
      %swap3A_1658 = vector.shape_cast %exp3A_1651 : vector<16xf32> to vector<1x16xf32>
      tpu.vector_store %arg8[%swap3A_1654, %swap3A_1655], %swap3A_1658 {strides = array<i32>} : memref<16x128xf32, #tpu.memory_space<vmem>>, vector<1x16xf32>,
      %get3A_1659 = arith.constant 10 : i32
      %get3A_1660 = arith.index_cast %get3A_1659 : i32 to index
      %get3A_1661 = arith.constant 32 : index
      %get3A_1662 = tpu.vector_load %arg7[%get3A_1660, %get3A_1661] {strides = array<i32>} : memref<16x128xf32, #tpu.memory_space<vmem>>, vector<1x16xf32>,
      %get3A_1663 = vector.shape_cast %get3A_1662 : vector<1x16xf32> to vector<16xf32>
      %mul3A_1664 = arith.constant 14.2857141 : f32
      %mul3A_1665 = vector.broadcast %mul3A_1664 : f32 to vector<16xf32>
      %mul3A_1666 = arith.mulf %get3A_1663, %mul3A_1665 : vector<16xf32>
      %exp3A_1667 = math.exp %mul3A_1666 : vector<16xf32>
      %add3A_1668 = arith.addf %add3A_1652, %exp3A_1667 : vector<16xf32>
      %swap3A_1669 = arith.constant 10 : i32
      %swap3A_1670 = arith.index_cast %swap3A_1669 : i32 to index
      %swap3A_1671 = arith.constant 32 : index
      %swap3A_1672 = tpu.vector_load %arg8[%swap3A_1670, %swap3A_1671] {strides = array<i32>} : memref<16x128xf32, #tpu.memory_space<vmem>>, vector<1x16xf32>,
      %swap3A_1673 = vector.shape_cast %swap3A_1672 : vector<1x16xf32> to vector<16xf32>
      %swap3A_1674 = vector.shape_cast %exp3A_1667 : vector<16xf32> to vector<1x16xf32>
      tpu.vector_store %arg8[%swap3A_1670, %swap3A_1671], %swap3A_1674 {strides = array<i32>} : memref<16x128xf32, #tpu.memory_space<vmem>>, vector<1x16xf32>,
      %get3A_1675 = arith.constant 10 : i32
      %get3A_1676 = arith.index_cast %get3A_1675 : i32 to index
      %get3A_1677 = arith.constant 48 : index
      %get3A_1678 = tpu.vector_load %arg7[%get3A_1676, %get3A_1677] {strides = array<i32>} : memref<16x128xf32, #tpu.memory_space<vmem>>, vector<1x16xf32>,
      %get3A_1679 = vector.shape_cast %get3A_1678 : vector<1x16xf32> to vector<16xf32>
      %mul3A_1680 = arith.constant 14.2857141 : f32
      %mul3A_1681 = vector.broadcast %mul3A_1680 : f32 to vector<16xf32>
      %mul3A_1682 = arith.mulf %get3A_1679, %mul3A_1681 : vector<16xf32>
      %exp3A_1683 = math.exp %mul3A_1682 : vector<16xf32>
      %add3A_1684 = arith.addf %add3A_1668, %exp3A_1683 : vector<16xf32>
      %swap3A_1685 = arith.constant 10 : i32
      %swap3A_1686 = arith.index_cast %swap3A_1685 : i32 to index
      %swap3A_1687 = arith.constant 48 : index
      %swap3A_1688 = tpu.vector_load %arg8[%swap3A_1686, %swap3A_1687] {strides = array<i32>} : memref<16x128xf32, #tpu.memory_space<vmem>>, vector<1x16xf32>,
      %swap3A_1689 = vector.shape_cast %swap3A_1688 : vector<1x16xf32> to vector<16xf32>
      %swap3A_1690 = vector.shape_cast %exp3A_1683 : vector<16xf32> to vector<1x16xf32>
      tpu.vector_store %arg8[%swap3A_1686, %swap3A_1687], %swap3A_1690 {strides = array<i32>} : memref<16x128xf32, #tpu.memory_space<vmem>>, vector<1x16xf32>,
      %get3A_1691 = arith.constant 10 : i32
      %get3A_1692 = arith.index_cast %get3A_1691 : i32 to index
      %get3A_1693 = arith.constant 64 : index
      %get3A_1694 = tpu.vector_load %arg7[%get3A_1692, %get3A_1693] {strides = array<i32>} : memref<16x128xf32, #tpu.memory_space<vmem>>, vector<1x16xf32>,
      %get3A_1695 = vector.shape_cast %get3A_1694 : vector<1x16xf32> to vector<16xf32>
      %mul3A_1696 = arith.constant 14.2857141 : f32
      %mul3A_1697 = vector.broadcast %mul3A_1696 : f32 to vector<16xf32>
      %mul3A_1698 = arith.mulf %get3A_1695, %mul3A_1697 : vector<16xf32>
      %exp3A_1699 = math.exp %mul3A_1698 : vector<16xf32>
      %add3A_1700 = arith.addf %add3A_1684, %exp3A_1699 : vector<16xf32>
      %swap3A_1701 = arith.constant 10 : i32
      %swap3A_1702 = arith.index_cast %swap3A_1701 : i32 to index
      %swap3A_1703 = arith.constant 64 : index
      %swap3A_1704 = tpu.vector_load %arg8[%swap3A_1702, %swap3A_1703] {strides = array<i32>} : memref<16x128xf32, #tpu.memory_space<vmem>>, vector<1x16xf32>,
      %swap3A_1705 = vector.shape_cast %swap3A_1704 : vector<1x16xf32> to vector<16xf32>
      %swap3A_1706 = vector.shape_cast %exp3A_1699 : vector<16xf32> to vector<1x16xf32>
      tpu.vector_store %arg8[%swap3A_1702, %swap3A_1703], %swap3A_1706 {strides = array<i32>} : memref<16x128xf32, #tpu.memory_space<vmem>>, vector<1x16xf32>,
      %get3A_1707 = arith.constant 10 : i32
      %get3A_1708 = arith.index_cast %get3A_1707 : i32 to index
      %get3A_1709 = arith.constant 80 : index
      %get3A_1710 = tpu.vector_load %arg7[%get3A_1708, %get3A_1709] {strides = array<i32>} : memref<16x128xf32, #tpu.memory_space<vmem>>, vector<1x16xf32>,
      %get3A_1711 = vector.shape_cast %get3A_1710 : vector<1x16xf32> to vector<16xf32>
      %mul3A_1712 = arith.constant 14.2857141 : f32
      %mul3A_1713 = vector.broadcast %mul3A_1712 : f32 to vector<16xf32>
      %mul3A_1714 = arith.mulf %get3A_1711, %mul3A_1713 : vector<16xf32>
      %exp3A_1715 = math.exp %mul3A_1714 : vector<16xf32>
      %add3A_1716 = arith.addf %add3A_1700, %exp3A_1715 : vector<16xf32>
      %swap3A_1717 = arith.constant 10 : i32
      %swap3A_1718 = arith.index_cast %swap3A_1717 : i32 to index
      %swap3A_1719 = arith.constant 80 : index
      %swap3A_1720 = tpu.vector_load %arg8[%swap3A_1718, %swap3A_1719] {strides = array<i32>} : memref<16x128xf32, #tpu.memory_space<vmem>>, vector<1x16xf32>,
      %swap3A_1721 = vector.shape_cast %swap3A_1720 : vector<1x16xf32> to vector<16xf32>
      %swap3A_1722 = vector.shape_cast %exp3A_1715 : vector<16xf32> to vector<1x16xf32>
      tpu.vector_store %arg8[%swap3A_1718, %swap3A_1719], %swap3A_1722 {strides = array<i32>} : memref<16x128xf32, #tpu.memory_space<vmem>>, vector<1x16xf32>,
      %get3A_1723 = arith.constant 10 : i32
      %get3A_1724 = arith.index_cast %get3A_1723 : i32 to index
      %get3A_1725 = arith.constant 96 : index
      %get3A_1726 = tpu.vector_load %arg7[%get3A_1724, %get3A_1725] {strides = array<i32>} : memref<16x128xf32, #tpu.memory_space<vmem>>, vector<1x16xf32>,
      %get3A_1727 = vector.shape_cast %get3A_1726 : vector<1x16xf32> to vector<16xf32>
      %mul3A_1728 = arith.constant 14.2857141 : f32
      %mul3A_1729 = vector.broadcast %mul3A_1728 : f32 to vector<16xf32>
      %mul3A_1730 = arith.mulf %get3A_1727, %mul3A_1729 : vector<16xf32>
      %exp3A_1731 = math.exp %mul3A_1730 : vector<16xf32>
      %add3A_1732 = arith.addf %add3A_1716, %exp3A_1731 : vector<16xf32>
      %swap3A_1733 = arith.constant 10 : i32
      %swap3A_1734 = arith.index_cast %swap3A_1733 : i32 to index
      %swap3A_1735 = arith.constant 96 : index
      %swap3A_1736 = tpu.vector_load %arg8[%swap3A_1734, %swap3A_1735] {strides = array<i32>} : memref<16x128xf32, #tpu.memory_space<vmem>>, vector<1x16xf32>,
      %swap3A_1737 = vector.shape_cast %swap3A_1736 : vector<1x16xf32> to vector<16xf32>
      %swap3A_1738 = vector.shape_cast %exp3A_1731 : vector<16xf32> to vector<1x16xf32>
      tpu.vector_store %arg8[%swap3A_1734, %swap3A_1735], %swap3A_1738 {strides = array<i32>} : memref<16x128xf32, #tpu.memory_space<vmem>>, vector<1x16xf32>,
      %get3A_1739 = arith.constant 10 : i32
      %get3A_1740 = arith.index_cast %get3A_1739 : i32 to index
      %get3A_1741 = arith.constant 112 : index
      %get3A_1742 = tpu.vector_load %arg7[%get3A_1740, %get3A_1741] {strides = array<i32>} : memref<16x128xf32, #tpu.memory_space<vmem>>, vector<1x16xf32>,
      %get3A_1743 = vector.shape_cast %get3A_1742 : vector<1x16xf32> to vector<16xf32>
      %mul3A_1744 = arith.constant 14.2857141 : f32
      %mul3A_1745 = vector.broadcast %mul3A_1744 : f32 to vector<16xf32>
      %mul3A_1746 = arith.mulf %get3A_1743, %mul3A_1745 : vector<16xf32>
      %exp3A_1747 = math.exp %mul3A_1746 : vector<16xf32>
      %add3A_1748 = arith.addf %add3A_1732, %exp3A_1747 : vector<16xf32>
      %swap3A_1749 = arith.constant 10 : i32
      %swap3A_1750 = arith.index_cast %swap3A_1749 : i32 to index
      %swap3A_1751 = arith.constant 112 : index
      %swap3A_1752 = tpu.vector_load %arg8[%swap3A_1750, %swap3A_1751] {strides = array<i32>} : memref<16x128xf32, #tpu.memory_space<vmem>>, vector<1x16xf32>,
      %swap3A_1753 = vector.shape_cast %swap3A_1752 : vector<1x16xf32> to vector<16xf32>
      %swap3A_1754 = vector.shape_cast %exp3A_1747 : vector<16xf32> to vector<1x16xf32>
      tpu.vector_store %arg8[%swap3A_1750, %swap3A_1751], %swap3A_1754 {strides = array<i32>} : memref<16x128xf32, #tpu.memory_space<vmem>>, vector<1x16xf32>,
      %get3A_1755 = arith.constant 11 : i32
      %get3A_1756 = arith.index_cast %get3A_1755 : i32 to index
      %get3A_1757 = arith.constant 0 : index
      %get3A_1758 = tpu.vector_load %arg7[%get3A_1756, %get3A_1757] {strides = array<i32>} : memref<16x128xf32, #tpu.memory_space<vmem>>, vector<1x16xf32>,
      %get3A_1759 = vector.shape_cast %get3A_1758 : vector<1x16xf32> to vector<16xf32>
      %mul3A_1760 = arith.constant 14.2857141 : f32
      %mul3A_1761 = vector.broadcast %mul3A_1760 : f32 to vector<16xf32>
      %mul3A_1762 = arith.mulf %get3A_1759, %mul3A_1761 : vector<16xf32>
      %exp3A_1763 = math.exp %mul3A_1762 : vector<16xf32>
      %add3A_1764 = arith.addf %add3A_1748, %exp3A_1763 : vector<16xf32>
      %swap3A_1765 = arith.constant 11 : i32
      %swap3A_1766 = arith.index_cast %swap3A_1765 : i32 to index
      %swap3A_1767 = arith.constant 0 : index
      %swap3A_1768 = tpu.vector_load %arg8[%swap3A_1766, %swap3A_1767] {strides = array<i32>} : memref<16x128xf32, #tpu.memory_space<vmem>>, vector<1x16xf32>,
      %swap3A_1769 = vector.shape_cast %swap3A_1768 : vector<1x16xf32> to vector<16xf32>
      %swap3A_1770 = vector.shape_cast %exp3A_1763 : vector<16xf32> to vector<1x16xf32>
      tpu.vector_store %arg8[%swap3A_1766, %swap3A_1767], %swap3A_1770 {strides = array<i32>} : memref<16x128xf32, #tpu.memory_space<vmem>>, vector<1x16xf32>,
      %get3A_1771 = arith.constant 11 : i32
      %get3A_1772 = arith.index_cast %get3A_1771 : i32 to index
      %get3A_1773 = arith.constant 16 : index
      %get3A_1774 = tpu.vector_load %arg7[%get3A_1772, %get3A_1773] {strides = array<i32>} : memref<16x128xf32, #tpu.memory_space<vmem>>, vector<1x16xf32>,
      %get3A_1775 = vector.shape_cast %get3A_1774 : vector<1x16xf32> to vector<16xf32>
      %mul3A_1776 = arith.constant 14.2857141 : f32
      %mul3A_1777 = vector.broadcast %mul3A_1776 : f32 to vector<16xf32>
      %mul3A_1778 = arith.mulf %get3A_1775, %mul3A_1777 : vector<16xf32>
      %exp3A_1779 = math.exp %mul3A_1778 : vector<16xf32>
      %add3A_1780 = arith.addf %add3A_1764, %exp3A_1779 : vector<16xf32>
      %swap3A_1781 = arith.constant 11 : i32
      %swap3A_1782 = arith.index_cast %swap3A_1781 : i32 to index
      %swap3A_1783 = arith.constant 16 : index
      %swap3A_1784 = tpu.vector_load %arg8[%swap3A_1782, %swap3A_1783] {strides = array<i32>} : memref<16x128xf32, #tpu.memory_space<vmem>>, vector<1x16xf32>,
      %swap3A_1785 = vector.shape_cast %swap3A_1784 : vector<1x16xf32> to vector<16xf32>
      %swap3A_1786 = vector.shape_cast %exp3A_1779 : vector<16xf32> to vector<1x16xf32>
      tpu.vector_store %arg8[%swap3A_1782, %swap3A_1783], %swap3A_1786 {strides = array<i32>} : memref<16x128xf32, #tpu.memory_space<vmem>>, vector<1x16xf32>,
      %get3A_1787 = arith.constant 11 : i32
      %get3A_1788 = arith.index_cast %get3A_1787 : i32 to index
      %get3A_1789 = arith.constant 32 : index
      %get3A_1790 = tpu.vector_load %arg7[%get3A_1788, %get3A_1789] {strides = array<i32>} : memref<16x128xf32, #tpu.memory_space<vmem>>, vector<1x16xf32>,
      %get3A_1791 = vector.shape_cast %get3A_1790 : vector<1x16xf32> to vector<16xf32>
      %mul3A_1792 = arith.constant 14.2857141 : f32
      %mul3A_1793 = vector.broadcast %mul3A_1792 : f32 to vector<16xf32>
      %mul3A_1794 = arith.mulf %get3A_1791, %mul3A_1793 : vector<16xf32>
      %exp3A_1795 = math.exp %mul3A_1794 : vector<16xf32>
      %add3A_1796 = arith.addf %add3A_1780, %exp3A_1795 : vector<16xf32>
      %swap3A_1797 = arith.constant 11 : i32
      %swap3A_1798 = arith.index_cast %swap3A_1797 : i32 to index
      %swap3A_1799 = arith.constant 32 : index
      %swap3A_1800 = tpu.vector_load %arg8[%swap3A_1798, %swap3A_1799] {strides = array<i32>} : memref<16x128xf32, #tpu.memory_space<vmem>>, vector<1x16xf32>,
      %swap3A_1801 = vector.shape_cast %swap3A_1800 : vector<1x16xf32> to vector<16xf32>
      %swap3A_1802 = vector.shape_cast %exp3A_1795 : vector<16xf32> to vector<1x16xf32>
      tpu.vector_store %arg8[%swap3A_1798, %swap3A_1799], %swap3A_1802 {strides = array<i32>} : memref<16x128xf32, #tpu.memory_space<vmem>>, vector<1x16xf32>,
      %get3A_1803 = arith.constant 11 : i32
      %get3A_1804 = arith.index_cast %get3A_1803 : i32 to index
      %get3A_1805 = arith.constant 48 : index
      %get3A_1806 = tpu.vector_load %arg7[%get3A_1804, %get3A_1805] {strides = array<i32>} : memref<16x128xf32, #tpu.memory_space<vmem>>, vector<1x16xf32>,
      %get3A_1807 = vector.shape_cast %get3A_1806 : vector<1x16xf32> to vector<16xf32>
      %mul3A_1808 = arith.constant 14.2857141 : f32
      %mul3A_1809 = vector.broadcast %mul3A_1808 : f32 to vector<16xf32>
      %mul3A_1810 = arith.mulf %get3A_1807, %mul3A_1809 : vector<16xf32>
      %exp3A_1811 = math.exp %mul3A_1810 : vector<16xf32>
      %add3A_1812 = arith.addf %add3A_1796, %exp3A_1811 : vector<16xf32>
      %swap3A_1813 = arith.constant 11 : i32
      %swap3A_1814 = arith.index_cast %swap3A_1813 : i32 to index
      %swap3A_1815 = arith.constant 48 : index
      %swap3A_1816 = tpu.vector_load %arg8[%swap3A_1814, %swap3A_1815] {strides = array<i32>} : memref<16x128xf32, #tpu.memory_space<vmem>>, vector<1x16xf32>,
      %swap3A_1817 = vector.shape_cast %swap3A_1816 : vector<1x16xf32> to vector<16xf32>
      %swap3A_1818 = vector.shape_cast %exp3A_1811 : vector<16xf32> to vector<1x16xf32>
      tpu.vector_store %arg8[%swap3A_1814, %swap3A_1815], %swap3A_1818 {strides = array<i32>} : memref<16x128xf32, #tpu.memory_space<vmem>>, vector<1x16xf32>,
      %get3A_1819 = arith.constant 11 : i32
      %get3A_1820 = arith.index_cast %get3A_1819 : i32 to index
      %get3A_1821 = arith.constant 64 : index
      %get3A_1822 = tpu.vector_load %arg7[%get3A_1820, %get3A_1821] {strides = array<i32>} : memref<16x128xf32, #tpu.memory_space<vmem>>, vector<1x16xf32>,
      %get3A_1823 = vector.shape_cast %get3A_1822 : vector<1x16xf32> to vector<16xf32>
      %mul3A_1824 = arith.constant 14.2857141 : f32
      %mul3A_1825 = vector.broadcast %mul3A_1824 : f32 to vector<16xf32>
      %mul3A_1826 = arith.mulf %get3A_1823, %mul3A_1825 : vector<16xf32>
      %exp3A_1827 = math.exp %mul3A_1826 : vector<16xf32>
      %add3A_1828 = arith.addf %add3A_1812, %exp3A_1827 : vector<16xf32>
      %swap3A_1829 = arith.constant 11 : i32
      %swap3A_1830 = arith.index_cast %swap3A_1829 : i32 to index
      %swap3A_1831 = arith.constant 64 : index
      %swap3A_1832 = tpu.vector_load %arg8[%swap3A_1830, %swap3A_1831] {strides = array<i32>} : memref<16x128xf32, #tpu.memory_space<vmem>>, vector<1x16xf32>,
      %swap3A_1833 = vector.shape_cast %swap3A_1832 : vector<1x16xf32> to vector<16xf32>
      %swap3A_1834 = vector.shape_cast %exp3A_1827 : vector<16xf32> to vector<1x16xf32>
      tpu.vector_store %arg8[%swap3A_1830, %swap3A_1831], %swap3A_1834 {strides = array<i32>} : memref<16x128xf32, #tpu.memory_space<vmem>>, vector<1x16xf32>,
      %get3A_1835 = arith.constant 11 : i32
      %get3A_1836 = arith.index_cast %get3A_1835 : i32 to index
      %get3A_1837 = arith.constant 80 : index
      %get3A_1838 = tpu.vector_load %arg7[%get3A_1836, %get3A_1837] {strides = array<i32>} : memref<16x128xf32, #tpu.memory_space<vmem>>, vector<1x16xf32>,
      %get3A_1839 = vector.shape_cast %get3A_1838 : vector<1x16xf32> to vector<16xf32>
      %mul3A_1840 = arith.constant 14.2857141 : f32
      %mul3A_1841 = vector.broadcast %mul3A_1840 : f32 to vector<16xf32>
      %mul3A_1842 = arith.mulf %get3A_1839, %mul3A_1841 : vector<16xf32>
      %exp3A_1843 = math.exp %mul3A_1842 : vector<16xf32>
      %add3A_1844 = arith.addf %add3A_1828, %exp3A_1843 : vector<16xf32>
      %swap3A_1845 = arith.constant 11 : i32
      %swap3A_1846 = arith.index_cast %swap3A_1845 : i32 to index
      %swap3A_1847 = arith.constant 80 : index
      %swap3A_1848 = tpu.vector_load %arg8[%swap3A_1846, %swap3A_1847] {strides = array<i32>} : memref<16x128xf32, #tpu.memory_space<vmem>>, vector<1x16xf32>,
      %swap3A_1849 = vector.shape_cast %swap3A_1848 : vector<1x16xf32> to vector<16xf32>
      %swap3A_1850 = vector.shape_cast %exp3A_1843 : vector<16xf32> to vector<1x16xf32>
      tpu.vector_store %arg8[%swap3A_1846, %swap3A_1847], %swap3A_1850 {strides = array<i32>} : memref<16x128xf32, #tpu.memory_space<vmem>>, vector<1x16xf32>,
      %get3A_1851 = arith.constant 11 : i32
      %get3A_1852 = arith.index_cast %get3A_1851 : i32 to index
      %get3A_1853 = arith.constant 96 : index
      %get3A_1854 = tpu.vector_load %arg7[%get3A_1852, %get3A_1853] {strides = array<i32>} : memref<16x128xf32, #tpu.memory_space<vmem>>, vector<1x16xf32>,
      %get3A_1855 = vector.shape_cast %get3A_1854 : vector<1x16xf32> to vector<16xf32>
      %mul3A_1856 = arith.constant 14.2857141 : f32
      %mul3A_1857 = vector.broadcast %mul3A_1856 : f32 to vector<16xf32>
      %mul3A_1858 = arith.mulf %get3A_1855, %mul3A_1857 : vector<16xf32>
      %exp3A_1859 = math.exp %mul3A_1858 : vector<16xf32>
      %add3A_1860 = arith.addf %add3A_1844, %exp3A_1859 : vector<16xf32>
      %swap3A_1861 = arith.constant 11 : i32
      %swap3A_1862 = arith.index_cast %swap3A_1861 : i32 to index
      %swap3A_1863 = arith.constant 96 : index
      %swap3A_1864 = tpu.vector_load %arg8[%swap3A_1862, %swap3A_1863] {strides = array<i32>} : memref<16x128xf32, #tpu.memory_space<vmem>>, vector<1x16xf32>,
      %swap3A_1865 = vector.shape_cast %swap3A_1864 : vector<1x16xf32> to vector<16xf32>
      %swap3A_1866 = vector.shape_cast %exp3A_1859 : vector<16xf32> to vector<1x16xf32>
      tpu.vector_store %arg8[%swap3A_1862, %swap3A_1863], %swap3A_1866 {strides = array<i32>} : memref<16x128xf32, #tpu.memory_space<vmem>>, vector<1x16xf32>,
      %get3A_1867 = arith.constant 11 : i32
      %get3A_1868 = arith.index_cast %get3A_1867 : i32 to index
      %get3A_1869 = arith.constant 112 : index
      %get3A_1870 = tpu.vector_load %arg7[%get3A_1868, %get3A_1869] {strides = array<i32>} : memref<16x128xf32, #tpu.memory_space<vmem>>, vector<1x16xf32>,
      %get3A_1871 = vector.shape_cast %get3A_1870 : vector<1x16xf32> to vector<16xf32>
      %mul3A_1872 = arith.constant 14.2857141 : f32
      %mul3A_1873 = vector.broadcast %mul3A_1872 : f32 to vector<16xf32>
      %mul3A_1874 = arith.mulf %get3A_1871, %mul3A_1873 : vector<16xf32>
      %exp3A_1875 = math.exp %mul3A_1874 : vector<16xf32>
      %add3A_1876 = arith.addf %add3A_1860, %exp3A_1875 : vector<16xf32>
      %swap3A_1877 = arith.constant 11 : i32
      %swap3A_1878 = arith.index_cast %swap3A_1877 : i32 to index
      %swap3A_1879 = arith.constant 112 : index
      %swap3A_1880 = tpu.vector_load %arg8[%swap3A_1878, %swap3A_1879] {strides = array<i32>} : memref<16x128xf32, #tpu.memory_space<vmem>>, vector<1x16xf32>,
      %swap3A_1881 = vector.shape_cast %swap3A_1880 : vector<1x16xf32> to vector<16xf32>
      %swap3A_1882 = vector.shape_cast %exp3A_1875 : vector<16xf32> to vector<1x16xf32>
      tpu.vector_store %arg8[%swap3A_1878, %swap3A_1879], %swap3A_1882 {strides = array<i32>} : memref<16x128xf32, #tpu.memory_space<vmem>>, vector<1x16xf32>,
      %get3A_1883 = arith.constant 12 : i32
      %get3A_1884 = arith.index_cast %get3A_1883 : i32 to index
      %get3A_1885 = arith.constant 0 : index
      %get3A_1886 = tpu.vector_load %arg7[%get3A_1884, %get3A_1885] {strides = array<i32>} : memref<16x128xf32, #tpu.memory_space<vmem>>, vector<1x16xf32>,
      %get3A_1887 = vector.shape_cast %get3A_1886 : vector<1x16xf32> to vector<16xf32>
      %mul3A_1888 = arith.constant 14.2857141 : f32
      %mul3A_1889 = vector.broadcast %mul3A_1888 : f32 to vector<16xf32>
      %mul3A_1890 = arith.mulf %get3A_1887, %mul3A_1889 : vector<16xf32>
      %exp3A_1891 = math.exp %mul3A_1890 : vector<16xf32>
      %add3A_1892 = arith.addf %add3A_1876, %exp3A_1891 : vector<16xf32>
      %swap3A_1893 = arith.constant 12 : i32
      %swap3A_1894 = arith.index_cast %swap3A_1893 : i32 to index
      %swap3A_1895 = arith.constant 0 : index
      %swap3A_1896 = tpu.vector_load %arg8[%swap3A_1894, %swap3A_1895] {strides = array<i32>} : memref<16x128xf32, #tpu.memory_space<vmem>>, vector<1x16xf32>,
      %swap3A_1897 = vector.shape_cast %swap3A_1896 : vector<1x16xf32> to vector<16xf32>
      %swap3A_1898 = vector.shape_cast %exp3A_1891 : vector<16xf32> to vector<1x16xf32>
      tpu.vector_store %arg8[%swap3A_1894, %swap3A_1895], %swap3A_1898 {strides = array<i32>} : memref<16x128xf32, #tpu.memory_space<vmem>>, vector<1x16xf32>,
      %get3A_1899 = arith.constant 12 : i32
      %get3A_1900 = arith.index_cast %get3A_1899 : i32 to index
      %get3A_1901 = arith.constant 16 : index
      %get3A_1902 = tpu.vector_load %arg7[%get3A_1900, %get3A_1901] {strides = array<i32>} : memref<16x128xf32, #tpu.memory_space<vmem>>, vector<1x16xf32>,
      %get3A_1903 = vector.shape_cast %get3A_1902 : vector<1x16xf32> to vector<16xf32>
      %mul3A_1904 = arith.constant 14.2857141 : f32
      %mul3A_1905 = vector.broadcast %mul3A_1904 : f32 to vector<16xf32>
      %mul3A_1906 = arith.mulf %get3A_1903, %mul3A_1905 : vector<16xf32>
      %exp3A_1907 = math.exp %mul3A_1906 : vector<16xf32>
      %add3A_1908 = arith.addf %add3A_1892, %exp3A_1907 : vector<16xf32>
      %swap3A_1909 = arith.constant 12 : i32
      %swap3A_1910 = arith.index_cast %swap3A_1909 : i32 to index
      %swap3A_1911 = arith.constant 16 : index
      %swap3A_1912 = tpu.vector_load %arg8[%swap3A_1910, %swap3A_1911] {strides = array<i32>} : memref<16x128xf32, #tpu.memory_space<vmem>>, vector<1x16xf32>,
      %swap3A_1913 = vector.shape_cast %swap3A_1912 : vector<1x16xf32> to vector<16xf32>
      %swap3A_1914 = vector.shape_cast %exp3A_1907 : vector<16xf32> to vector<1x16xf32>
      tpu.vector_store %arg8[%swap3A_1910, %swap3A_1911], %swap3A_1914 {strides = array<i32>} : memref<16x128xf32, #tpu.memory_space<vmem>>, vector<1x16xf32>,
      %get3A_1915 = arith.constant 12 : i32
      %get3A_1916 = arith.index_cast %get3A_1915 : i32 to index
      %get3A_1917 = arith.constant 32 : index
      %get3A_1918 = tpu.vector_load %arg7[%get3A_1916, %get3A_1917] {strides = array<i32>} : memref<16x128xf32, #tpu.memory_space<vmem>>, vector<1x16xf32>,
      %get3A_1919 = vector.shape_cast %get3A_1918 : vector<1x16xf32> to vector<16xf32>
      %mul3A_1920 = arith.constant 14.2857141 : f32
      %mul3A_1921 = vector.broadcast %mul3A_1920 : f32 to vector<16xf32>
      %mul3A_1922 = arith.mulf %get3A_1919, %mul3A_1921 : vector<16xf32>
      %exp3A_1923 = math.exp %mul3A_1922 : vector<16xf32>
      %add3A_1924 = arith.addf %add3A_1908, %exp3A_1923 : vector<16xf32>
      %swap3A_1925 = arith.constant 12 : i32
      %swap3A_1926 = arith.index_cast %swap3A_1925 : i32 to index
      %swap3A_1927 = arith.constant 32 : index
      %swap3A_1928 = tpu.vector_load %arg8[%swap3A_1926, %swap3A_1927] {strides = array<i32>} : memref<16x128xf32, #tpu.memory_space<vmem>>, vector<1x16xf32>,
      %swap3A_1929 = vector.shape_cast %swap3A_1928 : vector<1x16xf32> to vector<16xf32>
      %swap3A_1930 = vector.shape_cast %exp3A_1923 : vector<16xf32> to vector<1x16xf32>
      tpu.vector_store %arg8[%swap3A_1926, %swap3A_1927], %swap3A_1930 {strides = array<i32>} : memref<16x128xf32, #tpu.memory_space<vmem>>, vector<1x16xf32>,
      %get3A_1931 = arith.constant 12 : i32
      %get3A_1932 = arith.index_cast %get3A_1931 : i32 to index
      %get3A_1933 = arith.constant 48 : index
      %get3A_1934 = tpu.vector_load %arg7[%get3A_1932, %get3A_1933] {strides = array<i32>} : memref<16x128xf32, #tpu.memory_space<vmem>>, vector<1x16xf32>,
      %get3A_1935 = vector.shape_cast %get3A_1934 : vector<1x16xf32> to vector<16xf32>
      %mul3A_1936 = arith.constant 14.2857141 : f32
      %mul3A_1937 = vector.broadcast %mul3A_1936 : f32 to vector<16xf32>
      %mul3A_1938 = arith.mulf %get3A_1935, %mul3A_1937 : vector<16xf32>
      %exp3A_1939 = math.exp %mul3A_1938 : vector<16xf32>
      %add3A_1940 = arith.addf %add3A_1924, %exp3A_1939 : vector<16xf32>
      %swap3A_1941 = arith.constant 12 : i32
      %swap3A_1942 = arith.index_cast %swap3A_1941 : i32 to index
      %swap3A_1943 = arith.constant 48 : index
      %swap3A_1944 = tpu.vector_load %arg8[%swap3A_1942, %swap3A_1943] {strides = array<i32>} : memref<16x128xf32, #tpu.memory_space<vmem>>, vector<1x16xf32>,
      %swap3A_1945 = vector.shape_cast %swap3A_1944 : vector<1x16xf32> to vector<16xf32>
      %swap3A_1946 = vector.shape_cast %exp3A_1939 : vector<16xf32> to vector<1x16xf32>
      tpu.vector_store %arg8[%swap3A_1942, %swap3A_1943], %swap3A_1946 {strides = array<i32>} : memref<16x128xf32, #tpu.memory_space<vmem>>, vector<1x16xf32>,
      %get3A_1947 = arith.constant 12 : i32
      %get3A_1948 = arith.index_cast %get3A_1947 : i32 to index
      %get3A_1949 = arith.constant 64 : index
      %get3A_1950 = tpu.vector_load %arg7[%get3A_1948, %get3A_1949] {strides = array<i32>} : memref<16x128xf32, #tpu.memory_space<vmem>>, vector<1x16xf32>,
      %get3A_1951 = vector.shape_cast %get3A_1950 : vector<1x16xf32> to vector<16xf32>
      %mul3A_1952 = arith.constant 14.2857141 : f32
      %mul3A_1953 = vector.broadcast %mul3A_1952 : f32 to vector<16xf32>
      %mul3A_1954 = arith.mulf %get3A_1951, %mul3A_1953 : vector<16xf32>
      %exp3A_1955 = math.exp %mul3A_1954 : vector<16xf32>
      %add3A_1956 = arith.addf %add3A_1940, %exp3A_1955 : vector<16xf32>
      %swap3A_1957 = arith.constant 12 : i32
      %swap3A_1958 = arith.index_cast %swap3A_1957 : i32 to index
      %swap3A_1959 = arith.constant 64 : index
      %swap3A_1960 = tpu.vector_load %arg8[%swap3A_1958, %swap3A_1959] {strides = array<i32>} : memref<16x128xf32, #tpu.memory_space<vmem>>, vector<1x16xf32>,
      %swap3A_1961 = vector.shape_cast %swap3A_1960 : vector<1x16xf32> to vector<16xf32>
      %swap3A_1962 = vector.shape_cast %exp3A_1955 : vector<16xf32> to vector<1x16xf32>
      tpu.vector_store %arg8[%swap3A_1958, %swap3A_1959], %swap3A_1962 {strides = array<i32>} : memref<16x128xf32, #tpu.memory_space<vmem>>, vector<1x16xf32>,
      %get3A_1963 = arith.constant 12 : i32
      %get3A_1964 = arith.index_cast %get3A_1963 : i32 to index
      %get3A_1965 = arith.constant 80 : index
      %get3A_1966 = tpu.vector_load %arg7[%get3A_1964, %get3A_1965] {strides = array<i32>} : memref<16x128xf32, #tpu.memory_space<vmem>>, vector<1x16xf32>,
      %get3A_1967 = vector.shape_cast %get3A_1966 : vector<1x16xf32> to vector<16xf32>
      %mul3A_1968 = arith.constant 14.2857141 : f32
      %mul3A_1969 = vector.broadcast %mul3A_1968 : f32 to vector<16xf32>
      %mul3A_1970 = arith.mulf %get3A_1967, %mul3A_1969 : vector<16xf32>
      %exp3A_1971 = math.exp %mul3A_1970 : vector<16xf32>
      %add3A_1972 = arith.addf %add3A_1956, %exp3A_1971 : vector<16xf32>
      %swap3A_1973 = arith.constant 12 : i32
      %swap3A_1974 = arith.index_cast %swap3A_1973 : i32 to index
      %swap3A_1975 = arith.constant 80 : index
      %swap3A_1976 = tpu.vector_load %arg8[%swap3A_1974, %swap3A_1975] {strides = array<i32>} : memref<16x128xf32, #tpu.memory_space<vmem>>, vector<1x16xf32>,
      %swap3A_1977 = vector.shape_cast %swap3A_1976 : vector<1x16xf32> to vector<16xf32>
      %swap3A_1978 = vector.shape_cast %exp3A_1971 : vector<16xf32> to vector<1x16xf32>
      tpu.vector_store %arg8[%swap3A_1974, %swap3A_1975], %swap3A_1978 {strides = array<i32>} : memref<16x128xf32, #tpu.memory_space<vmem>>, vector<1x16xf32>,
      %get3A_1979 = arith.constant 12 : i32
      %get3A_1980 = arith.index_cast %get3A_1979 : i32 to index
      %get3A_1981 = arith.constant 96 : index
      %get3A_1982 = tpu.vector_load %arg7[%get3A_1980, %get3A_1981] {strides = array<i32>} : memref<16x128xf32, #tpu.memory_space<vmem>>, vector<1x16xf32>,
      %get3A_1983 = vector.shape_cast %get3A_1982 : vector<1x16xf32> to vector<16xf32>
      %mul3A_1984 = arith.constant 14.2857141 : f32
      %mul3A_1985 = vector.broadcast %mul3A_1984 : f32 to vector<16xf32>
      %mul3A_1986 = arith.mulf %get3A_1983, %mul3A_1985 : vector<16xf32>
      %exp3A_1987 = math.exp %mul3A_1986 : vector<16xf32>
      %add3A_1988 = arith.addf %add3A_1972, %exp3A_1987 : vector<16xf32>
      %swap3A_1989 = arith.constant 12 : i32
      %swap3A_1990 = arith.index_cast %swap3A_1989 : i32 to index
      %swap3A_1991 = arith.constant 96 : index
      %swap3A_1992 = tpu.vector_load %arg8[%swap3A_1990, %swap3A_1991] {strides = array<i32>} : memref<16x128xf32, #tpu.memory_space<vmem>>, vector<1x16xf32>,
      %swap3A_1993 = vector.shape_cast %swap3A_1992 : vector<1x16xf32> to vector<16xf32>
      %swap3A_1994 = vector.shape_cast %exp3A_1987 : vector<16xf32> to vector<1x16xf32>
      tpu.vector_store %arg8[%swap3A_1990, %swap3A_1991], %swap3A_1994 {strides = array<i32>} : memref<16x128xf32, #tpu.memory_space<vmem>>, vector<1x16xf32>,
      %get3A_1995 = arith.constant 12 : i32
      %get3A_1996 = arith.index_cast %get3A_1995 : i32 to index
      %get3A_1997 = arith.constant 112 : index
      %get3A_1998 = tpu.vector_load %arg7[%get3A_1996, %get3A_1997] {strides = array<i32>} : memref<16x128xf32, #tpu.memory_space<vmem>>, vector<1x16xf32>,
      %get3A_1999 = vector.shape_cast %get3A_1998 : vector<1x16xf32> to vector<16xf32>
      %mul3A_2000 = arith.constant 14.2857141 : f32
      %mul3A_2001 = vector.broadcast %mul3A_2000 : f32 to vector<16xf32>
      %mul3A_2002 = arith.mulf %get3A_1999, %mul3A_2001 : vector<16xf32>
      %exp3A_2003 = math.exp %mul3A_2002 : vector<16xf32>
      %add3A_2004 = arith.addf %add3A_1988, %exp3A_2003 : vector<16xf32>
      %swap3A_2005 = arith.constant 12 : i32
      %swap3A_2006 = arith.index_cast %swap3A_2005 : i32 to index
      %swap3A_2007 = arith.constant 112 : index
      %swap3A_2008 = tpu.vector_load %arg8[%swap3A_2006, %swap3A_2007] {strides = array<i32>} : memref<16x128xf32, #tpu.memory_space<vmem>>, vector<1x16xf32>,
      %swap3A_2009 = vector.shape_cast %swap3A_2008 : vector<1x16xf32> to vector<16xf32>
      %swap3A_2010 = vector.shape_cast %exp3A_2003 : vector<16xf32> to vector<1x16xf32>
      tpu.vector_store %arg8[%swap3A_2006, %swap3A_2007], %swap3A_2010 {strides = array<i32>} : memref<16x128xf32, #tpu.memory_space<vmem>>, vector<1x16xf32>,
      %get3A_2011 = arith.constant 13 : i32
      %get3A_2012 = arith.index_cast %get3A_2011 : i32 to index
      %get3A_2013 = arith.constant 0 : index
      %get3A_2014 = tpu.vector_load %arg7[%get3A_2012, %get3A_2013] {strides = array<i32>} : memref<16x128xf32, #tpu.memory_space<vmem>>, vector<1x16xf32>,
      %get3A_2015 = vector.shape_cast %get3A_2014 : vector<1x16xf32> to vector<16xf32>
      %mul3A_2016 = arith.constant 14.2857141 : f32
      %mul3A_2017 = vector.broadcast %mul3A_2016 : f32 to vector<16xf32>
      %mul3A_2018 = arith.mulf %get3A_2015, %mul3A_2017 : vector<16xf32>
      %exp3A_2019 = math.exp %mul3A_2018 : vector<16xf32>
      %add3A_2020 = arith.addf %add3A_2004, %exp3A_2019 : vector<16xf32>
      %swap3A_2021 = arith.constant 13 : i32
      %swap3A_2022 = arith.index_cast %swap3A_2021 : i32 to index
      %swap3A_2023 = arith.constant 0 : index
      %swap3A_2024 = tpu.vector_load %arg8[%swap3A_2022, %swap3A_2023] {strides = array<i32>} : memref<16x128xf32, #tpu.memory_space<vmem>>, vector<1x16xf32>,
      %swap3A_2025 = vector.shape_cast %swap3A_2024 : vector<1x16xf32> to vector<16xf32>
      %swap3A_2026 = vector.shape_cast %exp3A_2019 : vector<16xf32> to vector<1x16xf32>
      tpu.vector_store %arg8[%swap3A_2022, %swap3A_2023], %swap3A_2026 {strides = array<i32>} : memref<16x128xf32, #tpu.memory_space<vmem>>, vector<1x16xf32>,
      %get3A_2027 = arith.constant 13 : i32
      %get3A_2028 = arith.index_cast %get3A_2027 : i32 to index
      %get3A_2029 = arith.constant 16 : index
      %get3A_2030 = tpu.vector_load %arg7[%get3A_2028, %get3A_2029] {strides = array<i32>} : memref<16x128xf32, #tpu.memory_space<vmem>>, vector<1x16xf32>,
      %get3A_2031 = vector.shape_cast %get3A_2030 : vector<1x16xf32> to vector<16xf32>
      %mul3A_2032 = arith.constant 14.2857141 : f32
      %mul3A_2033 = vector.broadcast %mul3A_2032 : f32 to vector<16xf32>
      %mul3A_2034 = arith.mulf %get3A_2031, %mul3A_2033 : vector<16xf32>
      %exp3A_2035 = math.exp %mul3A_2034 : vector<16xf32>
      %add3A_2036 = arith.addf %add3A_2020, %exp3A_2035 : vector<16xf32>
      %swap3A_2037 = arith.constant 13 : i32
      %swap3A_2038 = arith.index_cast %swap3A_2037 : i32 to index
      %swap3A_2039 = arith.constant 16 : index
      %swap3A_2040 = tpu.vector_load %arg8[%swap3A_2038, %swap3A_2039] {strides = array<i32>} : memref<16x128xf32, #tpu.memory_space<vmem>>, vector<1x16xf32>,
      %swap3A_2041 = vector.shape_cast %swap3A_2040 : vector<1x16xf32> to vector<16xf32>
      %swap3A_2042 = vector.shape_cast %exp3A_2035 : vector<16xf32> to vector<1x16xf32>
      tpu.vector_store %arg8[%swap3A_2038, %swap3A_2039], %swap3A_2042 {strides = array<i32>} : memref<16x128xf32, #tpu.memory_space<vmem>>, vector<1x16xf32>,
      %get3A_2043 = arith.constant 13 : i32
      %get3A_2044 = arith.index_cast %get3A_2043 : i32 to index
      %get3A_2045 = arith.constant 32 : index
      %get3A_2046 = tpu.vector_load %arg7[%get3A_2044, %get3A_2045] {strides = array<i32>} : memref<16x128xf32, #tpu.memory_space<vmem>>, vector<1x16xf32>,
      %get3A_2047 = vector.shape_cast %get3A_2046 : vector<1x16xf32> to vector<16xf32>
      %mul3A_2048 = arith.constant 14.2857141 : f32
      %mul3A_2049 = vector.broadcast %mul3A_2048 : f32 to vector<16xf32>
      %mul3A_2050 = arith.mulf %get3A_2047, %mul3A_2049 : vector<16xf32>
      %exp3A_2051 = math.exp %mul3A_2050 : vector<16xf32>
      %add3A_2052 = arith.addf %add3A_2036, %exp3A_2051 : vector<16xf32>
      %swap3A_2053 = arith.constant 13 : i32
      %swap3A_2054 = arith.index_cast %swap3A_2053 : i32 to index
      %swap3A_2055 = arith.constant 32 : index
      %swap3A_2056 = tpu.vector_load %arg8[%swap3A_2054, %swap3A_2055] {strides = array<i32>} : memref<16x128xf32, #tpu.memory_space<vmem>>, vector<1x16xf32>,
      %swap3A_2057 = vector.shape_cast %swap3A_2056 : vector<1x16xf32> to vector<16xf32>
      %swap3A_2058 = vector.shape_cast %exp3A_2051 : vector<16xf32> to vector<1x16xf32>
      tpu.vector_store %arg8[%swap3A_2054, %swap3A_2055], %swap3A_2058 {strides = array<i32>} : memref<16x128xf32, #tpu.memory_space<vmem>>, vector<1x16xf32>,
      %get3A_2059 = arith.constant 13 : i32
      %get3A_2060 = arith.index_cast %get3A_2059 : i32 to index
      %get3A_2061 = arith.constant 48 : index
      %get3A_2062 = tpu.vector_load %arg7[%get3A_2060, %get3A_2061] {strides = array<i32>} : memref<16x128xf32, #tpu.memory_space<vmem>>, vector<1x16xf32>,
      %get3A_2063 = vector.shape_cast %get3A_2062 : vector<1x16xf32> to vector<16xf32>
      %mul3A_2064 = arith.constant 14.2857141 : f32
      %mul3A_2065 = vector.broadcast %mul3A_2064 : f32 to vector<16xf32>
      %mul3A_2066 = arith.mulf %get3A_2063, %mul3A_2065 : vector<16xf32>
      %exp3A_2067 = math.exp %mul3A_2066 : vector<16xf32>
      %add3A_2068 = arith.addf %add3A_2052, %exp3A_2067 : vector<16xf32>
      %swap3A_2069 = arith.constant 13 : i32
      %swap3A_2070 = arith.index_cast %swap3A_2069 : i32 to index
      %swap3A_2071 = arith.constant 48 : index
      %swap3A_2072 = tpu.vector_load %arg8[%swap3A_2070, %swap3A_2071] {strides = array<i32>} : memref<16x128xf32, #tpu.memory_space<vmem>>, vector<1x16xf32>,
      %swap3A_2073 = vector.shape_cast %swap3A_2072 : vector<1x16xf32> to vector<16xf32>
      %swap3A_2074 = vector.shape_cast %exp3A_2067 : vector<16xf32> to vector<1x16xf32>
      tpu.vector_store %arg8[%swap3A_2070, %swap3A_2071], %swap3A_2074 {strides = array<i32>} : memref<16x128xf32, #tpu.memory_space<vmem>>, vector<1x16xf32>,
      %get3A_2075 = arith.constant 13 : i32
      %get3A_2076 = arith.index_cast %get3A_2075 : i32 to index
      %get3A_2077 = arith.constant 64 : index
      %get3A_2078 = tpu.vector_load %arg7[%get3A_2076, %get3A_2077] {strides = array<i32>} : memref<16x128xf32, #tpu.memory_space<vmem>>, vector<1x16xf32>,
      %get3A_2079 = vector.shape_cast %get3A_2078 : vector<1x16xf32> to vector<16xf32>
      %mul3A_2080 = arith.constant 14.2857141 : f32
      %mul3A_2081 = vector.broadcast %mul3A_2080 : f32 to vector<16xf32>
      %mul3A_2082 = arith.mulf %get3A_2079, %mul3A_2081 : vector<16xf32>
      %exp3A_2083 = math.exp %mul3A_2082 : vector<16xf32>
      %add3A_2084 = arith.addf %add3A_2068, %exp3A_2083 : vector<16xf32>
      %swap3A_2085 = arith.constant 13 : i32
      %swap3A_2086 = arith.index_cast %swap3A_2085 : i32 to index
      %swap3A_2087 = arith.constant 64 : index
      %swap3A_2088 = tpu.vector_load %arg8[%swap3A_2086, %swap3A_2087] {strides = array<i32>} : memref<16x128xf32, #tpu.memory_space<vmem>>, vector<1x16xf32>,
      %swap3A_2089 = vector.shape_cast %swap3A_2088 : vector<1x16xf32> to vector<16xf32>
      %swap3A_2090 = vector.shape_cast %exp3A_2083 : vector<16xf32> to vector<1x16xf32>
      tpu.vector_store %arg8[%swap3A_2086, %swap3A_2087], %swap3A_2090 {strides = array<i32>} : memref<16x128xf32, #tpu.memory_space<vmem>>, vector<1x16xf32>,
      %get3A_2091 = arith.constant 13 : i32
      %get3A_2092 = arith.index_cast %get3A_2091 : i32 to index
      %get3A_2093 = arith.constant 80 : index
      %get3A_2094 = tpu.vector_load %arg7[%get3A_2092, %get3A_2093] {strides = array<i32>} : memref<16x128xf32, #tpu.memory_space<vmem>>, vector<1x16xf32>,
      %get3A_2095 = vector.shape_cast %get3A_2094 : vector<1x16xf32> to vector<16xf32>
      %mul3A_2096 = arith.constant 14.2857141 : f32
      %mul3A_2097 = vector.broadcast %mul3A_2096 : f32 to vector<16xf32>
      %mul3A_2098 = arith.mulf %get3A_2095, %mul3A_2097 : vector<16xf32>
      %exp3A_2099 = math.exp %mul3A_2098 : vector<16xf32>
      %add3A_2100 = arith.addf %add3A_2084, %exp3A_2099 : vector<16xf32>
      %swap3A_2101 = arith.constant 13 : i32
      %swap3A_2102 = arith.index_cast %swap3A_2101 : i32 to index
      %swap3A_2103 = arith.constant 80 : index
      %swap3A_2104 = tpu.vector_load %arg8[%swap3A_2102, %swap3A_2103] {strides = array<i32>} : memref<16x128xf32, #tpu.memory_space<vmem>>, vector<1x16xf32>,
      %swap3A_2105 = vector.shape_cast %swap3A_2104 : vector<1x16xf32> to vector<16xf32>
      %swap3A_2106 = vector.shape_cast %exp3A_2099 : vector<16xf32> to vector<1x16xf32>
      tpu.vector_store %arg8[%swap3A_2102, %swap3A_2103], %swap3A_2106 {strides = array<i32>} : memref<16x128xf32, #tpu.memory_space<vmem>>, vector<1x16xf32>,
      %get3A_2107 = arith.constant 13 : i32
      %get3A_2108 = arith.index_cast %get3A_2107 : i32 to index
      %get3A_2109 = arith.constant 96 : index
      %get3A_2110 = tpu.vector_load %arg7[%get3A_2108, %get3A_2109] {strides = array<i32>} : memref<16x128xf32, #tpu.memory_space<vmem>>, vector<1x16xf32>,
      %get3A_2111 = vector.shape_cast %get3A_2110 : vector<1x16xf32> to vector<16xf32>
      %mul3A_2112 = arith.constant 14.2857141 : f32
      %mul3A_2113 = vector.broadcast %mul3A_2112 : f32 to vector<16xf32>
      %mul3A_2114 = arith.mulf %get3A_2111, %mul3A_2113 : vector<16xf32>
      %exp3A_2115 = math.exp %mul3A_2114 : vector<16xf32>
      %add3A_2116 = arith.addf %add3A_2100, %exp3A_2115 : vector<16xf32>
      %swap3A_2117 = arith.constant 13 : i32
      %swap3A_2118 = arith.index_cast %swap3A_2117 : i32 to index
      %swap3A_2119 = arith.constant 96 : index
      %swap3A_2120 = tpu.vector_load %arg8[%swap3A_2118, %swap3A_2119] {strides = array<i32>} : memref<16x128xf32, #tpu.memory_space<vmem>>, vector<1x16xf32>,
      %swap3A_2121 = vector.shape_cast %swap3A_2120 : vector<1x16xf32> to vector<16xf32>
      %swap3A_2122 = vector.shape_cast %exp3A_2115 : vector<16xf32> to vector<1x16xf32>
      tpu.vector_store %arg8[%swap3A_2118, %swap3A_2119], %swap3A_2122 {strides = array<i32>} : memref<16x128xf32, #tpu.memory_space<vmem>>, vector<1x16xf32>,
      %get3A_2123 = arith.constant 13 : i32
      %get3A_2124 = arith.index_cast %get3A_2123 : i32 to index
      %get3A_2125 = arith.constant 112 : index
      %get3A_2126 = tpu.vector_load %arg7[%get3A_2124, %get3A_2125] {strides = array<i32>} : memref<16x128xf32, #tpu.memory_space<vmem>>, vector<1x16xf32>,
      %get3A_2127 = vector.shape_cast %get3A_2126 : vector<1x16xf32> to vector<16xf32>
      %mul3A_2128 = arith.constant 14.2857141 : f32
      %mul3A_2129 = vector.broadcast %mul3A_2128 : f32 to vector<16xf32>
      %mul3A_2130 = arith.mulf %get3A_2127, %mul3A_2129 : vector<16xf32>
      %exp3A_2131 = math.exp %mul3A_2130 : vector<16xf32>
      %add3A_2132 = arith.addf %add3A_2116, %exp3A_2131 : vector<16xf32>
      %swap3A_2133 = arith.constant 13 : i32
      %swap3A_2134 = arith.index_cast %swap3A_2133 : i32 to index
      %swap3A_2135 = arith.constant 112 : index
      %swap3A_2136 = tpu.vector_load %arg8[%swap3A_2134, %swap3A_2135] {strides = array<i32>} : memref<16x128xf32, #tpu.memory_space<vmem>>, vector<1x16xf32>,
      %swap3A_2137 = vector.shape_cast %swap3A_2136 : vector<1x16xf32> to vector<16xf32>
      %swap3A_2138 = vector.shape_cast %exp3A_2131 : vector<16xf32> to vector<1x16xf32>
      tpu.vector_store %arg8[%swap3A_2134, %swap3A_2135], %swap3A_2138 {strides = array<i32>} : memref<16x128xf32, #tpu.memory_space<vmem>>, vector<1x16xf32>,
      %get3A_2139 = arith.constant 14 : i32
      %get3A_2140 = arith.index_cast %get3A_2139 : i32 to index
      %get3A_2141 = arith.constant 0 : index
      %get3A_2142 = tpu.vector_load %arg7[%get3A_2140, %get3A_2141] {strides = array<i32>} : memref<16x128xf32, #tpu.memory_space<vmem>>, vector<1x16xf32>,
      %get3A_2143 = vector.shape_cast %get3A_2142 : vector<1x16xf32> to vector<16xf32>
      %mul3A_2144 = arith.constant 14.2857141 : f32
      %mul3A_2145 = vector.broadcast %mul3A_2144 : f32 to vector<16xf32>
      %mul3A_2146 = arith.mulf %get3A_2143, %mul3A_2145 : vector<16xf32>
      %exp3A_2147 = math.exp %mul3A_2146 : vector<16xf32>
      %add3A_2148 = arith.addf %add3A_2132, %exp3A_2147 : vector<16xf32>
      %swap3A_2149 = arith.constant 14 : i32
      %swap3A_2150 = arith.index_cast %swap3A_2149 : i32 to index
      %swap3A_2151 = arith.constant 0 : index
      %swap3A_2152 = tpu.vector_load %arg8[%swap3A_2150, %swap3A_2151] {strides = array<i32>} : memref<16x128xf32, #tpu.memory_space<vmem>>, vector<1x16xf32>,
      %swap3A_2153 = vector.shape_cast %swap3A_2152 : vector<1x16xf32> to vector<16xf32>
      %swap3A_2154 = vector.shape_cast %exp3A_2147 : vector<16xf32> to vector<1x16xf32>
      tpu.vector_store %arg8[%swap3A_2150, %swap3A_2151], %swap3A_2154 {strides = array<i32>} : memref<16x128xf32, #tpu.memory_space<vmem>>, vector<1x16xf32>,
      %get3A_2155 = arith.constant 14 : i32
      %get3A_2156 = arith.index_cast %get3A_2155 : i32 to index
      %get3A_2157 = arith.constant 16 : index
      %get3A_2158 = tpu.vector_load %arg7[%get3A_2156, %get3A_2157] {strides = array<i32>} : memref<16x128xf32, #tpu.memory_space<vmem>>, vector<1x16xf32>,
      %get3A_2159 = vector.shape_cast %get3A_2158 : vector<1x16xf32> to vector<16xf32>
      %mul3A_2160 = arith.constant 14.2857141 : f32
      %mul3A_2161 = vector.broadcast %mul3A_2160 : f32 to vector<16xf32>
      %mul3A_2162 = arith.mulf %get3A_2159, %mul3A_2161 : vector<16xf32>
      %exp3A_2163 = math.exp %mul3A_2162 : vector<16xf32>
      %add3A_2164 = arith.addf %add3A_2148, %exp3A_2163 : vector<16xf32>
      %swap3A_2165 = arith.constant 14 : i32
      %swap3A_2166 = arith.index_cast %swap3A_2165 : i32 to index
      %swap3A_2167 = arith.constant 16 : index
      %swap3A_2168 = tpu.vector_load %arg8[%swap3A_2166, %swap3A_2167] {strides = array<i32>} : memref<16x128xf32, #tpu.memory_space<vmem>>, vector<1x16xf32>,
      %swap3A_2169 = vector.shape_cast %swap3A_2168 : vector<1x16xf32> to vector<16xf32>
      %swap3A_2170 = vector.shape_cast %exp3A_2163 : vector<16xf32> to vector<1x16xf32>
      tpu.vector_store %arg8[%swap3A_2166, %swap3A_2167], %swap3A_2170 {strides = array<i32>} : memref<16x128xf32, #tpu.memory_space<vmem>>, vector<1x16xf32>,
      %get3A_2171 = arith.constant 14 : i32
      %get3A_2172 = arith.index_cast %get3A_2171 : i32 to index
      %get3A_2173 = arith.constant 32 : index
      %get3A_2174 = tpu.vector_load %arg7[%get3A_2172, %get3A_2173] {strides = array<i32>} : memref<16x128xf32, #tpu.memory_space<vmem>>, vector<1x16xf32>,
      %get3A_2175 = vector.shape_cast %get3A_2174 : vector<1x16xf32> to vector<16xf32>
      %mul3A_2176 = arith.constant 14.2857141 : f32
      %mul3A_2177 = vector.broadcast %mul3A_2176 : f32 to vector<16xf32>
      %mul3A_2178 = arith.mulf %get3A_2175, %mul3A_2177 : vector<16xf32>
      %exp3A_2179 = math.exp %mul3A_2178 : vector<16xf32>
      %add3A_2180 = arith.addf %add3A_2164, %exp3A_2179 : vector<16xf32>
      %swap3A_2181 = arith.constant 14 : i32
      %swap3A_2182 = arith.index_cast %swap3A_2181 : i32 to index
      %swap3A_2183 = arith.constant 32 : index
      %swap3A_2184 = tpu.vector_load %arg8[%swap3A_2182, %swap3A_2183] {strides = array<i32>} : memref<16x128xf32, #tpu.memory_space<vmem>>, vector<1x16xf32>,
      %swap3A_2185 = vector.shape_cast %swap3A_2184 : vector<1x16xf32> to vector<16xf32>
      %swap3A_2186 = vector.shape_cast %exp3A_2179 : vector<16xf32> to vector<1x16xf32>
      tpu.vector_store %arg8[%swap3A_2182, %swap3A_2183], %swap3A_2186 {strides = array<i32>} : memref<16x128xf32, #tpu.memory_space<vmem>>, vector<1x16xf32>,
      %get3A_2187 = arith.constant 14 : i32
      %get3A_2188 = arith.index_cast %get3A_2187 : i32 to index
      %get3A_2189 = arith.constant 48 : index
      %get3A_2190 = tpu.vector_load %arg7[%get3A_2188, %get3A_2189] {strides = array<i32>} : memref<16x128xf32, #tpu.memory_space<vmem>>, vector<1x16xf32>,
      %get3A_2191 = vector.shape_cast %get3A_2190 : vector<1x16xf32> to vector<16xf32>
      %mul3A_2192 = arith.constant 14.2857141 : f32
      %mul3A_2193 = vector.broadcast %mul3A_2192 : f32 to vector<16xf32>
      %mul3A_2194 = arith.mulf %get3A_2191, %mul3A_2193 : vector<16xf32>
      %exp3A_2195 = math.exp %mul3A_2194 : vector<16xf32>
      %add3A_2196 = arith.addf %add3A_2180, %exp3A_2195 : vector<16xf32>
      %swap3A_2197 = arith.constant 14 : i32
      %swap3A_2198 = arith.index_cast %swap3A_2197 : i32 to index
      %swap3A_2199 = arith.constant 48 : index
      %swap3A_2200 = tpu.vector_load %arg8[%swap3A_2198, %swap3A_2199] {strides = array<i32>} : memref<16x128xf32, #tpu.memory_space<vmem>>, vector<1x16xf32>,
      %swap3A_2201 = vector.shape_cast %swap3A_2200 : vector<1x16xf32> to vector<16xf32>
      %swap3A_2202 = vector.shape_cast %exp3A_2195 : vector<16xf32> to vector<1x16xf32>
      tpu.vector_store %arg8[%swap3A_2198, %swap3A_2199], %swap3A_2202 {strides = array<i32>} : memref<16x128xf32, #tpu.memory_space<vmem>>, vector<1x16xf32>,
      %get3A_2203 = arith.constant 14 : i32
      %get3A_2204 = arith.index_cast %get3A_2203 : i32 to index
      %get3A_2205 = arith.constant 64 : index
      %get3A_2206 = tpu.vector_load %arg7[%get3A_2204, %get3A_2205] {strides = array<i32>} : memref<16x128xf32, #tpu.memory_space<vmem>>, vector<1x16xf32>,
      %get3A_2207 = vector.shape_cast %get3A_2206 : vector<1x16xf32> to vector<16xf32>
      %mul3A_2208 = arith.constant 14.2857141 : f32
      %mul3A_2209 = vector.broadcast %mul3A_2208 : f32 to vector<16xf32>
      %mul3A_2210 = arith.mulf %get3A_2207, %mul3A_2209 : vector<16xf32>
      %exp3A_2211 = math.exp %mul3A_2210 : vector<16xf32>
      %add3A_2212 = arith.addf %add3A_2196, %exp3A_2211 : vector<16xf32>
      %swap3A_2213 = arith.constant 14 : i32
      %swap3A_2214 = arith.index_cast %swap3A_2213 : i32 to index
      %swap3A_2215 = arith.constant 64 : index
      %swap3A_2216 = tpu.vector_load %arg8[%swap3A_2214, %swap3A_2215] {strides = array<i32>} : memref<16x128xf32, #tpu.memory_space<vmem>>, vector<1x16xf32>,
      %swap3A_2217 = vector.shape_cast %swap3A_2216 : vector<1x16xf32> to vector<16xf32>
      %swap3A_2218 = vector.shape_cast %exp3A_2211 : vector<16xf32> to vector<1x16xf32>
      tpu.vector_store %arg8[%swap3A_2214, %swap3A_2215], %swap3A_2218 {strides = array<i32>} : memref<16x128xf32, #tpu.memory_space<vmem>>, vector<1x16xf32>,
      %get3A_2219 = arith.constant 14 : i32
      %get3A_2220 = arith.index_cast %get3A_2219 : i32 to index
      %get3A_2221 = arith.constant 80 : index
      %get3A_2222 = tpu.vector_load %arg7[%get3A_2220, %get3A_2221] {strides = array<i32>} : memref<16x128xf32, #tpu.memory_space<vmem>>, vector<1x16xf32>,
      %get3A_2223 = vector.shape_cast %get3A_2222 : vector<1x16xf32> to vector<16xf32>
      %mul3A_2224 = arith.constant 14.2857141 : f32
      %mul3A_2225 = vector.broadcast %mul3A_2224 : f32 to vector<16xf32>
      %mul3A_2226 = arith.mulf %get3A_2223, %mul3A_2225 : vector<16xf32>
      %exp3A_2227 = math.exp %mul3A_2226 : vector<16xf32>
      %add3A_2228 = arith.addf %add3A_2212, %exp3A_2227 : vector<16xf32>
      %swap3A_2229 = arith.constant 14 : i32
      %swap3A_2230 = arith.index_cast %swap3A_2229 : i32 to index
      %swap3A_2231 = arith.constant 80 : index
      %swap3A_2232 = tpu.vector_load %arg8[%swap3A_2230, %swap3A_2231] {strides = array<i32>} : memref<16x128xf32, #tpu.memory_space<vmem>>, vector<1x16xf32>,
      %swap3A_2233 = vector.shape_cast %swap3A_2232 : vector<1x16xf32> to vector<16xf32>
      %swap3A_2234 = vector.shape_cast %exp3A_2227 : vector<16xf32> to vector<1x16xf32>
      tpu.vector_store %arg8[%swap3A_2230, %swap3A_2231], %swap3A_2234 {strides = array<i32>} : memref<16x128xf32, #tpu.memory_space<vmem>>, vector<1x16xf32>,
      %get3A_2235 = arith.constant 14 : i32
      %get3A_2236 = arith.index_cast %get3A_2235 : i32 to index
      %get3A_2237 = arith.constant 96 : index
      %get3A_2238 = tpu.vector_load %arg7[%get3A_2236, %get3A_2237] {strides = array<i32>} : memref<16x128xf32, #tpu.memory_space<vmem>>, vector<1x16xf32>,
      %get3A_2239 = vector.shape_cast %get3A_2238 : vector<1x16xf32> to vector<16xf32>
      %mul3A_2240 = arith.constant 14.2857141 : f32
      %mul3A_2241 = vector.broadcast %mul3A_2240 : f32 to vector<16xf32>
      %mul3A_2242 = arith.mulf %get3A_2239, %mul3A_2241 : vector<16xf32>
      %exp3A_2243 = math.exp %mul3A_2242 : vector<16xf32>
      %add3A_2244 = arith.addf %add3A_2228, %exp3A_2243 : vector<16xf32>
      %swap3A_2245 = arith.constant 14 : i32
      %swap3A_2246 = arith.index_cast %swap3A_2245 : i32 to index
      %swap3A_2247 = arith.constant 96 : index
      %swap3A_2248 = tpu.vector_load %arg8[%swap3A_2246, %swap3A_2247] {strides = array<i32>} : memref<16x128xf32, #tpu.memory_space<vmem>>, vector<1x16xf32>,
      %swap3A_2249 = vector.shape_cast %swap3A_2248 : vector<1x16xf32> to vector<16xf32>
      %swap3A_2250 = vector.shape_cast %exp3A_2243 : vector<16xf32> to vector<1x16xf32>
      tpu.vector_store %arg8[%swap3A_2246, %swap3A_2247], %swap3A_2250 {strides = array<i32>} : memref<16x128xf32, #tpu.memory_space<vmem>>, vector<1x16xf32>,
      %get3A_2251 = arith.constant 14 : i32
      %get3A_2252 = arith.index_cast %get3A_2251 : i32 to index
      %get3A_2253 = arith.constant 112 : index
      %get3A_2254 = tpu.vector_load %arg7[%get3A_2252, %get3A_2253] {strides = array<i32>} : memref<16x128xf32, #tpu.memory_space<vmem>>, vector<1x16xf32>,
      %get3A_2255 = vector.shape_cast %get3A_2254 : vector<1x16xf32> to vector<16xf32>
      %mul3A_2256 = arith.constant 14.2857141 : f32
      %mul3A_2257 = vector.broadcast %mul3A_2256 : f32 to vector<16xf32>
      %mul3A_2258 = arith.mulf %get3A_2255, %mul3A_2257 : vector<16xf32>
      %exp3A_2259 = math.exp %mul3A_2258 : vector<16xf32>
      %add3A_2260 = arith.addf %add3A_2244, %exp3A_2259 : vector<16xf32>
      %swap3A_2261 = arith.constant 14 : i32
      %swap3A_2262 = arith.index_cast %swap3A_2261 : i32 to index
      %swap3A_2263 = arith.constant 112 : index
      %swap3A_2264 = tpu.vector_load %arg8[%swap3A_2262, %swap3A_2263] {strides = array<i32>} : memref<16x128xf32, #tpu.memory_space<vmem>>, vector<1x16xf32>,
      %swap3A_2265 = vector.shape_cast %swap3A_2264 : vector<1x16xf32> to vector<16xf32>
      %swap3A_2266 = vector.shape_cast %exp3A_2259 : vector<16xf32> to vector<1x16xf32>
      tpu.vector_store %arg8[%swap3A_2262, %swap3A_2263], %swap3A_2266 {strides = array<i32>} : memref<16x128xf32, #tpu.memory_space<vmem>>, vector<1x16xf32>,
      %get3A_2267 = arith.constant 15 : i32
      %get3A_2268 = arith.index_cast %get3A_2267 : i32 to index
      %get3A_2269 = arith.constant 0 : index
      %get3A_2270 = tpu.vector_load %arg7[%get3A_2268, %get3A_2269] {strides = array<i32>} : memref<16x128xf32, #tpu.memory_space<vmem>>, vector<1x16xf32>,
      %get3A_2271 = vector.shape_cast %get3A_2270 : vector<1x16xf32> to vector<16xf32>
      %mul3A_2272 = arith.constant 14.2857141 : f32
      %mul3A_2273 = vector.broadcast %mul3A_2272 : f32 to vector<16xf32>
      %mul3A_2274 = arith.mulf %get3A_2271, %mul3A_2273 : vector<16xf32>
      %exp3A_2275 = math.exp %mul3A_2274 : vector<16xf32>
      %add3A_2276 = arith.addf %add3A_2260, %exp3A_2275 : vector<16xf32>
      %swap3A_2277 = arith.constant 15 : i32
      %swap3A_2278 = arith.index_cast %swap3A_2277 : i32 to index
      %swap3A_2279 = arith.constant 0 : index
      %swap3A_2280 = tpu.vector_load %arg8[%swap3A_2278, %swap3A_2279] {strides = array<i32>} : memref<16x128xf32, #tpu.memory_space<vmem>>, vector<1x16xf32>,
      %swap3A_2281 = vector.shape_cast %swap3A_2280 : vector<1x16xf32> to vector<16xf32>
      %swap3A_2282 = vector.shape_cast %exp3A_2275 : vector<16xf32> to vector<1x16xf32>
      tpu.vector_store %arg8[%swap3A_2278, %swap3A_2279], %swap3A_2282 {strides = array<i32>} : memref<16x128xf32, #tpu.memory_space<vmem>>, vector<1x16xf32>,
      %get3A_2283 = arith.constant 15 : i32
      %get3A_2284 = arith.index_cast %get3A_2283 : i32 to index
      %get3A_2285 = arith.constant 16 : index
      %get3A_2286 = tpu.vector_load %arg7[%get3A_2284, %get3A_2285] {strides = array<i32>} : memref<16x128xf32, #tpu.memory_space<vmem>>, vector<1x16xf32>,
      %get3A_2287 = vector.shape_cast %get3A_2286 : vector<1x16xf32> to vector<16xf32>
      %mul3A_2288 = arith.constant 14.2857141 : f32
      %mul3A_2289 = vector.broadcast %mul3A_2288 : f32 to vector<16xf32>
      %mul3A_2290 = arith.mulf %get3A_2287, %mul3A_2289 : vector<16xf32>
      %exp3A_2291 = math.exp %mul3A_2290 : vector<16xf32>
      %add3A_2292 = arith.addf %add3A_2276, %exp3A_2291 : vector<16xf32>
      %swap3A_2293 = arith.constant 15 : i32
      %swap3A_2294 = arith.index_cast %swap3A_2293 : i32 to index
      %swap3A_2295 = arith.constant 16 : index
      %swap3A_2296 = tpu.vector_load %arg8[%swap3A_2294, %swap3A_2295] {strides = array<i32>} : memref<16x128xf32, #tpu.memory_space<vmem>>, vector<1x16xf32>,
      %swap3A_2297 = vector.shape_cast %swap3A_2296 : vector<1x16xf32> to vector<16xf32>
      %swap3A_2298 = vector.shape_cast %exp3A_2291 : vector<16xf32> to vector<1x16xf32>
      tpu.vector_store %arg8[%swap3A_2294, %swap3A_2295], %swap3A_2298 {strides = array<i32>} : memref<16x128xf32, #tpu.memory_space<vmem>>, vector<1x16xf32>,
      %get3A_2299 = arith.constant 15 : i32
      %get3A_2300 = arith.index_cast %get3A_2299 : i32 to index
      %get3A_2301 = arith.constant 32 : index
      %get3A_2302 = tpu.vector_load %arg7[%get3A_2300, %get3A_2301] {strides = array<i32>} : memref<16x128xf32, #tpu.memory_space<vmem>>, vector<1x16xf32>,
      %get3A_2303 = vector.shape_cast %get3A_2302 : vector<1x16xf32> to vector<16xf32>
      %mul3A_2304 = arith.constant 14.2857141 : f32
      %mul3A_2305 = vector.broadcast %mul3A_2304 : f32 to vector<16xf32>
      %mul3A_2306 = arith.mulf %get3A_2303, %mul3A_2305 : vector<16xf32>
      %exp3A_2307 = math.exp %mul3A_2306 : vector<16xf32>
      %add3A_2308 = arith.addf %add3A_2292, %exp3A_2307 : vector<16xf32>
      %swap3A_2309 = arith.constant 15 : i32
      %swap3A_2310 = arith.index_cast %swap3A_2309 : i32 to index
      %swap3A_2311 = arith.constant 32 : index
      %swap3A_2312 = tpu.vector_load %arg8[%swap3A_2310, %swap3A_2311] {strides = array<i32>} : memref<16x128xf32, #tpu.memory_space<vmem>>, vector<1x16xf32>,
      %swap3A_2313 = vector.shape_cast %swap3A_2312 : vector<1x16xf32> to vector<16xf32>
      %swap3A_2314 = vector.shape_cast %exp3A_2307 : vector<16xf32> to vector<1x16xf32>
      tpu.vector_store %arg8[%swap3A_2310, %swap3A_2311], %swap3A_2314 {strides = array<i32>} : memref<16x128xf32, #tpu.memory_space<vmem>>, vector<1x16xf32>,
      %get3A_2315 = arith.constant 15 : i32
      %get3A_2316 = arith.index_cast %get3A_2315 : i32 to index
      %get3A_2317 = arith.constant 48 : index
      %get3A_2318 = tpu.vector_load %arg7[%get3A_2316, %get3A_2317] {strides = array<i32>} : memref<16x128xf32, #tpu.memory_space<vmem>>, vector<1x16xf32>,
      %get3A_2319 = vector.shape_cast %get3A_2318 : vector<1x16xf32> to vector<16xf32>
      %mul3A_2320 = arith.constant 14.2857141 : f32
      %mul3A_2321 = vector.broadcast %mul3A_2320 : f32 to vector<16xf32>
      %mul3A_2322 = arith.mulf %get3A_2319, %mul3A_2321 : vector<16xf32>
      %exp3A_2323 = math.exp %mul3A_2322 : vector<16xf32>
      %add3A_2324 = arith.addf %add3A_2308, %exp3A_2323 : vector<16xf32>
      %swap3A_2325 = arith.constant 15 : i32
      %swap3A_2326 = arith.index_cast %swap3A_2325 : i32 to index
      %swap3A_2327 = arith.constant 48 : index
      %swap3A_2328 = tpu.vector_load %arg8[%swap3A_2326, %swap3A_2327] {strides = array<i32>} : memref<16x128xf32, #tpu.memory_space<vmem>>, vector<1x16xf32>,
      %swap3A_2329 = vector.shape_cast %swap3A_2328 : vector<1x16xf32> to vector<16xf32>
      %swap3A_2330 = vector.shape_cast %exp3A_2323 : vector<16xf32> to vector<1x16xf32>
      tpu.vector_store %arg8[%swap3A_2326, %swap3A_2327], %swap3A_2330 {strides = array<i32>} : memref<16x128xf32, #tpu.memory_space<vmem>>, vector<1x16xf32>,
      %get3A_2331 = arith.constant 15 : i32
      %get3A_2332 = arith.index_cast %get3A_2331 : i32 to index
      %get3A_2333 = arith.constant 64 : index
      %get3A_2334 = tpu.vector_load %arg7[%get3A_2332, %get3A_2333] {strides = array<i32>} : memref<16x128xf32, #tpu.memory_space<vmem>>, vector<1x16xf32>,
      %get3A_2335 = vector.shape_cast %get3A_2334 : vector<1x16xf32> to vector<16xf32>
      %mul3A_2336 = arith.constant 14.2857141 : f32
      %mul3A_2337 = vector.broadcast %mul3A_2336 : f32 to vector<16xf32>
      %mul3A_2338 = arith.mulf %get3A_2335, %mul3A_2337 : vector<16xf32>
      %exp3A_2339 = math.exp %mul3A_2338 : vector<16xf32>
      %add3A_2340 = arith.addf %add3A_2324, %exp3A_2339 : vector<16xf32>
      %swap3A_2341 = arith.constant 15 : i32
      %swap3A_2342 = arith.index_cast %swap3A_2341 : i32 to index
      %swap3A_2343 = arith.constant 64 : index
      %swap3A_2344 = tpu.vector_load %arg8[%swap3A_2342, %swap3A_2343] {strides = array<i32>} : memref<16x128xf32, #tpu.memory_space<vmem>>, vector<1x16xf32>,
      %swap3A_2345 = vector.shape_cast %swap3A_2344 : vector<1x16xf32> to vector<16xf32>
      %swap3A_2346 = vector.shape_cast %exp3A_2339 : vector<16xf32> to vector<1x16xf32>
      tpu.vector_store %arg8[%swap3A_2342, %swap3A_2343], %swap3A_2346 {strides = array<i32>} : memref<16x128xf32, #tpu.memory_space<vmem>>, vector<1x16xf32>,
      %get3A_2347 = arith.constant 15 : i32
      %get3A_2348 = arith.index_cast %get3A_2347 : i32 to index
      %get3A_2349 = arith.constant 80 : index
      %get3A_2350 = tpu.vector_load %arg7[%get3A_2348, %get3A_2349] {strides = array<i32>} : memref<16x128xf32, #tpu.memory_space<vmem>>, vector<1x16xf32>,
      %get3A_2351 = vector.shape_cast %get3A_2350 : vector<1x16xf32> to vector<16xf32>
      %mul3A_2352 = arith.constant 14.2857141 : f32
      %mul3A_2353 = vector.broadcast %mul3A_2352 : f32 to vector<16xf32>
      %mul3A_2354 = arith.mulf %get3A_2351, %mul3A_2353 : vector<16xf32>
      %exp3A_2355 = math.exp %mul3A_2354 : vector<16xf32>
      %add3A_2356 = arith.addf %add3A_2340, %exp3A_2355 : vector<16xf32>
      %swap3A_2357 = arith.constant 15 : i32
      %swap3A_2358 = arith.index_cast %swap3A_2357 : i32 to index
      %swap3A_2359 = arith.constant 80 : index
      %swap3A_2360 = tpu.vector_load %arg8[%swap3A_2358, %swap3A_2359] {strides = array<i32>} : memref<16x128xf32, #tpu.memory_space<vmem>>, vector<1x16xf32>,
      %swap3A_2361 = vector.shape_cast %swap3A_2360 : vector<1x16xf32> to vector<16xf32>
      %swap3A_2362 = vector.shape_cast %exp3A_2355 : vector<16xf32> to vector<1x16xf32>
      tpu.vector_store %arg8[%swap3A_2358, %swap3A_2359], %swap3A_2362 {strides = array<i32>} : memref<16x128xf32, #tpu.memory_space<vmem>>, vector<1x16xf32>,
      %get3A_2363 = arith.constant 15 : i32
      %get3A_2364 = arith.index_cast %get3A_2363 : i32 to index
      %get3A_2365 = arith.constant 96 : index
      %get3A_2366 = tpu.vector_load %arg7[%get3A_2364, %get3A_2365] {strides = array<i32>} : memref<16x128xf32, #tpu.memory_space<vmem>>, vector<1x16xf32>,
      %get3A_2367 = vector.shape_cast %get3A_2366 : vector<1x16xf32> to vector<16xf32>
      %mul3A_2368 = arith.constant 14.2857141 : f32
      %mul3A_2369 = vector.broadcast %mul3A_2368 : f32 to vector<16xf32>
      %mul3A_2370 = arith.mulf %get3A_2367, %mul3A_2369 : vector<16xf32>
      %exp3A_2371 = math.exp %mul3A_2370 : vector<16xf32>
      %add3A_2372 = arith.addf %add3A_2356, %exp3A_2371 : vector<16xf32>
      %swap3A_2373 = arith.constant 15 : i32
      %swap3A_2374 = arith.index_cast %swap3A_2373 : i32 to index
      %swap3A_2375 = arith.constant 96 : index
      %swap3A_2376 = tpu.vector_load %arg8[%swap3A_2374, %swap3A_2375] {strides = array<i32>} : memref<16x128xf32, #tpu.memory_space<vmem>>, vector<1x16xf32>,
      %swap3A_2377 = vector.shape_cast %swap3A_2376 : vector<1x16xf32> to vector<16xf32>
      %swap3A_2378 = vector.shape_cast %exp3A_2371 : vector<16xf32> to vector<1x16xf32>
      tpu.vector_store %arg8[%swap3A_2374, %swap3A_2375], %swap3A_2378 {strides = array<i32>} : memref<16x128xf32, #tpu.memory_space<vmem>>, vector<1x16xf32>,
      %get3A_2379 = arith.constant 15 : i32
      %get3A_2380 = arith.index_cast %get3A_2379 : i32 to index
      %get3A_2381 = arith.constant 112 : index
      %get3A_2382 = tpu.vector_load %arg7[%get3A_2380, %get3A_2381] {strides = array<i32>} : memref<16x128xf32, #tpu.memory_space<vmem>>, vector<1x16xf32>,
      %get3A_2383 = vector.shape_cast %get3A_2382 : vector<1x16xf32> to vector<16xf32>
      %mul3A_2384 = arith.constant 14.2857141 : f32
      %mul3A_2385 = vector.broadcast %mul3A_2384 : f32 to vector<16xf32>
      %mul3A_2386 = arith.mulf %get3A_2383, %mul3A_2385 : vector<16xf32>
      %exp3A_2387 = math.exp %mul3A_2386 : vector<16xf32>
      %add3A_2388 = arith.addf %add3A_2372, %exp3A_2387 : vector<16xf32>
      %swap3A_2389 = arith.constant 15 : i32
      %swap3A_2390 = arith.index_cast %swap3A_2389 : i32 to index
      %swap3A_2391 = arith.constant 112 : index
      %swap3A_2392 = tpu.vector_load %arg8[%swap3A_2390, %swap3A_2391] {strides = array<i32>} : memref<16x128xf32, #tpu.memory_space<vmem>>, vector<1x16xf32>,
      %swap3A_2393 = vector.shape_cast %swap3A_2392 : vector<1x16xf32> to vector<16xf32>
      %swap3A_2394 = vector.shape_cast %exp3A_2387 : vector<16xf32> to vector<1x16xf32>
      tpu.vector_store %arg8[%swap3A_2390, %swap3A_2391], %swap3A_2394 {strides = array<i32>} : memref<16x128xf32, #tpu.memory_space<vmem>>, vector<1x16xf32>,
      "tpu.region"() ({
        %run_scoped3A = tpu.sem_alloc : memref<!tpu.dma_semaphore, #tpu.memory_space<semaphore_mem>>
        %dma_start3A_2395 = arith.constant 0 : i32
        %dma_start3A_2396 = tpu.memref_slice %arg4[%add3A_30, %dma_start3A_2395] : memref<33280x128xf32, #tpu.memory_space<hbm>> -> memref<16x128xf32, #tpu.memory_space<hbm>>
        %dma_start3A_2397 = arith.constant 0 : i32
        %dma_start3A_2398 = tpu.memref_slice %arg4[%add3A_30, %dma_start3A_2397] : memref<33280x128xf32, #tpu.memory_space<hbm>> -> memref<16x128xf32, #tpu.memory_space<hbm>>
        tpu.enqueue_dma source(%arg8 : memref<16x128xf32, #tpu.memory_space<vmem>>) target(%dma_start3A_2398 : memref<16x128xf32, #tpu.memory_space<hbm>>) target_semaphore(%run_scoped3A : memref<!tpu.dma_semaphore, #tpu.memory_space<semaphore_mem>>)
        %dma_wait3A_2399 = arith.constant 0 : i32
        %dma_wait3A_2400 = tpu.memref_slice %arg4[%add3A_30, %dma_wait3A_2399] : memref<33280x128xf32, #tpu.memory_space<hbm>> -> memref<16x128xf32, #tpu.memory_space<hbm>>
        %dma_wait3A_2401 = arith.constant 0 : i32
        %dma_wait3A_2402 = tpu.memref_slice %arg4[%add3A_30, %dma_wait3A_2401] : memref<33280x128xf32, #tpu.memory_space<hbm>> -> memref<16x128xf32, #tpu.memory_space<hbm>>
        tpu.wait_dma2 semaphore(%run_scoped3A : memref<!tpu.dma_semaphore, #tpu.memory_space<semaphore_mem>>) src(%arg8 : memref<16x128xf32, #tpu.memory_space<vmem>>) dst(%dma_wait3A_2402 : memref<16x128xf32, #tpu.memory_space<hbm>>)
        tpu.yield
      }) : () -> ()
      scf.yield %add3A_2388 : vector<16xf32>
    }
    %while3A_18 = arith.constant 1 : i32
    %while3A_19 = scf.for %while3A_26 = %while3A_15 to %while3A_11 step %while3A_18 iter_args(%while3A_27 = %while3A_17) -> (vector<16xf32>)  : i32 {
      %mul3A_28 = arith.constant 16 : i32
      %mul3A_29 = arith.muli %while3A_26, %mul3A_28 : i32
      %add3A_30 = arith.addi %select_n3A, %mul3A_29 : i32
      "tpu.region"() ({
        %run_scoped3A = tpu.sem_alloc : memref<!tpu.dma_semaphore, #tpu.memory_space<semaphore_mem>>
        %dma_start3A_2395 = arith.constant 0 : i32
        %dma_start3A_2396 = tpu.memref_slice %arg3[%add3A_30, %dma_start3A_2395] : memref<33280x128xi32, #tpu.memory_space<hbm>> -> memref<16x128xi32, #tpu.memory_space<hbm>>
        %dma_start3A_2397 = arith.constant 0 : i32
        %dma_start3A_2398 = tpu.memref_slice %arg3[%add3A_30, %dma_start3A_2397] : memref<33280x128xi32, #tpu.memory_space<hbm>> -> memref<16x128xi32, #tpu.memory_space<hbm>>
        tpu.enqueue_dma source(%dma_start3A_2398 : memref<16x128xi32, #tpu.memory_space<hbm>>) target(%arg6 : memref<16x128xi32, #tpu.memory_space<vmem>>) target_semaphore(%run_scoped3A : memref<!tpu.dma_semaphore, #tpu.memory_space<semaphore_mem>>)
        %dma_wait3A_2399 = arith.constant 0 : i32
        %dma_wait3A_2400 = tpu.memref_slice %arg3[%add3A_30, %dma_wait3A_2399] : memref<33280x128xi32, #tpu.memory_space<hbm>> -> memref<16x128xi32, #tpu.memory_space<hbm>>
        %dma_wait3A_2401 = arith.constant 0 : i32
        %dma_wait3A_2402 = tpu.memref_slice %arg3[%add3A_30, %dma_wait3A_2401] : memref<33280x128xi32, #tpu.memory_space<hbm>> -> memref<16x128xi32, #tpu.memory_space<hbm>>
        tpu.wait_dma2 semaphore(%run_scoped3A : memref<!tpu.dma_semaphore, #tpu.memory_space<semaphore_mem>>) src(%dma_wait3A_2402 : memref<16x128xi32, #tpu.memory_space<hbm>>) dst(%arg6 : memref<16x128xi32, #tpu.memory_space<vmem>>)
        tpu.yield
      }) : () -> ()
      %dma_start3A = arith.constant 0 : i32
      %dma_start3A_31 = arith.constant 0 : i32
      %dma_start3A_32 = arith.constant 0 : i32
      %dma_start3A_33 = tpu.memref_slice %arg7[%dma_start3A_31, %dma_start3A_32] : memref<16x128xf32, #tpu.memory_space<vmem>> -> memref<1x128xf32, #tpu.memory_space<vmem>>
      %dma_start3A_34 = tpu.memref_squeeze %dma_start3A_33 : memref<1x128xf32, #tpu.memory_space<vmem>> -> memref<128xf32, #tpu.memory_space<vmem>>
      %dma_start3A_35 = arith.constant 0 : i32
      %dma_start3A_36 = tpu.memref_slice %arg6[%dma_start3A, %dma_start3A_35] : memref<16x128xi32, #tpu.memory_space<vmem>> -> memref<1x128xi32, #tpu.memory_space<vmem>>
      %dma_start3A_37 = tpu.memref_squeeze %dma_start3A_36 : memref<1x128xi32, #tpu.memory_space<vmem>> -> memref<128xi32, #tpu.memory_space<vmem>>
      %dma_start3A_38 = arith.constant 0 : i32
      %dma_start3A_39 = tpu.memref_slice %arg2[%dma_start3A_38] : memref<102760448xf32, #tpu.memory_space<hbm>> -> memref<102760448xf32, #tpu.memory_space<hbm>>
      tpu.enqueue_indirect_dma source(%dma_start3A_39 : memref<102760448xf32, #tpu.memory_space<hbm>>) target(%dma_start3A_34 : memref<128xf32, #tpu.memory_space<vmem>>) offsets(%dma_start3A_37 : memref<128xi32, #tpu.memory_space<vmem>>) semaphore(%arg10 : memref<!tpu.dma_semaphore, #tpu.memory_space<semaphore_mem>>)
      %dma_start3A_40 = arith.constant 1 : i32
      %dma_start3A_41 = arith.constant 1 : i32
      %dma_start3A_42 = arith.constant 0 : i32
      %dma_start3A_43 = tpu.memref_slice %arg7[%dma_start3A_41, %dma_start3A_42] : memref<16x128xf32, #tpu.memory_space<vmem>> -> memref<1x128xf32, #tpu.memory_space<vmem>>
      %dma_start3A_44 = tpu.memref_squeeze %dma_start3A_43 : memref<1x128xf32, #tpu.memory_space<vmem>> -> memref<128xf32, #tpu.memory_space<vmem>>
      %dma_start3A_45 = arith.constant 0 : i32
      %dma_start3A_46 = tpu.memref_slice %arg6[%dma_start3A_40, %dma_start3A_45] : memref<16x128xi32, #tpu.memory_space<vmem>> -> memref<1x128xi32, #tpu.memory_space<vmem>>
      %dma_start3A_47 = tpu.memref_squeeze %dma_start3A_46 : memref<1x128xi32, #tpu.memory_space<vmem>> -> memref<128xi32, #tpu.memory_space<vmem>>
      %dma_start3A_48 = arith.constant 0 : i32
      %dma_start3A_49 = tpu.memref_slice %arg2[%dma_start3A_48] : memref<102760448xf32, #tpu.memory_space<hbm>> -> memref<102760448xf32, #tpu.memory_space<hbm>>
      tpu.enqueue_indirect_dma source(%dma_start3A_49 : memref<102760448xf32, #tpu.memory_space<hbm>>) target(%dma_start3A_44 : memref<128xf32, #tpu.memory_space<vmem>>) offsets(%dma_start3A_47 : memref<128xi32, #tpu.memory_space<vmem>>) semaphore(%arg10 : memref<!tpu.dma_semaphore, #tpu.memory_space<semaphore_mem>>)
      %dma_start3A_50 = arith.constant 2 : i32
      %dma_start3A_51 = arith.constant 2 : i32
      %dma_start3A_52 = arith.constant 0 : i32
      %dma_start3A_53 = tpu.memref_slice %arg7[%dma_start3A_51, %dma_start3A_52] : memref<16x128xf32, #tpu.memory_space<vmem>> -> memref<1x128xf32, #tpu.memory_space<vmem>>
      %dma_start3A_54 = tpu.memref_squeeze %dma_start3A_53 : memref<1x128xf32, #tpu.memory_space<vmem>> -> memref<128xf32, #tpu.memory_space<vmem>>
      %dma_start3A_55 = arith.constant 0 : i32
      %dma_start3A_56 = tpu.memref_slice %arg6[%dma_start3A_50, %dma_start3A_55] : memref<16x128xi32, #tpu.memory_space<vmem>> -> memref<1x128xi32, #tpu.memory_space<vmem>>
      %dma_start3A_57 = tpu.memref_squeeze %dma_start3A_56 : memref<1x128xi32, #tpu.memory_space<vmem>> -> memref<128xi32, #tpu.memory_space<vmem>>
      %dma_start3A_58 = arith.constant 0 : i32
      %dma_start3A_59 = tpu.memref_slice %arg2[%dma_start3A_58] : memref<102760448xf32, #tpu.memory_space<hbm>> -> memref<102760448xf32, #tpu.memory_space<hbm>>
      tpu.enqueue_indirect_dma source(%dma_start3A_59 : memref<102760448xf32, #tpu.memory_space<hbm>>) target(%dma_start3A_54 : memref<128xf32, #tpu.memory_space<vmem>>) offsets(%dma_start3A_57 : memref<128xi32, #tpu.memory_space<vmem>>) semaphore(%arg10 : memref<!tpu.dma_semaphore, #tpu.memory_space<semaphore_mem>>)
      %dma_start3A_60 = arith.constant 3 : i32
      %dma_start3A_61 = arith.constant 3 : i32
      %dma_start3A_62 = arith.constant 0 : i32
      %dma_start3A_63 = tpu.memref_slice %arg7[%dma_start3A_61, %dma_start3A_62] : memref<16x128xf32, #tpu.memory_space<vmem>> -> memref<1x128xf32, #tpu.memory_space<vmem>>
      %dma_start3A_64 = tpu.memref_squeeze %dma_start3A_63 : memref<1x128xf32, #tpu.memory_space<vmem>> -> memref<128xf32, #tpu.memory_space<vmem>>
      %dma_start3A_65 = arith.constant 0 : i32
      %dma_start3A_66 = tpu.memref_slice %arg6[%dma_start3A_60, %dma_start3A_65] : memref<16x128xi32, #tpu.memory_space<vmem>> -> memref<1x128xi32, #tpu.memory_space<vmem>>
      %dma_start3A_67 = tpu.memref_squeeze %dma_start3A_66 : memref<1x128xi32, #tpu.memory_space<vmem>> -> memref<128xi32, #tpu.memory_space<vmem>>
      %dma_start3A_68 = arith.constant 0 : i32
      %dma_start3A_69 = tpu.memref_slice %arg2[%dma_start3A_68] : memref<102760448xf32, #tpu.memory_space<hbm>> -> memref<102760448xf32, #tpu.memory_space<hbm>>
      tpu.enqueue_indirect_dma source(%dma_start3A_69 : memref<102760448xf32, #tpu.memory_space<hbm>>) target(%dma_start3A_64 : memref<128xf32, #tpu.memory_space<vmem>>) offsets(%dma_start3A_67 : memref<128xi32, #tpu.memory_space<vmem>>) semaphore(%arg10 : memref<!tpu.dma_semaphore, #tpu.memory_space<semaphore_mem>>)
      %dma_start3A_70 = arith.constant 4 : i32
      %dma_start3A_71 = arith.constant 4 : i32
      %dma_start3A_72 = arith.constant 0 : i32
      %dma_start3A_73 = tpu.memref_slice %arg7[%dma_start3A_71, %dma_start3A_72] : memref<16x128xf32, #tpu.memory_space<vmem>> -> memref<1x128xf32, #tpu.memory_space<vmem>>
      %dma_start3A_74 = tpu.memref_squeeze %dma_start3A_73 : memref<1x128xf32, #tpu.memory_space<vmem>> -> memref<128xf32, #tpu.memory_space<vmem>>
      %dma_start3A_75 = arith.constant 0 : i32
      %dma_start3A_76 = tpu.memref_slice %arg6[%dma_start3A_70, %dma_start3A_75] : memref<16x128xi32, #tpu.memory_space<vmem>> -> memref<1x128xi32, #tpu.memory_space<vmem>>
      %dma_start3A_77 = tpu.memref_squeeze %dma_start3A_76 : memref<1x128xi32, #tpu.memory_space<vmem>> -> memref<128xi32, #tpu.memory_space<vmem>>
      %dma_start3A_78 = arith.constant 0 : i32
      %dma_start3A_79 = tpu.memref_slice %arg2[%dma_start3A_78] : memref<102760448xf32, #tpu.memory_space<hbm>> -> memref<102760448xf32, #tpu.memory_space<hbm>>
      tpu.enqueue_indirect_dma source(%dma_start3A_79 : memref<102760448xf32, #tpu.memory_space<hbm>>) target(%dma_start3A_74 : memref<128xf32, #tpu.memory_space<vmem>>) offsets(%dma_start3A_77 : memref<128xi32, #tpu.memory_space<vmem>>) semaphore(%arg10 : memref<!tpu.dma_semaphore, #tpu.memory_space<semaphore_mem>>)
      %dma_start3A_80 = arith.constant 5 : i32
      %dma_start3A_81 = arith.constant 5 : i32
      %dma_start3A_82 = arith.constant 0 : i32
      %dma_start3A_83 = tpu.memref_slice %arg7[%dma_start3A_81, %dma_start3A_82] : memref<16x128xf32, #tpu.memory_space<vmem>> -> memref<1x128xf32, #tpu.memory_space<vmem>>
      %dma_start3A_84 = tpu.memref_squeeze %dma_start3A_83 : memref<1x128xf32, #tpu.memory_space<vmem>> -> memref<128xf32, #tpu.memory_space<vmem>>
      %dma_start3A_85 = arith.constant 0 : i32
      %dma_start3A_86 = tpu.memref_slice %arg6[%dma_start3A_80, %dma_start3A_85] : memref<16x128xi32, #tpu.memory_space<vmem>> -> memref<1x128xi32, #tpu.memory_space<vmem>>
      %dma_start3A_87 = tpu.memref_squeeze %dma_start3A_86 : memref<1x128xi32, #tpu.memory_space<vmem>> -> memref<128xi32, #tpu.memory_space<vmem>>
      %dma_start3A_88 = arith.constant 0 : i32
      %dma_start3A_89 = tpu.memref_slice %arg2[%dma_start3A_88] : memref<102760448xf32, #tpu.memory_space<hbm>> -> memref<102760448xf32, #tpu.memory_space<hbm>>
      tpu.enqueue_indirect_dma source(%dma_start3A_89 : memref<102760448xf32, #tpu.memory_space<hbm>>) target(%dma_start3A_84 : memref<128xf32, #tpu.memory_space<vmem>>) offsets(%dma_start3A_87 : memref<128xi32, #tpu.memory_space<vmem>>) semaphore(%arg10 : memref<!tpu.dma_semaphore, #tpu.memory_space<semaphore_mem>>)
      %dma_start3A_90 = arith.constant 6 : i32
      %dma_start3A_91 = arith.constant 6 : i32
      %dma_start3A_92 = arith.constant 0 : i32
      %dma_start3A_93 = tpu.memref_slice %arg7[%dma_start3A_91, %dma_start3A_92] : memref<16x128xf32, #tpu.memory_space<vmem>> -> memref<1x128xf32, #tpu.memory_space<vmem>>
      %dma_start3A_94 = tpu.memref_squeeze %dma_start3A_93 : memref<1x128xf32, #tpu.memory_space<vmem>> -> memref<128xf32, #tpu.memory_space<vmem>>
      %dma_start3A_95 = arith.constant 0 : i32
      %dma_start3A_96 = tpu.memref_slice %arg6[%dma_start3A_90, %dma_start3A_95] : memref<16x128xi32, #tpu.memory_space<vmem>> -> memref<1x128xi32, #tpu.memory_space<vmem>>
      %dma_start3A_97 = tpu.memref_squeeze %dma_start3A_96 : memref<1x128xi32, #tpu.memory_space<vmem>> -> memref<128xi32, #tpu.memory_space<vmem>>
      %dma_start3A_98 = arith.constant 0 : i32
      %dma_start3A_99 = tpu.memref_slice %arg2[%dma_start3A_98] : memref<102760448xf32, #tpu.memory_space<hbm>> -> memref<102760448xf32, #tpu.memory_space<hbm>>
      tpu.enqueue_indirect_dma source(%dma_start3A_99 : memref<102760448xf32, #tpu.memory_space<hbm>>) target(%dma_start3A_94 : memref<128xf32, #tpu.memory_space<vmem>>) offsets(%dma_start3A_97 : memref<128xi32, #tpu.memory_space<vmem>>) semaphore(%arg10 : memref<!tpu.dma_semaphore, #tpu.memory_space<semaphore_mem>>)
      %dma_start3A_100 = arith.constant 7 : i32
      %dma_start3A_101 = arith.constant 7 : i32
      %dma_start3A_102 = arith.constant 0 : i32
      %dma_start3A_103 = tpu.memref_slice %arg7[%dma_start3A_101, %dma_start3A_102] : memref<16x128xf32, #tpu.memory_space<vmem>> -> memref<1x128xf32, #tpu.memory_space<vmem>>
      %dma_start3A_104 = tpu.memref_squeeze %dma_start3A_103 : memref<1x128xf32, #tpu.memory_space<vmem>> -> memref<128xf32, #tpu.memory_space<vmem>>
      %dma_start3A_105 = arith.constant 0 : i32
      %dma_start3A_106 = tpu.memref_slice %arg6[%dma_start3A_100, %dma_start3A_105] : memref<16x128xi32, #tpu.memory_space<vmem>> -> memref<1x128xi32, #tpu.memory_space<vmem>>
      %dma_start3A_107 = tpu.memref_squeeze %dma_start3A_106 : memref<1x128xi32, #tpu.memory_space<vmem>> -> memref<128xi32, #tpu.memory_space<vmem>>
      %dma_start3A_108 = arith.constant 0 : i32
      %dma_start3A_109 = tpu.memref_slice %arg2[%dma_start3A_108] : memref<102760448xf32, #tpu.memory_space<hbm>> -> memref<102760448xf32, #tpu.memory_space<hbm>>
      tpu.enqueue_indirect_dma source(%dma_start3A_109 : memref<102760448xf32, #tpu.memory_space<hbm>>) target(%dma_start3A_104 : memref<128xf32, #tpu.memory_space<vmem>>) offsets(%dma_start3A_107 : memref<128xi32, #tpu.memory_space<vmem>>) semaphore(%arg10 : memref<!tpu.dma_semaphore, #tpu.memory_space<semaphore_mem>>)
      %dma_start3A_110 = arith.constant 8 : i32
      %dma_start3A_111 = arith.constant 8 : i32
      %dma_start3A_112 = arith.constant 0 : i32
      %dma_start3A_113 = tpu.memref_slice %arg7[%dma_start3A_111, %dma_start3A_112] : memref<16x128xf32, #tpu.memory_space<vmem>> -> memref<1x128xf32, #tpu.memory_space<vmem>>
      %dma_start3A_114 = tpu.memref_squeeze %dma_start3A_113 : memref<1x128xf32, #tpu.memory_space<vmem>> -> memref<128xf32, #tpu.memory_space<vmem>>
      %dma_start3A_115 = arith.constant 0 : i32
      %dma_start3A_116 = tpu.memref_slice %arg6[%dma_start3A_110, %dma_start3A_115] : memref<16x128xi32, #tpu.memory_space<vmem>> -> memref<1x128xi32, #tpu.memory_space<vmem>>
      %dma_start3A_117 = tpu.memref_squeeze %dma_start3A_116 : memref<1x128xi32, #tpu.memory_space<vmem>> -> memref<128xi32, #tpu.memory_space<vmem>>
      %dma_start3A_118 = arith.constant 0 : i32
      %dma_start3A_119 = tpu.memref_slice %arg2[%dma_start3A_118] : memref<102760448xf32, #tpu.memory_space<hbm>> -> memref<102760448xf32, #tpu.memory_space<hbm>>
      tpu.enqueue_indirect_dma source(%dma_start3A_119 : memref<102760448xf32, #tpu.memory_space<hbm>>) target(%dma_start3A_114 : memref<128xf32, #tpu.memory_space<vmem>>) offsets(%dma_start3A_117 : memref<128xi32, #tpu.memory_space<vmem>>) semaphore(%arg10 : memref<!tpu.dma_semaphore, #tpu.memory_space<semaphore_mem>>)
      %dma_start3A_120 = arith.constant 9 : i32
      %dma_start3A_121 = arith.constant 9 : i32
      %dma_start3A_122 = arith.constant 0 : i32
      %dma_start3A_123 = tpu.memref_slice %arg7[%dma_start3A_121, %dma_start3A_122] : memref<16x128xf32, #tpu.memory_space<vmem>> -> memref<1x128xf32, #tpu.memory_space<vmem>>
      %dma_start3A_124 = tpu.memref_squeeze %dma_start3A_123 : memref<1x128xf32, #tpu.memory_space<vmem>> -> memref<128xf32, #tpu.memory_space<vmem>>
      %dma_start3A_125 = arith.constant 0 : i32
      %dma_start3A_126 = tpu.memref_slice %arg6[%dma_start3A_120, %dma_start3A_125] : memref<16x128xi32, #tpu.memory_space<vmem>> -> memref<1x128xi32, #tpu.memory_space<vmem>>
      %dma_start3A_127 = tpu.memref_squeeze %dma_start3A_126 : memref<1x128xi32, #tpu.memory_space<vmem>> -> memref<128xi32, #tpu.memory_space<vmem>>
      %dma_start3A_128 = arith.constant 0 : i32
      %dma_start3A_129 = tpu.memref_slice %arg2[%dma_start3A_128] : memref<102760448xf32, #tpu.memory_space<hbm>> -> memref<102760448xf32, #tpu.memory_space<hbm>>
      tpu.enqueue_indirect_dma source(%dma_start3A_129 : memref<102760448xf32, #tpu.memory_space<hbm>>) target(%dma_start3A_124 : memref<128xf32, #tpu.memory_space<vmem>>) offsets(%dma_start3A_127 : memref<128xi32, #tpu.memory_space<vmem>>) semaphore(%arg10 : memref<!tpu.dma_semaphore, #tpu.memory_space<semaphore_mem>>)
      %dma_start3A_130 = arith.constant 10 : i32
      %dma_start3A_131 = arith.constant 10 : i32
      %dma_start3A_132 = arith.constant 0 : i32
      %dma_start3A_133 = tpu.memref_slice %arg7[%dma_start3A_131, %dma_start3A_132] : memref<16x128xf32, #tpu.memory_space<vmem>> -> memref<1x128xf32, #tpu.memory_space<vmem>>
      %dma_start3A_134 = tpu.memref_squeeze %dma_start3A_133 : memref<1x128xf32, #tpu.memory_space<vmem>> -> memref<128xf32, #tpu.memory_space<vmem>>
      %dma_start3A_135 = arith.constant 0 : i32
      %dma_start3A_136 = tpu.memref_slice %arg6[%dma_start3A_130, %dma_start3A_135] : memref<16x128xi32, #tpu.memory_space<vmem>> -> memref<1x128xi32, #tpu.memory_space<vmem>>
      %dma_start3A_137 = tpu.memref_squeeze %dma_start3A_136 : memref<1x128xi32, #tpu.memory_space<vmem>> -> memref<128xi32, #tpu.memory_space<vmem>>
      %dma_start3A_138 = arith.constant 0 : i32
      %dma_start3A_139 = tpu.memref_slice %arg2[%dma_start3A_138] : memref<102760448xf32, #tpu.memory_space<hbm>> -> memref<102760448xf32, #tpu.memory_space<hbm>>
      tpu.enqueue_indirect_dma source(%dma_start3A_139 : memref<102760448xf32, #tpu.memory_space<hbm>>) target(%dma_start3A_134 : memref<128xf32, #tpu.memory_space<vmem>>) offsets(%dma_start3A_137 : memref<128xi32, #tpu.memory_space<vmem>>) semaphore(%arg10 : memref<!tpu.dma_semaphore, #tpu.memory_space<semaphore_mem>>)
      %dma_start3A_140 = arith.constant 11 : i32
      %dma_start3A_141 = arith.constant 11 : i32
      %dma_start3A_142 = arith.constant 0 : i32
      %dma_start3A_143 = tpu.memref_slice %arg7[%dma_start3A_141, %dma_start3A_142] : memref<16x128xf32, #tpu.memory_space<vmem>> -> memref<1x128xf32, #tpu.memory_space<vmem>>
      %dma_start3A_144 = tpu.memref_squeeze %dma_start3A_143 : memref<1x128xf32, #tpu.memory_space<vmem>> -> memref<128xf32, #tpu.memory_space<vmem>>
      %dma_start3A_145 = arith.constant 0 : i32
      %dma_start3A_146 = tpu.memref_slice %arg6[%dma_start3A_140, %dma_start3A_145] : memref<16x128xi32, #tpu.memory_space<vmem>> -> memref<1x128xi32, #tpu.memory_space<vmem>>
      %dma_start3A_147 = tpu.memref_squeeze %dma_start3A_146 : memref<1x128xi32, #tpu.memory_space<vmem>> -> memref<128xi32, #tpu.memory_space<vmem>>
      %dma_start3A_148 = arith.constant 0 : i32
      %dma_start3A_149 = tpu.memref_slice %arg2[%dma_start3A_148] : memref<102760448xf32, #tpu.memory_space<hbm>> -> memref<102760448xf32, #tpu.memory_space<hbm>>
      tpu.enqueue_indirect_dma source(%dma_start3A_149 : memref<102760448xf32, #tpu.memory_space<hbm>>) target(%dma_start3A_144 : memref<128xf32, #tpu.memory_space<vmem>>) offsets(%dma_start3A_147 : memref<128xi32, #tpu.memory_space<vmem>>) semaphore(%arg10 : memref<!tpu.dma_semaphore, #tpu.memory_space<semaphore_mem>>)
      %dma_start3A_150 = arith.constant 12 : i32
      %dma_start3A_151 = arith.constant 12 : i32
      %dma_start3A_152 = arith.constant 0 : i32
      %dma_start3A_153 = tpu.memref_slice %arg7[%dma_start3A_151, %dma_start3A_152] : memref<16x128xf32, #tpu.memory_space<vmem>> -> memref<1x128xf32, #tpu.memory_space<vmem>>
      %dma_start3A_154 = tpu.memref_squeeze %dma_start3A_153 : memref<1x128xf32, #tpu.memory_space<vmem>> -> memref<128xf32, #tpu.memory_space<vmem>>
      %dma_start3A_155 = arith.constant 0 : i32
      %dma_start3A_156 = tpu.memref_slice %arg6[%dma_start3A_150, %dma_start3A_155] : memref<16x128xi32, #tpu.memory_space<vmem>> -> memref<1x128xi32, #tpu.memory_space<vmem>>
      %dma_start3A_157 = tpu.memref_squeeze %dma_start3A_156 : memref<1x128xi32, #tpu.memory_space<vmem>> -> memref<128xi32, #tpu.memory_space<vmem>>
      %dma_start3A_158 = arith.constant 0 : i32
      %dma_start3A_159 = tpu.memref_slice %arg2[%dma_start3A_158] : memref<102760448xf32, #tpu.memory_space<hbm>> -> memref<102760448xf32, #tpu.memory_space<hbm>>
      tpu.enqueue_indirect_dma source(%dma_start3A_159 : memref<102760448xf32, #tpu.memory_space<hbm>>) target(%dma_start3A_154 : memref<128xf32, #tpu.memory_space<vmem>>) offsets(%dma_start3A_157 : memref<128xi32, #tpu.memory_space<vmem>>) semaphore(%arg10 : memref<!tpu.dma_semaphore, #tpu.memory_space<semaphore_mem>>)
      %dma_start3A_160 = arith.constant 13 : i32
      %dma_start3A_161 = arith.constant 13 : i32
      %dma_start3A_162 = arith.constant 0 : i32
      %dma_start3A_163 = tpu.memref_slice %arg7[%dma_start3A_161, %dma_start3A_162] : memref<16x128xf32, #tpu.memory_space<vmem>> -> memref<1x128xf32, #tpu.memory_space<vmem>>
      %dma_start3A_164 = tpu.memref_squeeze %dma_start3A_163 : memref<1x128xf32, #tpu.memory_space<vmem>> -> memref<128xf32, #tpu.memory_space<vmem>>
      %dma_start3A_165 = arith.constant 0 : i32
      %dma_start3A_166 = tpu.memref_slice %arg6[%dma_start3A_160, %dma_start3A_165] : memref<16x128xi32, #tpu.memory_space<vmem>> -> memref<1x128xi32, #tpu.memory_space<vmem>>
      %dma_start3A_167 = tpu.memref_squeeze %dma_start3A_166 : memref<1x128xi32, #tpu.memory_space<vmem>> -> memref<128xi32, #tpu.memory_space<vmem>>
      %dma_start3A_168 = arith.constant 0 : i32
      %dma_start3A_169 = tpu.memref_slice %arg2[%dma_start3A_168] : memref<102760448xf32, #tpu.memory_space<hbm>> -> memref<102760448xf32, #tpu.memory_space<hbm>>
      tpu.enqueue_indirect_dma source(%dma_start3A_169 : memref<102760448xf32, #tpu.memory_space<hbm>>) target(%dma_start3A_164 : memref<128xf32, #tpu.memory_space<vmem>>) offsets(%dma_start3A_167 : memref<128xi32, #tpu.memory_space<vmem>>) semaphore(%arg10 : memref<!tpu.dma_semaphore, #tpu.memory_space<semaphore_mem>>)
      %dma_start3A_170 = arith.constant 14 : i32
      %dma_start3A_171 = arith.constant 14 : i32
      %dma_start3A_172 = arith.constant 0 : i32
      %dma_start3A_173 = tpu.memref_slice %arg7[%dma_start3A_171, %dma_start3A_172] : memref<16x128xf32, #tpu.memory_space<vmem>> -> memref<1x128xf32, #tpu.memory_space<vmem>>
      %dma_start3A_174 = tpu.memref_squeeze %dma_start3A_173 : memref<1x128xf32, #tpu.memory_space<vmem>> -> memref<128xf32, #tpu.memory_space<vmem>>
      %dma_start3A_175 = arith.constant 0 : i32
      %dma_start3A_176 = tpu.memref_slice %arg6[%dma_start3A_170, %dma_start3A_175] : memref<16x128xi32, #tpu.memory_space<vmem>> -> memref<1x128xi32, #tpu.memory_space<vmem>>
      %dma_start3A_177 = tpu.memref_squeeze %dma_start3A_176 : memref<1x128xi32, #tpu.memory_space<vmem>> -> memref<128xi32, #tpu.memory_space<vmem>>
      %dma_start3A_178 = arith.constant 0 : i32
      %dma_start3A_179 = tpu.memref_slice %arg2[%dma_start3A_178] : memref<102760448xf32, #tpu.memory_space<hbm>> -> memref<102760448xf32, #tpu.memory_space<hbm>>
      tpu.enqueue_indirect_dma source(%dma_start3A_179 : memref<102760448xf32, #tpu.memory_space<hbm>>) target(%dma_start3A_174 : memref<128xf32, #tpu.memory_space<vmem>>) offsets(%dma_start3A_177 : memref<128xi32, #tpu.memory_space<vmem>>) semaphore(%arg10 : memref<!tpu.dma_semaphore, #tpu.memory_space<semaphore_mem>>)
      %dma_start3A_180 = arith.constant 15 : i32
      %dma_start3A_181 = arith.constant 15 : i32
      %dma_start3A_182 = arith.constant 0 : i32
      %dma_start3A_183 = tpu.memref_slice %arg7[%dma_start3A_181, %dma_start3A_182] : memref<16x128xf32, #tpu.memory_space<vmem>> -> memref<1x128xf32, #tpu.memory_space<vmem>>
      %dma_start3A_184 = tpu.memref_squeeze %dma_start3A_183 : memref<1x128xf32, #tpu.memory_space<vmem>> -> memref<128xf32, #tpu.memory_space<vmem>>
      %dma_start3A_185 = arith.constant 0 : i32
      %dma_start3A_186 = tpu.memref_slice %arg6[%dma_start3A_180, %dma_start3A_185] : memref<16x128xi32, #tpu.memory_space<vmem>> -> memref<1x128xi32, #tpu.memory_space<vmem>>
      %dma_start3A_187 = tpu.memref_squeeze %dma_start3A_186 : memref<1x128xi32, #tpu.memory_space<vmem>> -> memref<128xi32, #tpu.memory_space<vmem>>
      %dma_start3A_188 = arith.constant 0 : i32
      %dma_start3A_189 = tpu.memref_slice %arg2[%dma_start3A_188] : memref<102760448xf32, #tpu.memory_space<hbm>> -> memref<102760448xf32, #tpu.memory_space<hbm>>
      tpu.enqueue_indirect_dma source(%dma_start3A_189 : memref<102760448xf32, #tpu.memory_space<hbm>>) target(%dma_start3A_184 : memref<128xf32, #tpu.memory_space<vmem>>) offsets(%dma_start3A_187 : memref<128xi32, #tpu.memory_space<vmem>>) semaphore(%arg10 : memref<!tpu.dma_semaphore, #tpu.memory_space<semaphore_mem>>)
      %dma_wait3A = arith.constant 0 : i32
      %dma_wait3A_190 = arith.constant 0 : i32
      %dma_wait3A_191 = arith.constant 0 : i32
      %dma_wait3A_192 = tpu.memref_slice %arg7[%dma_wait3A_190, %dma_wait3A_191] : memref<16x128xf32, #tpu.memory_space<vmem>> -> memref<1x128xf32, #tpu.memory_space<vmem>>
      %dma_wait3A_193 = tpu.memref_squeeze %dma_wait3A_192 : memref<1x128xf32, #tpu.memory_space<vmem>> -> memref<128xf32, #tpu.memory_space<vmem>>
      %dma_wait3A_194 = arith.constant 0 : i32
      %dma_wait3A_195 = tpu.memref_slice %arg6[%dma_wait3A, %dma_wait3A_194] : memref<16x128xi32, #tpu.memory_space<vmem>> -> memref<1x128xi32, #tpu.memory_space<vmem>>
      %dma_wait3A_196 = tpu.memref_squeeze %dma_wait3A_195 : memref<1x128xi32, #tpu.memory_space<vmem>> -> memref<128xi32, #tpu.memory_space<vmem>>
      %dma_wait3A_197 = arith.constant 0 : i32
      %dma_wait3A_198 = tpu.memref_slice %arg2[%dma_wait3A_197] : memref<102760448xf32, #tpu.memory_space<hbm>> -> memref<102760448xf32, #tpu.memory_space<hbm>>
      tpu.wait_indirect_dma semaphore(%arg10 : memref<!tpu.dma_semaphore, #tpu.memory_space<semaphore_mem>>) src(%dma_wait3A_198 : memref<102760448xf32, #tpu.memory_space<hbm>>) dst(%dma_wait3A_193 : memref<128xf32, #tpu.memory_space<vmem>>)
      %dma_wait3A_199 = arith.constant 1 : i32
      %dma_wait3A_200 = arith.constant 1 : i32
      %dma_wait3A_201 = arith.constant 0 : i32
      %dma_wait3A_202 = tpu.memref_slice %arg7[%dma_wait3A_200, %dma_wait3A_201] : memref<16x128xf32, #tpu.memory_space<vmem>> -> memref<1x128xf32, #tpu.memory_space<vmem>>
      %dma_wait3A_203 = tpu.memref_squeeze %dma_wait3A_202 : memref<1x128xf32, #tpu.memory_space<vmem>> -> memref<128xf32, #tpu.memory_space<vmem>>
      %dma_wait3A_204 = arith.constant 0 : i32
      %dma_wait3A_205 = tpu.memref_slice %arg6[%dma_wait3A_199, %dma_wait3A_204] : memref<16x128xi32, #tpu.memory_space<vmem>> -> memref<1x128xi32, #tpu.memory_space<vmem>>
      %dma_wait3A_206 = tpu.memref_squeeze %dma_wait3A_205 : memref<1x128xi32, #tpu.memory_space<vmem>> -> memref<128xi32, #tpu.memory_space<vmem>>
      %dma_wait3A_207 = arith.constant 0 : i32
      %dma_wait3A_208 = tpu.memref_slice %arg2[%dma_wait3A_207] : memref<102760448xf32, #tpu.memory_space<hbm>> -> memref<102760448xf32, #tpu.memory_space<hbm>>
      tpu.wait_indirect_dma semaphore(%arg10 : memref<!tpu.dma_semaphore, #tpu.memory_space<semaphore_mem>>) src(%dma_wait3A_208 : memref<102760448xf32, #tpu.memory_space<hbm>>) dst(%dma_wait3A_203 : memref<128xf32, #tpu.memory_space<vmem>>)
      %dma_wait3A_209 = arith.constant 2 : i32
      %dma_wait3A_210 = arith.constant 2 : i32
      %dma_wait3A_211 = arith.constant 0 : i32
      %dma_wait3A_212 = tpu.memref_slice %arg7[%dma_wait3A_210, %dma_wait3A_211] : memref<16x128xf32, #tpu.memory_space<vmem>> -> memref<1x128xf32, #tpu.memory_space<vmem>>
      %dma_wait3A_213 = tpu.memref_squeeze %dma_wait3A_212 : memref<1x128xf32, #tpu.memory_space<vmem>> -> memref<128xf32, #tpu.memory_space<vmem>>
      %dma_wait3A_214 = arith.constant 0 : i32
      %dma_wait3A_215 = tpu.memref_slice %arg6[%dma_wait3A_209, %dma_wait3A_214] : memref<16x128xi32, #tpu.memory_space<vmem>> -> memref<1x128xi32, #tpu.memory_space<vmem>>
      %dma_wait3A_216 = tpu.memref_squeeze %dma_wait3A_215 : memref<1x128xi32, #tpu.memory_space<vmem>> -> memref<128xi32, #tpu.memory_space<vmem>>
      %dma_wait3A_217 = arith.constant 0 : i32
      %dma_wait3A_218 = tpu.memref_slice %arg2[%dma_wait3A_217] : memref<102760448xf32, #tpu.memory_space<hbm>> -> memref<102760448xf32, #tpu.memory_space<hbm>>
      tpu.wait_indirect_dma semaphore(%arg10 : memref<!tpu.dma_semaphore, #tpu.memory_space<semaphore_mem>>) src(%dma_wait3A_218 : memref<102760448xf32, #tpu.memory_space<hbm>>) dst(%dma_wait3A_213 : memref<128xf32, #tpu.memory_space<vmem>>)
      %dma_wait3A_219 = arith.constant 3 : i32
      %dma_wait3A_220 = arith.constant 3 : i32
      %dma_wait3A_221 = arith.constant 0 : i32
      %dma_wait3A_222 = tpu.memref_slice %arg7[%dma_wait3A_220, %dma_wait3A_221] : memref<16x128xf32, #tpu.memory_space<vmem>> -> memref<1x128xf32, #tpu.memory_space<vmem>>
      %dma_wait3A_223 = tpu.memref_squeeze %dma_wait3A_222 : memref<1x128xf32, #tpu.memory_space<vmem>> -> memref<128xf32, #tpu.memory_space<vmem>>
      %dma_wait3A_224 = arith.constant 0 : i32
      %dma_wait3A_225 = tpu.memref_slice %arg6[%dma_wait3A_219, %dma_wait3A_224] : memref<16x128xi32, #tpu.memory_space<vmem>> -> memref<1x128xi32, #tpu.memory_space<vmem>>
      %dma_wait3A_226 = tpu.memref_squeeze %dma_wait3A_225 : memref<1x128xi32, #tpu.memory_space<vmem>> -> memref<128xi32, #tpu.memory_space<vmem>>
      %dma_wait3A_227 = arith.constant 0 : i32
      %dma_wait3A_228 = tpu.memref_slice %arg2[%dma_wait3A_227] : memref<102760448xf32, #tpu.memory_space<hbm>> -> memref<102760448xf32, #tpu.memory_space<hbm>>
      tpu.wait_indirect_dma semaphore(%arg10 : memref<!tpu.dma_semaphore, #tpu.memory_space<semaphore_mem>>) src(%dma_wait3A_228 : memref<102760448xf32, #tpu.memory_space<hbm>>) dst(%dma_wait3A_223 : memref<128xf32, #tpu.memory_space<vmem>>)
      %dma_wait3A_229 = arith.constant 4 : i32
      %dma_wait3A_230 = arith.constant 4 : i32
      %dma_wait3A_231 = arith.constant 0 : i32
      %dma_wait3A_232 = tpu.memref_slice %arg7[%dma_wait3A_230, %dma_wait3A_231] : memref<16x128xf32, #tpu.memory_space<vmem>> -> memref<1x128xf32, #tpu.memory_space<vmem>>
      %dma_wait3A_233 = tpu.memref_squeeze %dma_wait3A_232 : memref<1x128xf32, #tpu.memory_space<vmem>> -> memref<128xf32, #tpu.memory_space<vmem>>
      %dma_wait3A_234 = arith.constant 0 : i32
      %dma_wait3A_235 = tpu.memref_slice %arg6[%dma_wait3A_229, %dma_wait3A_234] : memref<16x128xi32, #tpu.memory_space<vmem>> -> memref<1x128xi32, #tpu.memory_space<vmem>>
      %dma_wait3A_236 = tpu.memref_squeeze %dma_wait3A_235 : memref<1x128xi32, #tpu.memory_space<vmem>> -> memref<128xi32, #tpu.memory_space<vmem>>
      %dma_wait3A_237 = arith.constant 0 : i32
      %dma_wait3A_238 = tpu.memref_slice %arg2[%dma_wait3A_237] : memref<102760448xf32, #tpu.memory_space<hbm>> -> memref<102760448xf32, #tpu.memory_space<hbm>>
      tpu.wait_indirect_dma semaphore(%arg10 : memref<!tpu.dma_semaphore, #tpu.memory_space<semaphore_mem>>) src(%dma_wait3A_238 : memref<102760448xf32, #tpu.memory_space<hbm>>) dst(%dma_wait3A_233 : memref<128xf32, #tpu.memory_space<vmem>>)
      %dma_wait3A_239 = arith.constant 5 : i32
      %dma_wait3A_240 = arith.constant 5 : i32
      %dma_wait3A_241 = arith.constant 0 : i32
      %dma_wait3A_242 = tpu.memref_slice %arg7[%dma_wait3A_240, %dma_wait3A_241] : memref<16x128xf32, #tpu.memory_space<vmem>> -> memref<1x128xf32, #tpu.memory_space<vmem>>
      %dma_wait3A_243 = tpu.memref_squeeze %dma_wait3A_242 : memref<1x128xf32, #tpu.memory_space<vmem>> -> memref<128xf32, #tpu.memory_space<vmem>>
      %dma_wait3A_244 = arith.constant 0 : i32
      %dma_wait3A_245 = tpu.memref_slice %arg6[%dma_wait3A_239, %dma_wait3A_244] : memref<16x128xi32, #tpu.memory_space<vmem>> -> memref<1x128xi32, #tpu.memory_space<vmem>>
      %dma_wait3A_246 = tpu.memref_squeeze %dma_wait3A_245 : memref<1x128xi32, #tpu.memory_space<vmem>> -> memref<128xi32, #tpu.memory_space<vmem>>
      %dma_wait3A_247 = arith.constant 0 : i32
      %dma_wait3A_248 = tpu.memref_slice %arg2[%dma_wait3A_247] : memref<102760448xf32, #tpu.memory_space<hbm>> -> memref<102760448xf32, #tpu.memory_space<hbm>>
      tpu.wait_indirect_dma semaphore(%arg10 : memref<!tpu.dma_semaphore, #tpu.memory_space<semaphore_mem>>) src(%dma_wait3A_248 : memref<102760448xf32, #tpu.memory_space<hbm>>) dst(%dma_wait3A_243 : memref<128xf32, #tpu.memory_space<vmem>>)
      %dma_wait3A_249 = arith.constant 6 : i32
      %dma_wait3A_250 = arith.constant 6 : i32
      %dma_wait3A_251 = arith.constant 0 : i32
      %dma_wait3A_252 = tpu.memref_slice %arg7[%dma_wait3A_250, %dma_wait3A_251] : memref<16x128xf32, #tpu.memory_space<vmem>> -> memref<1x128xf32, #tpu.memory_space<vmem>>
      %dma_wait3A_253 = tpu.memref_squeeze %dma_wait3A_252 : memref<1x128xf32, #tpu.memory_space<vmem>> -> memref<128xf32, #tpu.memory_space<vmem>>
      %dma_wait3A_254 = arith.constant 0 : i32
      %dma_wait3A_255 = tpu.memref_slice %arg6[%dma_wait3A_249, %dma_wait3A_254] : memref<16x128xi32, #tpu.memory_space<vmem>> -> memref<1x128xi32, #tpu.memory_space<vmem>>
      %dma_wait3A_256 = tpu.memref_squeeze %dma_wait3A_255 : memref<1x128xi32, #tpu.memory_space<vmem>> -> memref<128xi32, #tpu.memory_space<vmem>>
      %dma_wait3A_257 = arith.constant 0 : i32
      %dma_wait3A_258 = tpu.memref_slice %arg2[%dma_wait3A_257] : memref<102760448xf32, #tpu.memory_space<hbm>> -> memref<102760448xf32, #tpu.memory_space<hbm>>
      tpu.wait_indirect_dma semaphore(%arg10 : memref<!tpu.dma_semaphore, #tpu.memory_space<semaphore_mem>>) src(%dma_wait3A_258 : memref<102760448xf32, #tpu.memory_space<hbm>>) dst(%dma_wait3A_253 : memref<128xf32, #tpu.memory_space<vmem>>)
      %dma_wait3A_259 = arith.constant 7 : i32
      %dma_wait3A_260 = arith.constant 7 : i32
      %dma_wait3A_261 = arith.constant 0 : i32
      %dma_wait3A_262 = tpu.memref_slice %arg7[%dma_wait3A_260, %dma_wait3A_261] : memref<16x128xf32, #tpu.memory_space<vmem>> -> memref<1x128xf32, #tpu.memory_space<vmem>>
      %dma_wait3A_263 = tpu.memref_squeeze %dma_wait3A_262 : memref<1x128xf32, #tpu.memory_space<vmem>> -> memref<128xf32, #tpu.memory_space<vmem>>
      %dma_wait3A_264 = arith.constant 0 : i32
      %dma_wait3A_265 = tpu.memref_slice %arg6[%dma_wait3A_259, %dma_wait3A_264] : memref<16x128xi32, #tpu.memory_space<vmem>> -> memref<1x128xi32, #tpu.memory_space<vmem>>
      %dma_wait3A_266 = tpu.memref_squeeze %dma_wait3A_265 : memref<1x128xi32, #tpu.memory_space<vmem>> -> memref<128xi32, #tpu.memory_space<vmem>>
      %dma_wait3A_267 = arith.constant 0 : i32
      %dma_wait3A_268 = tpu.memref_slice %arg2[%dma_wait3A_267] : memref<102760448xf32, #tpu.memory_space<hbm>> -> memref<102760448xf32, #tpu.memory_space<hbm>>
      tpu.wait_indirect_dma semaphore(%arg10 : memref<!tpu.dma_semaphore, #tpu.memory_space<semaphore_mem>>) src(%dma_wait3A_268 : memref<102760448xf32, #tpu.memory_space<hbm>>) dst(%dma_wait3A_263 : memref<128xf32, #tpu.memory_space<vmem>>)
      %dma_wait3A_269 = arith.constant 8 : i32
      %dma_wait3A_270 = arith.constant 8 : i32
      %dma_wait3A_271 = arith.constant 0 : i32
      %dma_wait3A_272 = tpu.memref_slice %arg7[%dma_wait3A_270, %dma_wait3A_271] : memref<16x128xf32, #tpu.memory_space<vmem>> -> memref<1x128xf32, #tpu.memory_space<vmem>>
      %dma_wait3A_273 = tpu.memref_squeeze %dma_wait3A_272 : memref<1x128xf32, #tpu.memory_space<vmem>> -> memref<128xf32, #tpu.memory_space<vmem>>
      %dma_wait3A_274 = arith.constant 0 : i32
      %dma_wait3A_275 = tpu.memref_slice %arg6[%dma_wait3A_269, %dma_wait3A_274] : memref<16x128xi32, #tpu.memory_space<vmem>> -> memref<1x128xi32, #tpu.memory_space<vmem>>
      %dma_wait3A_276 = tpu.memref_squeeze %dma_wait3A_275 : memref<1x128xi32, #tpu.memory_space<vmem>> -> memref<128xi32, #tpu.memory_space<vmem>>
      %dma_wait3A_277 = arith.constant 0 : i32
      %dma_wait3A_278 = tpu.memref_slice %arg2[%dma_wait3A_277] : memref<102760448xf32, #tpu.memory_space<hbm>> -> memref<102760448xf32, #tpu.memory_space<hbm>>
      tpu.wait_indirect_dma semaphore(%arg10 : memref<!tpu.dma_semaphore, #tpu.memory_space<semaphore_mem>>) src(%dma_wait3A_278 : memref<102760448xf32, #tpu.memory_space<hbm>>) dst(%dma_wait3A_273 : memref<128xf32, #tpu.memory_space<vmem>>)
      %dma_wait3A_279 = arith.constant 9 : i32
      %dma_wait3A_280 = arith.constant 9 : i32
      %dma_wait3A_281 = arith.constant 0 : i32
      %dma_wait3A_282 = tpu.memref_slice %arg7[%dma_wait3A_280, %dma_wait3A_281] : memref<16x128xf32, #tpu.memory_space<vmem>> -> memref<1x128xf32, #tpu.memory_space<vmem>>
      %dma_wait3A_283 = tpu.memref_squeeze %dma_wait3A_282 : memref<1x128xf32, #tpu.memory_space<vmem>> -> memref<128xf32, #tpu.memory_space<vmem>>
      %dma_wait3A_284 = arith.constant 0 : i32
      %dma_wait3A_285 = tpu.memref_slice %arg6[%dma_wait3A_279, %dma_wait3A_284] : memref<16x128xi32, #tpu.memory_space<vmem>> -> memref<1x128xi32, #tpu.memory_space<vmem>>
      %dma_wait3A_286 = tpu.memref_squeeze %dma_wait3A_285 : memref<1x128xi32, #tpu.memory_space<vmem>> -> memref<128xi32, #tpu.memory_space<vmem>>
      %dma_wait3A_287 = arith.constant 0 : i32
      %dma_wait3A_288 = tpu.memref_slice %arg2[%dma_wait3A_287] : memref<102760448xf32, #tpu.memory_space<hbm>> -> memref<102760448xf32, #tpu.memory_space<hbm>>
      tpu.wait_indirect_dma semaphore(%arg10 : memref<!tpu.dma_semaphore, #tpu.memory_space<semaphore_mem>>) src(%dma_wait3A_288 : memref<102760448xf32, #tpu.memory_space<hbm>>) dst(%dma_wait3A_283 : memref<128xf32, #tpu.memory_space<vmem>>)
      %dma_wait3A_289 = arith.constant 10 : i32
      %dma_wait3A_290 = arith.constant 10 : i32
      %dma_wait3A_291 = arith.constant 0 : i32
      %dma_wait3A_292 = tpu.memref_slice %arg7[%dma_wait3A_290, %dma_wait3A_291] : memref<16x128xf32, #tpu.memory_space<vmem>> -> memref<1x128xf32, #tpu.memory_space<vmem>>
      %dma_wait3A_293 = tpu.memref_squeeze %dma_wait3A_292 : memref<1x128xf32, #tpu.memory_space<vmem>> -> memref<128xf32, #tpu.memory_space<vmem>>
      %dma_wait3A_294 = arith.constant 0 : i32
      %dma_wait3A_295 = tpu.memref_slice %arg6[%dma_wait3A_289, %dma_wait3A_294] : memref<16x128xi32, #tpu.memory_space<vmem>> -> memref<1x128xi32, #tpu.memory_space<vmem>>
      %dma_wait3A_296 = tpu.memref_squeeze %dma_wait3A_295 : memref<1x128xi32, #tpu.memory_space<vmem>> -> memref<128xi32, #tpu.memory_space<vmem>>
      %dma_wait3A_297 = arith.constant 0 : i32
      %dma_wait3A_298 = tpu.memref_slice %arg2[%dma_wait3A_297] : memref<102760448xf32, #tpu.memory_space<hbm>> -> memref<102760448xf32, #tpu.memory_space<hbm>>
      tpu.wait_indirect_dma semaphore(%arg10 : memref<!tpu.dma_semaphore, #tpu.memory_space<semaphore_mem>>) src(%dma_wait3A_298 : memref<102760448xf32, #tpu.memory_space<hbm>>) dst(%dma_wait3A_293 : memref<128xf32, #tpu.memory_space<vmem>>)
      %dma_wait3A_299 = arith.constant 11 : i32
      %dma_wait3A_300 = arith.constant 11 : i32
      %dma_wait3A_301 = arith.constant 0 : i32
      %dma_wait3A_302 = tpu.memref_slice %arg7[%dma_wait3A_300, %dma_wait3A_301] : memref<16x128xf32, #tpu.memory_space<vmem>> -> memref<1x128xf32, #tpu.memory_space<vmem>>
      %dma_wait3A_303 = tpu.memref_squeeze %dma_wait3A_302 : memref<1x128xf32, #tpu.memory_space<vmem>> -> memref<128xf32, #tpu.memory_space<vmem>>
      %dma_wait3A_304 = arith.constant 0 : i32
      %dma_wait3A_305 = tpu.memref_slice %arg6[%dma_wait3A_299, %dma_wait3A_304] : memref<16x128xi32, #tpu.memory_space<vmem>> -> memref<1x128xi32, #tpu.memory_space<vmem>>
      %dma_wait3A_306 = tpu.memref_squeeze %dma_wait3A_305 : memref<1x128xi32, #tpu.memory_space<vmem>> -> memref<128xi32, #tpu.memory_space<vmem>>
      %dma_wait3A_307 = arith.constant 0 : i32
      %dma_wait3A_308 = tpu.memref_slice %arg2[%dma_wait3A_307] : memref<102760448xf32, #tpu.memory_space<hbm>> -> memref<102760448xf32, #tpu.memory_space<hbm>>
      tpu.wait_indirect_dma semaphore(%arg10 : memref<!tpu.dma_semaphore, #tpu.memory_space<semaphore_mem>>) src(%dma_wait3A_308 : memref<102760448xf32, #tpu.memory_space<hbm>>) dst(%dma_wait3A_303 : memref<128xf32, #tpu.memory_space<vmem>>)
      %dma_wait3A_309 = arith.constant 12 : i32
      %dma_wait3A_310 = arith.constant 12 : i32
      %dma_wait3A_311 = arith.constant 0 : i32
      %dma_wait3A_312 = tpu.memref_slice %arg7[%dma_wait3A_310, %dma_wait3A_311] : memref<16x128xf32, #tpu.memory_space<vmem>> -> memref<1x128xf32, #tpu.memory_space<vmem>>
      %dma_wait3A_313 = tpu.memref_squeeze %dma_wait3A_312 : memref<1x128xf32, #tpu.memory_space<vmem>> -> memref<128xf32, #tpu.memory_space<vmem>>
      %dma_wait3A_314 = arith.constant 0 : i32
      %dma_wait3A_315 = tpu.memref_slice %arg6[%dma_wait3A_309, %dma_wait3A_314] : memref<16x128xi32, #tpu.memory_space<vmem>> -> memref<1x128xi32, #tpu.memory_space<vmem>>
      %dma_wait3A_316 = tpu.memref_squeeze %dma_wait3A_315 : memref<1x128xi32, #tpu.memory_space<vmem>> -> memref<128xi32, #tpu.memory_space<vmem>>
      %dma_wait3A_317 = arith.constant 0 : i32
      %dma_wait3A_318 = tpu.memref_slice %arg2[%dma_wait3A_317] : memref<102760448xf32, #tpu.memory_space<hbm>> -> memref<102760448xf32, #tpu.memory_space<hbm>>
      tpu.wait_indirect_dma semaphore(%arg10 : memref<!tpu.dma_semaphore, #tpu.memory_space<semaphore_mem>>) src(%dma_wait3A_318 : memref<102760448xf32, #tpu.memory_space<hbm>>) dst(%dma_wait3A_313 : memref<128xf32, #tpu.memory_space<vmem>>)
      %dma_wait3A_319 = arith.constant 13 : i32
      %dma_wait3A_320 = arith.constant 13 : i32
      %dma_wait3A_321 = arith.constant 0 : i32
      %dma_wait3A_322 = tpu.memref_slice %arg7[%dma_wait3A_320, %dma_wait3A_321] : memref<16x128xf32, #tpu.memory_space<vmem>> -> memref<1x128xf32, #tpu.memory_space<vmem>>
      %dma_wait3A_323 = tpu.memref_squeeze %dma_wait3A_322 : memref<1x128xf32, #tpu.memory_space<vmem>> -> memref<128xf32, #tpu.memory_space<vmem>>
      %dma_wait3A_324 = arith.constant 0 : i32
      %dma_wait3A_325 = tpu.memref_slice %arg6[%dma_wait3A_319, %dma_wait3A_324] : memref<16x128xi32, #tpu.memory_space<vmem>> -> memref<1x128xi32, #tpu.memory_space<vmem>>
      %dma_wait3A_326 = tpu.memref_squeeze %dma_wait3A_325 : memref<1x128xi32, #tpu.memory_space<vmem>> -> memref<128xi32, #tpu.memory_space<vmem>>
      %dma_wait3A_327 = arith.constant 0 : i32
      %dma_wait3A_328 = tpu.memref_slice %arg2[%dma_wait3A_327] : memref<102760448xf32, #tpu.memory_space<hbm>> -> memref<102760448xf32, #tpu.memory_space<hbm>>
      tpu.wait_indirect_dma semaphore(%arg10 : memref<!tpu.dma_semaphore, #tpu.memory_space<semaphore_mem>>) src(%dma_wait3A_328 : memref<102760448xf32, #tpu.memory_space<hbm>>) dst(%dma_wait3A_323 : memref<128xf32, #tpu.memory_space<vmem>>)
      %dma_wait3A_329 = arith.constant 14 : i32
      %dma_wait3A_330 = arith.constant 14 : i32
      %dma_wait3A_331 = arith.constant 0 : i32
      %dma_wait3A_332 = tpu.memref_slice %arg7[%dma_wait3A_330, %dma_wait3A_331] : memref<16x128xf32, #tpu.memory_space<vmem>> -> memref<1x128xf32, #tpu.memory_space<vmem>>
      %dma_wait3A_333 = tpu.memref_squeeze %dma_wait3A_332 : memref<1x128xf32, #tpu.memory_space<vmem>> -> memref<128xf32, #tpu.memory_space<vmem>>
      %dma_wait3A_334 = arith.constant 0 : i32
      %dma_wait3A_335 = tpu.memref_slice %arg6[%dma_wait3A_329, %dma_wait3A_334] : memref<16x128xi32, #tpu.memory_space<vmem>> -> memref<1x128xi32, #tpu.memory_space<vmem>>
      %dma_wait3A_336 = tpu.memref_squeeze %dma_wait3A_335 : memref<1x128xi32, #tpu.memory_space<vmem>> -> memref<128xi32, #tpu.memory_space<vmem>>
      %dma_wait3A_337 = arith.constant 0 : i32
      %dma_wait3A_338 = tpu.memref_slice %arg2[%dma_wait3A_337] : memref<102760448xf32, #tpu.memory_space<hbm>> -> memref<102760448xf32, #tpu.memory_space<hbm>>
      tpu.wait_indirect_dma semaphore(%arg10 : memref<!tpu.dma_semaphore, #tpu.memory_space<semaphore_mem>>) src(%dma_wait3A_338 : memref<102760448xf32, #tpu.memory_space<hbm>>) dst(%dma_wait3A_333 : memref<128xf32, #tpu.memory_space<vmem>>)
      %dma_wait3A_339 = arith.constant 15 : i32
      %dma_wait3A_340 = arith.constant 15 : i32
      %dma_wait3A_341 = arith.constant 0 : i32
      %dma_wait3A_342 = tpu.memref_slice %arg7[%dma_wait3A_340, %dma_wait3A_341] : memref<16x128xf32, #tpu.memory_space<vmem>> -> memref<1x128xf32, #tpu.memory_space<vmem>>
      %dma_wait3A_343 = tpu.memref_squeeze %dma_wait3A_342 : memref<1x128xf32, #tpu.memory_space<vmem>> -> memref<128xf32, #tpu.memory_space<vmem>>
      %dma_wait3A_344 = arith.constant 0 : i32
      %dma_wait3A_345 = tpu.memref_slice %arg6[%dma_wait3A_339, %dma_wait3A_344] : memref<16x128xi32, #tpu.memory_space<vmem>> -> memref<1x128xi32, #tpu.memory_space<vmem>>
      %dma_wait3A_346 = tpu.memref_squeeze %dma_wait3A_345 : memref<1x128xi32, #tpu.memory_space<vmem>> -> memref<128xi32, #tpu.memory_space<vmem>>
      %dma_wait3A_347 = arith.constant 0 : i32
      %dma_wait3A_348 = tpu.memref_slice %arg2[%dma_wait3A_347] : memref<102760448xf32, #tpu.memory_space<hbm>> -> memref<102760448xf32, #tpu.memory_space<hbm>>
      tpu.wait_indirect_dma semaphore(%arg10 : memref<!tpu.dma_semaphore, #tpu.memory_space<semaphore_mem>>) src(%dma_wait3A_348 : memref<102760448xf32, #tpu.memory_space<hbm>>) dst(%dma_wait3A_343 : memref<128xf32, #tpu.memory_space<vmem>>)
      %get3A = arith.constant 0 : i32
      %get3A_349 = arith.index_cast %get3A : i32 to index
      %get3A_350 = arith.constant 0 : index
      %get3A_351 = tpu.vector_load %arg7[%get3A_349, %get3A_350] {strides = array<i32>} : memref<16x128xf32, #tpu.memory_space<vmem>>, vector<1x16xf32>,
      %get3A_352 = vector.shape_cast %get3A_351 : vector<1x16xf32> to vector<16xf32>
      %mul3A_353 = arith.constant 14.2857141 : f32
      %mul3A_354 = vector.broadcast %mul3A_353 : f32 to vector<16xf32>
      %mul3A_355 = arith.mulf %get3A_352, %mul3A_354 : vector<16xf32>
      %exp3A = math.exp %mul3A_355 : vector<16xf32>
      %add3A_356 = arith.addf %while3A_27, %exp3A : vector<16xf32>
      %swap3A_357 = arith.constant 0 : i32
      %swap3A_358 = arith.index_cast %swap3A_357 : i32 to index
      %swap3A_359 = arith.constant 0 : index
      %swap3A_360 = tpu.vector_load %arg8[%swap3A_358, %swap3A_359] {strides = array<i32>} : memref<16x128xf32, #tpu.memory_space<vmem>>, vector<1x16xf32>,
      %swap3A_361 = vector.shape_cast %swap3A_360 : vector<1x16xf32> to vector<16xf32>
      %swap3A_362 = vector.shape_cast %exp3A : vector<16xf32> to vector<1x16xf32>
      tpu.vector_store %arg8[%swap3A_358, %swap3A_359], %swap3A_362 {strides = array<i32>} : memref<16x128xf32, #tpu.memory_space<vmem>>, vector<1x16xf32>,
      %get3A_363 = arith.constant 0 : i32
      %get3A_364 = arith.index_cast %get3A_363 : i32 to index
      %get3A_365 = arith.constant 16 : index
      %get3A_366 = tpu.vector_load %arg7[%get3A_364, %get3A_365] {strides = array<i32>} : memref<16x128xf32, #tpu.memory_space<vmem>>, vector<1x16xf32>,
      %get3A_367 = vector.shape_cast %get3A_366 : vector<1x16xf32> to vector<16xf32>
      %mul3A_368 = arith.constant 14.2857141 : f32
      %mul3A_369 = vector.broadcast %mul3A_368 : f32 to vector<16xf32>
      %mul3A_370 = arith.mulf %get3A_367, %mul3A_369 : vector<16xf32>
      %exp3A_371 = math.exp %mul3A_370 : vector<16xf32>
      %add3A_372 = arith.addf %add3A_356, %exp3A_371 : vector<16xf32>
      %swap3A_373 = arith.constant 0 : i32
      %swap3A_374 = arith.index_cast %swap3A_373 : i32 to index
      %swap3A_375 = arith.constant 16 : index
      %swap3A_376 = tpu.vector_load %arg8[%swap3A_374, %swap3A_375] {strides = array<i32>} : memref<16x128xf32, #tpu.memory_space<vmem>>, vector<1x16xf32>,
      %swap3A_377 = vector.shape_cast %swap3A_376 : vector<1x16xf32> to vector<16xf32>
      %swap3A_378 = vector.shape_cast %exp3A_371 : vector<16xf32> to vector<1x16xf32>
      tpu.vector_store %arg8[%swap3A_374, %swap3A_375], %swap3A_378 {strides = array<i32>} : memref<16x128xf32, #tpu.memory_space<vmem>>, vector<1x16xf32>,
      %get3A_379 = arith.constant 0 : i32
      %get3A_380 = arith.index_cast %get3A_379 : i32 to index
      %get3A_381 = arith.constant 32 : index
      %get3A_382 = tpu.vector_load %arg7[%get3A_380, %get3A_381] {strides = array<i32>} : memref<16x128xf32, #tpu.memory_space<vmem>>, vector<1x16xf32>,
      %get3A_383 = vector.shape_cast %get3A_382 : vector<1x16xf32> to vector<16xf32>
      %mul3A_384 = arith.constant 14.2857141 : f32
      %mul3A_385 = vector.broadcast %mul3A_384 : f32 to vector<16xf32>
      %mul3A_386 = arith.mulf %get3A_383, %mul3A_385 : vector<16xf32>
      %exp3A_387 = math.exp %mul3A_386 : vector<16xf32>
      %add3A_388 = arith.addf %add3A_372, %exp3A_387 : vector<16xf32>
      %swap3A_389 = arith.constant 0 : i32
      %swap3A_390 = arith.index_cast %swap3A_389 : i32 to index
      %swap3A_391 = arith.constant 32 : index
      %swap3A_392 = tpu.vector_load %arg8[%swap3A_390, %swap3A_391] {strides = array<i32>} : memref<16x128xf32, #tpu.memory_space<vmem>>, vector<1x16xf32>,
      %swap3A_393 = vector.shape_cast %swap3A_392 : vector<1x16xf32> to vector<16xf32>
      %swap3A_394 = vector.shape_cast %exp3A_387 : vector<16xf32> to vector<1x16xf32>
      tpu.vector_store %arg8[%swap3A_390, %swap3A_391], %swap3A_394 {strides = array<i32>} : memref<16x128xf32, #tpu.memory_space<vmem>>, vector<1x16xf32>,
      %get3A_395 = arith.constant 0 : i32
      %get3A_396 = arith.index_cast %get3A_395 : i32 to index
      %get3A_397 = arith.constant 48 : index
      %get3A_398 = tpu.vector_load %arg7[%get3A_396, %get3A_397] {strides = array<i32>} : memref<16x128xf32, #tpu.memory_space<vmem>>, vector<1x16xf32>,
      %get3A_399 = vector.shape_cast %get3A_398 : vector<1x16xf32> to vector<16xf32>
      %mul3A_400 = arith.constant 14.2857141 : f32
      %mul3A_401 = vector.broadcast %mul3A_400 : f32 to vector<16xf32>
      %mul3A_402 = arith.mulf %get3A_399, %mul3A_401 : vector<16xf32>
      %exp3A_403 = math.exp %mul3A_402 : vector<16xf32>
      %add3A_404 = arith.addf %add3A_388, %exp3A_403 : vector<16xf32>
      %swap3A_405 = arith.constant 0 : i32
      %swap3A_406 = arith.index_cast %swap3A_405 : i32 to index
      %swap3A_407 = arith.constant 48 : index
      %swap3A_408 = tpu.vector_load %arg8[%swap3A_406, %swap3A_407] {strides = array<i32>} : memref<16x128xf32, #tpu.memory_space<vmem>>, vector<1x16xf32>,
      %swap3A_409 = vector.shape_cast %swap3A_408 : vector<1x16xf32> to vector<16xf32>
      %swap3A_410 = vector.shape_cast %exp3A_403 : vector<16xf32> to vector<1x16xf32>
      tpu.vector_store %arg8[%swap3A_406, %swap3A_407], %swap3A_410 {strides = array<i32>} : memref<16x128xf32, #tpu.memory_space<vmem>>, vector<1x16xf32>,
      %get3A_411 = arith.constant 0 : i32
      %get3A_412 = arith.index_cast %get3A_411 : i32 to index
      %get3A_413 = arith.constant 64 : index
      %get3A_414 = tpu.vector_load %arg7[%get3A_412, %get3A_413] {strides = array<i32>} : memref<16x128xf32, #tpu.memory_space<vmem>>, vector<1x16xf32>,
      %get3A_415 = vector.shape_cast %get3A_414 : vector<1x16xf32> to vector<16xf32>
      %mul3A_416 = arith.constant 14.2857141 : f32
      %mul3A_417 = vector.broadcast %mul3A_416 : f32 to vector<16xf32>
      %mul3A_418 = arith.mulf %get3A_415, %mul3A_417 : vector<16xf32>
      %exp3A_419 = math.exp %mul3A_418 : vector<16xf32>
      %add3A_420 = arith.addf %add3A_404, %exp3A_419 : vector<16xf32>
      %swap3A_421 = arith.constant 0 : i32
      %swap3A_422 = arith.index_cast %swap3A_421 : i32 to index
      %swap3A_423 = arith.constant 64 : index
      %swap3A_424 = tpu.vector_load %arg8[%swap3A_422, %swap3A_423] {strides = array<i32>} : memref<16x128xf32, #tpu.memory_space<vmem>>, vector<1x16xf32>,
      %swap3A_425 = vector.shape_cast %swap3A_424 : vector<1x16xf32> to vector<16xf32>
      %swap3A_426 = vector.shape_cast %exp3A_419 : vector<16xf32> to vector<1x16xf32>
      tpu.vector_store %arg8[%swap3A_422, %swap3A_423], %swap3A_426 {strides = array<i32>} : memref<16x128xf32, #tpu.memory_space<vmem>>, vector<1x16xf32>,
      %get3A_427 = arith.constant 0 : i32
      %get3A_428 = arith.index_cast %get3A_427 : i32 to index
      %get3A_429 = arith.constant 80 : index
      %get3A_430 = tpu.vector_load %arg7[%get3A_428, %get3A_429] {strides = array<i32>} : memref<16x128xf32, #tpu.memory_space<vmem>>, vector<1x16xf32>,
      %get3A_431 = vector.shape_cast %get3A_430 : vector<1x16xf32> to vector<16xf32>
      %mul3A_432 = arith.constant 14.2857141 : f32
      %mul3A_433 = vector.broadcast %mul3A_432 : f32 to vector<16xf32>
      %mul3A_434 = arith.mulf %get3A_431, %mul3A_433 : vector<16xf32>
      %exp3A_435 = math.exp %mul3A_434 : vector<16xf32>
      %add3A_436 = arith.addf %add3A_420, %exp3A_435 : vector<16xf32>
      %swap3A_437 = arith.constant 0 : i32
      %swap3A_438 = arith.index_cast %swap3A_437 : i32 to index
      %swap3A_439 = arith.constant 80 : index
      %swap3A_440 = tpu.vector_load %arg8[%swap3A_438, %swap3A_439] {strides = array<i32>} : memref<16x128xf32, #tpu.memory_space<vmem>>, vector<1x16xf32>,
      %swap3A_441 = vector.shape_cast %swap3A_440 : vector<1x16xf32> to vector<16xf32>
      %swap3A_442 = vector.shape_cast %exp3A_435 : vector<16xf32> to vector<1x16xf32>
      tpu.vector_store %arg8[%swap3A_438, %swap3A_439], %swap3A_442 {strides = array<i32>} : memref<16x128xf32, #tpu.memory_space<vmem>>, vector<1x16xf32>,
      %get3A_443 = arith.constant 0 : i32
      %get3A_444 = arith.index_cast %get3A_443 : i32 to index
      %get3A_445 = arith.constant 96 : index
      %get3A_446 = tpu.vector_load %arg7[%get3A_444, %get3A_445] {strides = array<i32>} : memref<16x128xf32, #tpu.memory_space<vmem>>, vector<1x16xf32>,
      %get3A_447 = vector.shape_cast %get3A_446 : vector<1x16xf32> to vector<16xf32>
      %mul3A_448 = arith.constant 14.2857141 : f32
      %mul3A_449 = vector.broadcast %mul3A_448 : f32 to vector<16xf32>
      %mul3A_450 = arith.mulf %get3A_447, %mul3A_449 : vector<16xf32>
      %exp3A_451 = math.exp %mul3A_450 : vector<16xf32>
      %add3A_452 = arith.addf %add3A_436, %exp3A_451 : vector<16xf32>
      %swap3A_453 = arith.constant 0 : i32
      %swap3A_454 = arith.index_cast %swap3A_453 : i32 to index
      %swap3A_455 = arith.constant 96 : index
      %swap3A_456 = tpu.vector_load %arg8[%swap3A_454, %swap3A_455] {strides = array<i32>} : memref<16x128xf32, #tpu.memory_space<vmem>>, vector<1x16xf32>,
      %swap3A_457 = vector.shape_cast %swap3A_456 : vector<1x16xf32> to vector<16xf32>
      %swap3A_458 = vector.shape_cast %exp3A_451 : vector<16xf32> to vector<1x16xf32>
      tpu.vector_store %arg8[%swap3A_454, %swap3A_455], %swap3A_458 {strides = array<i32>} : memref<16x128xf32, #tpu.memory_space<vmem>>, vector<1x16xf32>,
      %get3A_459 = arith.constant 0 : i32
      %get3A_460 = arith.index_cast %get3A_459 : i32 to index
      %get3A_461 = arith.constant 112 : index
      %get3A_462 = tpu.vector_load %arg7[%get3A_460, %get3A_461] {strides = array<i32>} : memref<16x128xf32, #tpu.memory_space<vmem>>, vector<1x16xf32>,
      %get3A_463 = vector.shape_cast %get3A_462 : vector<1x16xf32> to vector<16xf32>
      %mul3A_464 = arith.constant 14.2857141 : f32
      %mul3A_465 = vector.broadcast %mul3A_464 : f32 to vector<16xf32>
      %mul3A_466 = arith.mulf %get3A_463, %mul3A_465 : vector<16xf32>
      %exp3A_467 = math.exp %mul3A_466 : vector<16xf32>
      %add3A_468 = arith.addf %add3A_452, %exp3A_467 : vector<16xf32>
      %swap3A_469 = arith.constant 0 : i32
      %swap3A_470 = arith.index_cast %swap3A_469 : i32 to index
      %swap3A_471 = arith.constant 112 : index
      %swap3A_472 = tpu.vector_load %arg8[%swap3A_470, %swap3A_471] {strides = array<i32>} : memref<16x128xf32, #tpu.memory_space<vmem>>, vector<1x16xf32>,
      %swap3A_473 = vector.shape_cast %swap3A_472 : vector<1x16xf32> to vector<16xf32>
      %swap3A_474 = vector.shape_cast %exp3A_467 : vector<16xf32> to vector<1x16xf32>
      tpu.vector_store %arg8[%swap3A_470, %swap3A_471], %swap3A_474 {strides = array<i32>} : memref<16x128xf32, #tpu.memory_space<vmem>>, vector<1x16xf32>,
      %get3A_475 = arith.constant 1 : i32
      %get3A_476 = arith.index_cast %get3A_475 : i32 to index
      %get3A_477 = arith.constant 0 : index
      %get3A_478 = tpu.vector_load %arg7[%get3A_476, %get3A_477] {strides = array<i32>} : memref<16x128xf32, #tpu.memory_space<vmem>>, vector<1x16xf32>,
      %get3A_479 = vector.shape_cast %get3A_478 : vector<1x16xf32> to vector<16xf32>
      %mul3A_480 = arith.constant 14.2857141 : f32
      %mul3A_481 = vector.broadcast %mul3A_480 : f32 to vector<16xf32>
      %mul3A_482 = arith.mulf %get3A_479, %mul3A_481 : vector<16xf32>
      %exp3A_483 = math.exp %mul3A_482 : vector<16xf32>
      %add3A_484 = arith.addf %add3A_468, %exp3A_483 : vector<16xf32>
      %swap3A_485 = arith.constant 1 : i32
      %swap3A_486 = arith.index_cast %swap3A_485 : i32 to index
      %swap3A_487 = arith.constant 0 : index
      %swap3A_488 = tpu.vector_load %arg8[%swap3A_486, %swap3A_487] {strides = array<i32>} : memref<16x128xf32, #tpu.memory_space<vmem>>, vector<1x16xf32>,
      %swap3A_489 = vector.shape_cast %swap3A_488 : vector<1x16xf32> to vector<16xf32>
      %swap3A_490 = vector.shape_cast %exp3A_483 : vector<16xf32> to vector<1x16xf32>
      tpu.vector_store %arg8[%swap3A_486, %swap3A_487], %swap3A_490 {strides = array<i32>} : memref<16x128xf32, #tpu.memory_space<vmem>>, vector<1x16xf32>,
      %get3A_491 = arith.constant 1 : i32
      %get3A_492 = arith.index_cast %get3A_491 : i32 to index
      %get3A_493 = arith.constant 16 : index
      %get3A_494 = tpu.vector_load %arg7[%get3A_492, %get3A_493] {strides = array<i32>} : memref<16x128xf32, #tpu.memory_space<vmem>>, vector<1x16xf32>,
      %get3A_495 = vector.shape_cast %get3A_494 : vector<1x16xf32> to vector<16xf32>
      %mul3A_496 = arith.constant 14.2857141 : f32
      %mul3A_497 = vector.broadcast %mul3A_496 : f32 to vector<16xf32>
      %mul3A_498 = arith.mulf %get3A_495, %mul3A_497 : vector<16xf32>
      %exp3A_499 = math.exp %mul3A_498 : vector<16xf32>
      %add3A_500 = arith.addf %add3A_484, %exp3A_499 : vector<16xf32>
      %swap3A_501 = arith.constant 1 : i32
      %swap3A_502 = arith.index_cast %swap3A_501 : i32 to index
      %swap3A_503 = arith.constant 16 : index
      %swap3A_504 = tpu.vector_load %arg8[%swap3A_502, %swap3A_503] {strides = array<i32>} : memref<16x128xf32, #tpu.memory_space<vmem>>, vector<1x16xf32>,
      %swap3A_505 = vector.shape_cast %swap3A_504 : vector<1x16xf32> to vector<16xf32>
      %swap3A_506 = vector.shape_cast %exp3A_499 : vector<16xf32> to vector<1x16xf32>
      tpu.vector_store %arg8[%swap3A_502, %swap3A_503], %swap3A_506 {strides = array<i32>} : memref<16x128xf32, #tpu.memory_space<vmem>>, vector<1x16xf32>,
      %get3A_507 = arith.constant 1 : i32
      %get3A_508 = arith.index_cast %get3A_507 : i32 to index
      %get3A_509 = arith.constant 32 : index
      %get3A_510 = tpu.vector_load %arg7[%get3A_508, %get3A_509] {strides = array<i32>} : memref<16x128xf32, #tpu.memory_space<vmem>>, vector<1x16xf32>,
      %get3A_511 = vector.shape_cast %get3A_510 : vector<1x16xf32> to vector<16xf32>
      %mul3A_512 = arith.constant 14.2857141 : f32
      %mul3A_513 = vector.broadcast %mul3A_512 : f32 to vector<16xf32>
      %mul3A_514 = arith.mulf %get3A_511, %mul3A_513 : vector<16xf32>
      %exp3A_515 = math.exp %mul3A_514 : vector<16xf32>
      %add3A_516 = arith.addf %add3A_500, %exp3A_515 : vector<16xf32>
      %swap3A_517 = arith.constant 1 : i32
      %swap3A_518 = arith.index_cast %swap3A_517 : i32 to index
      %swap3A_519 = arith.constant 32 : index
      %swap3A_520 = tpu.vector_load %arg8[%swap3A_518, %swap3A_519] {strides = array<i32>} : memref<16x128xf32, #tpu.memory_space<vmem>>, vector<1x16xf32>,
      %swap3A_521 = vector.shape_cast %swap3A_520 : vector<1x16xf32> to vector<16xf32>
      %swap3A_522 = vector.shape_cast %exp3A_515 : vector<16xf32> to vector<1x16xf32>
      tpu.vector_store %arg8[%swap3A_518, %swap3A_519], %swap3A_522 {strides = array<i32>} : memref<16x128xf32, #tpu.memory_space<vmem>>, vector<1x16xf32>,
      %get3A_523 = arith.constant 1 : i32
      %get3A_524 = arith.index_cast %get3A_523 : i32 to index
      %get3A_525 = arith.constant 48 : index
      %get3A_526 = tpu.vector_load %arg7[%get3A_524, %get3A_525] {strides = array<i32>} : memref<16x128xf32, #tpu.memory_space<vmem>>, vector<1x16xf32>,
      %get3A_527 = vector.shape_cast %get3A_526 : vector<1x16xf32> to vector<16xf32>
      %mul3A_528 = arith.constant 14.2857141 : f32
      %mul3A_529 = vector.broadcast %mul3A_528 : f32 to vector<16xf32>
      %mul3A_530 = arith.mulf %get3A_527, %mul3A_529 : vector<16xf32>
      %exp3A_531 = math.exp %mul3A_530 : vector<16xf32>
      %add3A_532 = arith.addf %add3A_516, %exp3A_531 : vector<16xf32>
      %swap3A_533 = arith.constant 1 : i32
      %swap3A_534 = arith.index_cast %swap3A_533 : i32 to index
      %swap3A_535 = arith.constant 48 : index
      %swap3A_536 = tpu.vector_load %arg8[%swap3A_534, %swap3A_535] {strides = array<i32>} : memref<16x128xf32, #tpu.memory_space<vmem>>, vector<1x16xf32>,
      %swap3A_537 = vector.shape_cast %swap3A_536 : vector<1x16xf32> to vector<16xf32>
      %swap3A_538 = vector.shape_cast %exp3A_531 : vector<16xf32> to vector<1x16xf32>
      tpu.vector_store %arg8[%swap3A_534, %swap3A_535], %swap3A_538 {strides = array<i32>} : memref<16x128xf32, #tpu.memory_space<vmem>>, vector<1x16xf32>,
      %get3A_539 = arith.constant 1 : i32
      %get3A_540 = arith.index_cast %get3A_539 : i32 to index
      %get3A_541 = arith.constant 64 : index
      %get3A_542 = tpu.vector_load %arg7[%get3A_540, %get3A_541] {strides = array<i32>} : memref<16x128xf32, #tpu.memory_space<vmem>>, vector<1x16xf32>,
      %get3A_543 = vector.shape_cast %get3A_542 : vector<1x16xf32> to vector<16xf32>
      %mul3A_544 = arith.constant 14.2857141 : f32
      %mul3A_545 = vector.broadcast %mul3A_544 : f32 to vector<16xf32>
      %mul3A_546 = arith.mulf %get3A_543, %mul3A_545 : vector<16xf32>
      %exp3A_547 = math.exp %mul3A_546 : vector<16xf32>
      %add3A_548 = arith.addf %add3A_532, %exp3A_547 : vector<16xf32>
      %swap3A_549 = arith.constant 1 : i32
      %swap3A_550 = arith.index_cast %swap3A_549 : i32 to index
      %swap3A_551 = arith.constant 64 : index
      %swap3A_552 = tpu.vector_load %arg8[%swap3A_550, %swap3A_551] {strides = array<i32>} : memref<16x128xf32, #tpu.memory_space<vmem>>, vector<1x16xf32>,
      %swap3A_553 = vector.shape_cast %swap3A_552 : vector<1x16xf32> to vector<16xf32>
      %swap3A_554 = vector.shape_cast %exp3A_547 : vector<16xf32> to vector<1x16xf32>
      tpu.vector_store %arg8[%swap3A_550, %swap3A_551], %swap3A_554 {strides = array<i32>} : memref<16x128xf32, #tpu.memory_space<vmem>>, vector<1x16xf32>,
      %get3A_555 = arith.constant 1 : i32
      %get3A_556 = arith.index_cast %get3A_555 : i32 to index
      %get3A_557 = arith.constant 80 : index
      %get3A_558 = tpu.vector_load %arg7[%get3A_556, %get3A_557] {strides = array<i32>} : memref<16x128xf32, #tpu.memory_space<vmem>>, vector<1x16xf32>,
      %get3A_559 = vector.shape_cast %get3A_558 : vector<1x16xf32> to vector<16xf32>
      %mul3A_560 = arith.constant 14.2857141 : f32
      %mul3A_561 = vector.broadcast %mul3A_560 : f32 to vector<16xf32>
      %mul3A_562 = arith.mulf %get3A_559, %mul3A_561 : vector<16xf32>
      %exp3A_563 = math.exp %mul3A_562 : vector<16xf32>
      %add3A_564 = arith.addf %add3A_548, %exp3A_563 : vector<16xf32>
      %swap3A_565 = arith.constant 1 : i32
      %swap3A_566 = arith.index_cast %swap3A_565 : i32 to index
      %swap3A_567 = arith.constant 80 : index
      %swap3A_568 = tpu.vector_load %arg8[%swap3A_566, %swap3A_567] {strides = array<i32>} : memref<16x128xf32, #tpu.memory_space<vmem>>, vector<1x16xf32>,
      %swap3A_569 = vector.shape_cast %swap3A_568 : vector<1x16xf32> to vector<16xf32>
      %swap3A_570 = vector.shape_cast %exp3A_563 : vector<16xf32> to vector<1x16xf32>
      tpu.vector_store %arg8[%swap3A_566, %swap3A_567], %swap3A_570 {strides = array<i32>} : memref<16x128xf32, #tpu.memory_space<vmem>>, vector<1x16xf32>,
      %get3A_571 = arith.constant 1 : i32
      %get3A_572 = arith.index_cast %get3A_571 : i32 to index
      %get3A_573 = arith.constant 96 : index
      %get3A_574 = tpu.vector_load %arg7[%get3A_572, %get3A_573] {strides = array<i32>} : memref<16x128xf32, #tpu.memory_space<vmem>>, vector<1x16xf32>,
      %get3A_575 = vector.shape_cast %get3A_574 : vector<1x16xf32> to vector<16xf32>
      %mul3A_576 = arith.constant 14.2857141 : f32
      %mul3A_577 = vector.broadcast %mul3A_576 : f32 to vector<16xf32>
      %mul3A_578 = arith.mulf %get3A_575, %mul3A_577 : vector<16xf32>
      %exp3A_579 = math.exp %mul3A_578 : vector<16xf32>
      %add3A_580 = arith.addf %add3A_564, %exp3A_579 : vector<16xf32>
      %swap3A_581 = arith.constant 1 : i32
      %swap3A_582 = arith.index_cast %swap3A_581 : i32 to index
      %swap3A_583 = arith.constant 96 : index
      %swap3A_584 = tpu.vector_load %arg8[%swap3A_582, %swap3A_583] {strides = array<i32>} : memref<16x128xf32, #tpu.memory_space<vmem>>, vector<1x16xf32>,
      %swap3A_585 = vector.shape_cast %swap3A_584 : vector<1x16xf32> to vector<16xf32>
      %swap3A_586 = vector.shape_cast %exp3A_579 : vector<16xf32> to vector<1x16xf32>
      tpu.vector_store %arg8[%swap3A_582, %swap3A_583], %swap3A_586 {strides = array<i32>} : memref<16x128xf32, #tpu.memory_space<vmem>>, vector<1x16xf32>,
      %get3A_587 = arith.constant 1 : i32
      %get3A_588 = arith.index_cast %get3A_587 : i32 to index
      %get3A_589 = arith.constant 112 : index
      %get3A_590 = tpu.vector_load %arg7[%get3A_588, %get3A_589] {strides = array<i32>} : memref<16x128xf32, #tpu.memory_space<vmem>>, vector<1x16xf32>,
      %get3A_591 = vector.shape_cast %get3A_590 : vector<1x16xf32> to vector<16xf32>
      %mul3A_592 = arith.constant 14.2857141 : f32
      %mul3A_593 = vector.broadcast %mul3A_592 : f32 to vector<16xf32>
      %mul3A_594 = arith.mulf %get3A_591, %mul3A_593 : vector<16xf32>
      %exp3A_595 = math.exp %mul3A_594 : vector<16xf32>
      %add3A_596 = arith.addf %add3A_580, %exp3A_595 : vector<16xf32>
      %swap3A_597 = arith.constant 1 : i32
      %swap3A_598 = arith.index_cast %swap3A_597 : i32 to index
      %swap3A_599 = arith.constant 112 : index
      %swap3A_600 = tpu.vector_load %arg8[%swap3A_598, %swap3A_599] {strides = array<i32>} : memref<16x128xf32, #tpu.memory_space<vmem>>, vector<1x16xf32>,
      %swap3A_601 = vector.shape_cast %swap3A_600 : vector<1x16xf32> to vector<16xf32>
      %swap3A_602 = vector.shape_cast %exp3A_595 : vector<16xf32> to vector<1x16xf32>
      tpu.vector_store %arg8[%swap3A_598, %swap3A_599], %swap3A_602 {strides = array<i32>} : memref<16x128xf32, #tpu.memory_space<vmem>>, vector<1x16xf32>,
      %get3A_603 = arith.constant 2 : i32
      %get3A_604 = arith.index_cast %get3A_603 : i32 to index
      %get3A_605 = arith.constant 0 : index
      %get3A_606 = tpu.vector_load %arg7[%get3A_604, %get3A_605] {strides = array<i32>} : memref<16x128xf32, #tpu.memory_space<vmem>>, vector<1x16xf32>,
      %get3A_607 = vector.shape_cast %get3A_606 : vector<1x16xf32> to vector<16xf32>
      %mul3A_608 = arith.constant 14.2857141 : f32
      %mul3A_609 = vector.broadcast %mul3A_608 : f32 to vector<16xf32>
      %mul3A_610 = arith.mulf %get3A_607, %mul3A_609 : vector<16xf32>
      %exp3A_611 = math.exp %mul3A_610 : vector<16xf32>
      %add3A_612 = arith.addf %add3A_596, %exp3A_611 : vector<16xf32>
      %swap3A_613 = arith.constant 2 : i32
      %swap3A_614 = arith.index_cast %swap3A_613 : i32 to index
      %swap3A_615 = arith.constant 0 : index
      %swap3A_616 = tpu.vector_load %arg8[%swap3A_614, %swap3A_615] {strides = array<i32>} : memref<16x128xf32, #tpu.memory_space<vmem>>, vector<1x16xf32>,
      %swap3A_617 = vector.shape_cast %swap3A_616 : vector<1x16xf32> to vector<16xf32>
      %swap3A_618 = vector.shape_cast %exp3A_611 : vector<16xf32> to vector<1x16xf32>
      tpu.vector_store %arg8[%swap3A_614, %swap3A_615], %swap3A_618 {strides = array<i32>} : memref<16x128xf32, #tpu.memory_space<vmem>>, vector<1x16xf32>,
      %get3A_619 = arith.constant 2 : i32
      %get3A_620 = arith.index_cast %get3A_619 : i32 to index
      %get3A_621 = arith.constant 16 : index
      %get3A_622 = tpu.vector_load %arg7[%get3A_620, %get3A_621] {strides = array<i32>} : memref<16x128xf32, #tpu.memory_space<vmem>>, vector<1x16xf32>,
      %get3A_623 = vector.shape_cast %get3A_622 : vector<1x16xf32> to vector<16xf32>
      %mul3A_624 = arith.constant 14.2857141 : f32
      %mul3A_625 = vector.broadcast %mul3A_624 : f32 to vector<16xf32>
      %mul3A_626 = arith.mulf %get3A_623, %mul3A_625 : vector<16xf32>
      %exp3A_627 = math.exp %mul3A_626 : vector<16xf32>
      %add3A_628 = arith.addf %add3A_612, %exp3A_627 : vector<16xf32>
      %swap3A_629 = arith.constant 2 : i32
      %swap3A_630 = arith.index_cast %swap3A_629 : i32 to index
      %swap3A_631 = arith.constant 16 : index
      %swap3A_632 = tpu.vector_load %arg8[%swap3A_630, %swap3A_631] {strides = array<i32>} : memref<16x128xf32, #tpu.memory_space<vmem>>, vector<1x16xf32>,
      %swap3A_633 = vector.shape_cast %swap3A_632 : vector<1x16xf32> to vector<16xf32>
      %swap3A_634 = vector.shape_cast %exp3A_627 : vector<16xf32> to vector<1x16xf32>
      tpu.vector_store %arg8[%swap3A_630, %swap3A_631], %swap3A_634 {strides = array<i32>} : memref<16x128xf32, #tpu.memory_space<vmem>>, vector<1x16xf32>,
      %get3A_635 = arith.constant 2 : i32
      %get3A_636 = arith.index_cast %get3A_635 : i32 to index
      %get3A_637 = arith.constant 32 : index
      %get3A_638 = tpu.vector_load %arg7[%get3A_636, %get3A_637] {strides = array<i32>} : memref<16x128xf32, #tpu.memory_space<vmem>>, vector<1x16xf32>,
      %get3A_639 = vector.shape_cast %get3A_638 : vector<1x16xf32> to vector<16xf32>
      %mul3A_640 = arith.constant 14.2857141 : f32
      %mul3A_641 = vector.broadcast %mul3A_640 : f32 to vector<16xf32>
      %mul3A_642 = arith.mulf %get3A_639, %mul3A_641 : vector<16xf32>
      %exp3A_643 = math.exp %mul3A_642 : vector<16xf32>
      %add3A_644 = arith.addf %add3A_628, %exp3A_643 : vector<16xf32>
      %swap3A_645 = arith.constant 2 : i32
      %swap3A_646 = arith.index_cast %swap3A_645 : i32 to index
      %swap3A_647 = arith.constant 32 : index
      %swap3A_648 = tpu.vector_load %arg8[%swap3A_646, %swap3A_647] {strides = array<i32>} : memref<16x128xf32, #tpu.memory_space<vmem>>, vector<1x16xf32>,
      %swap3A_649 = vector.shape_cast %swap3A_648 : vector<1x16xf32> to vector<16xf32>
      %swap3A_650 = vector.shape_cast %exp3A_643 : vector<16xf32> to vector<1x16xf32>
      tpu.vector_store %arg8[%swap3A_646, %swap3A_647], %swap3A_650 {strides = array<i32>} : memref<16x128xf32, #tpu.memory_space<vmem>>, vector<1x16xf32>,
      %get3A_651 = arith.constant 2 : i32
      %get3A_652 = arith.index_cast %get3A_651 : i32 to index
      %get3A_653 = arith.constant 48 : index
      %get3A_654 = tpu.vector_load %arg7[%get3A_652, %get3A_653] {strides = array<i32>} : memref<16x128xf32, #tpu.memory_space<vmem>>, vector<1x16xf32>,
      %get3A_655 = vector.shape_cast %get3A_654 : vector<1x16xf32> to vector<16xf32>
      %mul3A_656 = arith.constant 14.2857141 : f32
      %mul3A_657 = vector.broadcast %mul3A_656 : f32 to vector<16xf32>
      %mul3A_658 = arith.mulf %get3A_655, %mul3A_657 : vector<16xf32>
      %exp3A_659 = math.exp %mul3A_658 : vector<16xf32>
      %add3A_660 = arith.addf %add3A_644, %exp3A_659 : vector<16xf32>
      %swap3A_661 = arith.constant 2 : i32
      %swap3A_662 = arith.index_cast %swap3A_661 : i32 to index
      %swap3A_663 = arith.constant 48 : index
      %swap3A_664 = tpu.vector_load %arg8[%swap3A_662, %swap3A_663] {strides = array<i32>} : memref<16x128xf32, #tpu.memory_space<vmem>>, vector<1x16xf32>,
      %swap3A_665 = vector.shape_cast %swap3A_664 : vector<1x16xf32> to vector<16xf32>
      %swap3A_666 = vector.shape_cast %exp3A_659 : vector<16xf32> to vector<1x16xf32>
      tpu.vector_store %arg8[%swap3A_662, %swap3A_663], %swap3A_666 {strides = array<i32>} : memref<16x128xf32, #tpu.memory_space<vmem>>, vector<1x16xf32>,
      %get3A_667 = arith.constant 2 : i32
      %get3A_668 = arith.index_cast %get3A_667 : i32 to index
      %get3A_669 = arith.constant 64 : index
      %get3A_670 = tpu.vector_load %arg7[%get3A_668, %get3A_669] {strides = array<i32>} : memref<16x128xf32, #tpu.memory_space<vmem>>, vector<1x16xf32>,
      %get3A_671 = vector.shape_cast %get3A_670 : vector<1x16xf32> to vector<16xf32>
      %mul3A_672 = arith.constant 14.2857141 : f32
      %mul3A_673 = vector.broadcast %mul3A_672 : f32 to vector<16xf32>
      %mul3A_674 = arith.mulf %get3A_671, %mul3A_673 : vector<16xf32>
      %exp3A_675 = math.exp %mul3A_674 : vector<16xf32>
      %add3A_676 = arith.addf %add3A_660, %exp3A_675 : vector<16xf32>
      %swap3A_677 = arith.constant 2 : i32
      %swap3A_678 = arith.index_cast %swap3A_677 : i32 to index
      %swap3A_679 = arith.constant 64 : index
      %swap3A_680 = tpu.vector_load %arg8[%swap3A_678, %swap3A_679] {strides = array<i32>} : memref<16x128xf32, #tpu.memory_space<vmem>>, vector<1x16xf32>,
      %swap3A_681 = vector.shape_cast %swap3A_680 : vector<1x16xf32> to vector<16xf32>
      %swap3A_682 = vector.shape_cast %exp3A_675 : vector<16xf32> to vector<1x16xf32>
      tpu.vector_store %arg8[%swap3A_678, %swap3A_679], %swap3A_682 {strides = array<i32>} : memref<16x128xf32, #tpu.memory_space<vmem>>, vector<1x16xf32>,
      %get3A_683 = arith.constant 2 : i32
      %get3A_684 = arith.index_cast %get3A_683 : i32 to index
      %get3A_685 = arith.constant 80 : index
      %get3A_686 = tpu.vector_load %arg7[%get3A_684, %get3A_685] {strides = array<i32>} : memref<16x128xf32, #tpu.memory_space<vmem>>, vector<1x16xf32>,
      %get3A_687 = vector.shape_cast %get3A_686 : vector<1x16xf32> to vector<16xf32>
      %mul3A_688 = arith.constant 14.2857141 : f32
      %mul3A_689 = vector.broadcast %mul3A_688 : f32 to vector<16xf32>
      %mul3A_690 = arith.mulf %get3A_687, %mul3A_689 : vector<16xf32>
      %exp3A_691 = math.exp %mul3A_690 : vector<16xf32>
      %add3A_692 = arith.addf %add3A_676, %exp3A_691 : vector<16xf32>
      %swap3A_693 = arith.constant 2 : i32
      %swap3A_694 = arith.index_cast %swap3A_693 : i32 to index
      %swap3A_695 = arith.constant 80 : index
      %swap3A_696 = tpu.vector_load %arg8[%swap3A_694, %swap3A_695] {strides = array<i32>} : memref<16x128xf32, #tpu.memory_space<vmem>>, vector<1x16xf32>,
      %swap3A_697 = vector.shape_cast %swap3A_696 : vector<1x16xf32> to vector<16xf32>
      %swap3A_698 = vector.shape_cast %exp3A_691 : vector<16xf32> to vector<1x16xf32>
      tpu.vector_store %arg8[%swap3A_694, %swap3A_695], %swap3A_698 {strides = array<i32>} : memref<16x128xf32, #tpu.memory_space<vmem>>, vector<1x16xf32>,
      %get3A_699 = arith.constant 2 : i32
      %get3A_700 = arith.index_cast %get3A_699 : i32 to index
      %get3A_701 = arith.constant 96 : index
      %get3A_702 = tpu.vector_load %arg7[%get3A_700, %get3A_701] {strides = array<i32>} : memref<16x128xf32, #tpu.memory_space<vmem>>, vector<1x16xf32>,
      %get3A_703 = vector.shape_cast %get3A_702 : vector<1x16xf32> to vector<16xf32>
      %mul3A_704 = arith.constant 14.2857141 : f32
      %mul3A_705 = vector.broadcast %mul3A_704 : f32 to vector<16xf32>
      %mul3A_706 = arith.mulf %get3A_703, %mul3A_705 : vector<16xf32>
      %exp3A_707 = math.exp %mul3A_706 : vector<16xf32>
      %add3A_708 = arith.addf %add3A_692, %exp3A_707 : vector<16xf32>
      %swap3A_709 = arith.constant 2 : i32
      %swap3A_710 = arith.index_cast %swap3A_709 : i32 to index
      %swap3A_711 = arith.constant 96 : index
      %swap3A_712 = tpu.vector_load %arg8[%swap3A_710, %swap3A_711] {strides = array<i32>} : memref<16x128xf32, #tpu.memory_space<vmem>>, vector<1x16xf32>,
      %swap3A_713 = vector.shape_cast %swap3A_712 : vector<1x16xf32> to vector<16xf32>
      %swap3A_714 = vector.shape_cast %exp3A_707 : vector<16xf32> to vector<1x16xf32>
      tpu.vector_store %arg8[%swap3A_710, %swap3A_711], %swap3A_714 {strides = array<i32>} : memref<16x128xf32, #tpu.memory_space<vmem>>, vector<1x16xf32>,
      %get3A_715 = arith.constant 2 : i32
      %get3A_716 = arith.index_cast %get3A_715 : i32 to index
      %get3A_717 = arith.constant 112 : index
      %get3A_718 = tpu.vector_load %arg7[%get3A_716, %get3A_717] {strides = array<i32>} : memref<16x128xf32, #tpu.memory_space<vmem>>, vector<1x16xf32>,
      %get3A_719 = vector.shape_cast %get3A_718 : vector<1x16xf32> to vector<16xf32>
      %mul3A_720 = arith.constant 14.2857141 : f32
      %mul3A_721 = vector.broadcast %mul3A_720 : f32 to vector<16xf32>
      %mul3A_722 = arith.mulf %get3A_719, %mul3A_721 : vector<16xf32>
      %exp3A_723 = math.exp %mul3A_722 : vector<16xf32>
      %add3A_724 = arith.addf %add3A_708, %exp3A_723 : vector<16xf32>
      %swap3A_725 = arith.constant 2 : i32
      %swap3A_726 = arith.index_cast %swap3A_725 : i32 to index
      %swap3A_727 = arith.constant 112 : index
      %swap3A_728 = tpu.vector_load %arg8[%swap3A_726, %swap3A_727] {strides = array<i32>} : memref<16x128xf32, #tpu.memory_space<vmem>>, vector<1x16xf32>,
      %swap3A_729 = vector.shape_cast %swap3A_728 : vector<1x16xf32> to vector<16xf32>
      %swap3A_730 = vector.shape_cast %exp3A_723 : vector<16xf32> to vector<1x16xf32>
      tpu.vector_store %arg8[%swap3A_726, %swap3A_727], %swap3A_730 {strides = array<i32>} : memref<16x128xf32, #tpu.memory_space<vmem>>, vector<1x16xf32>,
      %get3A_731 = arith.constant 3 : i32
      %get3A_732 = arith.index_cast %get3A_731 : i32 to index
      %get3A_733 = arith.constant 0 : index
      %get3A_734 = tpu.vector_load %arg7[%get3A_732, %get3A_733] {strides = array<i32>} : memref<16x128xf32, #tpu.memory_space<vmem>>, vector<1x16xf32>,
      %get3A_735 = vector.shape_cast %get3A_734 : vector<1x16xf32> to vector<16xf32>
      %mul3A_736 = arith.constant 14.2857141 : f32
      %mul3A_737 = vector.broadcast %mul3A_736 : f32 to vector<16xf32>
      %mul3A_738 = arith.mulf %get3A_735, %mul3A_737 : vector<16xf32>
      %exp3A_739 = math.exp %mul3A_738 : vector<16xf32>
      %add3A_740 = arith.addf %add3A_724, %exp3A_739 : vector<16xf32>
      %swap3A_741 = arith.constant 3 : i32
      %swap3A_742 = arith.index_cast %swap3A_741 : i32 to index
      %swap3A_743 = arith.constant 0 : index
      %swap3A_744 = tpu.vector_load %arg8[%swap3A_742, %swap3A_743] {strides = array<i32>} : memref<16x128xf32, #tpu.memory_space<vmem>>, vector<1x16xf32>,
      %swap3A_745 = vector.shape_cast %swap3A_744 : vector<1x16xf32> to vector<16xf32>
      %swap3A_746 = vector.shape_cast %exp3A_739 : vector<16xf32> to vector<1x16xf32>
      tpu.vector_store %arg8[%swap3A_742, %swap3A_743], %swap3A_746 {strides = array<i32>} : memref<16x128xf32, #tpu.memory_space<vmem>>, vector<1x16xf32>,
      %get3A_747 = arith.constant 3 : i32
      %get3A_748 = arith.index_cast %get3A_747 : i32 to index
      %get3A_749 = arith.constant 16 : index
      %get3A_750 = tpu.vector_load %arg7[%get3A_748, %get3A_749] {strides = array<i32>} : memref<16x128xf32, #tpu.memory_space<vmem>>, vector<1x16xf32>,
      %get3A_751 = vector.shape_cast %get3A_750 : vector<1x16xf32> to vector<16xf32>
      %mul3A_752 = arith.constant 14.2857141 : f32
      %mul3A_753 = vector.broadcast %mul3A_752 : f32 to vector<16xf32>
      %mul3A_754 = arith.mulf %get3A_751, %mul3A_753 : vector<16xf32>
      %exp3A_755 = math.exp %mul3A_754 : vector<16xf32>
      %add3A_756 = arith.addf %add3A_740, %exp3A_755 : vector<16xf32>
      %swap3A_757 = arith.constant 3 : i32
      %swap3A_758 = arith.index_cast %swap3A_757 : i32 to index
      %swap3A_759 = arith.constant 16 : index
      %swap3A_760 = tpu.vector_load %arg8[%swap3A_758, %swap3A_759] {strides = array<i32>} : memref<16x128xf32, #tpu.memory_space<vmem>>, vector<1x16xf32>,
      %swap3A_761 = vector.shape_cast %swap3A_760 : vector<1x16xf32> to vector<16xf32>
      %swap3A_762 = vector.shape_cast %exp3A_755 : vector<16xf32> to vector<1x16xf32>
      tpu.vector_store %arg8[%swap3A_758, %swap3A_759], %swap3A_762 {strides = array<i32>} : memref<16x128xf32, #tpu.memory_space<vmem>>, vector<1x16xf32>,
      %get3A_763 = arith.constant 3 : i32
      %get3A_764 = arith.index_cast %get3A_763 : i32 to index
      %get3A_765 = arith.constant 32 : index
      %get3A_766 = tpu.vector_load %arg7[%get3A_764, %get3A_765] {strides = array<i32>} : memref<16x128xf32, #tpu.memory_space<vmem>>, vector<1x16xf32>,
      %get3A_767 = vector.shape_cast %get3A_766 : vector<1x16xf32> to vector<16xf32>
      %mul3A_768 = arith.constant 14.2857141 : f32
      %mul3A_769 = vector.broadcast %mul3A_768 : f32 to vector<16xf32>
      %mul3A_770 = arith.mulf %get3A_767, %mul3A_769 : vector<16xf32>
      %exp3A_771 = math.exp %mul3A_770 : vector<16xf32>
      %add3A_772 = arith.addf %add3A_756, %exp3A_771 : vector<16xf32>
      %swap3A_773 = arith.constant 3 : i32
      %swap3A_774 = arith.index_cast %swap3A_773 : i32 to index
      %swap3A_775 = arith.constant 32 : index
      %swap3A_776 = tpu.vector_load %arg8[%swap3A_774, %swap3A_775] {strides = array<i32>} : memref<16x128xf32, #tpu.memory_space<vmem>>, vector<1x16xf32>,
      %swap3A_777 = vector.shape_cast %swap3A_776 : vector<1x16xf32> to vector<16xf32>
      %swap3A_778 = vector.shape_cast %exp3A_771 : vector<16xf32> to vector<1x16xf32>
      tpu.vector_store %arg8[%swap3A_774, %swap3A_775], %swap3A_778 {strides = array<i32>} : memref<16x128xf32, #tpu.memory_space<vmem>>, vector<1x16xf32>,
      %get3A_779 = arith.constant 3 : i32
      %get3A_780 = arith.index_cast %get3A_779 : i32 to index
      %get3A_781 = arith.constant 48 : index
      %get3A_782 = tpu.vector_load %arg7[%get3A_780, %get3A_781] {strides = array<i32>} : memref<16x128xf32, #tpu.memory_space<vmem>>, vector<1x16xf32>,
      %get3A_783 = vector.shape_cast %get3A_782 : vector<1x16xf32> to vector<16xf32>
      %mul3A_784 = arith.constant 14.2857141 : f32
      %mul3A_785 = vector.broadcast %mul3A_784 : f32 to vector<16xf32>
      %mul3A_786 = arith.mulf %get3A_783, %mul3A_785 : vector<16xf32>
      %exp3A_787 = math.exp %mul3A_786 : vector<16xf32>
      %add3A_788 = arith.addf %add3A_772, %exp3A_787 : vector<16xf32>
      %swap3A_789 = arith.constant 3 : i32
      %swap3A_790 = arith.index_cast %swap3A_789 : i32 to index
      %swap3A_791 = arith.constant 48 : index
      %swap3A_792 = tpu.vector_load %arg8[%swap3A_790, %swap3A_791] {strides = array<i32>} : memref<16x128xf32, #tpu.memory_space<vmem>>, vector<1x16xf32>,
      %swap3A_793 = vector.shape_cast %swap3A_792 : vector<1x16xf32> to vector<16xf32>
      %swap3A_794 = vector.shape_cast %exp3A_787 : vector<16xf32> to vector<1x16xf32>
      tpu.vector_store %arg8[%swap3A_790, %swap3A_791], %swap3A_794 {strides = array<i32>} : memref<16x128xf32, #tpu.memory_space<vmem>>, vector<1x16xf32>,
      %get3A_795 = arith.constant 3 : i32
      %get3A_796 = arith.index_cast %get3A_795 : i32 to index
      %get3A_797 = arith.constant 64 : index
      %get3A_798 = tpu.vector_load %arg7[%get3A_796, %get3A_797] {strides = array<i32>} : memref<16x128xf32, #tpu.memory_space<vmem>>, vector<1x16xf32>,
      %get3A_799 = vector.shape_cast %get3A_798 : vector<1x16xf32> to vector<16xf32>
      %mul3A_800 = arith.constant 14.2857141 : f32
      %mul3A_801 = vector.broadcast %mul3A_800 : f32 to vector<16xf32>
      %mul3A_802 = arith.mulf %get3A_799, %mul3A_801 : vector<16xf32>
      %exp3A_803 = math.exp %mul3A_802 : vector<16xf32>
      %add3A_804 = arith.addf %add3A_788, %exp3A_803 : vector<16xf32>
      %swap3A_805 = arith.constant 3 : i32
      %swap3A_806 = arith.index_cast %swap3A_805 : i32 to index
      %swap3A_807 = arith.constant 64 : index
      %swap3A_808 = tpu.vector_load %arg8[%swap3A_806, %swap3A_807] {strides = array<i32>} : memref<16x128xf32, #tpu.memory_space<vmem>>, vector<1x16xf32>,
      %swap3A_809 = vector.shape_cast %swap3A_808 : vector<1x16xf32> to vector<16xf32>
      %swap3A_810 = vector.shape_cast %exp3A_803 : vector<16xf32> to vector<1x16xf32>
      tpu.vector_store %arg8[%swap3A_806, %swap3A_807], %swap3A_810 {strides = array<i32>} : memref<16x128xf32, #tpu.memory_space<vmem>>, vector<1x16xf32>,
      %get3A_811 = arith.constant 3 : i32
      %get3A_812 = arith.index_cast %get3A_811 : i32 to index
      %get3A_813 = arith.constant 80 : index
      %get3A_814 = tpu.vector_load %arg7[%get3A_812, %get3A_813] {strides = array<i32>} : memref<16x128xf32, #tpu.memory_space<vmem>>, vector<1x16xf32>,
      %get3A_815 = vector.shape_cast %get3A_814 : vector<1x16xf32> to vector<16xf32>
      %mul3A_816 = arith.constant 14.2857141 : f32
      %mul3A_817 = vector.broadcast %mul3A_816 : f32 to vector<16xf32>
      %mul3A_818 = arith.mulf %get3A_815, %mul3A_817 : vector<16xf32>
      %exp3A_819 = math.exp %mul3A_818 : vector<16xf32>
      %add3A_820 = arith.addf %add3A_804, %exp3A_819 : vector<16xf32>
      %swap3A_821 = arith.constant 3 : i32
      %swap3A_822 = arith.index_cast %swap3A_821 : i32 to index
      %swap3A_823 = arith.constant 80 : index
      %swap3A_824 = tpu.vector_load %arg8[%swap3A_822, %swap3A_823] {strides = array<i32>} : memref<16x128xf32, #tpu.memory_space<vmem>>, vector<1x16xf32>,
      %swap3A_825 = vector.shape_cast %swap3A_824 : vector<1x16xf32> to vector<16xf32>
      %swap3A_826 = vector.shape_cast %exp3A_819 : vector<16xf32> to vector<1x16xf32>
      tpu.vector_store %arg8[%swap3A_822, %swap3A_823], %swap3A_826 {strides = array<i32>} : memref<16x128xf32, #tpu.memory_space<vmem>>, vector<1x16xf32>,
      %get3A_827 = arith.constant 3 : i32
      %get3A_828 = arith.index_cast %get3A_827 : i32 to index
      %get3A_829 = arith.constant 96 : index
      %get3A_830 = tpu.vector_load %arg7[%get3A_828, %get3A_829] {strides = array<i32>} : memref<16x128xf32, #tpu.memory_space<vmem>>, vector<1x16xf32>,
      %get3A_831 = vector.shape_cast %get3A_830 : vector<1x16xf32> to vector<16xf32>
      %mul3A_832 = arith.constant 14.2857141 : f32
      %mul3A_833 = vector.broadcast %mul3A_832 : f32 to vector<16xf32>
      %mul3A_834 = arith.mulf %get3A_831, %mul3A_833 : vector<16xf32>
      %exp3A_835 = math.exp %mul3A_834 : vector<16xf32>
      %add3A_836 = arith.addf %add3A_820, %exp3A_835 : vector<16xf32>
      %swap3A_837 = arith.constant 3 : i32
      %swap3A_838 = arith.index_cast %swap3A_837 : i32 to index
      %swap3A_839 = arith.constant 96 : index
      %swap3A_840 = tpu.vector_load %arg8[%swap3A_838, %swap3A_839] {strides = array<i32>} : memref<16x128xf32, #tpu.memory_space<vmem>>, vector<1x16xf32>,
      %swap3A_841 = vector.shape_cast %swap3A_840 : vector<1x16xf32> to vector<16xf32>
      %swap3A_842 = vector.shape_cast %exp3A_835 : vector<16xf32> to vector<1x16xf32>
      tpu.vector_store %arg8[%swap3A_838, %swap3A_839], %swap3A_842 {strides = array<i32>} : memref<16x128xf32, #tpu.memory_space<vmem>>, vector<1x16xf32>,
      %get3A_843 = arith.constant 3 : i32
      %get3A_844 = arith.index_cast %get3A_843 : i32 to index
      %get3A_845 = arith.constant 112 : index
      %get3A_846 = tpu.vector_load %arg7[%get3A_844, %get3A_845] {strides = array<i32>} : memref<16x128xf32, #tpu.memory_space<vmem>>, vector<1x16xf32>,
      %get3A_847 = vector.shape_cast %get3A_846 : vector<1x16xf32> to vector<16xf32>
      %mul3A_848 = arith.constant 14.2857141 : f32
      %mul3A_849 = vector.broadcast %mul3A_848 : f32 to vector<16xf32>
      %mul3A_850 = arith.mulf %get3A_847, %mul3A_849 : vector<16xf32>
      %exp3A_851 = math.exp %mul3A_850 : vector<16xf32>
      %add3A_852 = arith.addf %add3A_836, %exp3A_851 : vector<16xf32>
      %swap3A_853 = arith.constant 3 : i32
      %swap3A_854 = arith.index_cast %swap3A_853 : i32 to index
      %swap3A_855 = arith.constant 112 : index
      %swap3A_856 = tpu.vector_load %arg8[%swap3A_854, %swap3A_855] {strides = array<i32>} : memref<16x128xf32, #tpu.memory_space<vmem>>, vector<1x16xf32>,
      %swap3A_857 = vector.shape_cast %swap3A_856 : vector<1x16xf32> to vector<16xf32>
      %swap3A_858 = vector.shape_cast %exp3A_851 : vector<16xf32> to vector<1x16xf32>
      tpu.vector_store %arg8[%swap3A_854, %swap3A_855], %swap3A_858 {strides = array<i32>} : memref<16x128xf32, #tpu.memory_space<vmem>>, vector<1x16xf32>,
      %get3A_859 = arith.constant 4 : i32
      %get3A_860 = arith.index_cast %get3A_859 : i32 to index
      %get3A_861 = arith.constant 0 : index
      %get3A_862 = tpu.vector_load %arg7[%get3A_860, %get3A_861] {strides = array<i32>} : memref<16x128xf32, #tpu.memory_space<vmem>>, vector<1x16xf32>,
      %get3A_863 = vector.shape_cast %get3A_862 : vector<1x16xf32> to vector<16xf32>
      %mul3A_864 = arith.constant 14.2857141 : f32
      %mul3A_865 = vector.broadcast %mul3A_864 : f32 to vector<16xf32>
      %mul3A_866 = arith.mulf %get3A_863, %mul3A_865 : vector<16xf32>
      %exp3A_867 = math.exp %mul3A_866 : vector<16xf32>
      %add3A_868 = arith.addf %add3A_852, %exp3A_867 : vector<16xf32>
      %swap3A_869 = arith.constant 4 : i32
      %swap3A_870 = arith.index_cast %swap3A_869 : i32 to index
      %swap3A_871 = arith.constant 0 : index
      %swap3A_872 = tpu.vector_load %arg8[%swap3A_870, %swap3A_871] {strides = array<i32>} : memref<16x128xf32, #tpu.memory_space<vmem>>, vector<1x16xf32>,
      %swap3A_873 = vector.shape_cast %swap3A_872 : vector<1x16xf32> to vector<16xf32>
      %swap3A_874 = vector.shape_cast %exp3A_867 : vector<16xf32> to vector<1x16xf32>
      tpu.vector_store %arg8[%swap3A_870, %swap3A_871], %swap3A_874 {strides = array<i32>} : memref<16x128xf32, #tpu.memory_space<vmem>>, vector<1x16xf32>,
      %get3A_875 = arith.constant 4 : i32
      %get3A_876 = arith.index_cast %get3A_875 : i32 to index
      %get3A_877 = arith.constant 16 : index
      %get3A_878 = tpu.vector_load %arg7[%get3A_876, %get3A_877] {strides = array<i32>} : memref<16x128xf32, #tpu.memory_space<vmem>>, vector<1x16xf32>,
      %get3A_879 = vector.shape_cast %get3A_878 : vector<1x16xf32> to vector<16xf32>
      %mul3A_880 = arith.constant 14.2857141 : f32
      %mul3A_881 = vector.broadcast %mul3A_880 : f32 to vector<16xf32>
      %mul3A_882 = arith.mulf %get3A_879, %mul3A_881 : vector<16xf32>
      %exp3A_883 = math.exp %mul3A_882 : vector<16xf32>
      %add3A_884 = arith.addf %add3A_868, %exp3A_883 : vector<16xf32>
      %swap3A_885 = arith.constant 4 : i32
      %swap3A_886 = arith.index_cast %swap3A_885 : i32 to index
      %swap3A_887 = arith.constant 16 : index
      %swap3A_888 = tpu.vector_load %arg8[%swap3A_886, %swap3A_887] {strides = array<i32>} : memref<16x128xf32, #tpu.memory_space<vmem>>, vector<1x16xf32>,
      %swap3A_889 = vector.shape_cast %swap3A_888 : vector<1x16xf32> to vector<16xf32>
      %swap3A_890 = vector.shape_cast %exp3A_883 : vector<16xf32> to vector<1x16xf32>
      tpu.vector_store %arg8[%swap3A_886, %swap3A_887], %swap3A_890 {strides = array<i32>} : memref<16x128xf32, #tpu.memory_space<vmem>>, vector<1x16xf32>,
      %get3A_891 = arith.constant 4 : i32
      %get3A_892 = arith.index_cast %get3A_891 : i32 to index
      %get3A_893 = arith.constant 32 : index
      %get3A_894 = tpu.vector_load %arg7[%get3A_892, %get3A_893] {strides = array<i32>} : memref<16x128xf32, #tpu.memory_space<vmem>>, vector<1x16xf32>,
      %get3A_895 = vector.shape_cast %get3A_894 : vector<1x16xf32> to vector<16xf32>
      %mul3A_896 = arith.constant 14.2857141 : f32
      %mul3A_897 = vector.broadcast %mul3A_896 : f32 to vector<16xf32>
      %mul3A_898 = arith.mulf %get3A_895, %mul3A_897 : vector<16xf32>
      %exp3A_899 = math.exp %mul3A_898 : vector<16xf32>
      %add3A_900 = arith.addf %add3A_884, %exp3A_899 : vector<16xf32>
      %swap3A_901 = arith.constant 4 : i32
      %swap3A_902 = arith.index_cast %swap3A_901 : i32 to index
      %swap3A_903 = arith.constant 32 : index
      %swap3A_904 = tpu.vector_load %arg8[%swap3A_902, %swap3A_903] {strides = array<i32>} : memref<16x128xf32, #tpu.memory_space<vmem>>, vector<1x16xf32>,
      %swap3A_905 = vector.shape_cast %swap3A_904 : vector<1x16xf32> to vector<16xf32>
      %swap3A_906 = vector.shape_cast %exp3A_899 : vector<16xf32> to vector<1x16xf32>
      tpu.vector_store %arg8[%swap3A_902, %swap3A_903], %swap3A_906 {strides = array<i32>} : memref<16x128xf32, #tpu.memory_space<vmem>>, vector<1x16xf32>,
      %get3A_907 = arith.constant 4 : i32
      %get3A_908 = arith.index_cast %get3A_907 : i32 to index
      %get3A_909 = arith.constant 48 : index
      %get3A_910 = tpu.vector_load %arg7[%get3A_908, %get3A_909] {strides = array<i32>} : memref<16x128xf32, #tpu.memory_space<vmem>>, vector<1x16xf32>,
      %get3A_911 = vector.shape_cast %get3A_910 : vector<1x16xf32> to vector<16xf32>
      %mul3A_912 = arith.constant 14.2857141 : f32
      %mul3A_913 = vector.broadcast %mul3A_912 : f32 to vector<16xf32>
      %mul3A_914 = arith.mulf %get3A_911, %mul3A_913 : vector<16xf32>
      %exp3A_915 = math.exp %mul3A_914 : vector<16xf32>
      %add3A_916 = arith.addf %add3A_900, %exp3A_915 : vector<16xf32>
      %swap3A_917 = arith.constant 4 : i32
      %swap3A_918 = arith.index_cast %swap3A_917 : i32 to index
      %swap3A_919 = arith.constant 48 : index
      %swap3A_920 = tpu.vector_load %arg8[%swap3A_918, %swap3A_919] {strides = array<i32>} : memref<16x128xf32, #tpu.memory_space<vmem>>, vector<1x16xf32>,
      %swap3A_921 = vector.shape_cast %swap3A_920 : vector<1x16xf32> to vector<16xf32>
      %swap3A_922 = vector.shape_cast %exp3A_915 : vector<16xf32> to vector<1x16xf32>
      tpu.vector_store %arg8[%swap3A_918, %swap3A_919], %swap3A_922 {strides = array<i32>} : memref<16x128xf32, #tpu.memory_space<vmem>>, vector<1x16xf32>,
      %get3A_923 = arith.constant 4 : i32
      %get3A_924 = arith.index_cast %get3A_923 : i32 to index
      %get3A_925 = arith.constant 64 : index
      %get3A_926 = tpu.vector_load %arg7[%get3A_924, %get3A_925] {strides = array<i32>} : memref<16x128xf32, #tpu.memory_space<vmem>>, vector<1x16xf32>,
      %get3A_927 = vector.shape_cast %get3A_926 : vector<1x16xf32> to vector<16xf32>
      %mul3A_928 = arith.constant 14.2857141 : f32
      %mul3A_929 = vector.broadcast %mul3A_928 : f32 to vector<16xf32>
      %mul3A_930 = arith.mulf %get3A_927, %mul3A_929 : vector<16xf32>
      %exp3A_931 = math.exp %mul3A_930 : vector<16xf32>
      %add3A_932 = arith.addf %add3A_916, %exp3A_931 : vector<16xf32>
      %swap3A_933 = arith.constant 4 : i32
      %swap3A_934 = arith.index_cast %swap3A_933 : i32 to index
      %swap3A_935 = arith.constant 64 : index
      %swap3A_936 = tpu.vector_load %arg8[%swap3A_934, %swap3A_935] {strides = array<i32>} : memref<16x128xf32, #tpu.memory_space<vmem>>, vector<1x16xf32>,
      %swap3A_937 = vector.shape_cast %swap3A_936 : vector<1x16xf32> to vector<16xf32>
      %swap3A_938 = vector.shape_cast %exp3A_931 : vector<16xf32> to vector<1x16xf32>
      tpu.vector_store %arg8[%swap3A_934, %swap3A_935], %swap3A_938 {strides = array<i32>} : memref<16x128xf32, #tpu.memory_space<vmem>>, vector<1x16xf32>,
      %get3A_939 = arith.constant 4 : i32
      %get3A_940 = arith.index_cast %get3A_939 : i32 to index
      %get3A_941 = arith.constant 80 : index
      %get3A_942 = tpu.vector_load %arg7[%get3A_940, %get3A_941] {strides = array<i32>} : memref<16x128xf32, #tpu.memory_space<vmem>>, vector<1x16xf32>,
      %get3A_943 = vector.shape_cast %get3A_942 : vector<1x16xf32> to vector<16xf32>
      %mul3A_944 = arith.constant 14.2857141 : f32
      %mul3A_945 = vector.broadcast %mul3A_944 : f32 to vector<16xf32>
      %mul3A_946 = arith.mulf %get3A_943, %mul3A_945 : vector<16xf32>
      %exp3A_947 = math.exp %mul3A_946 : vector<16xf32>
      %add3A_948 = arith.addf %add3A_932, %exp3A_947 : vector<16xf32>
      %swap3A_949 = arith.constant 4 : i32
      %swap3A_950 = arith.index_cast %swap3A_949 : i32 to index
      %swap3A_951 = arith.constant 80 : index
      %swap3A_952 = tpu.vector_load %arg8[%swap3A_950, %swap3A_951] {strides = array<i32>} : memref<16x128xf32, #tpu.memory_space<vmem>>, vector<1x16xf32>,
      %swap3A_953 = vector.shape_cast %swap3A_952 : vector<1x16xf32> to vector<16xf32>
      %swap3A_954 = vector.shape_cast %exp3A_947 : vector<16xf32> to vector<1x16xf32>
      tpu.vector_store %arg8[%swap3A_950, %swap3A_951], %swap3A_954 {strides = array<i32>} : memref<16x128xf32, #tpu.memory_space<vmem>>, vector<1x16xf32>,
      %get3A_955 = arith.constant 4 : i32
      %get3A_956 = arith.index_cast %get3A_955 : i32 to index
      %get3A_957 = arith.constant 96 : index
      %get3A_958 = tpu.vector_load %arg7[%get3A_956, %get3A_957] {strides = array<i32>} : memref<16x128xf32, #tpu.memory_space<vmem>>, vector<1x16xf32>,
      %get3A_959 = vector.shape_cast %get3A_958 : vector<1x16xf32> to vector<16xf32>
      %mul3A_960 = arith.constant 14.2857141 : f32
      %mul3A_961 = vector.broadcast %mul3A_960 : f32 to vector<16xf32>
      %mul3A_962 = arith.mulf %get3A_959, %mul3A_961 : vector<16xf32>
      %exp3A_963 = math.exp %mul3A_962 : vector<16xf32>
      %add3A_964 = arith.addf %add3A_948, %exp3A_963 : vector<16xf32>
      %swap3A_965 = arith.constant 4 : i32
      %swap3A_966 = arith.index_cast %swap3A_965 : i32 to index
      %swap3A_967 = arith.constant 96 : index
      %swap3A_968 = tpu.vector_load %arg8[%swap3A_966, %swap3A_967] {strides = array<i32>} : memref<16x128xf32, #tpu.memory_space<vmem>>, vector<1x16xf32>,
      %swap3A_969 = vector.shape_cast %swap3A_968 : vector<1x16xf32> to vector<16xf32>
      %swap3A_970 = vector.shape_cast %exp3A_963 : vector<16xf32> to vector<1x16xf32>
      tpu.vector_store %arg8[%swap3A_966, %swap3A_967], %swap3A_970 {strides = array<i32>} : memref<16x128xf32, #tpu.memory_space<vmem>>, vector<1x16xf32>,
      %get3A_971 = arith.constant 4 : i32
      %get3A_972 = arith.index_cast %get3A_971 : i32 to index
      %get3A_973 = arith.constant 112 : index
      %get3A_974 = tpu.vector_load %arg7[%get3A_972, %get3A_973] {strides = array<i32>} : memref<16x128xf32, #tpu.memory_space<vmem>>, vector<1x16xf32>,
      %get3A_975 = vector.shape_cast %get3A_974 : vector<1x16xf32> to vector<16xf32>
      %mul3A_976 = arith.constant 14.2857141 : f32
      %mul3A_977 = vector.broadcast %mul3A_976 : f32 to vector<16xf32>
      %mul3A_978 = arith.mulf %get3A_975, %mul3A_977 : vector<16xf32>
      %exp3A_979 = math.exp %mul3A_978 : vector<16xf32>
      %add3A_980 = arith.addf %add3A_964, %exp3A_979 : vector<16xf32>
      %swap3A_981 = arith.constant 4 : i32
      %swap3A_982 = arith.index_cast %swap3A_981 : i32 to index
      %swap3A_983 = arith.constant 112 : index
      %swap3A_984 = tpu.vector_load %arg8[%swap3A_982, %swap3A_983] {strides = array<i32>} : memref<16x128xf32, #tpu.memory_space<vmem>>, vector<1x16xf32>,
      %swap3A_985 = vector.shape_cast %swap3A_984 : vector<1x16xf32> to vector<16xf32>
      %swap3A_986 = vector.shape_cast %exp3A_979 : vector<16xf32> to vector<1x16xf32>
      tpu.vector_store %arg8[%swap3A_982, %swap3A_983], %swap3A_986 {strides = array<i32>} : memref<16x128xf32, #tpu.memory_space<vmem>>, vector<1x16xf32>,
      %get3A_987 = arith.constant 5 : i32
      %get3A_988 = arith.index_cast %get3A_987 : i32 to index
      %get3A_989 = arith.constant 0 : index
      %get3A_990 = tpu.vector_load %arg7[%get3A_988, %get3A_989] {strides = array<i32>} : memref<16x128xf32, #tpu.memory_space<vmem>>, vector<1x16xf32>,
      %get3A_991 = vector.shape_cast %get3A_990 : vector<1x16xf32> to vector<16xf32>
      %mul3A_992 = arith.constant 14.2857141 : f32
      %mul3A_993 = vector.broadcast %mul3A_992 : f32 to vector<16xf32>
      %mul3A_994 = arith.mulf %get3A_991, %mul3A_993 : vector<16xf32>
      %exp3A_995 = math.exp %mul3A_994 : vector<16xf32>
      %add3A_996 = arith.addf %add3A_980, %exp3A_995 : vector<16xf32>
      %swap3A_997 = arith.constant 5 : i32
      %swap3A_998 = arith.index_cast %swap3A_997 : i32 to index
      %swap3A_999 = arith.constant 0 : index
      %swap3A_1000 = tpu.vector_load %arg8[%swap3A_998, %swap3A_999] {strides = array<i32>} : memref<16x128xf32, #tpu.memory_space<vmem>>, vector<1x16xf32>,
      %swap3A_1001 = vector.shape_cast %swap3A_1000 : vector<1x16xf32> to vector<16xf32>
      %swap3A_1002 = vector.shape_cast %exp3A_995 : vector<16xf32> to vector<1x16xf32>
      tpu.vector_store %arg8[%swap3A_998, %swap3A_999], %swap3A_1002 {strides = array<i32>} : memref<16x128xf32, #tpu.memory_space<vmem>>, vector<1x16xf32>,
      %get3A_1003 = arith.constant 5 : i32
      %get3A_1004 = arith.index_cast %get3A_1003 : i32 to index
      %get3A_1005 = arith.constant 16 : index
      %get3A_1006 = tpu.vector_load %arg7[%get3A_1004, %get3A_1005] {strides = array<i32>} : memref<16x128xf32, #tpu.memory_space<vmem>>, vector<1x16xf32>,
      %get3A_1007 = vector.shape_cast %get3A_1006 : vector<1x16xf32> to vector<16xf32>
      %mul3A_1008 = arith.constant 14.2857141 : f32
      %mul3A_1009 = vector.broadcast %mul3A_1008 : f32 to vector<16xf32>
      %mul3A_1010 = arith.mulf %get3A_1007, %mul3A_1009 : vector<16xf32>
      %exp3A_1011 = math.exp %mul3A_1010 : vector<16xf32>
      %add3A_1012 = arith.addf %add3A_996, %exp3A_1011 : vector<16xf32>
      %swap3A_1013 = arith.constant 5 : i32
      %swap3A_1014 = arith.index_cast %swap3A_1013 : i32 to index
      %swap3A_1015 = arith.constant 16 : index
      %swap3A_1016 = tpu.vector_load %arg8[%swap3A_1014, %swap3A_1015] {strides = array<i32>} : memref<16x128xf32, #tpu.memory_space<vmem>>, vector<1x16xf32>,
      %swap3A_1017 = vector.shape_cast %swap3A_1016 : vector<1x16xf32> to vector<16xf32>
      %swap3A_1018 = vector.shape_cast %exp3A_1011 : vector<16xf32> to vector<1x16xf32>
      tpu.vector_store %arg8[%swap3A_1014, %swap3A_1015], %swap3A_1018 {strides = array<i32>} : memref<16x128xf32, #tpu.memory_space<vmem>>, vector<1x16xf32>,
      %get3A_1019 = arith.constant 5 : i32
      %get3A_1020 = arith.index_cast %get3A_1019 : i32 to index
      %get3A_1021 = arith.constant 32 : index
      %get3A_1022 = tpu.vector_load %arg7[%get3A_1020, %get3A_1021] {strides = array<i32>} : memref<16x128xf32, #tpu.memory_space<vmem>>, vector<1x16xf32>,
      %get3A_1023 = vector.shape_cast %get3A_1022 : vector<1x16xf32> to vector<16xf32>
      %mul3A_1024 = arith.constant 14.2857141 : f32
      %mul3A_1025 = vector.broadcast %mul3A_1024 : f32 to vector<16xf32>
      %mul3A_1026 = arith.mulf %get3A_1023, %mul3A_1025 : vector<16xf32>
      %exp3A_1027 = math.exp %mul3A_1026 : vector<16xf32>
      %add3A_1028 = arith.addf %add3A_1012, %exp3A_1027 : vector<16xf32>
      %swap3A_1029 = arith.constant 5 : i32
      %swap3A_1030 = arith.index_cast %swap3A_1029 : i32 to index
      %swap3A_1031 = arith.constant 32 : index
      %swap3A_1032 = tpu.vector_load %arg8[%swap3A_1030, %swap3A_1031] {strides = array<i32>} : memref<16x128xf32, #tpu.memory_space<vmem>>, vector<1x16xf32>,
      %swap3A_1033 = vector.shape_cast %swap3A_1032 : vector<1x16xf32> to vector<16xf32>
      %swap3A_1034 = vector.shape_cast %exp3A_1027 : vector<16xf32> to vector<1x16xf32>
      tpu.vector_store %arg8[%swap3A_1030, %swap3A_1031], %swap3A_1034 {strides = array<i32>} : memref<16x128xf32, #tpu.memory_space<vmem>>, vector<1x16xf32>,
      %get3A_1035 = arith.constant 5 : i32
      %get3A_1036 = arith.index_cast %get3A_1035 : i32 to index
      %get3A_1037 = arith.constant 48 : index
      %get3A_1038 = tpu.vector_load %arg7[%get3A_1036, %get3A_1037] {strides = array<i32>} : memref<16x128xf32, #tpu.memory_space<vmem>>, vector<1x16xf32>,
      %get3A_1039 = vector.shape_cast %get3A_1038 : vector<1x16xf32> to vector<16xf32>
      %mul3A_1040 = arith.constant 14.2857141 : f32
      %mul3A_1041 = vector.broadcast %mul3A_1040 : f32 to vector<16xf32>
      %mul3A_1042 = arith.mulf %get3A_1039, %mul3A_1041 : vector<16xf32>
      %exp3A_1043 = math.exp %mul3A_1042 : vector<16xf32>
      %add3A_1044 = arith.addf %add3A_1028, %exp3A_1043 : vector<16xf32>
      %swap3A_1045 = arith.constant 5 : i32
      %swap3A_1046 = arith.index_cast %swap3A_1045 : i32 to index
      %swap3A_1047 = arith.constant 48 : index
      %swap3A_1048 = tpu.vector_load %arg8[%swap3A_1046, %swap3A_1047] {strides = array<i32>} : memref<16x128xf32, #tpu.memory_space<vmem>>, vector<1x16xf32>,
      %swap3A_1049 = vector.shape_cast %swap3A_1048 : vector<1x16xf32> to vector<16xf32>
      %swap3A_1050 = vector.shape_cast %exp3A_1043 : vector<16xf32> to vector<1x16xf32>
      tpu.vector_store %arg8[%swap3A_1046, %swap3A_1047], %swap3A_1050 {strides = array<i32>} : memref<16x128xf32, #tpu.memory_space<vmem>>, vector<1x16xf32>,
      %get3A_1051 = arith.constant 5 : i32
      %get3A_1052 = arith.index_cast %get3A_1051 : i32 to index
      %get3A_1053 = arith.constant 64 : index
      %get3A_1054 = tpu.vector_load %arg7[%get3A_1052, %get3A_1053] {strides = array<i32>} : memref<16x128xf32, #tpu.memory_space<vmem>>, vector<1x16xf32>,
      %get3A_1055 = vector.shape_cast %get3A_1054 : vector<1x16xf32> to vector<16xf32>
      %mul3A_1056 = arith.constant 14.2857141 : f32
      %mul3A_1057 = vector.broadcast %mul3A_1056 : f32 to vector<16xf32>
      %mul3A_1058 = arith.mulf %get3A_1055, %mul3A_1057 : vector<16xf32>
      %exp3A_1059 = math.exp %mul3A_1058 : vector<16xf32>
      %add3A_1060 = arith.addf %add3A_1044, %exp3A_1059 : vector<16xf32>
      %swap3A_1061 = arith.constant 5 : i32
      %swap3A_1062 = arith.index_cast %swap3A_1061 : i32 to index
      %swap3A_1063 = arith.constant 64 : index
      %swap3A_1064 = tpu.vector_load %arg8[%swap3A_1062, %swap3A_1063] {strides = array<i32>} : memref<16x128xf32, #tpu.memory_space<vmem>>, vector<1x16xf32>,
      %swap3A_1065 = vector.shape_cast %swap3A_1064 : vector<1x16xf32> to vector<16xf32>
      %swap3A_1066 = vector.shape_cast %exp3A_1059 : vector<16xf32> to vector<1x16xf32>
      tpu.vector_store %arg8[%swap3A_1062, %swap3A_1063], %swap3A_1066 {strides = array<i32>} : memref<16x128xf32, #tpu.memory_space<vmem>>, vector<1x16xf32>,
      %get3A_1067 = arith.constant 5 : i32
      %get3A_1068 = arith.index_cast %get3A_1067 : i32 to index
      %get3A_1069 = arith.constant 80 : index
      %get3A_1070 = tpu.vector_load %arg7[%get3A_1068, %get3A_1069] {strides = array<i32>} : memref<16x128xf32, #tpu.memory_space<vmem>>, vector<1x16xf32>,
      %get3A_1071 = vector.shape_cast %get3A_1070 : vector<1x16xf32> to vector<16xf32>
      %mul3A_1072 = arith.constant 14.2857141 : f32
      %mul3A_1073 = vector.broadcast %mul3A_1072 : f32 to vector<16xf32>
      %mul3A_1074 = arith.mulf %get3A_1071, %mul3A_1073 : vector<16xf32>
      %exp3A_1075 = math.exp %mul3A_1074 : vector<16xf32>
      %add3A_1076 = arith.addf %add3A_1060, %exp3A_1075 : vector<16xf32>
      %swap3A_1077 = arith.constant 5 : i32
      %swap3A_1078 = arith.index_cast %swap3A_1077 : i32 to index
      %swap3A_1079 = arith.constant 80 : index
      %swap3A_1080 = tpu.vector_load %arg8[%swap3A_1078, %swap3A_1079] {strides = array<i32>} : memref<16x128xf32, #tpu.memory_space<vmem>>, vector<1x16xf32>,
      %swap3A_1081 = vector.shape_cast %swap3A_1080 : vector<1x16xf32> to vector<16xf32>
      %swap3A_1082 = vector.shape_cast %exp3A_1075 : vector<16xf32> to vector<1x16xf32>
      tpu.vector_store %arg8[%swap3A_1078, %swap3A_1079], %swap3A_1082 {strides = array<i32>} : memref<16x128xf32, #tpu.memory_space<vmem>>, vector<1x16xf32>,
      %get3A_1083 = arith.constant 5 : i32
      %get3A_1084 = arith.index_cast %get3A_1083 : i32 to index
      %get3A_1085 = arith.constant 96 : index
      %get3A_1086 = tpu.vector_load %arg7[%get3A_1084, %get3A_1085] {strides = array<i32>} : memref<16x128xf32, #tpu.memory_space<vmem>>, vector<1x16xf32>,
      %get3A_1087 = vector.shape_cast %get3A_1086 : vector<1x16xf32> to vector<16xf32>
      %mul3A_1088 = arith.constant 14.2857141 : f32
      %mul3A_1089 = vector.broadcast %mul3A_1088 : f32 to vector<16xf32>
      %mul3A_1090 = arith.mulf %get3A_1087, %mul3A_1089 : vector<16xf32>
      %exp3A_1091 = math.exp %mul3A_1090 : vector<16xf32>
      %add3A_1092 = arith.addf %add3A_1076, %exp3A_1091 : vector<16xf32>
      %swap3A_1093 = arith.constant 5 : i32
      %swap3A_1094 = arith.index_cast %swap3A_1093 : i32 to index
      %swap3A_1095 = arith.constant 96 : index
      %swap3A_1096 = tpu.vector_load %arg8[%swap3A_1094, %swap3A_1095] {strides = array<i32>} : memref<16x128xf32, #tpu.memory_space<vmem>>, vector<1x16xf32>,
      %swap3A_1097 = vector.shape_cast %swap3A_1096 : vector<1x16xf32> to vector<16xf32>
      %swap3A_1098 = vector.shape_cast %exp3A_1091 : vector<16xf32> to vector<1x16xf32>
      tpu.vector_store %arg8[%swap3A_1094, %swap3A_1095], %swap3A_1098 {strides = array<i32>} : memref<16x128xf32, #tpu.memory_space<vmem>>, vector<1x16xf32>,
      %get3A_1099 = arith.constant 5 : i32
      %get3A_1100 = arith.index_cast %get3A_1099 : i32 to index
      %get3A_1101 = arith.constant 112 : index
      %get3A_1102 = tpu.vector_load %arg7[%get3A_1100, %get3A_1101] {strides = array<i32>} : memref<16x128xf32, #tpu.memory_space<vmem>>, vector<1x16xf32>,
      %get3A_1103 = vector.shape_cast %get3A_1102 : vector<1x16xf32> to vector<16xf32>
      %mul3A_1104 = arith.constant 14.2857141 : f32
      %mul3A_1105 = vector.broadcast %mul3A_1104 : f32 to vector<16xf32>
      %mul3A_1106 = arith.mulf %get3A_1103, %mul3A_1105 : vector<16xf32>
      %exp3A_1107 = math.exp %mul3A_1106 : vector<16xf32>
      %add3A_1108 = arith.addf %add3A_1092, %exp3A_1107 : vector<16xf32>
      %swap3A_1109 = arith.constant 5 : i32
      %swap3A_1110 = arith.index_cast %swap3A_1109 : i32 to index
      %swap3A_1111 = arith.constant 112 : index
      %swap3A_1112 = tpu.vector_load %arg8[%swap3A_1110, %swap3A_1111] {strides = array<i32>} : memref<16x128xf32, #tpu.memory_space<vmem>>, vector<1x16xf32>,
      %swap3A_1113 = vector.shape_cast %swap3A_1112 : vector<1x16xf32> to vector<16xf32>
      %swap3A_1114 = vector.shape_cast %exp3A_1107 : vector<16xf32> to vector<1x16xf32>
      tpu.vector_store %arg8[%swap3A_1110, %swap3A_1111], %swap3A_1114 {strides = array<i32>} : memref<16x128xf32, #tpu.memory_space<vmem>>, vector<1x16xf32>,
      %get3A_1115 = arith.constant 6 : i32
      %get3A_1116 = arith.index_cast %get3A_1115 : i32 to index
      %get3A_1117 = arith.constant 0 : index
      %get3A_1118 = tpu.vector_load %arg7[%get3A_1116, %get3A_1117] {strides = array<i32>} : memref<16x128xf32, #tpu.memory_space<vmem>>, vector<1x16xf32>,
      %get3A_1119 = vector.shape_cast %get3A_1118 : vector<1x16xf32> to vector<16xf32>
      %mul3A_1120 = arith.constant 14.2857141 : f32
      %mul3A_1121 = vector.broadcast %mul3A_1120 : f32 to vector<16xf32>
      %mul3A_1122 = arith.mulf %get3A_1119, %mul3A_1121 : vector<16xf32>
      %exp3A_1123 = math.exp %mul3A_1122 : vector<16xf32>
      %add3A_1124 = arith.addf %add3A_1108, %exp3A_1123 : vector<16xf32>
      %swap3A_1125 = arith.constant 6 : i32
      %swap3A_1126 = arith.index_cast %swap3A_1125 : i32 to index
      %swap3A_1127 = arith.constant 0 : index
      %swap3A_1128 = tpu.vector_load %arg8[%swap3A_1126, %swap3A_1127] {strides = array<i32>} : memref<16x128xf32, #tpu.memory_space<vmem>>, vector<1x16xf32>,
      %swap3A_1129 = vector.shape_cast %swap3A_1128 : vector<1x16xf32> to vector<16xf32>
      %swap3A_1130 = vector.shape_cast %exp3A_1123 : vector<16xf32> to vector<1x16xf32>
      tpu.vector_store %arg8[%swap3A_1126, %swap3A_1127], %swap3A_1130 {strides = array<i32>} : memref<16x128xf32, #tpu.memory_space<vmem>>, vector<1x16xf32>,
      %get3A_1131 = arith.constant 6 : i32
      %get3A_1132 = arith.index_cast %get3A_1131 : i32 to index
      %get3A_1133 = arith.constant 16 : index
      %get3A_1134 = tpu.vector_load %arg7[%get3A_1132, %get3A_1133] {strides = array<i32>} : memref<16x128xf32, #tpu.memory_space<vmem>>, vector<1x16xf32>,
      %get3A_1135 = vector.shape_cast %get3A_1134 : vector<1x16xf32> to vector<16xf32>
      %mul3A_1136 = arith.constant 14.2857141 : f32
      %mul3A_1137 = vector.broadcast %mul3A_1136 : f32 to vector<16xf32>
      %mul3A_1138 = arith.mulf %get3A_1135, %mul3A_1137 : vector<16xf32>
      %exp3A_1139 = math.exp %mul3A_1138 : vector<16xf32>
      %add3A_1140 = arith.addf %add3A_1124, %exp3A_1139 : vector<16xf32>
      %swap3A_1141 = arith.constant 6 : i32
      %swap3A_1142 = arith.index_cast %swap3A_1141 : i32 to index
      %swap3A_1143 = arith.constant 16 : index
      %swap3A_1144 = tpu.vector_load %arg8[%swap3A_1142, %swap3A_1143] {strides = array<i32>} : memref<16x128xf32, #tpu.memory_space<vmem>>, vector<1x16xf32>,
      %swap3A_1145 = vector.shape_cast %swap3A_1144 : vector<1x16xf32> to vector<16xf32>
      %swap3A_1146 = vector.shape_cast %exp3A_1139 : vector<16xf32> to vector<1x16xf32>
      tpu.vector_store %arg8[%swap3A_1142, %swap3A_1143], %swap3A_1146 {strides = array<i32>} : memref<16x128xf32, #tpu.memory_space<vmem>>, vector<1x16xf32>,
      %get3A_1147 = arith.constant 6 : i32
      %get3A_1148 = arith.index_cast %get3A_1147 : i32 to index
      %get3A_1149 = arith.constant 32 : index
      %get3A_1150 = tpu.vector_load %arg7[%get3A_1148, %get3A_1149] {strides = array<i32>} : memref<16x128xf32, #tpu.memory_space<vmem>>, vector<1x16xf32>,
      %get3A_1151 = vector.shape_cast %get3A_1150 : vector<1x16xf32> to vector<16xf32>
      %mul3A_1152 = arith.constant 14.2857141 : f32
      %mul3A_1153 = vector.broadcast %mul3A_1152 : f32 to vector<16xf32>
      %mul3A_1154 = arith.mulf %get3A_1151, %mul3A_1153 : vector<16xf32>
      %exp3A_1155 = math.exp %mul3A_1154 : vector<16xf32>
      %add3A_1156 = arith.addf %add3A_1140, %exp3A_1155 : vector<16xf32>
      %swap3A_1157 = arith.constant 6 : i32
      %swap3A_1158 = arith.index_cast %swap3A_1157 : i32 to index
      %swap3A_1159 = arith.constant 32 : index
      %swap3A_1160 = tpu.vector_load %arg8[%swap3A_1158, %swap3A_1159] {strides = array<i32>} : memref<16x128xf32, #tpu.memory_space<vmem>>, vector<1x16xf32>,
      %swap3A_1161 = vector.shape_cast %swap3A_1160 : vector<1x16xf32> to vector<16xf32>
      %swap3A_1162 = vector.shape_cast %exp3A_1155 : vector<16xf32> to vector<1x16xf32>
      tpu.vector_store %arg8[%swap3A_1158, %swap3A_1159], %swap3A_1162 {strides = array<i32>} : memref<16x128xf32, #tpu.memory_space<vmem>>, vector<1x16xf32>,
      %get3A_1163 = arith.constant 6 : i32
      %get3A_1164 = arith.index_cast %get3A_1163 : i32 to index
      %get3A_1165 = arith.constant 48 : index
      %get3A_1166 = tpu.vector_load %arg7[%get3A_1164, %get3A_1165] {strides = array<i32>} : memref<16x128xf32, #tpu.memory_space<vmem>>, vector<1x16xf32>,
      %get3A_1167 = vector.shape_cast %get3A_1166 : vector<1x16xf32> to vector<16xf32>
      %mul3A_1168 = arith.constant 14.2857141 : f32
      %mul3A_1169 = vector.broadcast %mul3A_1168 : f32 to vector<16xf32>
      %mul3A_1170 = arith.mulf %get3A_1167, %mul3A_1169 : vector<16xf32>
      %exp3A_1171 = math.exp %mul3A_1170 : vector<16xf32>
      %add3A_1172 = arith.addf %add3A_1156, %exp3A_1171 : vector<16xf32>
      %swap3A_1173 = arith.constant 6 : i32
      %swap3A_1174 = arith.index_cast %swap3A_1173 : i32 to index
      %swap3A_1175 = arith.constant 48 : index
      %swap3A_1176 = tpu.vector_load %arg8[%swap3A_1174, %swap3A_1175] {strides = array<i32>} : memref<16x128xf32, #tpu.memory_space<vmem>>, vector<1x16xf32>,
      %swap3A_1177 = vector.shape_cast %swap3A_1176 : vector<1x16xf32> to vector<16xf32>
      %swap3A_1178 = vector.shape_cast %exp3A_1171 : vector<16xf32> to vector<1x16xf32>
      tpu.vector_store %arg8[%swap3A_1174, %swap3A_1175], %swap3A_1178 {strides = array<i32>} : memref<16x128xf32, #tpu.memory_space<vmem>>, vector<1x16xf32>,
      %get3A_1179 = arith.constant 6 : i32
      %get3A_1180 = arith.index_cast %get3A_1179 : i32 to index
      %get3A_1181 = arith.constant 64 : index
      %get3A_1182 = tpu.vector_load %arg7[%get3A_1180, %get3A_1181] {strides = array<i32>} : memref<16x128xf32, #tpu.memory_space<vmem>>, vector<1x16xf32>,
      %get3A_1183 = vector.shape_cast %get3A_1182 : vector<1x16xf32> to vector<16xf32>
      %mul3A_1184 = arith.constant 14.2857141 : f32
      %mul3A_1185 = vector.broadcast %mul3A_1184 : f32 to vector<16xf32>
      %mul3A_1186 = arith.mulf %get3A_1183, %mul3A_1185 : vector<16xf32>
      %exp3A_1187 = math.exp %mul3A_1186 : vector<16xf32>
      %add3A_1188 = arith.addf %add3A_1172, %exp3A_1187 : vector<16xf32>
      %swap3A_1189 = arith.constant 6 : i32
      %swap3A_1190 = arith.index_cast %swap3A_1189 : i32 to index
      %swap3A_1191 = arith.constant 64 : index
      %swap3A_1192 = tpu.vector_load %arg8[%swap3A_1190, %swap3A_1191] {strides = array<i32>} : memref<16x128xf32, #tpu.memory_space<vmem>>, vector<1x16xf32>,
      %swap3A_1193 = vector.shape_cast %swap3A_1192 : vector<1x16xf32> to vector<16xf32>
      %swap3A_1194 = vector.shape_cast %exp3A_1187 : vector<16xf32> to vector<1x16xf32>
      tpu.vector_store %arg8[%swap3A_1190, %swap3A_1191], %swap3A_1194 {strides = array<i32>} : memref<16x128xf32, #tpu.memory_space<vmem>>, vector<1x16xf32>,
      %get3A_1195 = arith.constant 6 : i32
      %get3A_1196 = arith.index_cast %get3A_1195 : i32 to index
      %get3A_1197 = arith.constant 80 : index
      %get3A_1198 = tpu.vector_load %arg7[%get3A_1196, %get3A_1197] {strides = array<i32>} : memref<16x128xf32, #tpu.memory_space<vmem>>, vector<1x16xf32>,
      %get3A_1199 = vector.shape_cast %get3A_1198 : vector<1x16xf32> to vector<16xf32>
      %mul3A_1200 = arith.constant 14.2857141 : f32
      %mul3A_1201 = vector.broadcast %mul3A_1200 : f32 to vector<16xf32>
      %mul3A_1202 = arith.mulf %get3A_1199, %mul3A_1201 : vector<16xf32>
      %exp3A_1203 = math.exp %mul3A_1202 : vector<16xf32>
      %add3A_1204 = arith.addf %add3A_1188, %exp3A_1203 : vector<16xf32>
      %swap3A_1205 = arith.constant 6 : i32
      %swap3A_1206 = arith.index_cast %swap3A_1205 : i32 to index
      %swap3A_1207 = arith.constant 80 : index
      %swap3A_1208 = tpu.vector_load %arg8[%swap3A_1206, %swap3A_1207] {strides = array<i32>} : memref<16x128xf32, #tpu.memory_space<vmem>>, vector<1x16xf32>,
      %swap3A_1209 = vector.shape_cast %swap3A_1208 : vector<1x16xf32> to vector<16xf32>
      %swap3A_1210 = vector.shape_cast %exp3A_1203 : vector<16xf32> to vector<1x16xf32>
      tpu.vector_store %arg8[%swap3A_1206, %swap3A_1207], %swap3A_1210 {strides = array<i32>} : memref<16x128xf32, #tpu.memory_space<vmem>>, vector<1x16xf32>,
      %get3A_1211 = arith.constant 6 : i32
      %get3A_1212 = arith.index_cast %get3A_1211 : i32 to index
      %get3A_1213 = arith.constant 96 : index
      %get3A_1214 = tpu.vector_load %arg7[%get3A_1212, %get3A_1213] {strides = array<i32>} : memref<16x128xf32, #tpu.memory_space<vmem>>, vector<1x16xf32>,
      %get3A_1215 = vector.shape_cast %get3A_1214 : vector<1x16xf32> to vector<16xf32>
      %mul3A_1216 = arith.constant 14.2857141 : f32
      %mul3A_1217 = vector.broadcast %mul3A_1216 : f32 to vector<16xf32>
      %mul3A_1218 = arith.mulf %get3A_1215, %mul3A_1217 : vector<16xf32>
      %exp3A_1219 = math.exp %mul3A_1218 : vector<16xf32>
      %add3A_1220 = arith.addf %add3A_1204, %exp3A_1219 : vector<16xf32>
      %swap3A_1221 = arith.constant 6 : i32
      %swap3A_1222 = arith.index_cast %swap3A_1221 : i32 to index
      %swap3A_1223 = arith.constant 96 : index
      %swap3A_1224 = tpu.vector_load %arg8[%swap3A_1222, %swap3A_1223] {strides = array<i32>} : memref<16x128xf32, #tpu.memory_space<vmem>>, vector<1x16xf32>,
      %swap3A_1225 = vector.shape_cast %swap3A_1224 : vector<1x16xf32> to vector<16xf32>
      %swap3A_1226 = vector.shape_cast %exp3A_1219 : vector<16xf32> to vector<1x16xf32>
      tpu.vector_store %arg8[%swap3A_1222, %swap3A_1223], %swap3A_1226 {strides = array<i32>} : memref<16x128xf32, #tpu.memory_space<vmem>>, vector<1x16xf32>,
      %get3A_1227 = arith.constant 6 : i32
      %get3A_1228 = arith.index_cast %get3A_1227 : i32 to index
      %get3A_1229 = arith.constant 112 : index
      %get3A_1230 = tpu.vector_load %arg7[%get3A_1228, %get3A_1229] {strides = array<i32>} : memref<16x128xf32, #tpu.memory_space<vmem>>, vector<1x16xf32>,
      %get3A_1231 = vector.shape_cast %get3A_1230 : vector<1x16xf32> to vector<16xf32>
      %mul3A_1232 = arith.constant 14.2857141 : f32
      %mul3A_1233 = vector.broadcast %mul3A_1232 : f32 to vector<16xf32>
      %mul3A_1234 = arith.mulf %get3A_1231, %mul3A_1233 : vector<16xf32>
      %exp3A_1235 = math.exp %mul3A_1234 : vector<16xf32>
      %add3A_1236 = arith.addf %add3A_1220, %exp3A_1235 : vector<16xf32>
      %swap3A_1237 = arith.constant 6 : i32
      %swap3A_1238 = arith.index_cast %swap3A_1237 : i32 to index
      %swap3A_1239 = arith.constant 112 : index
      %swap3A_1240 = tpu.vector_load %arg8[%swap3A_1238, %swap3A_1239] {strides = array<i32>} : memref<16x128xf32, #tpu.memory_space<vmem>>, vector<1x16xf32>,
      %swap3A_1241 = vector.shape_cast %swap3A_1240 : vector<1x16xf32> to vector<16xf32>
      %swap3A_1242 = vector.shape_cast %exp3A_1235 : vector<16xf32> to vector<1x16xf32>
      tpu.vector_store %arg8[%swap3A_1238, %swap3A_1239], %swap3A_1242 {strides = array<i32>} : memref<16x128xf32, #tpu.memory_space<vmem>>, vector<1x16xf32>,
      %get3A_1243 = arith.constant 7 : i32
      %get3A_1244 = arith.index_cast %get3A_1243 : i32 to index
      %get3A_1245 = arith.constant 0 : index
      %get3A_1246 = tpu.vector_load %arg7[%get3A_1244, %get3A_1245] {strides = array<i32>} : memref<16x128xf32, #tpu.memory_space<vmem>>, vector<1x16xf32>,
      %get3A_1247 = vector.shape_cast %get3A_1246 : vector<1x16xf32> to vector<16xf32>
      %mul3A_1248 = arith.constant 14.2857141 : f32
      %mul3A_1249 = vector.broadcast %mul3A_1248 : f32 to vector<16xf32>
      %mul3A_1250 = arith.mulf %get3A_1247, %mul3A_1249 : vector<16xf32>
      %exp3A_1251 = math.exp %mul3A_1250 : vector<16xf32>
      %add3A_1252 = arith.addf %add3A_1236, %exp3A_1251 : vector<16xf32>
      %swap3A_1253 = arith.constant 7 : i32
      %swap3A_1254 = arith.index_cast %swap3A_1253 : i32 to index
      %swap3A_1255 = arith.constant 0 : index
      %swap3A_1256 = tpu.vector_load %arg8[%swap3A_1254, %swap3A_1255] {strides = array<i32>} : memref<16x128xf32, #tpu.memory_space<vmem>>, vector<1x16xf32>,
      %swap3A_1257 = vector.shape_cast %swap3A_1256 : vector<1x16xf32> to vector<16xf32>
      %swap3A_1258 = vector.shape_cast %exp3A_1251 : vector<16xf32> to vector<1x16xf32>
      tpu.vector_store %arg8[%swap3A_1254, %swap3A_1255], %swap3A_1258 {strides = array<i32>} : memref<16x128xf32, #tpu.memory_space<vmem>>, vector<1x16xf32>,
      %get3A_1259 = arith.constant 7 : i32
      %get3A_1260 = arith.index_cast %get3A_1259 : i32 to index
      %get3A_1261 = arith.constant 16 : index
      %get3A_1262 = tpu.vector_load %arg7[%get3A_1260, %get3A_1261] {strides = array<i32>} : memref<16x128xf32, #tpu.memory_space<vmem>>, vector<1x16xf32>,
      %get3A_1263 = vector.shape_cast %get3A_1262 : vector<1x16xf32> to vector<16xf32>
      %mul3A_1264 = arith.constant 14.2857141 : f32
      %mul3A_1265 = vector.broadcast %mul3A_1264 : f32 to vector<16xf32>
      %mul3A_1266 = arith.mulf %get3A_1263, %mul3A_1265 : vector<16xf32>
      %exp3A_1267 = math.exp %mul3A_1266 : vector<16xf32>
      %add3A_1268 = arith.addf %add3A_1252, %exp3A_1267 : vector<16xf32>
      %swap3A_1269 = arith.constant 7 : i32
      %swap3A_1270 = arith.index_cast %swap3A_1269 : i32 to index
      %swap3A_1271 = arith.constant 16 : index
      %swap3A_1272 = tpu.vector_load %arg8[%swap3A_1270, %swap3A_1271] {strides = array<i32>} : memref<16x128xf32, #tpu.memory_space<vmem>>, vector<1x16xf32>,
      %swap3A_1273 = vector.shape_cast %swap3A_1272 : vector<1x16xf32> to vector<16xf32>
      %swap3A_1274 = vector.shape_cast %exp3A_1267 : vector<16xf32> to vector<1x16xf32>
      tpu.vector_store %arg8[%swap3A_1270, %swap3A_1271], %swap3A_1274 {strides = array<i32>} : memref<16x128xf32, #tpu.memory_space<vmem>>, vector<1x16xf32>,
      %get3A_1275 = arith.constant 7 : i32
      %get3A_1276 = arith.index_cast %get3A_1275 : i32 to index
      %get3A_1277 = arith.constant 32 : index
      %get3A_1278 = tpu.vector_load %arg7[%get3A_1276, %get3A_1277] {strides = array<i32>} : memref<16x128xf32, #tpu.memory_space<vmem>>, vector<1x16xf32>,
      %get3A_1279 = vector.shape_cast %get3A_1278 : vector<1x16xf32> to vector<16xf32>
      %mul3A_1280 = arith.constant 14.2857141 : f32
      %mul3A_1281 = vector.broadcast %mul3A_1280 : f32 to vector<16xf32>
      %mul3A_1282 = arith.mulf %get3A_1279, %mul3A_1281 : vector<16xf32>
      %exp3A_1283 = math.exp %mul3A_1282 : vector<16xf32>
      %add3A_1284 = arith.addf %add3A_1268, %exp3A_1283 : vector<16xf32>
      %swap3A_1285 = arith.constant 7 : i32
      %swap3A_1286 = arith.index_cast %swap3A_1285 : i32 to index
      %swap3A_1287 = arith.constant 32 : index
      %swap3A_1288 = tpu.vector_load %arg8[%swap3A_1286, %swap3A_1287] {strides = array<i32>} : memref<16x128xf32, #tpu.memory_space<vmem>>, vector<1x16xf32>,
      %swap3A_1289 = vector.shape_cast %swap3A_1288 : vector<1x16xf32> to vector<16xf32>
      %swap3A_1290 = vector.shape_cast %exp3A_1283 : vector<16xf32> to vector<1x16xf32>
      tpu.vector_store %arg8[%swap3A_1286, %swap3A_1287], %swap3A_1290 {strides = array<i32>} : memref<16x128xf32, #tpu.memory_space<vmem>>, vector<1x16xf32>,
      %get3A_1291 = arith.constant 7 : i32
      %get3A_1292 = arith.index_cast %get3A_1291 : i32 to index
      %get3A_1293 = arith.constant 48 : index
      %get3A_1294 = tpu.vector_load %arg7[%get3A_1292, %get3A_1293] {strides = array<i32>} : memref<16x128xf32, #tpu.memory_space<vmem>>, vector<1x16xf32>,
      %get3A_1295 = vector.shape_cast %get3A_1294 : vector<1x16xf32> to vector<16xf32>
      %mul3A_1296 = arith.constant 14.2857141 : f32
      %mul3A_1297 = vector.broadcast %mul3A_1296 : f32 to vector<16xf32>
      %mul3A_1298 = arith.mulf %get3A_1295, %mul3A_1297 : vector<16xf32>
      %exp3A_1299 = math.exp %mul3A_1298 : vector<16xf32>
      %add3A_1300 = arith.addf %add3A_1284, %exp3A_1299 : vector<16xf32>
      %swap3A_1301 = arith.constant 7 : i32
      %swap3A_1302 = arith.index_cast %swap3A_1301 : i32 to index
      %swap3A_1303 = arith.constant 48 : index
      %swap3A_1304 = tpu.vector_load %arg8[%swap3A_1302, %swap3A_1303] {strides = array<i32>} : memref<16x128xf32, #tpu.memory_space<vmem>>, vector<1x16xf32>,
      %swap3A_1305 = vector.shape_cast %swap3A_1304 : vector<1x16xf32> to vector<16xf32>
      %swap3A_1306 = vector.shape_cast %exp3A_1299 : vector<16xf32> to vector<1x16xf32>
      tpu.vector_store %arg8[%swap3A_1302, %swap3A_1303], %swap3A_1306 {strides = array<i32>} : memref<16x128xf32, #tpu.memory_space<vmem>>, vector<1x16xf32>,
      %get3A_1307 = arith.constant 7 : i32
      %get3A_1308 = arith.index_cast %get3A_1307 : i32 to index
      %get3A_1309 = arith.constant 64 : index
      %get3A_1310 = tpu.vector_load %arg7[%get3A_1308, %get3A_1309] {strides = array<i32>} : memref<16x128xf32, #tpu.memory_space<vmem>>, vector<1x16xf32>,
      %get3A_1311 = vector.shape_cast %get3A_1310 : vector<1x16xf32> to vector<16xf32>
      %mul3A_1312 = arith.constant 14.2857141 : f32
      %mul3A_1313 = vector.broadcast %mul3A_1312 : f32 to vector<16xf32>
      %mul3A_1314 = arith.mulf %get3A_1311, %mul3A_1313 : vector<16xf32>
      %exp3A_1315 = math.exp %mul3A_1314 : vector<16xf32>
      %add3A_1316 = arith.addf %add3A_1300, %exp3A_1315 : vector<16xf32>
      %swap3A_1317 = arith.constant 7 : i32
      %swap3A_1318 = arith.index_cast %swap3A_1317 : i32 to index
      %swap3A_1319 = arith.constant 64 : index
      %swap3A_1320 = tpu.vector_load %arg8[%swap3A_1318, %swap3A_1319] {strides = array<i32>} : memref<16x128xf32, #tpu.memory_space<vmem>>, vector<1x16xf32>,
      %swap3A_1321 = vector.shape_cast %swap3A_1320 : vector<1x16xf32> to vector<16xf32>
      %swap3A_1322 = vector.shape_cast %exp3A_1315 : vector<16xf32> to vector<1x16xf32>
      tpu.vector_store %arg8[%swap3A_1318, %swap3A_1319], %swap3A_1322 {strides = array<i32>} : memref<16x128xf32, #tpu.memory_space<vmem>>, vector<1x16xf32>,
      %get3A_1323 = arith.constant 7 : i32
      %get3A_1324 = arith.index_cast %get3A_1323 : i32 to index
      %get3A_1325 = arith.constant 80 : index
      %get3A_1326 = tpu.vector_load %arg7[%get3A_1324, %get3A_1325] {strides = array<i32>} : memref<16x128xf32, #tpu.memory_space<vmem>>, vector<1x16xf32>,
      %get3A_1327 = vector.shape_cast %get3A_1326 : vector<1x16xf32> to vector<16xf32>
      %mul3A_1328 = arith.constant 14.2857141 : f32
      %mul3A_1329 = vector.broadcast %mul3A_1328 : f32 to vector<16xf32>
      %mul3A_1330 = arith.mulf %get3A_1327, %mul3A_1329 : vector<16xf32>
      %exp3A_1331 = math.exp %mul3A_1330 : vector<16xf32>
      %add3A_1332 = arith.addf %add3A_1316, %exp3A_1331 : vector<16xf32>
      %swap3A_1333 = arith.constant 7 : i32
      %swap3A_1334 = arith.index_cast %swap3A_1333 : i32 to index
      %swap3A_1335 = arith.constant 80 : index
      %swap3A_1336 = tpu.vector_load %arg8[%swap3A_1334, %swap3A_1335] {strides = array<i32>} : memref<16x128xf32, #tpu.memory_space<vmem>>, vector<1x16xf32>,
      %swap3A_1337 = vector.shape_cast %swap3A_1336 : vector<1x16xf32> to vector<16xf32>
      %swap3A_1338 = vector.shape_cast %exp3A_1331 : vector<16xf32> to vector<1x16xf32>
      tpu.vector_store %arg8[%swap3A_1334, %swap3A_1335], %swap3A_1338 {strides = array<i32>} : memref<16x128xf32, #tpu.memory_space<vmem>>, vector<1x16xf32>,
      %get3A_1339 = arith.constant 7 : i32
      %get3A_1340 = arith.index_cast %get3A_1339 : i32 to index
      %get3A_1341 = arith.constant 96 : index
      %get3A_1342 = tpu.vector_load %arg7[%get3A_1340, %get3A_1341] {strides = array<i32>} : memref<16x128xf32, #tpu.memory_space<vmem>>, vector<1x16xf32>,
      %get3A_1343 = vector.shape_cast %get3A_1342 : vector<1x16xf32> to vector<16xf32>
      %mul3A_1344 = arith.constant 14.2857141 : f32
      %mul3A_1345 = vector.broadcast %mul3A_1344 : f32 to vector<16xf32>
      %mul3A_1346 = arith.mulf %get3A_1343, %mul3A_1345 : vector<16xf32>
      %exp3A_1347 = math.exp %mul3A_1346 : vector<16xf32>
      %add3A_1348 = arith.addf %add3A_1332, %exp3A_1347 : vector<16xf32>
      %swap3A_1349 = arith.constant 7 : i32
      %swap3A_1350 = arith.index_cast %swap3A_1349 : i32 to index
      %swap3A_1351 = arith.constant 96 : index
      %swap3A_1352 = tpu.vector_load %arg8[%swap3A_1350, %swap3A_1351] {strides = array<i32>} : memref<16x128xf32, #tpu.memory_space<vmem>>, vector<1x16xf32>,
      %swap3A_1353 = vector.shape_cast %swap3A_1352 : vector<1x16xf32> to vector<16xf32>
      %swap3A_1354 = vector.shape_cast %exp3A_1347 : vector<16xf32> to vector<1x16xf32>
      tpu.vector_store %arg8[%swap3A_1350, %swap3A_1351], %swap3A_1354 {strides = array<i32>} : memref<16x128xf32, #tpu.memory_space<vmem>>, vector<1x16xf32>,
      %get3A_1355 = arith.constant 7 : i32
      %get3A_1356 = arith.index_cast %get3A_1355 : i32 to index
      %get3A_1357 = arith.constant 112 : index
      %get3A_1358 = tpu.vector_load %arg7[%get3A_1356, %get3A_1357] {strides = array<i32>} : memref<16x128xf32, #tpu.memory_space<vmem>>, vector<1x16xf32>,
      %get3A_1359 = vector.shape_cast %get3A_1358 : vector<1x16xf32> to vector<16xf32>
      %mul3A_1360 = arith.constant 14.2857141 : f32
      %mul3A_1361 = vector.broadcast %mul3A_1360 : f32 to vector<16xf32>
      %mul3A_1362 = arith.mulf %get3A_1359, %mul3A_1361 : vector<16xf32>
      %exp3A_1363 = math.exp %mul3A_1362 : vector<16xf32>
      %add3A_1364 = arith.addf %add3A_1348, %exp3A_1363 : vector<16xf32>
      %swap3A_1365 = arith.constant 7 : i32
      %swap3A_1366 = arith.index_cast %swap3A_1365 : i32 to index
      %swap3A_1367 = arith.constant 112 : index
      %swap3A_1368 = tpu.vector_load %arg8[%swap3A_1366, %swap3A_1367] {strides = array<i32>} : memref<16x128xf32, #tpu.memory_space<vmem>>, vector<1x16xf32>,
      %swap3A_1369 = vector.shape_cast %swap3A_1368 : vector<1x16xf32> to vector<16xf32>
      %swap3A_1370 = vector.shape_cast %exp3A_1363 : vector<16xf32> to vector<1x16xf32>
      tpu.vector_store %arg8[%swap3A_1366, %swap3A_1367], %swap3A_1370 {strides = array<i32>} : memref<16x128xf32, #tpu.memory_space<vmem>>, vector<1x16xf32>,
      %get3A_1371 = arith.constant 8 : i32
      %get3A_1372 = arith.index_cast %get3A_1371 : i32 to index
      %get3A_1373 = arith.constant 0 : index
      %get3A_1374 = tpu.vector_load %arg7[%get3A_1372, %get3A_1373] {strides = array<i32>} : memref<16x128xf32, #tpu.memory_space<vmem>>, vector<1x16xf32>,
      %get3A_1375 = vector.shape_cast %get3A_1374 : vector<1x16xf32> to vector<16xf32>
      %mul3A_1376 = arith.constant 14.2857141 : f32
      %mul3A_1377 = vector.broadcast %mul3A_1376 : f32 to vector<16xf32>
      %mul3A_1378 = arith.mulf %get3A_1375, %mul3A_1377 : vector<16xf32>
      %exp3A_1379 = math.exp %mul3A_1378 : vector<16xf32>
      %add3A_1380 = arith.addf %add3A_1364, %exp3A_1379 : vector<16xf32>
      %swap3A_1381 = arith.constant 8 : i32
      %swap3A_1382 = arith.index_cast %swap3A_1381 : i32 to index
      %swap3A_1383 = arith.constant 0 : index
      %swap3A_1384 = tpu.vector_load %arg8[%swap3A_1382, %swap3A_1383] {strides = array<i32>} : memref<16x128xf32, #tpu.memory_space<vmem>>, vector<1x16xf32>,
      %swap3A_1385 = vector.shape_cast %swap3A_1384 : vector<1x16xf32> to vector<16xf32>
      %swap3A_1386 = vector.shape_cast %exp3A_1379 : vector<16xf32> to vector<1x16xf32>
      tpu.vector_store %arg8[%swap3A_1382, %swap3A_1383], %swap3A_1386 {strides = array<i32>} : memref<16x128xf32, #tpu.memory_space<vmem>>, vector<1x16xf32>,
      %get3A_1387 = arith.constant 8 : i32
      %get3A_1388 = arith.index_cast %get3A_1387 : i32 to index
      %get3A_1389 = arith.constant 16 : index
      %get3A_1390 = tpu.vector_load %arg7[%get3A_1388, %get3A_1389] {strides = array<i32>} : memref<16x128xf32, #tpu.memory_space<vmem>>, vector<1x16xf32>,
      %get3A_1391 = vector.shape_cast %get3A_1390 : vector<1x16xf32> to vector<16xf32>
      %mul3A_1392 = arith.constant 14.2857141 : f32
      %mul3A_1393 = vector.broadcast %mul3A_1392 : f32 to vector<16xf32>
      %mul3A_1394 = arith.mulf %get3A_1391, %mul3A_1393 : vector<16xf32>
      %exp3A_1395 = math.exp %mul3A_1394 : vector<16xf32>
      %add3A_1396 = arith.addf %add3A_1380, %exp3A_1395 : vector<16xf32>
      %swap3A_1397 = arith.constant 8 : i32
      %swap3A_1398 = arith.index_cast %swap3A_1397 : i32 to index
      %swap3A_1399 = arith.constant 16 : index
      %swap3A_1400 = tpu.vector_load %arg8[%swap3A_1398, %swap3A_1399] {strides = array<i32>} : memref<16x128xf32, #tpu.memory_space<vmem>>, vector<1x16xf32>,
      %swap3A_1401 = vector.shape_cast %swap3A_1400 : vector<1x16xf32> to vector<16xf32>
      %swap3A_1402 = vector.shape_cast %exp3A_1395 : vector<16xf32> to vector<1x16xf32>
      tpu.vector_store %arg8[%swap3A_1398, %swap3A_1399], %swap3A_1402 {strides = array<i32>} : memref<16x128xf32, #tpu.memory_space<vmem>>, vector<1x16xf32>,
      %get3A_1403 = arith.constant 8 : i32
      %get3A_1404 = arith.index_cast %get3A_1403 : i32 to index
      %get3A_1405 = arith.constant 32 : index
      %get3A_1406 = tpu.vector_load %arg7[%get3A_1404, %get3A_1405] {strides = array<i32>} : memref<16x128xf32, #tpu.memory_space<vmem>>, vector<1x16xf32>,
      %get3A_1407 = vector.shape_cast %get3A_1406 : vector<1x16xf32> to vector<16xf32>
      %mul3A_1408 = arith.constant 14.2857141 : f32
      %mul3A_1409 = vector.broadcast %mul3A_1408 : f32 to vector<16xf32>
      %mul3A_1410 = arith.mulf %get3A_1407, %mul3A_1409 : vector<16xf32>
      %exp3A_1411 = math.exp %mul3A_1410 : vector<16xf32>
      %add3A_1412 = arith.addf %add3A_1396, %exp3A_1411 : vector<16xf32>
      %swap3A_1413 = arith.constant 8 : i32
      %swap3A_1414 = arith.index_cast %swap3A_1413 : i32 to index
      %swap3A_1415 = arith.constant 32 : index
      %swap3A_1416 = tpu.vector_load %arg8[%swap3A_1414, %swap3A_1415] {strides = array<i32>} : memref<16x128xf32, #tpu.memory_space<vmem>>, vector<1x16xf32>,
      %swap3A_1417 = vector.shape_cast %swap3A_1416 : vector<1x16xf32> to vector<16xf32>
      %swap3A_1418 = vector.shape_cast %exp3A_1411 : vector<16xf32> to vector<1x16xf32>
      tpu.vector_store %arg8[%swap3A_1414, %swap3A_1415], %swap3A_1418 {strides = array<i32>} : memref<16x128xf32, #tpu.memory_space<vmem>>, vector<1x16xf32>,
      %get3A_1419 = arith.constant 8 : i32
      %get3A_1420 = arith.index_cast %get3A_1419 : i32 to index
      %get3A_1421 = arith.constant 48 : index
      %get3A_1422 = tpu.vector_load %arg7[%get3A_1420, %get3A_1421] {strides = array<i32>} : memref<16x128xf32, #tpu.memory_space<vmem>>, vector<1x16xf32>,
      %get3A_1423 = vector.shape_cast %get3A_1422 : vector<1x16xf32> to vector<16xf32>
      %mul3A_1424 = arith.constant 14.2857141 : f32
      %mul3A_1425 = vector.broadcast %mul3A_1424 : f32 to vector<16xf32>
      %mul3A_1426 = arith.mulf %get3A_1423, %mul3A_1425 : vector<16xf32>
      %exp3A_1427 = math.exp %mul3A_1426 : vector<16xf32>
      %add3A_1428 = arith.addf %add3A_1412, %exp3A_1427 : vector<16xf32>
      %swap3A_1429 = arith.constant 8 : i32
      %swap3A_1430 = arith.index_cast %swap3A_1429 : i32 to index
      %swap3A_1431 = arith.constant 48 : index
      %swap3A_1432 = tpu.vector_load %arg8[%swap3A_1430, %swap3A_1431] {strides = array<i32>} : memref<16x128xf32, #tpu.memory_space<vmem>>, vector<1x16xf32>,
      %swap3A_1433 = vector.shape_cast %swap3A_1432 : vector<1x16xf32> to vector<16xf32>
      %swap3A_1434 = vector.shape_cast %exp3A_1427 : vector<16xf32> to vector<1x16xf32>
      tpu.vector_store %arg8[%swap3A_1430, %swap3A_1431], %swap3A_1434 {strides = array<i32>} : memref<16x128xf32, #tpu.memory_space<vmem>>, vector<1x16xf32>,
      %get3A_1435 = arith.constant 8 : i32
      %get3A_1436 = arith.index_cast %get3A_1435 : i32 to index
      %get3A_1437 = arith.constant 64 : index
      %get3A_1438 = tpu.vector_load %arg7[%get3A_1436, %get3A_1437] {strides = array<i32>} : memref<16x128xf32, #tpu.memory_space<vmem>>, vector<1x16xf32>,
      %get3A_1439 = vector.shape_cast %get3A_1438 : vector<1x16xf32> to vector<16xf32>
      %mul3A_1440 = arith.constant 14.2857141 : f32
      %mul3A_1441 = vector.broadcast %mul3A_1440 : f32 to vector<16xf32>
      %mul3A_1442 = arith.mulf %get3A_1439, %mul3A_1441 : vector<16xf32>
      %exp3A_1443 = math.exp %mul3A_1442 : vector<16xf32>
      %add3A_1444 = arith.addf %add3A_1428, %exp3A_1443 : vector<16xf32>
      %swap3A_1445 = arith.constant 8 : i32
      %swap3A_1446 = arith.index_cast %swap3A_1445 : i32 to index
      %swap3A_1447 = arith.constant 64 : index
      %swap3A_1448 = tpu.vector_load %arg8[%swap3A_1446, %swap3A_1447] {strides = array<i32>} : memref<16x128xf32, #tpu.memory_space<vmem>>, vector<1x16xf32>,
      %swap3A_1449 = vector.shape_cast %swap3A_1448 : vector<1x16xf32> to vector<16xf32>
      %swap3A_1450 = vector.shape_cast %exp3A_1443 : vector<16xf32> to vector<1x16xf32>
      tpu.vector_store %arg8[%swap3A_1446, %swap3A_1447], %swap3A_1450 {strides = array<i32>} : memref<16x128xf32, #tpu.memory_space<vmem>>, vector<1x16xf32>,
      %get3A_1451 = arith.constant 8 : i32
      %get3A_1452 = arith.index_cast %get3A_1451 : i32 to index
      %get3A_1453 = arith.constant 80 : index
      %get3A_1454 = tpu.vector_load %arg7[%get3A_1452, %get3A_1453] {strides = array<i32>} : memref<16x128xf32, #tpu.memory_space<vmem>>, vector<1x16xf32>,
      %get3A_1455 = vector.shape_cast %get3A_1454 : vector<1x16xf32> to vector<16xf32>
      %mul3A_1456 = arith.constant 14.2857141 : f32
      %mul3A_1457 = vector.broadcast %mul3A_1456 : f32 to vector<16xf32>
      %mul3A_1458 = arith.mulf %get3A_1455, %mul3A_1457 : vector<16xf32>
      %exp3A_1459 = math.exp %mul3A_1458 : vector<16xf32>
      %add3A_1460 = arith.addf %add3A_1444, %exp3A_1459 : vector<16xf32>
      %swap3A_1461 = arith.constant 8 : i32
      %swap3A_1462 = arith.index_cast %swap3A_1461 : i32 to index
      %swap3A_1463 = arith.constant 80 : index
      %swap3A_1464 = tpu.vector_load %arg8[%swap3A_1462, %swap3A_1463] {strides = array<i32>} : memref<16x128xf32, #tpu.memory_space<vmem>>, vector<1x16xf32>,
      %swap3A_1465 = vector.shape_cast %swap3A_1464 : vector<1x16xf32> to vector<16xf32>
      %swap3A_1466 = vector.shape_cast %exp3A_1459 : vector<16xf32> to vector<1x16xf32>
      tpu.vector_store %arg8[%swap3A_1462, %swap3A_1463], %swap3A_1466 {strides = array<i32>} : memref<16x128xf32, #tpu.memory_space<vmem>>, vector<1x16xf32>,
      %get3A_1467 = arith.constant 8 : i32
      %get3A_1468 = arith.index_cast %get3A_1467 : i32 to index
      %get3A_1469 = arith.constant 96 : index
      %get3A_1470 = tpu.vector_load %arg7[%get3A_1468, %get3A_1469] {strides = array<i32>} : memref<16x128xf32, #tpu.memory_space<vmem>>, vector<1x16xf32>,
      %get3A_1471 = vector.shape_cast %get3A_1470 : vector<1x16xf32> to vector<16xf32>
      %mul3A_1472 = arith.constant 14.2857141 : f32
      %mul3A_1473 = vector.broadcast %mul3A_1472 : f32 to vector<16xf32>
      %mul3A_1474 = arith.mulf %get3A_1471, %mul3A_1473 : vector<16xf32>
      %exp3A_1475 = math.exp %mul3A_1474 : vector<16xf32>
      %add3A_1476 = arith.addf %add3A_1460, %exp3A_1475 : vector<16xf32>
      %swap3A_1477 = arith.constant 8 : i32
      %swap3A_1478 = arith.index_cast %swap3A_1477 : i32 to index
      %swap3A_1479 = arith.constant 96 : index
      %swap3A_1480 = tpu.vector_load %arg8[%swap3A_1478, %swap3A_1479] {strides = array<i32>} : memref<16x128xf32, #tpu.memory_space<vmem>>, vector<1x16xf32>,
      %swap3A_1481 = vector.shape_cast %swap3A_1480 : vector<1x16xf32> to vector<16xf32>
      %swap3A_1482 = vector.shape_cast %exp3A_1475 : vector<16xf32> to vector<1x16xf32>
      tpu.vector_store %arg8[%swap3A_1478, %swap3A_1479], %swap3A_1482 {strides = array<i32>} : memref<16x128xf32, #tpu.memory_space<vmem>>, vector<1x16xf32>,
      %get3A_1483 = arith.constant 8 : i32
      %get3A_1484 = arith.index_cast %get3A_1483 : i32 to index
      %get3A_1485 = arith.constant 112 : index
      %get3A_1486 = tpu.vector_load %arg7[%get3A_1484, %get3A_1485] {strides = array<i32>} : memref<16x128xf32, #tpu.memory_space<vmem>>, vector<1x16xf32>,
      %get3A_1487 = vector.shape_cast %get3A_1486 : vector<1x16xf32> to vector<16xf32>
      %mul3A_1488 = arith.constant 14.2857141 : f32
      %mul3A_1489 = vector.broadcast %mul3A_1488 : f32 to vector<16xf32>
      %mul3A_1490 = arith.mulf %get3A_1487, %mul3A_1489 : vector<16xf32>
      %exp3A_1491 = math.exp %mul3A_1490 : vector<16xf32>
      %add3A_1492 = arith.addf %add3A_1476, %exp3A_1491 : vector<16xf32>
      %swap3A_1493 = arith.constant 8 : i32
      %swap3A_1494 = arith.index_cast %swap3A_1493 : i32 to index
      %swap3A_1495 = arith.constant 112 : index
      %swap3A_1496 = tpu.vector_load %arg8[%swap3A_1494, %swap3A_1495] {strides = array<i32>} : memref<16x128xf32, #tpu.memory_space<vmem>>, vector<1x16xf32>,
      %swap3A_1497 = vector.shape_cast %swap3A_1496 : vector<1x16xf32> to vector<16xf32>
      %swap3A_1498 = vector.shape_cast %exp3A_1491 : vector<16xf32> to vector<1x16xf32>
      tpu.vector_store %arg8[%swap3A_1494, %swap3A_1495], %swap3A_1498 {strides = array<i32>} : memref<16x128xf32, #tpu.memory_space<vmem>>, vector<1x16xf32>,
      %get3A_1499 = arith.constant 9 : i32
      %get3A_1500 = arith.index_cast %get3A_1499 : i32 to index
      %get3A_1501 = arith.constant 0 : index
      %get3A_1502 = tpu.vector_load %arg7[%get3A_1500, %get3A_1501] {strides = array<i32>} : memref<16x128xf32, #tpu.memory_space<vmem>>, vector<1x16xf32>,
      %get3A_1503 = vector.shape_cast %get3A_1502 : vector<1x16xf32> to vector<16xf32>
      %mul3A_1504 = arith.constant 14.2857141 : f32
      %mul3A_1505 = vector.broadcast %mul3A_1504 : f32 to vector<16xf32>
      %mul3A_1506 = arith.mulf %get3A_1503, %mul3A_1505 : vector<16xf32>
      %exp3A_1507 = math.exp %mul3A_1506 : vector<16xf32>
      %add3A_1508 = arith.addf %add3A_1492, %exp3A_1507 : vector<16xf32>
      %swap3A_1509 = arith.constant 9 : i32
      %swap3A_1510 = arith.index_cast %swap3A_1509 : i32 to index
      %swap3A_1511 = arith.constant 0 : index
      %swap3A_1512 = tpu.vector_load %arg8[%swap3A_1510, %swap3A_1511] {strides = array<i32>} : memref<16x128xf32, #tpu.memory_space<vmem>>, vector<1x16xf32>,
      %swap3A_1513 = vector.shape_cast %swap3A_1512 : vector<1x16xf32> to vector<16xf32>
      %swap3A_1514 = vector.shape_cast %exp3A_1507 : vector<16xf32> to vector<1x16xf32>
      tpu.vector_store %arg8[%swap3A_1510, %swap3A_1511], %swap3A_1514 {strides = array<i32>} : memref<16x128xf32, #tpu.memory_space<vmem>>, vector<1x16xf32>,
      %get3A_1515 = arith.constant 9 : i32
      %get3A_1516 = arith.index_cast %get3A_1515 : i32 to index
      %get3A_1517 = arith.constant 16 : index
      %get3A_1518 = tpu.vector_load %arg7[%get3A_1516, %get3A_1517] {strides = array<i32>} : memref<16x128xf32, #tpu.memory_space<vmem>>, vector<1x16xf32>,
      %get3A_1519 = vector.shape_cast %get3A_1518 : vector<1x16xf32> to vector<16xf32>
      %mul3A_1520 = arith.constant 14.2857141 : f32
      %mul3A_1521 = vector.broadcast %mul3A_1520 : f32 to vector<16xf32>
      %mul3A_1522 = arith.mulf %get3A_1519, %mul3A_1521 : vector<16xf32>
      %exp3A_1523 = math.exp %mul3A_1522 : vector<16xf32>
      %add3A_1524 = arith.addf %add3A_1508, %exp3A_1523 : vector<16xf32>
      %swap3A_1525 = arith.constant 9 : i32
      %swap3A_1526 = arith.index_cast %swap3A_1525 : i32 to index
      %swap3A_1527 = arith.constant 16 : index
      %swap3A_1528 = tpu.vector_load %arg8[%swap3A_1526, %swap3A_1527] {strides = array<i32>} : memref<16x128xf32, #tpu.memory_space<vmem>>, vector<1x16xf32>,
      %swap3A_1529 = vector.shape_cast %swap3A_1528 : vector<1x16xf32> to vector<16xf32>
      %swap3A_1530 = vector.shape_cast %exp3A_1523 : vector<16xf32> to vector<1x16xf32>
      tpu.vector_store %arg8[%swap3A_1526, %swap3A_1527], %swap3A_1530 {strides = array<i32>} : memref<16x128xf32, #tpu.memory_space<vmem>>, vector<1x16xf32>,
      %get3A_1531 = arith.constant 9 : i32
      %get3A_1532 = arith.index_cast %get3A_1531 : i32 to index
      %get3A_1533 = arith.constant 32 : index
      %get3A_1534 = tpu.vector_load %arg7[%get3A_1532, %get3A_1533] {strides = array<i32>} : memref<16x128xf32, #tpu.memory_space<vmem>>, vector<1x16xf32>,
      %get3A_1535 = vector.shape_cast %get3A_1534 : vector<1x16xf32> to vector<16xf32>
      %mul3A_1536 = arith.constant 14.2857141 : f32
      %mul3A_1537 = vector.broadcast %mul3A_1536 : f32 to vector<16xf32>
      %mul3A_1538 = arith.mulf %get3A_1535, %mul3A_1537 : vector<16xf32>
      %exp3A_1539 = math.exp %mul3A_1538 : vector<16xf32>
      %add3A_1540 = arith.addf %add3A_1524, %exp3A_1539 : vector<16xf32>
      %swap3A_1541 = arith.constant 9 : i32
      %swap3A_1542 = arith.index_cast %swap3A_1541 : i32 to index
      %swap3A_1543 = arith.constant 32 : index
      %swap3A_1544 = tpu.vector_load %arg8[%swap3A_1542, %swap3A_1543] {strides = array<i32>} : memref<16x128xf32, #tpu.memory_space<vmem>>, vector<1x16xf32>,
      %swap3A_1545 = vector.shape_cast %swap3A_1544 : vector<1x16xf32> to vector<16xf32>
      %swap3A_1546 = vector.shape_cast %exp3A_1539 : vector<16xf32> to vector<1x16xf32>
      tpu.vector_store %arg8[%swap3A_1542, %swap3A_1543], %swap3A_1546 {strides = array<i32>} : memref<16x128xf32, #tpu.memory_space<vmem>>, vector<1x16xf32>,
      %get3A_1547 = arith.constant 9 : i32
      %get3A_1548 = arith.index_cast %get3A_1547 : i32 to index
      %get3A_1549 = arith.constant 48 : index
      %get3A_1550 = tpu.vector_load %arg7[%get3A_1548, %get3A_1549] {strides = array<i32>} : memref<16x128xf32, #tpu.memory_space<vmem>>, vector<1x16xf32>,
      %get3A_1551 = vector.shape_cast %get3A_1550 : vector<1x16xf32> to vector<16xf32>
      %mul3A_1552 = arith.constant 14.2857141 : f32
      %mul3A_1553 = vector.broadcast %mul3A_1552 : f32 to vector<16xf32>
      %mul3A_1554 = arith.mulf %get3A_1551, %mul3A_1553 : vector<16xf32>
      %exp3A_1555 = math.exp %mul3A_1554 : vector<16xf32>
      %add3A_1556 = arith.addf %add3A_1540, %exp3A_1555 : vector<16xf32>
      %swap3A_1557 = arith.constant 9 : i32
      %swap3A_1558 = arith.index_cast %swap3A_1557 : i32 to index
      %swap3A_1559 = arith.constant 48 : index
      %swap3A_1560 = tpu.vector_load %arg8[%swap3A_1558, %swap3A_1559] {strides = array<i32>} : memref<16x128xf32, #tpu.memory_space<vmem>>, vector<1x16xf32>,
      %swap3A_1561 = vector.shape_cast %swap3A_1560 : vector<1x16xf32> to vector<16xf32>
      %swap3A_1562 = vector.shape_cast %exp3A_1555 : vector<16xf32> to vector<1x16xf32>
      tpu.vector_store %arg8[%swap3A_1558, %swap3A_1559], %swap3A_1562 {strides = array<i32>} : memref<16x128xf32, #tpu.memory_space<vmem>>, vector<1x16xf32>,
      %get3A_1563 = arith.constant 9 : i32
      %get3A_1564 = arith.index_cast %get3A_1563 : i32 to index
      %get3A_1565 = arith.constant 64 : index
      %get3A_1566 = tpu.vector_load %arg7[%get3A_1564, %get3A_1565] {strides = array<i32>} : memref<16x128xf32, #tpu.memory_space<vmem>>, vector<1x16xf32>,
      %get3A_1567 = vector.shape_cast %get3A_1566 : vector<1x16xf32> to vector<16xf32>
      %mul3A_1568 = arith.constant 14.2857141 : f32
      %mul3A_1569 = vector.broadcast %mul3A_1568 : f32 to vector<16xf32>
      %mul3A_1570 = arith.mulf %get3A_1567, %mul3A_1569 : vector<16xf32>
      %exp3A_1571 = math.exp %mul3A_1570 : vector<16xf32>
      %add3A_1572 = arith.addf %add3A_1556, %exp3A_1571 : vector<16xf32>
      %swap3A_1573 = arith.constant 9 : i32
      %swap3A_1574 = arith.index_cast %swap3A_1573 : i32 to index
      %swap3A_1575 = arith.constant 64 : index
      %swap3A_1576 = tpu.vector_load %arg8[%swap3A_1574, %swap3A_1575] {strides = array<i32>} : memref<16x128xf32, #tpu.memory_space<vmem>>, vector<1x16xf32>,
      %swap3A_1577 = vector.shape_cast %swap3A_1576 : vector<1x16xf32> to vector<16xf32>
      %swap3A_1578 = vector.shape_cast %exp3A_1571 : vector<16xf32> to vector<1x16xf32>
      tpu.vector_store %arg8[%swap3A_1574, %swap3A_1575], %swap3A_1578 {strides = array<i32>} : memref<16x128xf32, #tpu.memory_space<vmem>>, vector<1x16xf32>,
      %get3A_1579 = arith.constant 9 : i32
      %get3A_1580 = arith.index_cast %get3A_1579 : i32 to index
      %get3A_1581 = arith.constant 80 : index
      %get3A_1582 = tpu.vector_load %arg7[%get3A_1580, %get3A_1581] {strides = array<i32>} : memref<16x128xf32, #tpu.memory_space<vmem>>, vector<1x16xf32>,
      %get3A_1583 = vector.shape_cast %get3A_1582 : vector<1x16xf32> to vector<16xf32>
      %mul3A_1584 = arith.constant 14.2857141 : f32
      %mul3A_1585 = vector.broadcast %mul3A_1584 : f32 to vector<16xf32>
      %mul3A_1586 = arith.mulf %get3A_1583, %mul3A_1585 : vector<16xf32>
      %exp3A_1587 = math.exp %mul3A_1586 : vector<16xf32>
      %add3A_1588 = arith.addf %add3A_1572, %exp3A_1587 : vector<16xf32>
      %swap3A_1589 = arith.constant 9 : i32
      %swap3A_1590 = arith.index_cast %swap3A_1589 : i32 to index
      %swap3A_1591 = arith.constant 80 : index
      %swap3A_1592 = tpu.vector_load %arg8[%swap3A_1590, %swap3A_1591] {strides = array<i32>} : memref<16x128xf32, #tpu.memory_space<vmem>>, vector<1x16xf32>,
      %swap3A_1593 = vector.shape_cast %swap3A_1592 : vector<1x16xf32> to vector<16xf32>
      %swap3A_1594 = vector.shape_cast %exp3A_1587 : vector<16xf32> to vector<1x16xf32>
      tpu.vector_store %arg8[%swap3A_1590, %swap3A_1591], %swap3A_1594 {strides = array<i32>} : memref<16x128xf32, #tpu.memory_space<vmem>>, vector<1x16xf32>,
      %get3A_1595 = arith.constant 9 : i32
      %get3A_1596 = arith.index_cast %get3A_1595 : i32 to index
      %get3A_1597 = arith.constant 96 : index
      %get3A_1598 = tpu.vector_load %arg7[%get3A_1596, %get3A_1597] {strides = array<i32>} : memref<16x128xf32, #tpu.memory_space<vmem>>, vector<1x16xf32>,
      %get3A_1599 = vector.shape_cast %get3A_1598 : vector<1x16xf32> to vector<16xf32>
      %mul3A_1600 = arith.constant 14.2857141 : f32
      %mul3A_1601 = vector.broadcast %mul3A_1600 : f32 to vector<16xf32>
      %mul3A_1602 = arith.mulf %get3A_1599, %mul3A_1601 : vector<16xf32>
      %exp3A_1603 = math.exp %mul3A_1602 : vector<16xf32>
      %add3A_1604 = arith.addf %add3A_1588, %exp3A_1603 : vector<16xf32>
      %swap3A_1605 = arith.constant 9 : i32
      %swap3A_1606 = arith.index_cast %swap3A_1605 : i32 to index
      %swap3A_1607 = arith.constant 96 : index
      %swap3A_1608 = tpu.vector_load %arg8[%swap3A_1606, %swap3A_1607] {strides = array<i32>} : memref<16x128xf32, #tpu.memory_space<vmem>>, vector<1x16xf32>,
      %swap3A_1609 = vector.shape_cast %swap3A_1608 : vector<1x16xf32> to vector<16xf32>
      %swap3A_1610 = vector.shape_cast %exp3A_1603 : vector<16xf32> to vector<1x16xf32>
      tpu.vector_store %arg8[%swap3A_1606, %swap3A_1607], %swap3A_1610 {strides = array<i32>} : memref<16x128xf32, #tpu.memory_space<vmem>>, vector<1x16xf32>,
      %get3A_1611 = arith.constant 9 : i32
      %get3A_1612 = arith.index_cast %get3A_1611 : i32 to index
      %get3A_1613 = arith.constant 112 : index
      %get3A_1614 = tpu.vector_load %arg7[%get3A_1612, %get3A_1613] {strides = array<i32>} : memref<16x128xf32, #tpu.memory_space<vmem>>, vector<1x16xf32>,
      %get3A_1615 = vector.shape_cast %get3A_1614 : vector<1x16xf32> to vector<16xf32>
      %mul3A_1616 = arith.constant 14.2857141 : f32
      %mul3A_1617 = vector.broadcast %mul3A_1616 : f32 to vector<16xf32>
      %mul3A_1618 = arith.mulf %get3A_1615, %mul3A_1617 : vector<16xf32>
      %exp3A_1619 = math.exp %mul3A_1618 : vector<16xf32>
      %add3A_1620 = arith.addf %add3A_1604, %exp3A_1619 : vector<16xf32>
      %swap3A_1621 = arith.constant 9 : i32
      %swap3A_1622 = arith.index_cast %swap3A_1621 : i32 to index
      %swap3A_1623 = arith.constant 112 : index
      %swap3A_1624 = tpu.vector_load %arg8[%swap3A_1622, %swap3A_1623] {strides = array<i32>} : memref<16x128xf32, #tpu.memory_space<vmem>>, vector<1x16xf32>,
      %swap3A_1625 = vector.shape_cast %swap3A_1624 : vector<1x16xf32> to vector<16xf32>
      %swap3A_1626 = vector.shape_cast %exp3A_1619 : vector<16xf32> to vector<1x16xf32>
      tpu.vector_store %arg8[%swap3A_1622, %swap3A_1623], %swap3A_1626 {strides = array<i32>} : memref<16x128xf32, #tpu.memory_space<vmem>>, vector<1x16xf32>,
      %get3A_1627 = arith.constant 10 : i32
      %get3A_1628 = arith.index_cast %get3A_1627 : i32 to index
      %get3A_1629 = arith.constant 0 : index
      %get3A_1630 = tpu.vector_load %arg7[%get3A_1628, %get3A_1629] {strides = array<i32>} : memref<16x128xf32, #tpu.memory_space<vmem>>, vector<1x16xf32>,
      %get3A_1631 = vector.shape_cast %get3A_1630 : vector<1x16xf32> to vector<16xf32>
      %mul3A_1632 = arith.constant 14.2857141 : f32
      %mul3A_1633 = vector.broadcast %mul3A_1632 : f32 to vector<16xf32>
      %mul3A_1634 = arith.mulf %get3A_1631, %mul3A_1633 : vector<16xf32>
      %exp3A_1635 = math.exp %mul3A_1634 : vector<16xf32>
      %add3A_1636 = arith.addf %add3A_1620, %exp3A_1635 : vector<16xf32>
      %swap3A_1637 = arith.constant 10 : i32
      %swap3A_1638 = arith.index_cast %swap3A_1637 : i32 to index
      %swap3A_1639 = arith.constant 0 : index
      %swap3A_1640 = tpu.vector_load %arg8[%swap3A_1638, %swap3A_1639] {strides = array<i32>} : memref<16x128xf32, #tpu.memory_space<vmem>>, vector<1x16xf32>,
      %swap3A_1641 = vector.shape_cast %swap3A_1640 : vector<1x16xf32> to vector<16xf32>
      %swap3A_1642 = vector.shape_cast %exp3A_1635 : vector<16xf32> to vector<1x16xf32>
      tpu.vector_store %arg8[%swap3A_1638, %swap3A_1639], %swap3A_1642 {strides = array<i32>} : memref<16x128xf32, #tpu.memory_space<vmem>>, vector<1x16xf32>,
      %get3A_1643 = arith.constant 10 : i32
      %get3A_1644 = arith.index_cast %get3A_1643 : i32 to index
      %get3A_1645 = arith.constant 16 : index
      %get3A_1646 = tpu.vector_load %arg7[%get3A_1644, %get3A_1645] {strides = array<i32>} : memref<16x128xf32, #tpu.memory_space<vmem>>, vector<1x16xf32>,
      %get3A_1647 = vector.shape_cast %get3A_1646 : vector<1x16xf32> to vector<16xf32>
      %mul3A_1648 = arith.constant 14.2857141 : f32
      %mul3A_1649 = vector.broadcast %mul3A_1648 : f32 to vector<16xf32>
      %mul3A_1650 = arith.mulf %get3A_1647, %mul3A_1649 : vector<16xf32>
      %exp3A_1651 = math.exp %mul3A_1650 : vector<16xf32>
      %add3A_1652 = arith.addf %add3A_1636, %exp3A_1651 : vector<16xf32>
      %swap3A_1653 = arith.constant 10 : i32
      %swap3A_1654 = arith.index_cast %swap3A_1653 : i32 to index
      %swap3A_1655 = arith.constant 16 : index
      %swap3A_1656 = tpu.vector_load %arg8[%swap3A_1654, %swap3A_1655] {strides = array<i32>} : memref<16x128xf32, #tpu.memory_space<vmem>>, vector<1x16xf32>,
      %swap3A_1657 = vector.shape_cast %swap3A_1656 : vector<1x16xf32> to vector<16xf32>
      %swap3A_1658 = vector.shape_cast %exp3A_1651 : vector<16xf32> to vector<1x16xf32>
      tpu.vector_store %arg8[%swap3A_1654, %swap3A_1655], %swap3A_1658 {strides = array<i32>} : memref<16x128xf32, #tpu.memory_space<vmem>>, vector<1x16xf32>,
      %get3A_1659 = arith.constant 10 : i32
      %get3A_1660 = arith.index_cast %get3A_1659 : i32 to index
      %get3A_1661 = arith.constant 32 : index
      %get3A_1662 = tpu.vector_load %arg7[%get3A_1660, %get3A_1661] {strides = array<i32>} : memref<16x128xf32, #tpu.memory_space<vmem>>, vector<1x16xf32>,
      %get3A_1663 = vector.shape_cast %get3A_1662 : vector<1x16xf32> to vector<16xf32>
      %mul3A_1664 = arith.constant 14.2857141 : f32
      %mul3A_1665 = vector.broadcast %mul3A_1664 : f32 to vector<16xf32>
      %mul3A_1666 = arith.mulf %get3A_1663, %mul3A_1665 : vector<16xf32>
      %exp3A_1667 = math.exp %mul3A_1666 : vector<16xf32>
      %add3A_1668 = arith.addf %add3A_1652, %exp3A_1667 : vector<16xf32>
      %swap3A_1669 = arith.constant 10 : i32
      %swap3A_1670 = arith.index_cast %swap3A_1669 : i32 to index
      %swap3A_1671 = arith.constant 32 : index
      %swap3A_1672 = tpu.vector_load %arg8[%swap3A_1670, %swap3A_1671] {strides = array<i32>} : memref<16x128xf32, #tpu.memory_space<vmem>>, vector<1x16xf32>,
      %swap3A_1673 = vector.shape_cast %swap3A_1672 : vector<1x16xf32> to vector<16xf32>
      %swap3A_1674 = vector.shape_cast %exp3A_1667 : vector<16xf32> to vector<1x16xf32>
      tpu.vector_store %arg8[%swap3A_1670, %swap3A_1671], %swap3A_1674 {strides = array<i32>} : memref<16x128xf32, #tpu.memory_space<vmem>>, vector<1x16xf32>,
      %get3A_1675 = arith.constant 10 : i32
      %get3A_1676 = arith.index_cast %get3A_1675 : i32 to index
      %get3A_1677 = arith.constant 48 : index
      %get3A_1678 = tpu.vector_load %arg7[%get3A_1676, %get3A_1677] {strides = array<i32>} : memref<16x128xf32, #tpu.memory_space<vmem>>, vector<1x16xf32>,
      %get3A_1679 = vector.shape_cast %get3A_1678 : vector<1x16xf32> to vector<16xf32>
      %mul3A_1680 = arith.constant 14.2857141 : f32
      %mul3A_1681 = vector.broadcast %mul3A_1680 : f32 to vector<16xf32>
      %mul3A_1682 = arith.mulf %get3A_1679, %mul3A_1681 : vector<16xf32>
      %exp3A_1683 = math.exp %mul3A_1682 : vector<16xf32>
      %add3A_1684 = arith.addf %add3A_1668, %exp3A_1683 : vector<16xf32>
      %swap3A_1685 = arith.constant 10 : i32
      %swap3A_1686 = arith.index_cast %swap3A_1685 : i32 to index
      %swap3A_1687 = arith.constant 48 : index
      %swap3A_1688 = tpu.vector_load %arg8[%swap3A_1686, %swap3A_1687] {strides = array<i32>} : memref<16x128xf32, #tpu.memory_space<vmem>>, vector<1x16xf32>,
      %swap3A_1689 = vector.shape_cast %swap3A_1688 : vector<1x16xf32> to vector<16xf32>
      %swap3A_1690 = vector.shape_cast %exp3A_1683 : vector<16xf32> to vector<1x16xf32>
      tpu.vector_store %arg8[%swap3A_1686, %swap3A_1687], %swap3A_1690 {strides = array<i32>} : memref<16x128xf32, #tpu.memory_space<vmem>>, vector<1x16xf32>,
      %get3A_1691 = arith.constant 10 : i32
      %get3A_1692 = arith.index_cast %get3A_1691 : i32 to index
      %get3A_1693 = arith.constant 64 : index
      %get3A_1694 = tpu.vector_load %arg7[%get3A_1692, %get3A_1693] {strides = array<i32>} : memref<16x128xf32, #tpu.memory_space<vmem>>, vector<1x16xf32>,
      %get3A_1695 = vector.shape_cast %get3A_1694 : vector<1x16xf32> to vector<16xf32>
      %mul3A_1696 = arith.constant 14.2857141 : f32
      %mul3A_1697 = vector.broadcast %mul3A_1696 : f32 to vector<16xf32>
      %mul3A_1698 = arith.mulf %get3A_1695, %mul3A_1697 : vector<16xf32>
      %exp3A_1699 = math.exp %mul3A_1698 : vector<16xf32>
      %add3A_1700 = arith.addf %add3A_1684, %exp3A_1699 : vector<16xf32>
      %swap3A_1701 = arith.constant 10 : i32
      %swap3A_1702 = arith.index_cast %swap3A_1701 : i32 to index
      %swap3A_1703 = arith.constant 64 : index
      %swap3A_1704 = tpu.vector_load %arg8[%swap3A_1702, %swap3A_1703] {strides = array<i32>} : memref<16x128xf32, #tpu.memory_space<vmem>>, vector<1x16xf32>,
      %swap3A_1705 = vector.shape_cast %swap3A_1704 : vector<1x16xf32> to vector<16xf32>
      %swap3A_1706 = vector.shape_cast %exp3A_1699 : vector<16xf32> to vector<1x16xf32>
      tpu.vector_store %arg8[%swap3A_1702, %swap3A_1703], %swap3A_1706 {strides = array<i32>} : memref<16x128xf32, #tpu.memory_space<vmem>>, vector<1x16xf32>,
      %get3A_1707 = arith.constant 10 : i32
      %get3A_1708 = arith.index_cast %get3A_1707 : i32 to index
      %get3A_1709 = arith.constant 80 : index
      %get3A_1710 = tpu.vector_load %arg7[%get3A_1708, %get3A_1709] {strides = array<i32>} : memref<16x128xf32, #tpu.memory_space<vmem>>, vector<1x16xf32>,
      %get3A_1711 = vector.shape_cast %get3A_1710 : vector<1x16xf32> to vector<16xf32>
      %mul3A_1712 = arith.constant 14.2857141 : f32
      %mul3A_1713 = vector.broadcast %mul3A_1712 : f32 to vector<16xf32>
      %mul3A_1714 = arith.mulf %get3A_1711, %mul3A_1713 : vector<16xf32>
      %exp3A_1715 = math.exp %mul3A_1714 : vector<16xf32>
      %add3A_1716 = arith.addf %add3A_1700, %exp3A_1715 : vector<16xf32>
      %swap3A_1717 = arith.constant 10 : i32
      %swap3A_1718 = arith.index_cast %swap3A_1717 : i32 to index
      %swap3A_1719 = arith.constant 80 : index
      %swap3A_1720 = tpu.vector_load %arg8[%swap3A_1718, %swap3A_1719] {strides = array<i32>} : memref<16x128xf32, #tpu.memory_space<vmem>>, vector<1x16xf32>,
      %swap3A_1721 = vector.shape_cast %swap3A_1720 : vector<1x16xf32> to vector<16xf32>
      %swap3A_1722 = vector.shape_cast %exp3A_1715 : vector<16xf32> to vector<1x16xf32>
      tpu.vector_store %arg8[%swap3A_1718, %swap3A_1719], %swap3A_1722 {strides = array<i32>} : memref<16x128xf32, #tpu.memory_space<vmem>>, vector<1x16xf32>,
      %get3A_1723 = arith.constant 10 : i32
      %get3A_1724 = arith.index_cast %get3A_1723 : i32 to index
      %get3A_1725 = arith.constant 96 : index
      %get3A_1726 = tpu.vector_load %arg7[%get3A_1724, %get3A_1725] {strides = array<i32>} : memref<16x128xf32, #tpu.memory_space<vmem>>, vector<1x16xf32>,
      %get3A_1727 = vector.shape_cast %get3A_1726 : vector<1x16xf32> to vector<16xf32>
      %mul3A_1728 = arith.constant 14.2857141 : f32
      %mul3A_1729 = vector.broadcast %mul3A_1728 : f32 to vector<16xf32>
      %mul3A_1730 = arith.mulf %get3A_1727, %mul3A_1729 : vector<16xf32>
      %exp3A_1731 = math.exp %mul3A_1730 : vector<16xf32>
      %add3A_1732 = arith.addf %add3A_1716, %exp3A_1731 : vector<16xf32>
      %swap3A_1733 = arith.constant 10 : i32
      %swap3A_1734 = arith.index_cast %swap3A_1733 : i32 to index
      %swap3A_1735 = arith.constant 96 : index
      %swap3A_1736 = tpu.vector_load %arg8[%swap3A_1734, %swap3A_1735] {strides = array<i32>} : memref<16x128xf32, #tpu.memory_space<vmem>>, vector<1x16xf32>,
      %swap3A_1737 = vector.shape_cast %swap3A_1736 : vector<1x16xf32> to vector<16xf32>
      %swap3A_1738 = vector.shape_cast %exp3A_1731 : vector<16xf32> to vector<1x16xf32>
      tpu.vector_store %arg8[%swap3A_1734, %swap3A_1735], %swap3A_1738 {strides = array<i32>} : memref<16x128xf32, #tpu.memory_space<vmem>>, vector<1x16xf32>,
      %get3A_1739 = arith.constant 10 : i32
      %get3A_1740 = arith.index_cast %get3A_1739 : i32 to index
      %get3A_1741 = arith.constant 112 : index
      %get3A_1742 = tpu.vector_load %arg7[%get3A_1740, %get3A_1741] {strides = array<i32>} : memref<16x128xf32, #tpu.memory_space<vmem>>, vector<1x16xf32>,
      %get3A_1743 = vector.shape_cast %get3A_1742 : vector<1x16xf32> to vector<16xf32>
      %mul3A_1744 = arith.constant 14.2857141 : f32
      %mul3A_1745 = vector.broadcast %mul3A_1744 : f32 to vector<16xf32>
      %mul3A_1746 = arith.mulf %get3A_1743, %mul3A_1745 : vector<16xf32>
      %exp3A_1747 = math.exp %mul3A_1746 : vector<16xf32>
      %add3A_1748 = arith.addf %add3A_1732, %exp3A_1747 : vector<16xf32>
      %swap3A_1749 = arith.constant 10 : i32
      %swap3A_1750 = arith.index_cast %swap3A_1749 : i32 to index
      %swap3A_1751 = arith.constant 112 : index
      %swap3A_1752 = tpu.vector_load %arg8[%swap3A_1750, %swap3A_1751] {strides = array<i32>} : memref<16x128xf32, #tpu.memory_space<vmem>>, vector<1x16xf32>,
      %swap3A_1753 = vector.shape_cast %swap3A_1752 : vector<1x16xf32> to vector<16xf32>
      %swap3A_1754 = vector.shape_cast %exp3A_1747 : vector<16xf32> to vector<1x16xf32>
      tpu.vector_store %arg8[%swap3A_1750, %swap3A_1751], %swap3A_1754 {strides = array<i32>} : memref<16x128xf32, #tpu.memory_space<vmem>>, vector<1x16xf32>,
      %get3A_1755 = arith.constant 11 : i32
      %get3A_1756 = arith.index_cast %get3A_1755 : i32 to index
      %get3A_1757 = arith.constant 0 : index
      %get3A_1758 = tpu.vector_load %arg7[%get3A_1756, %get3A_1757] {strides = array<i32>} : memref<16x128xf32, #tpu.memory_space<vmem>>, vector<1x16xf32>,
      %get3A_1759 = vector.shape_cast %get3A_1758 : vector<1x16xf32> to vector<16xf32>
      %mul3A_1760 = arith.constant 14.2857141 : f32
      %mul3A_1761 = vector.broadcast %mul3A_1760 : f32 to vector<16xf32>
      %mul3A_1762 = arith.mulf %get3A_1759, %mul3A_1761 : vector<16xf32>
      %exp3A_1763 = math.exp %mul3A_1762 : vector<16xf32>
      %add3A_1764 = arith.addf %add3A_1748, %exp3A_1763 : vector<16xf32>
      %swap3A_1765 = arith.constant 11 : i32
      %swap3A_1766 = arith.index_cast %swap3A_1765 : i32 to index
      %swap3A_1767 = arith.constant 0 : index
      %swap3A_1768 = tpu.vector_load %arg8[%swap3A_1766, %swap3A_1767] {strides = array<i32>} : memref<16x128xf32, #tpu.memory_space<vmem>>, vector<1x16xf32>,
      %swap3A_1769 = vector.shape_cast %swap3A_1768 : vector<1x16xf32> to vector<16xf32>
      %swap3A_1770 = vector.shape_cast %exp3A_1763 : vector<16xf32> to vector<1x16xf32>
      tpu.vector_store %arg8[%swap3A_1766, %swap3A_1767], %swap3A_1770 {strides = array<i32>} : memref<16x128xf32, #tpu.memory_space<vmem>>, vector<1x16xf32>,
      %get3A_1771 = arith.constant 11 : i32
      %get3A_1772 = arith.index_cast %get3A_1771 : i32 to index
      %get3A_1773 = arith.constant 16 : index
      %get3A_1774 = tpu.vector_load %arg7[%get3A_1772, %get3A_1773] {strides = array<i32>} : memref<16x128xf32, #tpu.memory_space<vmem>>, vector<1x16xf32>,
      %get3A_1775 = vector.shape_cast %get3A_1774 : vector<1x16xf32> to vector<16xf32>
      %mul3A_1776 = arith.constant 14.2857141 : f32
      %mul3A_1777 = vector.broadcast %mul3A_1776 : f32 to vector<16xf32>
      %mul3A_1778 = arith.mulf %get3A_1775, %mul3A_1777 : vector<16xf32>
      %exp3A_1779 = math.exp %mul3A_1778 : vector<16xf32>
      %add3A_1780 = arith.addf %add3A_1764, %exp3A_1779 : vector<16xf32>
      %swap3A_1781 = arith.constant 11 : i32
      %swap3A_1782 = arith.index_cast %swap3A_1781 : i32 to index
      %swap3A_1783 = arith.constant 16 : index
      %swap3A_1784 = tpu.vector_load %arg8[%swap3A_1782, %swap3A_1783] {strides = array<i32>} : memref<16x128xf32, #tpu.memory_space<vmem>>, vector<1x16xf32>,
      %swap3A_1785 = vector.shape_cast %swap3A_1784 : vector<1x16xf32> to vector<16xf32>
      %swap3A_1786 = vector.shape_cast %exp3A_1779 : vector<16xf32> to vector<1x16xf32>
      tpu.vector_store %arg8[%swap3A_1782, %swap3A_1783], %swap3A_1786 {strides = array<i32>} : memref<16x128xf32, #tpu.memory_space<vmem>>, vector<1x16xf32>,
      %get3A_1787 = arith.constant 11 : i32
      %get3A_1788 = arith.index_cast %get3A_1787 : i32 to index
      %get3A_1789 = arith.constant 32 : index
      %get3A_1790 = tpu.vector_load %arg7[%get3A_1788, %get3A_1789] {strides = array<i32>} : memref<16x128xf32, #tpu.memory_space<vmem>>, vector<1x16xf32>,
      %get3A_1791 = vector.shape_cast %get3A_1790 : vector<1x16xf32> to vector<16xf32>
      %mul3A_1792 = arith.constant 14.2857141 : f32
      %mul3A_1793 = vector.broadcast %mul3A_1792 : f32 to vector<16xf32>
      %mul3A_1794 = arith.mulf %get3A_1791, %mul3A_1793 : vector<16xf32>
      %exp3A_1795 = math.exp %mul3A_1794 : vector<16xf32>
      %add3A_1796 = arith.addf %add3A_1780, %exp3A_1795 : vector<16xf32>
      %swap3A_1797 = arith.constant 11 : i32
      %swap3A_1798 = arith.index_cast %swap3A_1797 : i32 to index
      %swap3A_1799 = arith.constant 32 : index
      %swap3A_1800 = tpu.vector_load %arg8[%swap3A_1798, %swap3A_1799] {strides = array<i32>} : memref<16x128xf32, #tpu.memory_space<vmem>>, vector<1x16xf32>,
      %swap3A_1801 = vector.shape_cast %swap3A_1800 : vector<1x16xf32> to vector<16xf32>
      %swap3A_1802 = vector.shape_cast %exp3A_1795 : vector<16xf32> to vector<1x16xf32>
      tpu.vector_store %arg8[%swap3A_1798, %swap3A_1799], %swap3A_1802 {strides = array<i32>} : memref<16x128xf32, #tpu.memory_space<vmem>>, vector<1x16xf32>,
      %get3A_1803 = arith.constant 11 : i32
      %get3A_1804 = arith.index_cast %get3A_1803 : i32 to index
      %get3A_1805 = arith.constant 48 : index
      %get3A_1806 = tpu.vector_load %arg7[%get3A_1804, %get3A_1805] {strides = array<i32>} : memref<16x128xf32, #tpu.memory_space<vmem>>, vector<1x16xf32>,
      %get3A_1807 = vector.shape_cast %get3A_1806 : vector<1x16xf32> to vector<16xf32>
      %mul3A_1808 = arith.constant 14.2857141 : f32
      %mul3A_1809 = vector.broadcast %mul3A_1808 : f32 to vector<16xf32>
      %mul3A_1810 = arith.mulf %get3A_1807, %mul3A_1809 : vector<16xf32>
      %exp3A_1811 = math.exp %mul3A_1810 : vector<16xf32>
      %add3A_1812 = arith.addf %add3A_1796, %exp3A_1811 : vector<16xf32>
      %swap3A_1813 = arith.constant 11 : i32
      %swap3A_1814 = arith.index_cast %swap3A_1813 : i32 to index
      %swap3A_1815 = arith.constant 48 : index
      %swap3A_1816 = tpu.vector_load %arg8[%swap3A_1814, %swap3A_1815] {strides = array<i32>} : memref<16x128xf32, #tpu.memory_space<vmem>>, vector<1x16xf32>,
      %swap3A_1817 = vector.shape_cast %swap3A_1816 : vector<1x16xf32> to vector<16xf32>
      %swap3A_1818 = vector.shape_cast %exp3A_1811 : vector<16xf32> to vector<1x16xf32>
      tpu.vector_store %arg8[%swap3A_1814, %swap3A_1815], %swap3A_1818 {strides = array<i32>} : memref<16x128xf32, #tpu.memory_space<vmem>>, vector<1x16xf32>,
      %get3A_1819 = arith.constant 11 : i32
      %get3A_1820 = arith.index_cast %get3A_1819 : i32 to index
      %get3A_1821 = arith.constant 64 : index
      %get3A_1822 = tpu.vector_load %arg7[%get3A_1820, %get3A_1821] {strides = array<i32>} : memref<16x128xf32, #tpu.memory_space<vmem>>, vector<1x16xf32>,
      %get3A_1823 = vector.shape_cast %get3A_1822 : vector<1x16xf32> to vector<16xf32>
      %mul3A_1824 = arith.constant 14.2857141 : f32
      %mul3A_1825 = vector.broadcast %mul3A_1824 : f32 to vector<16xf32>
      %mul3A_1826 = arith.mulf %get3A_1823, %mul3A_1825 : vector<16xf32>
      %exp3A_1827 = math.exp %mul3A_1826 : vector<16xf32>
      %add3A_1828 = arith.addf %add3A_1812, %exp3A_1827 : vector<16xf32>
      %swap3A_1829 = arith.constant 11 : i32
      %swap3A_1830 = arith.index_cast %swap3A_1829 : i32 to index
      %swap3A_1831 = arith.constant 64 : index
      %swap3A_1832 = tpu.vector_load %arg8[%swap3A_1830, %swap3A_1831] {strides = array<i32>} : memref<16x128xf32, #tpu.memory_space<vmem>>, vector<1x16xf32>,
      %swap3A_1833 = vector.shape_cast %swap3A_1832 : vector<1x16xf32> to vector<16xf32>
      %swap3A_1834 = vector.shape_cast %exp3A_1827 : vector<16xf32> to vector<1x16xf32>
      tpu.vector_store %arg8[%swap3A_1830, %swap3A_1831], %swap3A_1834 {strides = array<i32>} : memref<16x128xf32, #tpu.memory_space<vmem>>, vector<1x16xf32>,
      %get3A_1835 = arith.constant 11 : i32
      %get3A_1836 = arith.index_cast %get3A_1835 : i32 to index
      %get3A_1837 = arith.constant 80 : index
      %get3A_1838 = tpu.vector_load %arg7[%get3A_1836, %get3A_1837] {strides = array<i32>} : memref<16x128xf32, #tpu.memory_space<vmem>>, vector<1x16xf32>,
      %get3A_1839 = vector.shape_cast %get3A_1838 : vector<1x16xf32> to vector<16xf32>
      %mul3A_1840 = arith.constant 14.2857141 : f32
      %mul3A_1841 = vector.broadcast %mul3A_1840 : f32 to vector<16xf32>
      %mul3A_1842 = arith.mulf %get3A_1839, %mul3A_1841 : vector<16xf32>
      %exp3A_1843 = math.exp %mul3A_1842 : vector<16xf32>
      %add3A_1844 = arith.addf %add3A_1828, %exp3A_1843 : vector<16xf32>
      %swap3A_1845 = arith.constant 11 : i32
      %swap3A_1846 = arith.index_cast %swap3A_1845 : i32 to index
      %swap3A_1847 = arith.constant 80 : index
      %swap3A_1848 = tpu.vector_load %arg8[%swap3A_1846, %swap3A_1847] {strides = array<i32>} : memref<16x128xf32, #tpu.memory_space<vmem>>, vector<1x16xf32>,
      %swap3A_1849 = vector.shape_cast %swap3A_1848 : vector<1x16xf32> to vector<16xf32>
      %swap3A_1850 = vector.shape_cast %exp3A_1843 : vector<16xf32> to vector<1x16xf32>
      tpu.vector_store %arg8[%swap3A_1846, %swap3A_1847], %swap3A_1850 {strides = array<i32>} : memref<16x128xf32, #tpu.memory_space<vmem>>, vector<1x16xf32>,
      %get3A_1851 = arith.constant 11 : i32
      %get3A_1852 = arith.index_cast %get3A_1851 : i32 to index
      %get3A_1853 = arith.constant 96 : index
      %get3A_1854 = tpu.vector_load %arg7[%get3A_1852, %get3A_1853] {strides = array<i32>} : memref<16x128xf32, #tpu.memory_space<vmem>>, vector<1x16xf32>,
      %get3A_1855 = vector.shape_cast %get3A_1854 : vector<1x16xf32> to vector<16xf32>
      %mul3A_1856 = arith.constant 14.2857141 : f32
      %mul3A_1857 = vector.broadcast %mul3A_1856 : f32 to vector<16xf32>
      %mul3A_1858 = arith.mulf %get3A_1855, %mul3A_1857 : vector<16xf32>
      %exp3A_1859 = math.exp %mul3A_1858 : vector<16xf32>
      %add3A_1860 = arith.addf %add3A_1844, %exp3A_1859 : vector<16xf32>
      %swap3A_1861 = arith.constant 11 : i32
      %swap3A_1862 = arith.index_cast %swap3A_1861 : i32 to index
      %swap3A_1863 = arith.constant 96 : index
      %swap3A_1864 = tpu.vector_load %arg8[%swap3A_1862, %swap3A_1863] {strides = array<i32>} : memref<16x128xf32, #tpu.memory_space<vmem>>, vector<1x16xf32>,
      %swap3A_1865 = vector.shape_cast %swap3A_1864 : vector<1x16xf32> to vector<16xf32>
      %swap3A_1866 = vector.shape_cast %exp3A_1859 : vector<16xf32> to vector<1x16xf32>
      tpu.vector_store %arg8[%swap3A_1862, %swap3A_1863], %swap3A_1866 {strides = array<i32>} : memref<16x128xf32, #tpu.memory_space<vmem>>, vector<1x16xf32>,
      %get3A_1867 = arith.constant 11 : i32
      %get3A_1868 = arith.index_cast %get3A_1867 : i32 to index
      %get3A_1869 = arith.constant 112 : index
      %get3A_1870 = tpu.vector_load %arg7[%get3A_1868, %get3A_1869] {strides = array<i32>} : memref<16x128xf32, #tpu.memory_space<vmem>>, vector<1x16xf32>,
      %get3A_1871 = vector.shape_cast %get3A_1870 : vector<1x16xf32> to vector<16xf32>
      %mul3A_1872 = arith.constant 14.2857141 : f32
      %mul3A_1873 = vector.broadcast %mul3A_1872 : f32 to vector<16xf32>
      %mul3A_1874 = arith.mulf %get3A_1871, %mul3A_1873 : vector<16xf32>
      %exp3A_1875 = math.exp %mul3A_1874 : vector<16xf32>
      %add3A_1876 = arith.addf %add3A_1860, %exp3A_1875 : vector<16xf32>
      %swap3A_1877 = arith.constant 11 : i32
      %swap3A_1878 = arith.index_cast %swap3A_1877 : i32 to index
      %swap3A_1879 = arith.constant 112 : index
      %swap3A_1880 = tpu.vector_load %arg8[%swap3A_1878, %swap3A_1879] {strides = array<i32>} : memref<16x128xf32, #tpu.memory_space<vmem>>, vector<1x16xf32>,
      %swap3A_1881 = vector.shape_cast %swap3A_1880 : vector<1x16xf32> to vector<16xf32>
      %swap3A_1882 = vector.shape_cast %exp3A_1875 : vector<16xf32> to vector<1x16xf32>
      tpu.vector_store %arg8[%swap3A_1878, %swap3A_1879], %swap3A_1882 {strides = array<i32>} : memref<16x128xf32, #tpu.memory_space<vmem>>, vector<1x16xf32>,
      %get3A_1883 = arith.constant 12 : i32
      %get3A_1884 = arith.index_cast %get3A_1883 : i32 to index
      %get3A_1885 = arith.constant 0 : index
      %get3A_1886 = tpu.vector_load %arg7[%get3A_1884, %get3A_1885] {strides = array<i32>} : memref<16x128xf32, #tpu.memory_space<vmem>>, vector<1x16xf32>,
      %get3A_1887 = vector.shape_cast %get3A_1886 : vector<1x16xf32> to vector<16xf32>
      %mul3A_1888 = arith.constant 14.2857141 : f32
      %mul3A_1889 = vector.broadcast %mul3A_1888 : f32 to vector<16xf32>
      %mul3A_1890 = arith.mulf %get3A_1887, %mul3A_1889 : vector<16xf32>
      %exp3A_1891 = math.exp %mul3A_1890 : vector<16xf32>
      %add3A_1892 = arith.addf %add3A_1876, %exp3A_1891 : vector<16xf32>
      %swap3A_1893 = arith.constant 12 : i32
      %swap3A_1894 = arith.index_cast %swap3A_1893 : i32 to index
      %swap3A_1895 = arith.constant 0 : index
      %swap3A_1896 = tpu.vector_load %arg8[%swap3A_1894, %swap3A_1895] {strides = array<i32>} : memref<16x128xf32, #tpu.memory_space<vmem>>, vector<1x16xf32>,
      %swap3A_1897 = vector.shape_cast %swap3A_1896 : vector<1x16xf32> to vector<16xf32>
      %swap3A_1898 = vector.shape_cast %exp3A_1891 : vector<16xf32> to vector<1x16xf32>
      tpu.vector_store %arg8[%swap3A_1894, %swap3A_1895], %swap3A_1898 {strides = array<i32>} : memref<16x128xf32, #tpu.memory_space<vmem>>, vector<1x16xf32>,
      %get3A_1899 = arith.constant 12 : i32
      %get3A_1900 = arith.index_cast %get3A_1899 : i32 to index
      %get3A_1901 = arith.constant 16 : index
      %get3A_1902 = tpu.vector_load %arg7[%get3A_1900, %get3A_1901] {strides = array<i32>} : memref<16x128xf32, #tpu.memory_space<vmem>>, vector<1x16xf32>,
      %get3A_1903 = vector.shape_cast %get3A_1902 : vector<1x16xf32> to vector<16xf32>
      %mul3A_1904 = arith.constant 14.2857141 : f32
      %mul3A_1905 = vector.broadcast %mul3A_1904 : f32 to vector<16xf32>
      %mul3A_1906 = arith.mulf %get3A_1903, %mul3A_1905 : vector<16xf32>
      %exp3A_1907 = math.exp %mul3A_1906 : vector<16xf32>
      %add3A_1908 = arith.addf %add3A_1892, %exp3A_1907 : vector<16xf32>
      %swap3A_1909 = arith.constant 12 : i32
      %swap3A_1910 = arith.index_cast %swap3A_1909 : i32 to index
      %swap3A_1911 = arith.constant 16 : index
      %swap3A_1912 = tpu.vector_load %arg8[%swap3A_1910, %swap3A_1911] {strides = array<i32>} : memref<16x128xf32, #tpu.memory_space<vmem>>, vector<1x16xf32>,
      %swap3A_1913 = vector.shape_cast %swap3A_1912 : vector<1x16xf32> to vector<16xf32>
      %swap3A_1914 = vector.shape_cast %exp3A_1907 : vector<16xf32> to vector<1x16xf32>
      tpu.vector_store %arg8[%swap3A_1910, %swap3A_1911], %swap3A_1914 {strides = array<i32>} : memref<16x128xf32, #tpu.memory_space<vmem>>, vector<1x16xf32>,
      %get3A_1915 = arith.constant 12 : i32
      %get3A_1916 = arith.index_cast %get3A_1915 : i32 to index
      %get3A_1917 = arith.constant 32 : index
      %get3A_1918 = tpu.vector_load %arg7[%get3A_1916, %get3A_1917] {strides = array<i32>} : memref<16x128xf32, #tpu.memory_space<vmem>>, vector<1x16xf32>,
      %get3A_1919 = vector.shape_cast %get3A_1918 : vector<1x16xf32> to vector<16xf32>
      %mul3A_1920 = arith.constant 14.2857141 : f32
      %mul3A_1921 = vector.broadcast %mul3A_1920 : f32 to vector<16xf32>
      %mul3A_1922 = arith.mulf %get3A_1919, %mul3A_1921 : vector<16xf32>
      %exp3A_1923 = math.exp %mul3A_1922 : vector<16xf32>
      %add3A_1924 = arith.addf %add3A_1908, %exp3A_1923 : vector<16xf32>
      %swap3A_1925 = arith.constant 12 : i32
      %swap3A_1926 = arith.index_cast %swap3A_1925 : i32 to index
      %swap3A_1927 = arith.constant 32 : index
      %swap3A_1928 = tpu.vector_load %arg8[%swap3A_1926, %swap3A_1927] {strides = array<i32>} : memref<16x128xf32, #tpu.memory_space<vmem>>, vector<1x16xf32>,
      %swap3A_1929 = vector.shape_cast %swap3A_1928 : vector<1x16xf32> to vector<16xf32>
      %swap3A_1930 = vector.shape_cast %exp3A_1923 : vector<16xf32> to vector<1x16xf32>
      tpu.vector_store %arg8[%swap3A_1926, %swap3A_1927], %swap3A_1930 {strides = array<i32>} : memref<16x128xf32, #tpu.memory_space<vmem>>, vector<1x16xf32>,
      %get3A_1931 = arith.constant 12 : i32
      %get3A_1932 = arith.index_cast %get3A_1931 : i32 to index
      %get3A_1933 = arith.constant 48 : index
      %get3A_1934 = tpu.vector_load %arg7[%get3A_1932, %get3A_1933] {strides = array<i32>} : memref<16x128xf32, #tpu.memory_space<vmem>>, vector<1x16xf32>,
      %get3A_1935 = vector.shape_cast %get3A_1934 : vector<1x16xf32> to vector<16xf32>
      %mul3A_1936 = arith.constant 14.2857141 : f32
      %mul3A_1937 = vector.broadcast %mul3A_1936 : f32 to vector<16xf32>
      %mul3A_1938 = arith.mulf %get3A_1935, %mul3A_1937 : vector<16xf32>
      %exp3A_1939 = math.exp %mul3A_1938 : vector<16xf32>
      %add3A_1940 = arith.addf %add3A_1924, %exp3A_1939 : vector<16xf32>
      %swap3A_1941 = arith.constant 12 : i32
      %swap3A_1942 = arith.index_cast %swap3A_1941 : i32 to index
      %swap3A_1943 = arith.constant 48 : index
      %swap3A_1944 = tpu.vector_load %arg8[%swap3A_1942, %swap3A_1943] {strides = array<i32>} : memref<16x128xf32, #tpu.memory_space<vmem>>, vector<1x16xf32>,
      %swap3A_1945 = vector.shape_cast %swap3A_1944 : vector<1x16xf32> to vector<16xf32>
      %swap3A_1946 = vector.shape_cast %exp3A_1939 : vector<16xf32> to vector<1x16xf32>
      tpu.vector_store %arg8[%swap3A_1942, %swap3A_1943], %swap3A_1946 {strides = array<i32>} : memref<16x128xf32, #tpu.memory_space<vmem>>, vector<1x16xf32>,
      %get3A_1947 = arith.constant 12 : i32
      %get3A_1948 = arith.index_cast %get3A_1947 : i32 to index
      %get3A_1949 = arith.constant 64 : index
      %get3A_1950 = tpu.vector_load %arg7[%get3A_1948, %get3A_1949] {strides = array<i32>} : memref<16x128xf32, #tpu.memory_space<vmem>>, vector<1x16xf32>,
      %get3A_1951 = vector.shape_cast %get3A_1950 : vector<1x16xf32> to vector<16xf32>
      %mul3A_1952 = arith.constant 14.2857141 : f32
      %mul3A_1953 = vector.broadcast %mul3A_1952 : f32 to vector<16xf32>
      %mul3A_1954 = arith.mulf %get3A_1951, %mul3A_1953 : vector<16xf32>
      %exp3A_1955 = math.exp %mul3A_1954 : vector<16xf32>
      %add3A_1956 = arith.addf %add3A_1940, %exp3A_1955 : vector<16xf32>
      %swap3A_1957 = arith.constant 12 : i32
      %swap3A_1958 = arith.index_cast %swap3A_1957 : i32 to index
      %swap3A_1959 = arith.constant 64 : index
      %swap3A_1960 = tpu.vector_load %arg8[%swap3A_1958, %swap3A_1959] {strides = array<i32>} : memref<16x128xf32, #tpu.memory_space<vmem>>, vector<1x16xf32>,
      %swap3A_1961 = vector.shape_cast %swap3A_1960 : vector<1x16xf32> to vector<16xf32>
      %swap3A_1962 = vector.shape_cast %exp3A_1955 : vector<16xf32> to vector<1x16xf32>
      tpu.vector_store %arg8[%swap3A_1958, %swap3A_1959], %swap3A_1962 {strides = array<i32>} : memref<16x128xf32, #tpu.memory_space<vmem>>, vector<1x16xf32>,
      %get3A_1963 = arith.constant 12 : i32
      %get3A_1964 = arith.index_cast %get3A_1963 : i32 to index
      %get3A_1965 = arith.constant 80 : index
      %get3A_1966 = tpu.vector_load %arg7[%get3A_1964, %get3A_1965] {strides = array<i32>} : memref<16x128xf32, #tpu.memory_space<vmem>>, vector<1x16xf32>,
      %get3A_1967 = vector.shape_cast %get3A_1966 : vector<1x16xf32> to vector<16xf32>
      %mul3A_1968 = arith.constant 14.2857141 : f32
      %mul3A_1969 = vector.broadcast %mul3A_1968 : f32 to vector<16xf32>
      %mul3A_1970 = arith.mulf %get3A_1967, %mul3A_1969 : vector<16xf32>
      %exp3A_1971 = math.exp %mul3A_1970 : vector<16xf32>
      %add3A_1972 = arith.addf %add3A_1956, %exp3A_1971 : vector<16xf32>
      %swap3A_1973 = arith.constant 12 : i32
      %swap3A_1974 = arith.index_cast %swap3A_1973 : i32 to index
      %swap3A_1975 = arith.constant 80 : index
      %swap3A_1976 = tpu.vector_load %arg8[%swap3A_1974, %swap3A_1975] {strides = array<i32>} : memref<16x128xf32, #tpu.memory_space<vmem>>, vector<1x16xf32>,
      %swap3A_1977 = vector.shape_cast %swap3A_1976 : vector<1x16xf32> to vector<16xf32>
      %swap3A_1978 = vector.shape_cast %exp3A_1971 : vector<16xf32> to vector<1x16xf32>
      tpu.vector_store %arg8[%swap3A_1974, %swap3A_1975], %swap3A_1978 {strides = array<i32>} : memref<16x128xf32, #tpu.memory_space<vmem>>, vector<1x16xf32>,
      %get3A_1979 = arith.constant 12 : i32
      %get3A_1980 = arith.index_cast %get3A_1979 : i32 to index
      %get3A_1981 = arith.constant 96 : index
      %get3A_1982 = tpu.vector_load %arg7[%get3A_1980, %get3A_1981] {strides = array<i32>} : memref<16x128xf32, #tpu.memory_space<vmem>>, vector<1x16xf32>,
      %get3A_1983 = vector.shape_cast %get3A_1982 : vector<1x16xf32> to vector<16xf32>
      %mul3A_1984 = arith.constant 14.2857141 : f32
      %mul3A_1985 = vector.broadcast %mul3A_1984 : f32 to vector<16xf32>
      %mul3A_1986 = arith.mulf %get3A_1983, %mul3A_1985 : vector<16xf32>
      %exp3A_1987 = math.exp %mul3A_1986 : vector<16xf32>
      %add3A_1988 = arith.addf %add3A_1972, %exp3A_1987 : vector<16xf32>
      %swap3A_1989 = arith.constant 12 : i32
      %swap3A_1990 = arith.index_cast %swap3A_1989 : i32 to index
      %swap3A_1991 = arith.constant 96 : index
      %swap3A_1992 = tpu.vector_load %arg8[%swap3A_1990, %swap3A_1991] {strides = array<i32>} : memref<16x128xf32, #tpu.memory_space<vmem>>, vector<1x16xf32>,
      %swap3A_1993 = vector.shape_cast %swap3A_1992 : vector<1x16xf32> to vector<16xf32>
      %swap3A_1994 = vector.shape_cast %exp3A_1987 : vector<16xf32> to vector<1x16xf32>
      tpu.vector_store %arg8[%swap3A_1990, %swap3A_1991], %swap3A_1994 {strides = array<i32>} : memref<16x128xf32, #tpu.memory_space<vmem>>, vector<1x16xf32>,
      %get3A_1995 = arith.constant 12 : i32
      %get3A_1996 = arith.index_cast %get3A_1995 : i32 to index
      %get3A_1997 = arith.constant 112 : index
      %get3A_1998 = tpu.vector_load %arg7[%get3A_1996, %get3A_1997] {strides = array<i32>} : memref<16x128xf32, #tpu.memory_space<vmem>>, vector<1x16xf32>,
      %get3A_1999 = vector.shape_cast %get3A_1998 : vector<1x16xf32> to vector<16xf32>
      %mul3A_2000 = arith.constant 14.2857141 : f32
      %mul3A_2001 = vector.broadcast %mul3A_2000 : f32 to vector<16xf32>
      %mul3A_2002 = arith.mulf %get3A_1999, %mul3A_2001 : vector<16xf32>
      %exp3A_2003 = math.exp %mul3A_2002 : vector<16xf32>
      %add3A_2004 = arith.addf %add3A_1988, %exp3A_2003 : vector<16xf32>
      %swap3A_2005 = arith.constant 12 : i32
      %swap3A_2006 = arith.index_cast %swap3A_2005 : i32 to index
      %swap3A_2007 = arith.constant 112 : index
      %swap3A_2008 = tpu.vector_load %arg8[%swap3A_2006, %swap3A_2007] {strides = array<i32>} : memref<16x128xf32, #tpu.memory_space<vmem>>, vector<1x16xf32>,
      %swap3A_2009 = vector.shape_cast %swap3A_2008 : vector<1x16xf32> to vector<16xf32>
      %swap3A_2010 = vector.shape_cast %exp3A_2003 : vector<16xf32> to vector<1x16xf32>
      tpu.vector_store %arg8[%swap3A_2006, %swap3A_2007], %swap3A_2010 {strides = array<i32>} : memref<16x128xf32, #tpu.memory_space<vmem>>, vector<1x16xf32>,
      %get3A_2011 = arith.constant 13 : i32
      %get3A_2012 = arith.index_cast %get3A_2011 : i32 to index
      %get3A_2013 = arith.constant 0 : index
      %get3A_2014 = tpu.vector_load %arg7[%get3A_2012, %get3A_2013] {strides = array<i32>} : memref<16x128xf32, #tpu.memory_space<vmem>>, vector<1x16xf32>,
      %get3A_2015 = vector.shape_cast %get3A_2014 : vector<1x16xf32> to vector<16xf32>
      %mul3A_2016 = arith.constant 14.2857141 : f32
      %mul3A_2017 = vector.broadcast %mul3A_2016 : f32 to vector<16xf32>
      %mul3A_2018 = arith.mulf %get3A_2015, %mul3A_2017 : vector<16xf32>
      %exp3A_2019 = math.exp %mul3A_2018 : vector<16xf32>
      %add3A_2020 = arith.addf %add3A_2004, %exp3A_2019 : vector<16xf32>
      %swap3A_2021 = arith.constant 13 : i32
      %swap3A_2022 = arith.index_cast %swap3A_2021 : i32 to index
      %swap3A_2023 = arith.constant 0 : index
      %swap3A_2024 = tpu.vector_load %arg8[%swap3A_2022, %swap3A_2023] {strides = array<i32>} : memref<16x128xf32, #tpu.memory_space<vmem>>, vector<1x16xf32>,
      %swap3A_2025 = vector.shape_cast %swap3A_2024 : vector<1x16xf32> to vector<16xf32>
      %swap3A_2026 = vector.shape_cast %exp3A_2019 : vector<16xf32> to vector<1x16xf32>
      tpu.vector_store %arg8[%swap3A_2022, %swap3A_2023], %swap3A_2026 {strides = array<i32>} : memref<16x128xf32, #tpu.memory_space<vmem>>, vector<1x16xf32>,
      %get3A_2027 = arith.constant 13 : i32
      %get3A_2028 = arith.index_cast %get3A_2027 : i32 to index
      %get3A_2029 = arith.constant 16 : index
      %get3A_2030 = tpu.vector_load %arg7[%get3A_2028, %get3A_2029] {strides = array<i32>} : memref<16x128xf32, #tpu.memory_space<vmem>>, vector<1x16xf32>,
      %get3A_2031 = vector.shape_cast %get3A_2030 : vector<1x16xf32> to vector<16xf32>
      %mul3A_2032 = arith.constant 14.2857141 : f32
      %mul3A_2033 = vector.broadcast %mul3A_2032 : f32 to vector<16xf32>
      %mul3A_2034 = arith.mulf %get3A_2031, %mul3A_2033 : vector<16xf32>
      %exp3A_2035 = math.exp %mul3A_2034 : vector<16xf32>
      %add3A_2036 = arith.addf %add3A_2020, %exp3A_2035 : vector<16xf32>
      %swap3A_2037 = arith.constant 13 : i32
      %swap3A_2038 = arith.index_cast %swap3A_2037 : i32 to index
      %swap3A_2039 = arith.constant 16 : index
      %swap3A_2040 = tpu.vector_load %arg8[%swap3A_2038, %swap3A_2039] {strides = array<i32>} : memref<16x128xf32, #tpu.memory_space<vmem>>, vector<1x16xf32>,
      %swap3A_2041 = vector.shape_cast %swap3A_2040 : vector<1x16xf32> to vector<16xf32>
      %swap3A_2042 = vector.shape_cast %exp3A_2035 : vector<16xf32> to vector<1x16xf32>
      tpu.vector_store %arg8[%swap3A_2038, %swap3A_2039], %swap3A_2042 {strides = array<i32>} : memref<16x128xf32, #tpu.memory_space<vmem>>, vector<1x16xf32>,
      %get3A_2043 = arith.constant 13 : i32
      %get3A_2044 = arith.index_cast %get3A_2043 : i32 to index
      %get3A_2045 = arith.constant 32 : index
      %get3A_2046 = tpu.vector_load %arg7[%get3A_2044, %get3A_2045] {strides = array<i32>} : memref<16x128xf32, #tpu.memory_space<vmem>>, vector<1x16xf32>,
      %get3A_2047 = vector.shape_cast %get3A_2046 : vector<1x16xf32> to vector<16xf32>
      %mul3A_2048 = arith.constant 14.2857141 : f32
      %mul3A_2049 = vector.broadcast %mul3A_2048 : f32 to vector<16xf32>
      %mul3A_2050 = arith.mulf %get3A_2047, %mul3A_2049 : vector<16xf32>
      %exp3A_2051 = math.exp %mul3A_2050 : vector<16xf32>
      %add3A_2052 = arith.addf %add3A_2036, %exp3A_2051 : vector<16xf32>
      %swap3A_2053 = arith.constant 13 : i32
      %swap3A_2054 = arith.index_cast %swap3A_2053 : i32 to index
      %swap3A_2055 = arith.constant 32 : index
      %swap3A_2056 = tpu.vector_load %arg8[%swap3A_2054, %swap3A_2055] {strides = array<i32>} : memref<16x128xf32, #tpu.memory_space<vmem>>, vector<1x16xf32>,
      %swap3A_2057 = vector.shape_cast %swap3A_2056 : vector<1x16xf32> to vector<16xf32>
      %swap3A_2058 = vector.shape_cast %exp3A_2051 : vector<16xf32> to vector<1x16xf32>
      tpu.vector_store %arg8[%swap3A_2054, %swap3A_2055], %swap3A_2058 {strides = array<i32>} : memref<16x128xf32, #tpu.memory_space<vmem>>, vector<1x16xf32>,
      %get3A_2059 = arith.constant 13 : i32
      %get3A_2060 = arith.index_cast %get3A_2059 : i32 to index
      %get3A_2061 = arith.constant 48 : index
      %get3A_2062 = tpu.vector_load %arg7[%get3A_2060, %get3A_2061] {strides = array<i32>} : memref<16x128xf32, #tpu.memory_space<vmem>>, vector<1x16xf32>,
      %get3A_2063 = vector.shape_cast %get3A_2062 : vector<1x16xf32> to vector<16xf32>
      %mul3A_2064 = arith.constant 14.2857141 : f32
      %mul3A_2065 = vector.broadcast %mul3A_2064 : f32 to vector<16xf32>
      %mul3A_2066 = arith.mulf %get3A_2063, %mul3A_2065 : vector<16xf32>
      %exp3A_2067 = math.exp %mul3A_2066 : vector<16xf32>
      %add3A_2068 = arith.addf %add3A_2052, %exp3A_2067 : vector<16xf32>
      %swap3A_2069 = arith.constant 13 : i32
      %swap3A_2070 = arith.index_cast %swap3A_2069 : i32 to index
      %swap3A_2071 = arith.constant 48 : index
      %swap3A_2072 = tpu.vector_load %arg8[%swap3A_2070, %swap3A_2071] {strides = array<i32>} : memref<16x128xf32, #tpu.memory_space<vmem>>, vector<1x16xf32>,
      %swap3A_2073 = vector.shape_cast %swap3A_2072 : vector<1x16xf32> to vector<16xf32>
      %swap3A_2074 = vector.shape_cast %exp3A_2067 : vector<16xf32> to vector<1x16xf32>
      tpu.vector_store %arg8[%swap3A_2070, %swap3A_2071], %swap3A_2074 {strides = array<i32>} : memref<16x128xf32, #tpu.memory_space<vmem>>, vector<1x16xf32>,
      %get3A_2075 = arith.constant 13 : i32
      %get3A_2076 = arith.index_cast %get3A_2075 : i32 to index
      %get3A_2077 = arith.constant 64 : index
      %get3A_2078 = tpu.vector_load %arg7[%get3A_2076, %get3A_2077] {strides = array<i32>} : memref<16x128xf32, #tpu.memory_space<vmem>>, vector<1x16xf32>,
      %get3A_2079 = vector.shape_cast %get3A_2078 : vector<1x16xf32> to vector<16xf32>
      %mul3A_2080 = arith.constant 14.2857141 : f32
      %mul3A_2081 = vector.broadcast %mul3A_2080 : f32 to vector<16xf32>
      %mul3A_2082 = arith.mulf %get3A_2079, %mul3A_2081 : vector<16xf32>
      %exp3A_2083 = math.exp %mul3A_2082 : vector<16xf32>
      %add3A_2084 = arith.addf %add3A_2068, %exp3A_2083 : vector<16xf32>
      %swap3A_2085 = arith.constant 13 : i32
      %swap3A_2086 = arith.index_cast %swap3A_2085 : i32 to index
      %swap3A_2087 = arith.constant 64 : index
      %swap3A_2088 = tpu.vector_load %arg8[%swap3A_2086, %swap3A_2087] {strides = array<i32>} : memref<16x128xf32, #tpu.memory_space<vmem>>, vector<1x16xf32>,
      %swap3A_2089 = vector.shape_cast %swap3A_2088 : vector<1x16xf32> to vector<16xf32>
      %swap3A_2090 = vector.shape_cast %exp3A_2083 : vector<16xf32> to vector<1x16xf32>
      tpu.vector_store %arg8[%swap3A_2086, %swap3A_2087], %swap3A_2090 {strides = array<i32>} : memref<16x128xf32, #tpu.memory_space<vmem>>, vector<1x16xf32>,
      %get3A_2091 = arith.constant 13 : i32
      %get3A_2092 = arith.index_cast %get3A_2091 : i32 to index
      %get3A_2093 = arith.constant 80 : index
      %get3A_2094 = tpu.vector_load %arg7[%get3A_2092, %get3A_2093] {strides = array<i32>} : memref<16x128xf32, #tpu.memory_space<vmem>>, vector<1x16xf32>,
      %get3A_2095 = vector.shape_cast %get3A_2094 : vector<1x16xf32> to vector<16xf32>
      %mul3A_2096 = arith.constant 14.2857141 : f32
      %mul3A_2097 = vector.broadcast %mul3A_2096 : f32 to vector<16xf32>
      %mul3A_2098 = arith.mulf %get3A_2095, %mul3A_2097 : vector<16xf32>
      %exp3A_2099 = math.exp %mul3A_2098 : vector<16xf32>
      %add3A_2100 = arith.addf %add3A_2084, %exp3A_2099 : vector<16xf32>
      %swap3A_2101 = arith.constant 13 : i32
      %swap3A_2102 = arith.index_cast %swap3A_2101 : i32 to index
      %swap3A_2103 = arith.constant 80 : index
      %swap3A_2104 = tpu.vector_load %arg8[%swap3A_2102, %swap3A_2103] {strides = array<i32>} : memref<16x128xf32, #tpu.memory_space<vmem>>, vector<1x16xf32>,
      %swap3A_2105 = vector.shape_cast %swap3A_2104 : vector<1x16xf32> to vector<16xf32>
      %swap3A_2106 = vector.shape_cast %exp3A_2099 : vector<16xf32> to vector<1x16xf32>
      tpu.vector_store %arg8[%swap3A_2102, %swap3A_2103], %swap3A_2106 {strides = array<i32>} : memref<16x128xf32, #tpu.memory_space<vmem>>, vector<1x16xf32>,
      %get3A_2107 = arith.constant 13 : i32
      %get3A_2108 = arith.index_cast %get3A_2107 : i32 to index
      %get3A_2109 = arith.constant 96 : index
      %get3A_2110 = tpu.vector_load %arg7[%get3A_2108, %get3A_2109] {strides = array<i32>} : memref<16x128xf32, #tpu.memory_space<vmem>>, vector<1x16xf32>,
      %get3A_2111 = vector.shape_cast %get3A_2110 : vector<1x16xf32> to vector<16xf32>
      %mul3A_2112 = arith.constant 14.2857141 : f32
      %mul3A_2113 = vector.broadcast %mul3A_2112 : f32 to vector<16xf32>
      %mul3A_2114 = arith.mulf %get3A_2111, %mul3A_2113 : vector<16xf32>
      %exp3A_2115 = math.exp %mul3A_2114 : vector<16xf32>
      %add3A_2116 = arith.addf %add3A_2100, %exp3A_2115 : vector<16xf32>
      %swap3A_2117 = arith.constant 13 : i32
      %swap3A_2118 = arith.index_cast %swap3A_2117 : i32 to index
      %swap3A_2119 = arith.constant 96 : index
      %swap3A_2120 = tpu.vector_load %arg8[%swap3A_2118, %swap3A_2119] {strides = array<i32>} : memref<16x128xf32, #tpu.memory_space<vmem>>, vector<1x16xf32>,
      %swap3A_2121 = vector.shape_cast %swap3A_2120 : vector<1x16xf32> to vector<16xf32>
      %swap3A_2122 = vector.shape_cast %exp3A_2115 : vector<16xf32> to vector<1x16xf32>
      tpu.vector_store %arg8[%swap3A_2118, %swap3A_2119], %swap3A_2122 {strides = array<i32>} : memref<16x128xf32, #tpu.memory_space<vmem>>, vector<1x16xf32>,
      %get3A_2123 = arith.constant 13 : i32
      %get3A_2124 = arith.index_cast %get3A_2123 : i32 to index
      %get3A_2125 = arith.constant 112 : index
      %get3A_2126 = tpu.vector_load %arg7[%get3A_2124, %get3A_2125] {strides = array<i32>} : memref<16x128xf32, #tpu.memory_space<vmem>>, vector<1x16xf32>,
      %get3A_2127 = vector.shape_cast %get3A_2126 : vector<1x16xf32> to vector<16xf32>
      %mul3A_2128 = arith.constant 14.2857141 : f32
      %mul3A_2129 = vector.broadcast %mul3A_2128 : f32 to vector<16xf32>
      %mul3A_2130 = arith.mulf %get3A_2127, %mul3A_2129 : vector<16xf32>
      %exp3A_2131 = math.exp %mul3A_2130 : vector<16xf32>
      %add3A_2132 = arith.addf %add3A_2116, %exp3A_2131 : vector<16xf32>
      %swap3A_2133 = arith.constant 13 : i32
      %swap3A_2134 = arith.index_cast %swap3A_2133 : i32 to index
      %swap3A_2135 = arith.constant 112 : index
      %swap3A_2136 = tpu.vector_load %arg8[%swap3A_2134, %swap3A_2135] {strides = array<i32>} : memref<16x128xf32, #tpu.memory_space<vmem>>, vector<1x16xf32>,
      %swap3A_2137 = vector.shape_cast %swap3A_2136 : vector<1x16xf32> to vector<16xf32>
      %swap3A_2138 = vector.shape_cast %exp3A_2131 : vector<16xf32> to vector<1x16xf32>
      tpu.vector_store %arg8[%swap3A_2134, %swap3A_2135], %swap3A_2138 {strides = array<i32>} : memref<16x128xf32, #tpu.memory_space<vmem>>, vector<1x16xf32>,
      %get3A_2139 = arith.constant 14 : i32
      %get3A_2140 = arith.index_cast %get3A_2139 : i32 to index
      %get3A_2141 = arith.constant 0 : index
      %get3A_2142 = tpu.vector_load %arg7[%get3A_2140, %get3A_2141] {strides = array<i32>} : memref<16x128xf32, #tpu.memory_space<vmem>>, vector<1x16xf32>,
      %get3A_2143 = vector.shape_cast %get3A_2142 : vector<1x16xf32> to vector<16xf32>
      %mul3A_2144 = arith.constant 14.2857141 : f32
      %mul3A_2145 = vector.broadcast %mul3A_2144 : f32 to vector<16xf32>
      %mul3A_2146 = arith.mulf %get3A_2143, %mul3A_2145 : vector<16xf32>
      %exp3A_2147 = math.exp %mul3A_2146 : vector<16xf32>
      %add3A_2148 = arith.addf %add3A_2132, %exp3A_2147 : vector<16xf32>
      %swap3A_2149 = arith.constant 14 : i32
      %swap3A_2150 = arith.index_cast %swap3A_2149 : i32 to index
      %swap3A_2151 = arith.constant 0 : index
      %swap3A_2152 = tpu.vector_load %arg8[%swap3A_2150, %swap3A_2151] {strides = array<i32>} : memref<16x128xf32, #tpu.memory_space<vmem>>, vector<1x16xf32>,
      %swap3A_2153 = vector.shape_cast %swap3A_2152 : vector<1x16xf32> to vector<16xf32>
      %swap3A_2154 = vector.shape_cast %exp3A_2147 : vector<16xf32> to vector<1x16xf32>
      tpu.vector_store %arg8[%swap3A_2150, %swap3A_2151], %swap3A_2154 {strides = array<i32>} : memref<16x128xf32, #tpu.memory_space<vmem>>, vector<1x16xf32>,
      %get3A_2155 = arith.constant 14 : i32
      %get3A_2156 = arith.index_cast %get3A_2155 : i32 to index
      %get3A_2157 = arith.constant 16 : index
      %get3A_2158 = tpu.vector_load %arg7[%get3A_2156, %get3A_2157] {strides = array<i32>} : memref<16x128xf32, #tpu.memory_space<vmem>>, vector<1x16xf32>,
      %get3A_2159 = vector.shape_cast %get3A_2158 : vector<1x16xf32> to vector<16xf32>
      %mul3A_2160 = arith.constant 14.2857141 : f32
      %mul3A_2161 = vector.broadcast %mul3A_2160 : f32 to vector<16xf32>
      %mul3A_2162 = arith.mulf %get3A_2159, %mul3A_2161 : vector<16xf32>
      %exp3A_2163 = math.exp %mul3A_2162 : vector<16xf32>
      %add3A_2164 = arith.addf %add3A_2148, %exp3A_2163 : vector<16xf32>
      %swap3A_2165 = arith.constant 14 : i32
      %swap3A_2166 = arith.index_cast %swap3A_2165 : i32 to index
      %swap3A_2167 = arith.constant 16 : index
      %swap3A_2168 = tpu.vector_load %arg8[%swap3A_2166, %swap3A_2167] {strides = array<i32>} : memref<16x128xf32, #tpu.memory_space<vmem>>, vector<1x16xf32>,
      %swap3A_2169 = vector.shape_cast %swap3A_2168 : vector<1x16xf32> to vector<16xf32>
      %swap3A_2170 = vector.shape_cast %exp3A_2163 : vector<16xf32> to vector<1x16xf32>
      tpu.vector_store %arg8[%swap3A_2166, %swap3A_2167], %swap3A_2170 {strides = array<i32>} : memref<16x128xf32, #tpu.memory_space<vmem>>, vector<1x16xf32>,
      %get3A_2171 = arith.constant 14 : i32
      %get3A_2172 = arith.index_cast %get3A_2171 : i32 to index
      %get3A_2173 = arith.constant 32 : index
      %get3A_2174 = tpu.vector_load %arg7[%get3A_2172, %get3A_2173] {strides = array<i32>} : memref<16x128xf32, #tpu.memory_space<vmem>>, vector<1x16xf32>,
      %get3A_2175 = vector.shape_cast %get3A_2174 : vector<1x16xf32> to vector<16xf32>
      %mul3A_2176 = arith.constant 14.2857141 : f32
      %mul3A_2177 = vector.broadcast %mul3A_2176 : f32 to vector<16xf32>
      %mul3A_2178 = arith.mulf %get3A_2175, %mul3A_2177 : vector<16xf32>
      %exp3A_2179 = math.exp %mul3A_2178 : vector<16xf32>
      %add3A_2180 = arith.addf %add3A_2164, %exp3A_2179 : vector<16xf32>
      %swap3A_2181 = arith.constant 14 : i32
      %swap3A_2182 = arith.index_cast %swap3A_2181 : i32 to index
      %swap3A_2183 = arith.constant 32 : index
      %swap3A_2184 = tpu.vector_load %arg8[%swap3A_2182, %swap3A_2183] {strides = array<i32>} : memref<16x128xf32, #tpu.memory_space<vmem>>, vector<1x16xf32>,
      %swap3A_2185 = vector.shape_cast %swap3A_2184 : vector<1x16xf32> to vector<16xf32>
      %swap3A_2186 = vector.shape_cast %exp3A_2179 : vector<16xf32> to vector<1x16xf32>
      tpu.vector_store %arg8[%swap3A_2182, %swap3A_2183], %swap3A_2186 {strides = array<i32>} : memref<16x128xf32, #tpu.memory_space<vmem>>, vector<1x16xf32>,
      %get3A_2187 = arith.constant 14 : i32
      %get3A_2188 = arith.index_cast %get3A_2187 : i32 to index
      %get3A_2189 = arith.constant 48 : index
      %get3A_2190 = tpu.vector_load %arg7[%get3A_2188, %get3A_2189] {strides = array<i32>} : memref<16x128xf32, #tpu.memory_space<vmem>>, vector<1x16xf32>,
      %get3A_2191 = vector.shape_cast %get3A_2190 : vector<1x16xf32> to vector<16xf32>
      %mul3A_2192 = arith.constant 14.2857141 : f32
      %mul3A_2193 = vector.broadcast %mul3A_2192 : f32 to vector<16xf32>
      %mul3A_2194 = arith.mulf %get3A_2191, %mul3A_2193 : vector<16xf32>
      %exp3A_2195 = math.exp %mul3A_2194 : vector<16xf32>
      %add3A_2196 = arith.addf %add3A_2180, %exp3A_2195 : vector<16xf32>
      %swap3A_2197 = arith.constant 14 : i32
      %swap3A_2198 = arith.index_cast %swap3A_2197 : i32 to index
      %swap3A_2199 = arith.constant 48 : index
      %swap3A_2200 = tpu.vector_load %arg8[%swap3A_2198, %swap3A_2199] {strides = array<i32>} : memref<16x128xf32, #tpu.memory_space<vmem>>, vector<1x16xf32>,
      %swap3A_2201 = vector.shape_cast %swap3A_2200 : vector<1x16xf32> to vector<16xf32>
      %swap3A_2202 = vector.shape_cast %exp3A_2195 : vector<16xf32> to vector<1x16xf32>
      tpu.vector_store %arg8[%swap3A_2198, %swap3A_2199], %swap3A_2202 {strides = array<i32>} : memref<16x128xf32, #tpu.memory_space<vmem>>, vector<1x16xf32>,
      %get3A_2203 = arith.constant 14 : i32
      %get3A_2204 = arith.index_cast %get3A_2203 : i32 to index
      %get3A_2205 = arith.constant 64 : index
      %get3A_2206 = tpu.vector_load %arg7[%get3A_2204, %get3A_2205] {strides = array<i32>} : memref<16x128xf32, #tpu.memory_space<vmem>>, vector<1x16xf32>,
      %get3A_2207 = vector.shape_cast %get3A_2206 : vector<1x16xf32> to vector<16xf32>
      %mul3A_2208 = arith.constant 14.2857141 : f32
      %mul3A_2209 = vector.broadcast %mul3A_2208 : f32 to vector<16xf32>
      %mul3A_2210 = arith.mulf %get3A_2207, %mul3A_2209 : vector<16xf32>
      %exp3A_2211 = math.exp %mul3A_2210 : vector<16xf32>
      %add3A_2212 = arith.addf %add3A_2196, %exp3A_2211 : vector<16xf32>
      %swap3A_2213 = arith.constant 14 : i32
      %swap3A_2214 = arith.index_cast %swap3A_2213 : i32 to index
      %swap3A_2215 = arith.constant 64 : index
      %swap3A_2216 = tpu.vector_load %arg8[%swap3A_2214, %swap3A_2215] {strides = array<i32>} : memref<16x128xf32, #tpu.memory_space<vmem>>, vector<1x16xf32>,
      %swap3A_2217 = vector.shape_cast %swap3A_2216 : vector<1x16xf32> to vector<16xf32>
      %swap3A_2218 = vector.shape_cast %exp3A_2211 : vector<16xf32> to vector<1x16xf32>
      tpu.vector_store %arg8[%swap3A_2214, %swap3A_2215], %swap3A_2218 {strides = array<i32>} : memref<16x128xf32, #tpu.memory_space<vmem>>, vector<1x16xf32>,
      %get3A_2219 = arith.constant 14 : i32
      %get3A_2220 = arith.index_cast %get3A_2219 : i32 to index
      %get3A_2221 = arith.constant 80 : index
      %get3A_2222 = tpu.vector_load %arg7[%get3A_2220, %get3A_2221] {strides = array<i32>} : memref<16x128xf32, #tpu.memory_space<vmem>>, vector<1x16xf32>,
      %get3A_2223 = vector.shape_cast %get3A_2222 : vector<1x16xf32> to vector<16xf32>
      %mul3A_2224 = arith.constant 14.2857141 : f32
      %mul3A_2225 = vector.broadcast %mul3A_2224 : f32 to vector<16xf32>
      %mul3A_2226 = arith.mulf %get3A_2223, %mul3A_2225 : vector<16xf32>
      %exp3A_2227 = math.exp %mul3A_2226 : vector<16xf32>
      %add3A_2228 = arith.addf %add3A_2212, %exp3A_2227 : vector<16xf32>
      %swap3A_2229 = arith.constant 14 : i32
      %swap3A_2230 = arith.index_cast %swap3A_2229 : i32 to index
      %swap3A_2231 = arith.constant 80 : index
      %swap3A_2232 = tpu.vector_load %arg8[%swap3A_2230, %swap3A_2231] {strides = array<i32>} : memref<16x128xf32, #tpu.memory_space<vmem>>, vector<1x16xf32>,
      %swap3A_2233 = vector.shape_cast %swap3A_2232 : vector<1x16xf32> to vector<16xf32>
      %swap3A_2234 = vector.shape_cast %exp3A_2227 : vector<16xf32> to vector<1x16xf32>
      tpu.vector_store %arg8[%swap3A_2230, %swap3A_2231], %swap3A_2234 {strides = array<i32>} : memref<16x128xf32, #tpu.memory_space<vmem>>, vector<1x16xf32>,
      %get3A_2235 = arith.constant 14 : i32
      %get3A_2236 = arith.index_cast %get3A_2235 : i32 to index
      %get3A_2237 = arith.constant 96 : index
      %get3A_2238 = tpu.vector_load %arg7[%get3A_2236, %get3A_2237] {strides = array<i32>} : memref<16x128xf32, #tpu.memory_space<vmem>>, vector<1x16xf32>,
      %get3A_2239 = vector.shape_cast %get3A_2238 : vector<1x16xf32> to vector<16xf32>
      %mul3A_2240 = arith.constant 14.2857141 : f32
      %mul3A_2241 = vector.broadcast %mul3A_2240 : f32 to vector<16xf32>
      %mul3A_2242 = arith.mulf %get3A_2239, %mul3A_2241 : vector<16xf32>
      %exp3A_2243 = math.exp %mul3A_2242 : vector<16xf32>
      %add3A_2244 = arith.addf %add3A_2228, %exp3A_2243 : vector<16xf32>
      %swap3A_2245 = arith.constant 14 : i32
      %swap3A_2246 = arith.index_cast %swap3A_2245 : i32 to index
      %swap3A_2247 = arith.constant 96 : index
      %swap3A_2248 = tpu.vector_load %arg8[%swap3A_2246, %swap3A_2247] {strides = array<i32>} : memref<16x128xf32, #tpu.memory_space<vmem>>, vector<1x16xf32>,
      %swap3A_2249 = vector.shape_cast %swap3A_2248 : vector<1x16xf32> to vector<16xf32>
      %swap3A_2250 = vector.shape_cast %exp3A_2243 : vector<16xf32> to vector<1x16xf32>
      tpu.vector_store %arg8[%swap3A_2246, %swap3A_2247], %swap3A_2250 {strides = array<i32>} : memref<16x128xf32, #tpu.memory_space<vmem>>, vector<1x16xf32>,
      %get3A_2251 = arith.constant 14 : i32
      %get3A_2252 = arith.index_cast %get3A_2251 : i32 to index
      %get3A_2253 = arith.constant 112 : index
      %get3A_2254 = tpu.vector_load %arg7[%get3A_2252, %get3A_2253] {strides = array<i32>} : memref<16x128xf32, #tpu.memory_space<vmem>>, vector<1x16xf32>,
      %get3A_2255 = vector.shape_cast %get3A_2254 : vector<1x16xf32> to vector<16xf32>
      %mul3A_2256 = arith.constant 14.2857141 : f32
      %mul3A_2257 = vector.broadcast %mul3A_2256 : f32 to vector<16xf32>
      %mul3A_2258 = arith.mulf %get3A_2255, %mul3A_2257 : vector<16xf32>
      %exp3A_2259 = math.exp %mul3A_2258 : vector<16xf32>
      %add3A_2260 = arith.addf %add3A_2244, %exp3A_2259 : vector<16xf32>
      %swap3A_2261 = arith.constant 14 : i32
      %swap3A_2262 = arith.index_cast %swap3A_2261 : i32 to index
      %swap3A_2263 = arith.constant 112 : index
      %swap3A_2264 = tpu.vector_load %arg8[%swap3A_2262, %swap3A_2263] {strides = array<i32>} : memref<16x128xf32, #tpu.memory_space<vmem>>, vector<1x16xf32>,
      %swap3A_2265 = vector.shape_cast %swap3A_2264 : vector<1x16xf32> to vector<16xf32>
      %swap3A_2266 = vector.shape_cast %exp3A_2259 : vector<16xf32> to vector<1x16xf32>
      tpu.vector_store %arg8[%swap3A_2262, %swap3A_2263], %swap3A_2266 {strides = array<i32>} : memref<16x128xf32, #tpu.memory_space<vmem>>, vector<1x16xf32>,
      %get3A_2267 = arith.constant 15 : i32
      %get3A_2268 = arith.index_cast %get3A_2267 : i32 to index
      %get3A_2269 = arith.constant 0 : index
      %get3A_2270 = tpu.vector_load %arg7[%get3A_2268, %get3A_2269] {strides = array<i32>} : memref<16x128xf32, #tpu.memory_space<vmem>>, vector<1x16xf32>,
      %get3A_2271 = vector.shape_cast %get3A_2270 : vector<1x16xf32> to vector<16xf32>
      %mul3A_2272 = arith.constant 14.2857141 : f32
      %mul3A_2273 = vector.broadcast %mul3A_2272 : f32 to vector<16xf32>
      %mul3A_2274 = arith.mulf %get3A_2271, %mul3A_2273 : vector<16xf32>
      %exp3A_2275 = math.exp %mul3A_2274 : vector<16xf32>
      %add3A_2276 = arith.addf %add3A_2260, %exp3A_2275 : vector<16xf32>
      %swap3A_2277 = arith.constant 15 : i32
      %swap3A_2278 = arith.index_cast %swap3A_2277 : i32 to index
      %swap3A_2279 = arith.constant 0 : index
      %swap3A_2280 = tpu.vector_load %arg8[%swap3A_2278, %swap3A_2279] {strides = array<i32>} : memref<16x128xf32, #tpu.memory_space<vmem>>, vector<1x16xf32>,
      %swap3A_2281 = vector.shape_cast %swap3A_2280 : vector<1x16xf32> to vector<16xf32>
      %swap3A_2282 = vector.shape_cast %exp3A_2275 : vector<16xf32> to vector<1x16xf32>
      tpu.vector_store %arg8[%swap3A_2278, %swap3A_2279], %swap3A_2282 {strides = array<i32>} : memref<16x128xf32, #tpu.memory_space<vmem>>, vector<1x16xf32>,
      %get3A_2283 = arith.constant 15 : i32
      %get3A_2284 = arith.index_cast %get3A_2283 : i32 to index
      %get3A_2285 = arith.constant 16 : index
      %get3A_2286 = tpu.vector_load %arg7[%get3A_2284, %get3A_2285] {strides = array<i32>} : memref<16x128xf32, #tpu.memory_space<vmem>>, vector<1x16xf32>,
      %get3A_2287 = vector.shape_cast %get3A_2286 : vector<1x16xf32> to vector<16xf32>
      %mul3A_2288 = arith.constant 14.2857141 : f32
      %mul3A_2289 = vector.broadcast %mul3A_2288 : f32 to vector<16xf32>
      %mul3A_2290 = arith.mulf %get3A_2287, %mul3A_2289 : vector<16xf32>
      %exp3A_2291 = math.exp %mul3A_2290 : vector<16xf32>
      %add3A_2292 = arith.addf %add3A_2276, %exp3A_2291 : vector<16xf32>
      %swap3A_2293 = arith.constant 15 : i32
      %swap3A_2294 = arith.index_cast %swap3A_2293 : i32 to index
      %swap3A_2295 = arith.constant 16 : index
      %swap3A_2296 = tpu.vector_load %arg8[%swap3A_2294, %swap3A_2295] {strides = array<i32>} : memref<16x128xf32, #tpu.memory_space<vmem>>, vector<1x16xf32>,
      %swap3A_2297 = vector.shape_cast %swap3A_2296 : vector<1x16xf32> to vector<16xf32>
      %swap3A_2298 = vector.shape_cast %exp3A_2291 : vector<16xf32> to vector<1x16xf32>
      tpu.vector_store %arg8[%swap3A_2294, %swap3A_2295], %swap3A_2298 {strides = array<i32>} : memref<16x128xf32, #tpu.memory_space<vmem>>, vector<1x16xf32>,
      %get3A_2299 = arith.constant 15 : i32
      %get3A_2300 = arith.index_cast %get3A_2299 : i32 to index
      %get3A_2301 = arith.constant 32 : index
      %get3A_2302 = tpu.vector_load %arg7[%get3A_2300, %get3A_2301] {strides = array<i32>} : memref<16x128xf32, #tpu.memory_space<vmem>>, vector<1x16xf32>,
      %get3A_2303 = vector.shape_cast %get3A_2302 : vector<1x16xf32> to vector<16xf32>
      %mul3A_2304 = arith.constant 14.2857141 : f32
      %mul3A_2305 = vector.broadcast %mul3A_2304 : f32 to vector<16xf32>
      %mul3A_2306 = arith.mulf %get3A_2303, %mul3A_2305 : vector<16xf32>
      %exp3A_2307 = math.exp %mul3A_2306 : vector<16xf32>
      %add3A_2308 = arith.addf %add3A_2292, %exp3A_2307 : vector<16xf32>
      %swap3A_2309 = arith.constant 15 : i32
      %swap3A_2310 = arith.index_cast %swap3A_2309 : i32 to index
      %swap3A_2311 = arith.constant 32 : index
      %swap3A_2312 = tpu.vector_load %arg8[%swap3A_2310, %swap3A_2311] {strides = array<i32>} : memref<16x128xf32, #tpu.memory_space<vmem>>, vector<1x16xf32>,
      %swap3A_2313 = vector.shape_cast %swap3A_2312 : vector<1x16xf32> to vector<16xf32>
      %swap3A_2314 = vector.shape_cast %exp3A_2307 : vector<16xf32> to vector<1x16xf32>
      tpu.vector_store %arg8[%swap3A_2310, %swap3A_2311], %swap3A_2314 {strides = array<i32>} : memref<16x128xf32, #tpu.memory_space<vmem>>, vector<1x16xf32>,
      %get3A_2315 = arith.constant 15 : i32
      %get3A_2316 = arith.index_cast %get3A_2315 : i32 to index
      %get3A_2317 = arith.constant 48 : index
      %get3A_2318 = tpu.vector_load %arg7[%get3A_2316, %get3A_2317] {strides = array<i32>} : memref<16x128xf32, #tpu.memory_space<vmem>>, vector<1x16xf32>,
      %get3A_2319 = vector.shape_cast %get3A_2318 : vector<1x16xf32> to vector<16xf32>
      %mul3A_2320 = arith.constant 14.2857141 : f32
      %mul3A_2321 = vector.broadcast %mul3A_2320 : f32 to vector<16xf32>
      %mul3A_2322 = arith.mulf %get3A_2319, %mul3A_2321 : vector<16xf32>
      %exp3A_2323 = math.exp %mul3A_2322 : vector<16xf32>
      %add3A_2324 = arith.addf %add3A_2308, %exp3A_2323 : vector<16xf32>
      %swap3A_2325 = arith.constant 15 : i32
      %swap3A_2326 = arith.index_cast %swap3A_2325 : i32 to index
      %swap3A_2327 = arith.constant 48 : index
      %swap3A_2328 = tpu.vector_load %arg8[%swap3A_2326, %swap3A_2327] {strides = array<i32>} : memref<16x128xf32, #tpu.memory_space<vmem>>, vector<1x16xf32>,
      %swap3A_2329 = vector.shape_cast %swap3A_2328 : vector<1x16xf32> to vector<16xf32>
      %swap3A_2330 = vector.shape_cast %exp3A_2323 : vector<16xf32> to vector<1x16xf32>
      tpu.vector_store %arg8[%swap3A_2326, %swap3A_2327], %swap3A_2330 {strides = array<i32>} : memref<16x128xf32, #tpu.memory_space<vmem>>, vector<1x16xf32>,
      %get3A_2331 = arith.constant 15 : i32
      %get3A_2332 = arith.index_cast %get3A_2331 : i32 to index
      %get3A_2333 = arith.constant 64 : index
      %get3A_2334 = tpu.vector_load %arg7[%get3A_2332, %get3A_2333] {strides = array<i32>} : memref<16x128xf32, #tpu.memory_space<vmem>>, vector<1x16xf32>,
      %get3A_2335 = vector.shape_cast %get3A_2334 : vector<1x16xf32> to vector<16xf32>
      %mul3A_2336 = arith.constant 14.2857141 : f32
      %mul3A_2337 = vector.broadcast %mul3A_2336 : f32 to vector<16xf32>
      %mul3A_2338 = arith.mulf %get3A_2335, %mul3A_2337 : vector<16xf32>
      %exp3A_2339 = math.exp %mul3A_2338 : vector<16xf32>
      %add3A_2340 = arith.addf %add3A_2324, %exp3A_2339 : vector<16xf32>
      %swap3A_2341 = arith.constant 15 : i32
      %swap3A_2342 = arith.index_cast %swap3A_2341 : i32 to index
      %swap3A_2343 = arith.constant 64 : index
      %swap3A_2344 = tpu.vector_load %arg8[%swap3A_2342, %swap3A_2343] {strides = array<i32>} : memref<16x128xf32, #tpu.memory_space<vmem>>, vector<1x16xf32>,
      %swap3A_2345 = vector.shape_cast %swap3A_2344 : vector<1x16xf32> to vector<16xf32>
      %swap3A_2346 = vector.shape_cast %exp3A_2339 : vector<16xf32> to vector<1x16xf32>
      tpu.vector_store %arg8[%swap3A_2342, %swap3A_2343], %swap3A_2346 {strides = array<i32>} : memref<16x128xf32, #tpu.memory_space<vmem>>, vector<1x16xf32>,
      %get3A_2347 = arith.constant 15 : i32
      %get3A_2348 = arith.index_cast %get3A_2347 : i32 to index
      %get3A_2349 = arith.constant 80 : index
      %get3A_2350 = tpu.vector_load %arg7[%get3A_2348, %get3A_2349] {strides = array<i32>} : memref<16x128xf32, #tpu.memory_space<vmem>>, vector<1x16xf32>,
      %get3A_2351 = vector.shape_cast %get3A_2350 : vector<1x16xf32> to vector<16xf32>
      %mul3A_2352 = arith.constant 14.2857141 : f32
      %mul3A_2353 = vector.broadcast %mul3A_2352 : f32 to vector<16xf32>
      %mul3A_2354 = arith.mulf %get3A_2351, %mul3A_2353 : vector<16xf32>
      %exp3A_2355 = math.exp %mul3A_2354 : vector<16xf32>
      %add3A_2356 = arith.addf %add3A_2340, %exp3A_2355 : vector<16xf32>
      %swap3A_2357 = arith.constant 15 : i32
      %swap3A_2358 = arith.index_cast %swap3A_2357 : i32 to index
      %swap3A_2359 = arith.constant 80 : index
      %swap3A_2360 = tpu.vector_load %arg8[%swap3A_2358, %swap3A_2359] {strides = array<i32>} : memref<16x128xf32, #tpu.memory_space<vmem>>, vector<1x16xf32>,
      %swap3A_2361 = vector.shape_cast %swap3A_2360 : vector<1x16xf32> to vector<16xf32>
      %swap3A_2362 = vector.shape_cast %exp3A_2355 : vector<16xf32> to vector<1x16xf32>
      tpu.vector_store %arg8[%swap3A_2358, %swap3A_2359], %swap3A_2362 {strides = array<i32>} : memref<16x128xf32, #tpu.memory_space<vmem>>, vector<1x16xf32>,
      %get3A_2363 = arith.constant 15 : i32
      %get3A_2364 = arith.index_cast %get3A_2363 : i32 to index
      %get3A_2365 = arith.constant 96 : index
      %get3A_2366 = tpu.vector_load %arg7[%get3A_2364, %get3A_2365] {strides = array<i32>} : memref<16x128xf32, #tpu.memory_space<vmem>>, vector<1x16xf32>,
      %get3A_2367 = vector.shape_cast %get3A_2366 : vector<1x16xf32> to vector<16xf32>
      %mul3A_2368 = arith.constant 14.2857141 : f32
      %mul3A_2369 = vector.broadcast %mul3A_2368 : f32 to vector<16xf32>
      %mul3A_2370 = arith.mulf %get3A_2367, %mul3A_2369 : vector<16xf32>
      %exp3A_2371 = math.exp %mul3A_2370 : vector<16xf32>
      %add3A_2372 = arith.addf %add3A_2356, %exp3A_2371 : vector<16xf32>
      %swap3A_2373 = arith.constant 15 : i32
      %swap3A_2374 = arith.index_cast %swap3A_2373 : i32 to index
      %swap3A_2375 = arith.constant 96 : index
      %swap3A_2376 = tpu.vector_load %arg8[%swap3A_2374, %swap3A_2375] {strides = array<i32>} : memref<16x128xf32, #tpu.memory_space<vmem>>, vector<1x16xf32>,
      %swap3A_2377 = vector.shape_cast %swap3A_2376 : vector<1x16xf32> to vector<16xf32>
      %swap3A_2378 = vector.shape_cast %exp3A_2371 : vector<16xf32> to vector<1x16xf32>
      tpu.vector_store %arg8[%swap3A_2374, %swap3A_2375], %swap3A_2378 {strides = array<i32>} : memref<16x128xf32, #tpu.memory_space<vmem>>, vector<1x16xf32>,
      %get3A_2379 = arith.constant 15 : i32
      %get3A_2380 = arith.index_cast %get3A_2379 : i32 to index
      %get3A_2381 = arith.constant 112 : index
      %get3A_2382 = tpu.vector_load %arg7[%get3A_2380, %get3A_2381] {strides = array<i32>} : memref<16x128xf32, #tpu.memory_space<vmem>>, vector<1x16xf32>,
      %get3A_2383 = vector.shape_cast %get3A_2382 : vector<1x16xf32> to vector<16xf32>
      %mul3A_2384 = arith.constant 14.2857141 : f32
      %mul3A_2385 = vector.broadcast %mul3A_2384 : f32 to vector<16xf32>
      %mul3A_2386 = arith.mulf %get3A_2383, %mul3A_2385 : vector<16xf32>
      %exp3A_2387 = math.exp %mul3A_2386 : vector<16xf32>
      %add3A_2388 = arith.addf %add3A_2372, %exp3A_2387 : vector<16xf32>
      %swap3A_2389 = arith.constant 15 : i32
      %swap3A_2390 = arith.index_cast %swap3A_2389 : i32 to index
      %swap3A_2391 = arith.constant 112 : index
      %swap3A_2392 = tpu.vector_load %arg8[%swap3A_2390, %swap3A_2391] {strides = array<i32>} : memref<16x128xf32, #tpu.memory_space<vmem>>, vector<1x16xf32>,
      %swap3A_2393 = vector.shape_cast %swap3A_2392 : vector<1x16xf32> to vector<16xf32>
      %swap3A_2394 = vector.shape_cast %exp3A_2387 : vector<16xf32> to vector<1x16xf32>
      tpu.vector_store %arg8[%swap3A_2390, %swap3A_2391], %swap3A_2394 {strides = array<i32>} : memref<16x128xf32, #tpu.memory_space<vmem>>, vector<1x16xf32>,
      "tpu.region"() ({
        %run_scoped3A = tpu.sem_alloc : memref<!tpu.dma_semaphore, #tpu.memory_space<semaphore_mem>>
        %dma_start3A_2395 = arith.constant 0 : i32
        %dma_start3A_2396 = tpu.memref_slice %arg4[%add3A_30, %dma_start3A_2395] : memref<33280x128xf32, #tpu.memory_space<hbm>> -> memref<16x128xf32, #tpu.memory_space<hbm>>
        %dma_start3A_2397 = arith.constant 0 : i32
        %dma_start3A_2398 = tpu.memref_slice %arg4[%add3A_30, %dma_start3A_2397] : memref<33280x128xf32, #tpu.memory_space<hbm>> -> memref<16x128xf32, #tpu.memory_space<hbm>>
        tpu.enqueue_dma source(%arg8 : memref<16x128xf32, #tpu.memory_space<vmem>>) target(%dma_start3A_2398 : memref<16x128xf32, #tpu.memory_space<hbm>>) target_semaphore(%run_scoped3A : memref<!tpu.dma_semaphore, #tpu.memory_space<semaphore_mem>>)
        %dma_wait3A_2399 = arith.constant 0 : i32
        %dma_wait3A_2400 = tpu.memref_slice %arg4[%add3A_30, %dma_wait3A_2399] : memref<33280x128xf32, #tpu.memory_space<hbm>> -> memref<16x128xf32, #tpu.memory_space<hbm>>
        %dma_wait3A_2401 = arith.constant 0 : i32
        %dma_wait3A_2402 = tpu.memref_slice %arg4[%add3A_30, %dma_wait3A_2401] : memref<33280x128xf32, #tpu.memory_space<hbm>> -> memref<16x128xf32, #tpu.memory_space<hbm>>
        tpu.wait_dma2 semaphore(%run_scoped3A : memref<!tpu.dma_semaphore, #tpu.memory_space<semaphore_mem>>) src(%arg8 : memref<16x128xf32, #tpu.memory_space<vmem>>) dst(%dma_wait3A_2402 : memref<16x128xf32, #tpu.memory_space<hbm>>)
        tpu.yield
      }) : () -> ()
      scf.yield %add3A_2388 : vector<16xf32>
    }
    %swap3A = arith.constant 0 : index
    %swap3A_20 = tpu.vector_load %arg9[%swap3A] {strides = array<i32>} : memref<16xf32, #tpu.memory_space<vmem>>, vector<16xf32>,
    %swap3A_21 = vector.shape_cast %swap3A_20 : vector<16xf32> to vector<16xf32>
    %swap3A_22 = vector.shape_cast %while3A_19 : vector<16xf32> to vector<16xf32>
    tpu.vector_store %arg9[%swap3A], %swap3A_22 {strides = array<i32>} : memref<16xf32, #tpu.memory_space<vmem>>, vector<16xf32>,
    %mul3A_23 = arith.constant 2 : i32
    %mul3A_24 = arith.muli %arg1, %mul3A_23 : i32
    %add3A_25 = arith.addi %mul3A_24, %arg0 : i32
    "tpu.region"() ({
      %run_scoped3A = tpu.sem_alloc : memref<!tpu.dma_semaphore, #tpu.memory_space<semaphore_mem>>
      %dma_start3A = arith.constant 0 : i32
      %dma_start3A_26 = tpu.memref_slice %arg5[%add3A_25, %dma_start3A] : memref<32x16xf32, #tpu.memory_space<hbm>> -> memref<1x16xf32, #tpu.memory_space<hbm>>
      %dma_start3A_27 = tpu.memref_squeeze %dma_start3A_26 : memref<1x16xf32, #tpu.memory_space<hbm>> -> memref<16xf32, #tpu.memory_space<hbm>>
      %dma_start3A_28 = arith.constant 0 : i32
      %dma_start3A_29 = tpu.memref_slice %arg5[%add3A_25, %dma_start3A_28] : memref<32x16xf32, #tpu.memory_space<hbm>> -> memref<1x16xf32, #tpu.memory_space<hbm>>
      %dma_start3A_30 = tpu.memref_squeeze %dma_start3A_29 : memref<1x16xf32, #tpu.memory_space<hbm>> -> memref<16xf32, #tpu.memory_space<hbm>>
      tpu.enqueue_dma source(%arg9 : memref<16xf32, #tpu.memory_space<vmem>>) target(%dma_start3A_30 : memref<16xf32, #tpu.memory_space<hbm>>) target_semaphore(%run_scoped3A : memref<!tpu.dma_semaphore, #tpu.memory_space<semaphore_mem>>)
      %dma_wait3A = arith.constant 0 : i32
      %dma_wait3A_31 = tpu.memref_slice %arg5[%add3A_25, %dma_wait3A] : memref<32x16xf32, #tpu.memory_space<hbm>> -> memref<1x16xf32, #tpu.memory_space<hbm>>
      %dma_wait3A_32 = tpu.memref_squeeze %dma_wait3A_31 : memref<1x16xf32, #tpu.memory_space<hbm>> -> memref<16xf32, #tpu.memory_space<hbm>>
      %dma_wait3A_33 = arith.constant 0 : i32
      %dma_wait3A_34 = tpu.memref_slice %arg5[%add3A_25, %dma_wait3A_33] : memref<32x16xf32, #tpu.memory_space<hbm>> -> memref<1x16xf32, #tpu.memory_space<hbm>>
      %dma_wait3A_35 = tpu.memref_squeeze %dma_wait3A_34 : memref<1x16xf32, #tpu.memory_space<hbm>> -> memref<16xf32, #tpu.memory_space<hbm>>
      tpu.wait_dma2 semaphore(%run_scoped3A : memref<!tpu.dma_semaphore, #tpu.memory_space<semaphore_mem>>) src(%arg9 : memref<16xf32, #tpu.memory_space<vmem>>) dst(%dma_wait3A_35 : memref<16xf32, #tpu.memory_space<hbm>>)
      tpu.yield
    }) : () -> ()
    return
  }
}

module attributes {stable_mosaic.version = 14 : i64} {
  func.func @_mm_body(%arg0: i32, %arg1: memref<1024x128xf32, #tpu.memory_space<vmem>>, %arg2: memref<1024x128xf32, #tpu.memory_space<vmem>>, %arg3: memref<1024x8x128xf32, #tpu.memory_space<vmem>>) attributes {dimension_semantics = [#tpu.dimension_semantics<arbitrary>], iteration_bounds = array<i64: 98>, scalar_prefetch = 0 : i64, scratch_operands = 0 : i64, tpu.core_type = #tpu.core_type<tc>, window_params = [{pipeline_mode = #tpu.pipeline_mode<synchronous>, transform_indices = @transform_0, window_bounds = array<i64: 1024, 128>}, {transform_indices = @transform_1, window_bounds = array<i64: 1024, 128>}, {transform_indices = @transform_2, window_bounds = array<i64: 1024, 8, 128>}]} {
    %get3A = arith.constant 0 : index
    %get3A_0 = arith.constant 0 : index
    %get3A_1 = vector.load %arg1[%get3A, %get3A_0] : memref<1024x128xf32, #tpu.memory_space<vmem>>, vector<1024x128xf32>
    %get3A_2 = arith.constant 0 : index
    %get3A_3 = arith.constant 0 : index
    %get3A_4 = vector.load %arg2[%get3A_2, %get3A_3] : memref<1024x128xf32, #tpu.memory_space<vmem>>, vector<1024x128xf32>
    %dot_general3A = arith.constant dense<0.000000e+00> : vector<1024x1024xf32>
    %dot_general3A_5 = tpu.matmul %get3A_1, %get3A_4, %dot_general3A {dimension_numbers = #tpu.dot_dimension_numbers<[1], [1], [0], [0], [0, 0, 1, 0], [], []>, transpose_lhs_hint = false} : vector<1024x128xf32>, vector<1024x128xf32>, vector<1024x1024xf32> -> vector<1024x1024xf32>
    %reshape3A = vector.shape_cast %dot_general3A_5 : vector<1024x1024xf32> to vector<1024x8x128xf32>
    %swap3A = arith.constant 0 : index
    %swap3A_6 = arith.constant 0 : index
    %swap3A_7 = arith.constant 0 : index
    %swap3A_8 = vector.load %arg3[%swap3A, %swap3A_6, %swap3A_7] : memref<1024x8x128xf32, #tpu.memory_space<vmem>>, vector<1024x8x128xf32>
    tpu.vector_store %arg3[%swap3A, %swap3A_6, %swap3A_7], %reshape3A {strides = array<i32>} : memref<1024x8x128xf32, #tpu.memory_space<vmem>>, vector<1024x8x128xf32>,
    return
  }
  func.func @transform_0(%arg0: i32) -> (i32, i32) {
    %c0_i32 = arith.constant 0 : i32
    %c0_i32_0 = arith.constant 0 : i32
    %c0_i32_1 = arith.constant 0 : i32
    return %c0_i32, %c0_i32_0 : i32, i32
  }
  func.func @transform_1(%arg0: i32) -> (i32, i32) {
    %c0_i32 = arith.constant 0 : i32
    %c0_i32_0 = arith.constant 0 : i32
    return %arg0, %c0_i32 : i32, i32
  }
  func.func @transform_2(%arg0: i32) -> (i32, i32, i32) {
    %c0_i32 = arith.constant 0 : i32
    %c0_i32_0 = arith.constant 0 : i32
    %c0_i32_1 = arith.constant 0 : i32
    return %c0_i32, %arg0, %c0_i32_0 : i32, i32, i32
  }
}

module attributes {stable_mosaic.version = 14 : i64} {
  func.func @_scale_body(%arg0: i32, %arg1: memref<32x16xf32, #tpu.memory_space<vmem>>, %arg2: memref<4160x128xf32, #tpu.memory_space<vmem>>, %arg3: memref<4160x128xf32, #tpu.memory_space<vmem>>) attributes {dimension_semantics = [#tpu.dimension_semantics<arbitrary>], iteration_bounds = array<i64: 8>, scalar_prefetch = 0 : i64, scratch_operands = 0 : i64, tpu.core_type = #tpu.core_type<tc>, window_params = [{pipeline_mode = #tpu.pipeline_mode<synchronous>, transform_indices = @transform_0, window_bounds = array<i64: 32, 16>}, {transform_indices = @transform_1, window_bounds = array<i64: 4160, 128>}, {transform_indices = @transform_2, window_bounds = array<i64: 4160, 128>}]} {
    %get3A = arith.constant 0 : index
    %get3A_0 = arith.constant 0 : index
    %get3A_1 = vector.load %arg1[%get3A, %get3A_0] : memref<32x16xf32, #tpu.memory_space<vmem>>, vector<32x16xf32>
    %reduce_sum3A = vector.shape_cast %get3A_1 : vector<32x16xf32> to vector<1x32x16xf32>
    %reduce_sum3A_2 = arith.constant dense<0.000000e+00> : vector<1xf32>
    %reduce_sum3A_3 = vector.multi_reduction <add>, %reduce_sum3A, %reduce_sum3A_2 [1, 2] : vector<1x32x16xf32> to vector<1xf32>
    %reduce_sum3A_4 = vector.shape_cast %reduce_sum3A_3 : vector<1xf32> to vector<1x1x1xf32>
    %reduce_sum3A_5 = vector.extract %reduce_sum3A_4[0, 0, 0] : f32 from vector<1x1x1xf32>
    %sub3A = arith.constant 6.451200e+04 : f32
    %sub3A_6 = arith.subf %reduce_sum3A_5, %sub3A : f32
    %div3A = arith.constant 0x4A800800 : f32
    %div3A_7 = arith.divf %sub3A_6, %div3A : f32
    %mul3A = arith.constant 1.000000e+05 : f32
    %mul3A_8 = arith.mulf %div3A_7, %mul3A : f32
    %get3A_9 = arith.constant 0 : index
    %get3A_10 = arith.constant 0 : index
    %get3A_11 = vector.load %arg2[%get3A_9, %get3A_10] : memref<4160x128xf32, #tpu.memory_space<vmem>>, vector<4160x128xf32>
    %div3A_12 = vector.broadcast %mul3A_8 : f32 to vector<4160x128xf32>
    %div3A_13 = arith.divf %get3A_11, %div3A_12 : vector<4160x128xf32>
    %swap3A = arith.constant 0 : index
    %swap3A_14 = arith.constant 0 : index
    %swap3A_15 = vector.load %arg3[%swap3A, %swap3A_14] : memref<4160x128xf32, #tpu.memory_space<vmem>>, vector<4160x128xf32>
    tpu.vector_store %arg3[%swap3A, %swap3A_14], %div3A_13 {strides = array<i32>} : memref<4160x128xf32, #tpu.memory_space<vmem>>, vector<4160x128xf32>,
    return
  }
  func.func @transform_0(%arg0: i32) -> (i32, i32) {
    %c0_i32 = arith.constant 0 : i32
    %c0_i32_0 = arith.constant 0 : i32
    %c0_i32_1 = arith.constant 0 : i32
    return %c0_i32, %c0_i32_0 : i32, i32
  }
  func.func @transform_1(%arg0: i32) -> (i32, i32) {
    %c0_i32 = arith.constant 0 : i32
    %c0_i32_0 = arith.constant 0 : i32
    return %arg0, %c0_i32 : i32, i32
  }
  func.func @transform_2(%arg0: i32) -> (i32, i32) {
    %c0_i32 = arith.constant 0 : i32
    %c0_i32_0 = arith.constant 0 : i32
    return %arg0, %c0_i32 : i32, i32
  }
}

</mosaic_0001>

<sc_bundles>
// kernel: kernel.5.cloned.1.call-start
scs
__scs_entry_jumppad:
0x0: {  	(pc) =	sbr.rel $0x88, $3  }
0x1: {  	(tag) =	ssettag $0x0;
	lr =	simm.s32 $0x1  }
0x2: {  	[smem:$0x3F9E] =	sst lr;
	_ =	strace $0xD0000000  }
0x3: {  	_ = 	snop  }
0x4: {  	_ = 	snop  }
0x5: {  	_ = 	snop  }
0x6: {  	_ = 	snop  }
0x7: {  	_ = 	snop  }
__scs_overlays_trampoline_lowered:
0x8: {  	[smem:$0x3FAD] =	sst s0  }
0x9: {  	[smem:$0x3FAE] =	sst s1  }
0xa: {  	[smem:$0x3FAF] =	sst s2  }
0xb: {  	[smem:$0x3FB0] =	sst s3  }
0xc: {  	[smem:$0x3FB1] =	sst s4  }
0xd: {  	[smem:$0x3FB2] =	sst s5  }
0xe: {  	[smem:$0x3FB3] =	sst s6  }
0xf: {  	[smem:$0x3FB4] =	sst s7  }
0x10: {  	[smem:$0x3FB5] =	sst s8  }
0x11: {  	[smem:$0x3FB6] =	sst s9;
	s0 =	simm.s32 @!p0 $0x0  }
0x12: {  	s1 =	sld [smem:$0x3F9C];
	s0 =	simm.s32 @p0 $0x1  }
0x13: {  	[smem:$0x3FB7] =	sst s0;
	s0 =	simm.s32 @!p1 $0x0  }
0x14: {  	s2 =	sld [smem:$0x3F9B];
	s0 =	simm.s32 @p1 $0x1  }
0x15: {  	[smem:$0x3FB8] =	sst s0;
	s0 =	simm.s32 @!p2 $0x0  }
0x16: {  	s3 =	sld [smem:$0x3FDB];
	s0 =	simm.s32 @p2 $0x1  }
0x17: {  	s4 =	simm.s32 $0x1BF5;
	[smem:$0x3FBA] =	sst s0  }
0x18: {  	s0 =	sld [smem:$0x3F9D];
	_ =	swait.ge [sflag:s4], $0x0  }
0x19: {  	s7 =	sld [smem:$0x3F9E]  }
0x1a: {  	s8 =	sadd.s32 $0xFFFFE003, lr  }
0x1b: {  	s9 =	sadd.s32 $0xFFFFFEF7, lr;
	s5 =	simm.s32 $0xFFFFFFFF;
	p2 =	slt.u32 s8, $0xFFFFF086  }
0x1c: {  	p1 =	slt.u32 s9, $0xF7A;
	s5 =	simm.s32 @!p2 $0x0  }
0x1d: {  	s5 =	simm.s32 @p1 $0x1;
	p0 =	seq.s32 s7, s2  }
0x1e: {  	s7 =	smul.u32 @!p0 $0xF7A, s2;
	p2 =	seq.s32 @!p0 s5, $0x0  }
0x1f: {  	s9 =	smul.u32 $0xF7A, s1;
	s8 =	simm.s32 @!p0 $0x1BF5;
	p2 =	por !p2, p0  }
0x20: {  	[sflag:s8] =	ssyncset.s32 @!p0 $0xFFFFF086;
	s6 =	sadd.s32 @!p0 s3, s7;
	s7 =	simm.s32 @!p0 $0x108  }
0x21: {  	s3 =	sadd.s32 s3, s9;
	s6 =	sadd.s32 @!p0 $0x88, s6;
	s7 =	simm.s32 @p2 $0x1082  }
0x22: {  	[simem:s7], [sflag:s8] =	dma.local @!p0 [hbm:s6], $0xF7A  }
0x23: {  	s9 =	sor.u32 $0xD0000000, s2;
	s6 =	simm.s32 $0x108;
	_ =	swait.ge @!p0 [sflag:s8], $0x0  }
0x24: {  	s3 =	sadd.s32 $0x88, s3;
	s6 =	simm.s32 @!p1 $0x1082;
	[sflag:s4] =	ssyncset.s32 $0xFFFFF086  }
0x25: {  	[simem:s6], [sflag:s4] =	dma.local [hbm:s3], $0xF7A  }
0x26: {  	[smem:$0x3F9E] =	sst s1;
	(tag) =	ssettag s2;
	_ =	strace s9  }
0x27: {  	s1 =	sld [smem:$0x3FAE]  }
0x28: {  	s2 =	sld [smem:$0x3FAF]  }
0x29: {  	s4 =	sld [smem:$0x3FB1]  }
0x2a: {  	p0 =	seq.s32 s5, $0x0;
	s5 =	sld [smem:$0x3FB2]  }
0x2b: {  	s6 =	sld [smem:$0x3FB3]  }
0x2c: {  	s7 =	sld [smem:$0x3FB4]  }
0x2d: {  	s3 =	simm.s32 $0x108;
	s8 =	sld [smem:$0x3FB5]  }
0x2e: {  	s3 =	simm.s32 @!p0 $0x1082;
	s9 =	sld [smem:$0x3FB6]  }
0x2f: {  	lr =	sadd.s32 s0, s3;
	s0 =	sld [smem:$0x3FAD]  }
0x30: {  	s3 =	sld [smem:$0x3FB0]  }
0x31: {  	[smem:$0x3FB9] =	sst s10  }
0x32: {  	s10 =	sld [smem:$0x3FB7];
	_ =	sdelay $0x3  }
0x33: {  	p0 =	seq.s32 s10, $0x1;
	s10 =	sld [smem:$0x3FB9];
	_ =	sdelay $0x3  }
0x34: {  	[smem:$0x3FB9] =	sst s10  }
0x35: {  	s10 =	sld [smem:$0x3FB8];
	_ =	sdelay $0x3  }
0x36: {  	p1 =	seq.s32 s10, $0x1;
	s10 =	sld [smem:$0x3FB9];
	_ =	sdelay $0x3  }
0x37: {  	[smem:$0x3FB9] =	sst s10  }
0x38: {  	s10 =	sld [smem:$0x3FBA]  }
0x39: {  	_ = 	snop;
	(pc) =	sbr.ind lr, $3  }
0x3a: {  	_ = 	snop  }
0x3b: {  	_ = 	snop  }
0x3c: {  	p2 =	seq.s32 s10, $0x1;
	s10 =	sld [smem:$0x3FB9]  }
0x3d: {  	_ =	shalt  }
0x3e: {  	_ =	shalt  }
0x3f: {  	_ =	shalt  }
0x40: {  	_ =	shalt  }
0x41: {  	_ =	shalt  }
0x42: {  	_ =	shalt  }
0x43: {  	_ =	shalt  }
0x44: {  	_ =	shalt  }
0x45: {  	_ =	shalt  }
0x46: {  	_ =	shalt  }
0x47: {  	_ =	shalt  }
0x48: {  	_ =	shalt  }
0x49: {  	_ =	shalt  }
0x4a: {  	_ =	shalt  }
0x4b: {  	_ =	shalt  }
0x4c: {  	_ =	shalt  }
0x4d: {  	_ =	shalt  }
0x4e: {  	_ =	shalt  }
0x4f: {  	_ =	shalt  }
0x50: {  	_ =	shalt  }
0x51: {  	_ =	shalt  }
0x52: {  	_ =	shalt  }
0x53: {  	_ =	shalt  }
0x54: {  	_ =	shalt  }
0x55: {  	_ =	shalt  }
0x56: {  	_ =	shalt  }
0x57: {  	_ =	shalt  }
0x58: {  	_ =	shalt  }
0x59: {  	_ =	shalt  }
0x5a: {  	_ =	shalt  }
0x5b: {  	_ =	shalt  }
0x5c: {  	_ =	shalt  }
0x5d: {  	_ =	shalt  }
0x5e: {  	_ =	shalt  }
0x5f: {  	_ =	shalt  }
0x60: {  	_ =	shalt  }
0x61: {  	_ =	shalt  }
0x62: {  	_ =	shalt  }
0x63: {  	_ =	shalt  }
0x64: {  	_ =	shalt  }
0x65: {  	_ =	shalt  }
0x66: {  	_ =	shalt  }
0x67: {  	_ =	shalt  }
0x68: {  	_ =	shalt  }
0x69: {  	_ =	shalt  }
0x6a: {  	_ =	shalt  }
0x6b: {  	_ =	shalt  }
0x6c: {  	_ =	shalt  }
0x6d: {  	_ =	shalt  }
0x6e: {  	_ =	shalt  }
0x6f: {  	_ =	shalt  }
0x70: {  	_ =	shalt  }
0x71: {  	_ =	shalt  }
0x72: {  	_ =	shalt  }
0x73: {  	_ =	shalt  }
0x74: {  	_ =	shalt  }
0x75: {  	_ =	shalt  }
0x76: {  	_ =	shalt  }
0x77: {  	_ =	shalt  }
0x78: {  	_ =	shalt  }
0x79: {  	_ =	shalt  }
0x7a: {  	_ =	shalt  }
0x7b: {  	_ =	shalt  }
0x7c: {  	_ =	shalt  }
0x7d: {  	_ =	shalt  }
0x7e: {  	_ =	shalt  }
0x7f: {  	_ =	shalt  }
0x80: {  	_ =	shalt  }
0x81: {  	_ =	shalt  }
0x82: {  	_ =	shalt  }
0x83: {  	_ =	shalt  }
0x84: {  	_ =	shalt  }
0x85: {  	_ =	shalt  }
0x86: {  	_ =	shalt  }
0x87: {  	_ =	shalt  }
.Lfunc_end0:
.L_simem_size_0:
called_computation_lowered:
.L_overlay_start_0:
0x88: {  	s2 =	sld [smem:$0x3FD9]  }
0x89: {  	s3 =	sld [smem:$0x3FFE];
	_ =	sdelay $0x1  }
0x8a: {  	s1 =	srdreg.scid  }
0x8b: {  	s0 =	sand.u32 $0x1, s1  }
0x8c: {  	s17 =	sshll.u32 s0, $0xA;
	s2 =	sadd.s32 s3, s2  }
0x8d: {  	s2 =	sadd.s32 s2, s17  }
0x8e: {  	[smem:$0x3FC5] =	sst s2  }
0x8f: {  	_ = 	snop  }
0x90: {  	s2 =	sld [smem:$0x3FD0];
	(tm) =	ssettm $0x1  }
0x91: {  	s18 =	sld [smem:$0x3FFB];
	_ =	sdelay $0x3  }
0x92: {  	_ =	strace s18  }
0x93: {  	s3 =	sld [smem:$0x3FFC];
	_ =	sdelay $0x3  }
0x94: {  	_ =	strace s3  }
0x95: {  	s3 =	sld [smem:$0x3FFD];
	_ =	sdelay $0x3  }
0x96: {  	_ =	strace s3  }
0x97: {  	_ =	strace $0x8FFFFFFF  }
0x98: {  	s19 =	sld [smem:$0x3FDB];
	_ =	sdelay $0x1  }
0x99: {  	s4 =	simm.s32 $_scs_section_size  }
0x9a: {  	s5 =	simm.s32 $_size__tile_overlayer_lowered;
	s6 =	simm.s32 $_tile_overlayer_lowered  }
0x9b: {  	s22 =	simm.s32 $0x1BFF;
	s21 =	sshll.u32 s6, $0x1;
	s3 =	sadd.s32 s4, s19  }
0x9c: {  	s7 =	simm.s32 $0x0;
	s20 =	sshll.u32 s5, $0x1;
	s5 =	sadd.s32 s21, s3  }
0x9d: {  	[timem:s7], [sflag:s22] =	dma.local [hbm:s5], s20  }
0x9e: {  	_ =	swait.ge [sflag:s22], s20  }
0x9f: {  	s4 =	ssub.s32 $0x0, s20;
	[sflag:s22] =	ssyncset.done $0x0  }
0xa0: {  	[sflag:s22] =	ssyncadd.s32 s4;
	_ =	sdelay $0x1  }
0xa1: {  	s23 =	simm.s32 $0x1B8B  }
0xa2: {  	_ =	swait.ge [sflag:s23], $0x1  }
0xa3: {  	[sflag:s23] =	ssyncset.done $0x0  }
0xa4: {  	s25 =	simm.s32 $0x1B8E;
	s24 =	sld [smem:$0x3FFE];
	[sflag:s23] =	ssyncadd.s32 $0xFFFFFFFF  }
0xa5: {  	s26 =	simm.s32 $execute0_lowered;
	[smem:$0x3FD2] =	sst s25  }
0xa6: {  	s5 =	sshll.u32 s26, $0x1;
	_ =	strace $0x80000046;
	[dreg:$0x1] =	wrdreg $0xFFFFFFFF  }
0xa7: {  	s28 =	simm.s32 $_size_execute0_lowered;
	s3 =	sadd.s32 s3, s5;
	[dreg:$0x0] =	wrdreg $0x0  }
0xa8: {  	s5 =	sshll.u32 s28, $0x1;
	[dreg:$0x2] =	wrdreg s3  }
0xa9: {  	[dreg:$0x3] =	wrdreg s5  }
0xaa: {  	[dreg:$0x4] =	wrdreg $0xC0  }
0xab: {  	_ =	task [dreg:s7], $0x5FFFF  }
0xac: {  	[dreg:$0x1] =	wrdreg $0xFFFFFFFF  }
0xad: {  	[dreg:$0x0] =	wrdreg $0x60  }
0xae: {  	[dreg:$0x2] =	wrdreg s24  }
0xaf: {  	[dreg:$0x3] =	wrdreg s2  }
0xb0: {  	[dreg:$0x4] =	wrdreg $0x9  }
0xb1: {  	_ =	task.clear_ibuf [dreg:s7], $0x5FFFF;
	_ =	strace $0x90000046  }
0xb2: {  	s29 =	simm.s32 $0x9;
	_ =	strace $0x80000048  }
0xb3: {  	_ =	swait.ge [sflag:s29], $0x1  }
0xb4: {  	[sflag:s29] =	ssyncadd.s32 $0xFFFFFFFF  }
0xb5: {  	_ =	strace $0x90000048  }
0xb6: {  	_ =	sfence  }
0xb7: {  	s30 =	sld [smem:$0x0];
	_ =	sdelay $0x2  }
0xb8: {  	s31 =	sshll.u32 s1, $0xD;
	s1 =	sshrl.u32 s1, $0x2  }
0xb9: {  	s3 =	sand.u32 $0x4000, s31;
	s1 =	sadd.s32 s1, s30  }
0xba: {  	s0 =	sor.u32 s3, s0;
	s1 =	sshll.u32 s1, $0x11  }
0xbb: {  	s0 =	sor.u32 s1, s0  }
0xbc: {  	s0 =	sadd.s32 $0x8F2B, s0  }
0xbd: {  	[sflag:s0] =	ssyncadd.remote.s32 $0x1  }
0xbe: {  	_ =	sfence.sel $0xFFFF  }
0xbf: {  	[dreg:$0x0] =	wrdreg $0xFFFFFFFF;
	(pc) =	sbr.abs _section_cstart, $3  }
0xc0: {  	[dreg:$0x1] =	wrdreg $0xFFFFFFFF  }
0xc1: {  	_ =	task.clear_ibuf [dreg:s7], $0x2FFFF;
	_ =	strace $0x9FFFFFFF  }
0xc2: {  	(tm) =	ssettm $0x7FFFFFFF  }
0xc3: {  	_ =	shalt  }
tec
execute0_lowered:
.L_overlay_start_1:
0x0: {  	(tag) =	ssettag $0x1  }
0x1: {  	s0 =	rddreg [dreg:$0x0]  }
0x2: {  	s1 =	rddreg [dreg:$0x1]  }
0x3: {  	s8 =	stileid.u32;
	s3 =	srdreg.scid;
	s2 =	simm.s32 $0x0  }
0x4: {  	s7 =	simm.s32 $0x800;
	s12 =	simm.s32 $0x880;
	[smem:$0x7FF] =	sst s2  }
0x5: {  	s13 =	simm.s32 $0x100;
	_ =	strace $0x80000047;
	[dreg:$0x3] =	wrdreg s7  }
0x6: {  	s14 =	simm.s32 $0x900;
	s15 =	simm.s32 $0x180;
	[dreg:$0x4] =	wrdreg s12  }
0x7: {  	s16 =	simm.s32 $0x980;
	s17 =	simm.s32 $0x200;
	[dreg:$0x5] =	wrdreg s13  }
0x8: {  	s19 =	simm.s32 $0xA00;
	s21 =	simm.s32 $0x280;
	[dreg:$0x6] =	wrdreg s14  }
0x9: {  	s23 =	simm.s32 $0xA80;
	s25 =	simm.s32 $0x300;
	[dreg:$0x7] =	wrdreg s15  }
0xa: {  	s9 =	simm.s32 $0x2;
	s26 =	simm.s32 $0xB00;
	[dreg:$0x8] =	wrdreg s16  }
0xb: {  	s10 =	simm.s32 $0x80;
	s28 =	simm.s32 $0x780;
	[dreg:$0x9] =	wrdreg s17  }
0xc: {  	s29 =	simm.s32 $0xF80;
	s30 =	simm.s32 $0x1;
	[dreg:$0xa] =	wrdreg s19  }
0xd: {  	s31 =	simm.s32 $0x1000;
	s4 =	smul.u32 $0x2D0, s8;
	[dreg:$0xb] =	wrdreg s21  }
0xe: {  	s5 =	sand.u32 $0x1, s3;
	s3 =	smul.u32 $0x550, s8;
	[dreg:$0xc] =	wrdreg s23  }
0xf: {  	s8 =	sshll.u32 s8, $0x5;
	p0 =	seq.s32 s5, $0x0;
	[dreg:$0xd] =	wrdreg s25  }
0x10: {  	s6 =	ssub.s32 $0x2, s5;
	s5 =	sshll.u32 s5, $0x4;
	[dreg:$0xe] =	wrdreg s26  }
0x11: {  	s12 =	simm.s32 $0xB80;
	s13 =	simm.s32 $0x400;
	s14 =	simm.s32 $0xC00  }
0x12: {  	s15 =	simm.s32 $0x480;
	s16 =	simm.s32 $0xC80;
	s17 =	simm.s32 $0x500  }
0x13: {  	s19 =	simm.s32 $0x580;
	s21 =	simm.s32 $0x600;
	s23 =	simm.s32 $0x680  }
0x14: {  	s25 =	simm.s32 $0x700;
	s26 =	simm.s32 $0xF00;
	s4 =	sadd.s32 $0x5500, s4  }
0x15: {  	s11 =	sshrl.u32 s6, $0x1;
	s1 =	sadd.s32 s1, s5;
	s4 =	smov.u32 @p0 s3  }
0x16: {  	s3 =	sadd.s32 $0x28B800, s0;
	s6 =	ssub.s32 s6, s11;
	s18 =	sadd.s32 s8, s1  }
0x17: {  	s11 =	simm.s32 $0x380;
	s4 =	sshll.u32 s4, $0x4;
	[dreg:$0x10] =	wrdreg s18  }
0x18: {  	s20 =	smax.u32 s6, $0x1;
	s4 =	sadd.s32 s4, s0;
	s0 =	simm.s32 $0x55  }
0x19: {  	s1 =	simm.s32 $0x0;
	[dreg:$0x11] =	wrdreg s20;
	s0 =	simm.s32 @!p0 $0x2D  }
0x1a: {  	s18 =	simm.s32 $0xD00;
	s22 =	sadd.s32 $0x103800, s4;
	[dreg:$0xf] =	wrdreg s0  }
0x1b: {  	s20 =	simm.s32 $0xD80;
	s24 =	sadd.s32 $0x81800, s4;
	[dreg:$0x12] =	wrdreg s22  }
0x1c: {  	[dreg:$0x13] =	wrdreg s24;
	s22 =	simm.s32 $0xE00;
	s24 =	simm.s32 $0xE80  }
.LBB2_1:
0x1d: {  	[dreg:$0x14] =	wrdreg s1  }
0x1e: {  	s4 =	rddreg [dreg:$0xf]  }
0x1f: {  	s8 =	rddreg [dreg:$0x13]  }
0x20: {  	v0 =	vimm.f32 $0.0e+00;
	s7 =	rddreg [dreg:$0x12]  }
.LBB2_2:
0x21: {  	[tilespmem:s2], [sflag:$0x2] =	stream.linear.gather [hbm4b:s8+s2], $0x800, $0x38;
	[tilespmem:$0x1880] =	vst v63  }
0x22: {  	_ =	swait.ge [sflag:s9], $0x800  }
0x23: {  	s6 =	rddreg [dreg:$0x3]  }
0x24: {  	s1 =	rddreg [dreg:$0x4]  }
0x25: {  	[sflag:s9] =	ssyncset.done $0x0;
	s5 =	rddreg [dreg:$0x5]  }
0x26: {  	s0 =	rddreg [dreg:$0x6];
	[sflag:s9] =	ssyncadd.s32 $0xFFFFF800  }
0x27: {  	[tilespmem:s6], [sflag:$0x1] =	stream.indirect.gather [hbm4b:s3+s10], $0x1, s2, s10, $0xb8;
	[tilespmem:$0x1880] =	vst v63  }
0x28: {  	s6 =	rddreg [dreg:$0x9]  }
0x29: {  	[tilespmem:s1], [sflag:$0x1] =	stream.indirect.gather [hbm4b:s3+s10], $0x1, s10, s10, $0xb8;
	[tilespmem:$0x1880] =	vst v63  }
0x2a: {  	s1 =	rddreg [dreg:$0xa]  }
0x2b: {  	[tilespmem:s0], [sflag:$0x1] =	stream.indirect.gather [hbm4b:s3+s10], $0x1, s5, s10, $0xb8;
	[tilespmem:$0x1880] =	vst v63  }
0x2c: {  	s0 =	rddreg [dreg:$0x7]  }
0x2d: {  	s5 =	rddreg [dreg:$0x8]  }
0x2e: {  	[tilespmem:s5], [sflag:$0x1] =	stream.indirect.gather [hbm4b:s3+s10], $0x1, s0, s10, $0xb8;
	[tilespmem:$0x1880] =	vst v63  }
0x2f: {  	s0 =	rddreg [dreg:$0xb]  }
0x30: {  	s5 =	rddreg [dreg:$0xd]  }
0x31: {  	[tilespmem:s1], [sflag:$0x1] =	stream.indirect.gather [hbm4b:s3+s10], $0x1, s6, s10, $0xb8;
	[tilespmem:$0x1880] =	vst v63  }
0x32: {  	s1 =	rddreg [dreg:$0xc]  }
0x33: {  	[tilespmem:s1], [sflag:$0x1] =	stream.indirect.gather [hbm4b:s3+s10], $0x1, s0, s10, $0xb8;
	[tilespmem:$0x1880] =	vst v63  }
0x34: {  	s6 =	rddreg [dreg:$0xe]  }
0x35: {  	[tilespmem:s6], [sflag:$0x1] =	stream.indirect.gather [hbm4b:s3+s10], $0x1, s5, s10, $0xb8;
	[tilespmem:$0x1880] =	vst v63  }
0x36: {  	_ = 	snop  }
0x37: {  	[tilespmem:s12], [sflag:$0x1] =	stream.indirect.gather [hbm4b:s3+s10], $0x1, s11, s10, $0xb8;
	[tilespmem:$0x1880] =	vst v63  }
0x38: {  	_ = 	snop  }
0x39: {  	[tilespmem:s14], [sflag:$0x1] =	stream.indirect.gather [hbm4b:s3+s10], $0x1, s13, s10, $0xb8;
	[tilespmem:$0x1880] =	vst v63  }
0x3a: {  	_ = 	snop  }
0x3b: {  	[tilespmem:s16], [sflag:$0x1] =	stream.indirect.gather [hbm4b:s3+s10], $0x1, s15, s10, $0xb8;
	[tilespmem:$0x1880] =	vst v63  }
0x3c: {  	_ = 	snop  }
0x3d: {  	[tilespmem:s18], [sflag:$0x1] =	stream.indirect.gather [hbm4b:s3+s10], $0x1, s17, s10, $0xb8;
	[tilespmem:$0x1880] =	vst v63  }
0x3e: {  	_ = 	snop  }
0x3f: {  	[tilespmem:s20], [sflag:$0x1] =	stream.indirect.gather [hbm4b:s3+s10], $0x1, s19, s10, $0xb8;
	[tilespmem:$0x1880] =	vst v63  }
0x40: {  	_ = 	snop  }
0x41: {  	[tilespmem:s22], [sflag:$0x1] =	stream.indirect.gather [hbm4b:s3+s10], $0x1, s21, s10, $0xb8;
	[tilespmem:$0x1880] =	vst v63  }
0x42: {  	_ = 	snop  }
0x43: {  	[tilespmem:s24], [sflag:$0x1] =	stream.indirect.gather [hbm4b:s3+s10], $0x1, s23, s10, $0xb8;
	[tilespmem:$0x1880] =	vst v63  }
0x44: {  	_ = 	snop  }
0x45: {  	[tilespmem:s26], [sflag:$0x1] =	stream.indirect.gather [hbm4b:s3+s10], $0x1, s25, s10, $0xb8;
	[tilespmem:$0x1880] =	vst v63  }
0x46: {  	_ = 	snop  }
0x47: {  	[tilespmem:s29], [sflag:$0x1] =	stream.indirect.gather [hbm4b:s3+s10], $0x1, s28, s10, $0xb8;
	[tilespmem:$0x1880] =	vst v63  }
0x48: {  	_ =	swait.ge [sflag:s30], $0x80  }
0x49: {  	[sflag:s30] =	ssyncset.done $0x0  }
0x4a: {  	[sflag:s30] =	ssyncadd.s32 $0xFFFFFF80  }
0x4b: {  	_ =	swait.ge [sflag:s30], $0x80  }
0x4c: {  	[sflag:s30] =	ssyncset.done $0x0  }
0x4d: {  	[sflag:s30] =	ssyncadd.s32 $0xFFFFFF80  }
0x4e: {  	_ =	swait.ge [sflag:s30], $0x80  }
0x4f: {  	[sflag:s30] =	ssyncset.done $0x0  }
0x50: {  	[sflag:s30] =	ssyncadd.s32 $0xFFFFFF80  }
0x51: {  	_ =	swait.ge [sflag:s30], $0x80  }
0x52: {  	[sflag:s30] =	ssyncset.done $0x0  }
0x53: {  	[sflag:s30] =	ssyncadd.s32 $0xFFFFFF80  }
0x54: {  	_ =	swait.ge [sflag:s30], $0x80  }
0x55: {  	[sflag:s30] =	ssyncset.done $0x0  }
0x56: {  	[sflag:s30] =	ssyncadd.s32 $0xFFFFFF80  }
0x57: {  	_ =	swait.ge [sflag:s30], $0x80  }
0x58: {  	[sflag:s30] =	ssyncset.done $0x0  }
0x59: {  	[sflag:s30] =	ssyncadd.s32 $0xFFFFFF80  }
0x5a: {  	_ =	swait.ge [sflag:s30], $0x80  }
0x5b: {  	[sflag:s30] =	ssyncset.done $0x0  }
0x5c: {  	[sflag:s30] =	ssyncadd.s32 $0xFFFFFF80  }
0x5d: {  	_ =	swait.ge [sflag:s30], $0x80  }
0x5e: {  	[sflag:s30] =	ssyncset.done $0x0  }
0x5f: {  	[sflag:s30] =	ssyncadd.s32 $0xFFFFFF80  }
0x60: {  	_ =	swait.ge [sflag:s30], $0x80  }
0x61: {  	[sflag:s30] =	ssyncset.done $0x0  }
0x62: {  	[sflag:s30] =	ssyncadd.s32 $0xFFFFFF80  }
0x63: {  	_ =	swait.ge [sflag:s30], $0x80  }
0x64: {  	[sflag:s30] =	ssyncset.done $0x0  }
0x65: {  	[sflag:s30] =	ssyncadd.s32 $0xFFFFFF80  }
0x66: {  	_ =	swait.ge [sflag:s30], $0x80  }
0x67: {  	[sflag:s30] =	ssyncset.done $0x0  }
0x68: {  	[sflag:s30] =	ssyncadd.s32 $0xFFFFFF80  }
0x69: {  	_ =	swait.ge [sflag:s30], $0x80  }
0x6a: {  	[sflag:s30] =	ssyncset.done $0x0  }
0x6b: {  	[sflag:s30] =	ssyncadd.s32 $0xFFFFFF80  }
0x6c: {  	_ =	swait.ge [sflag:s30], $0x80  }
0x6d: {  	[sflag:s30] =	ssyncset.done $0x0  }
0x6e: {  	[sflag:s30] =	ssyncadd.s32 $0xFFFFFF80  }
0x6f: {  	_ =	swait.ge [sflag:s30], $0x80  }
0x70: {  	[sflag:s30] =	ssyncset.done $0x0  }
0x71: {  	[sflag:s30] =	ssyncadd.s32 $0xFFFFFF80  }
0x72: {  	_ =	swait.ge [sflag:s30], $0x80  }
0x73: {  	[sflag:s30] =	ssyncset.done $0x0  }
0x74: {  	[sflag:s30] =	ssyncadd.s32 $0xFFFFFF80  }
0x75: {  	_ =	swait.ge [sflag:s30], $0x80  }
0x76: {  	[sflag:s30] =	ssyncset.done $0x0  }
0x77: {  	[sflag:s30] =	ssyncadd.s32 $0xFFFFFF80  }
0x78: {  	v1 =	vld [tilespmem:$0x800]  }
0x79: {  	v2 =	vld [tilespmem:$0x810]  }
0x7a: {  	v3 =	vld [tilespmem:$0x820]  }
0x7b: {  	v4 =	vld [tilespmem:$0x830];
	_ =	sdelay $0x1  }
0x7c: {  	v1 =	vmul.f32 $1.428571410e+01, v1  }
0x7d: {  	v2 =	vmul.f32 $1.428571410e+01, v2  }
0x7e: {  	v3 =	vmul.f32 $1.428571410e+01, v3;
	v1 =	vmul.f32 $1.442695020e+00, v1  }
0x7f: {  	v4 =	vmul.f32 $1.428571410e+01, v4;
	v2 =	vmul.f32 $1.442695020e+00, v2  }
0x80: {  	(erf) = vpow2.f32 v1;
	v1 =	vmul.f32 $1.442695020e+00, v3  }
0x81: {  	(erf) = vpow2.f32 v2;
	v2 =	vmul.f32 $1.442695020e+00, v4  }
0x82: {  	(erf) = vpow2.f32 v1  }
0x83: {  	(erf) = vpow2.f32 v2;
	_ =	sdelay $0x1  }
0x84: {  	v5 =	vld [tilespmem:$0x840];
	_ =	sdelay $0x2  }
0x85: {  	v6 =	vld [tilespmem:$0x850]  }
0x86: {  	v1 =	vpop (erf)  }
0x87: {  	v7 =	vld [tilespmem:$0x860];
	v5 =	vmul.f32 $1.428571410e+01, v5;
	[tilespmem:$0x1000] =	vst v1;
	v2 =	vpop (erf)  }
0x88: {  	v8 =	vld [tilespmem:$0x870];
	[tilespmem:$0x1010] =	vst v2;
	v3 =	vpop (erf)  }
0x89: {  	v5 =	vmul.f32 $1.442695020e+00, v5;
	[tilespmem:$0x1020] =	vst v3;
	v12 =	vpop (erf)  }
0x8a: {  	v9 =	vld [tilespmem:$0x880];
	v6 =	vmul.f32 $1.428571410e+01, v6;
	[tilespmem:$0x1030] =	vst v12  }
0x8b: {  	(erf) = vpow2.f32 v5  }
0x8c: {  	v13 =	vmul.f32 $1.428571410e+01, v7;
	v6 =	vmul.f32 $1.442695020e+00, v6;
	v14 =	vld [tilespmem:$0x890]  }
0x8d: {  	v15 =	vmul.f32 $1.428571410e+01, v8;
	v0 =	vadd.f32 v1, v0  }
0x8e: {  	v5 =	vmul.f32 $1.442695020e+00, v13;
	(erf) = vpow2.f32 v6  }
0x8f: {  	v1 =	vmul.f32 $1.428571410e+01, v9;
	v0 =	vadd.f32 v2, v0;
	v16 =	vld [tilespmem:$0x8A0]  }
0x90: {  	v17 =	vmul.f32 $1.442695020e+00, v15;
	v18 =	vld [tilespmem:$0x8B0];
	(erf) = vpow2.f32 v5  }
0x91: {  	v1 =	vmul.f32 $1.442695020e+00, v1;
	v0 =	vadd.f32 v3, v0;
	v2 =	vmul.f32 $1.428571410e+01, v14  }
0x92: {  	v3 =	vld [tilespmem:$0x8C0];
	(erf) = vpow2.f32 v17  }
0x93: {  	(erf) = vpow2.f32 v1;
	v1 =	vmul.f32 $1.442695020e+00, v2  }
0x94: {  	v4 =	vadd.f32 v12, v0;
	v2 =	vmul.f32 $1.428571410e+01, v16  }
0x95: {  	v19 =	vmul.f32 $1.428571410e+01, v18;
	v0 =	vpop (erf)  }
0x96: {  	v20 =	vld [tilespmem:$0x8D0];
	(erf) = vpow2.f32 v1;
	v2 =	vmul.f32 $1.442695020e+00, v2;
	v4 =	vadd.f32 v0, v4  }
0x97: {  	v3 =	vmul.f32 $1.428571410e+01, v3;
	v1 =	vpop (erf)  }
0x98: {  	v21 =	vld [tilespmem:$0x8E0];
	v5 =	vmul.f32 $1.442695020e+00, v19;
	(erf) = vpow2.f32 v2;
	v4 =	vadd.f32 v1, v4  }
0x99: {  	v22 =	vld [tilespmem:$0x8F0];
	[tilespmem:$0x1FFD0] =	vst v0;
	v0 =	vpop (erf)  }
0x9a: {  	v24 =	vld [tilespmem:$0x900];
	v23 =	vmul.f32 $1.442695020e+00, v3;
	(erf) = vpow2.f32 v5;
	v4 =	vadd.f32 v0, v4  }
0x9b: {  	v25 =	vld [tilespmem:$0x910];
	v6 =	vmul.f32 $1.428571410e+01, v20;
	[tilespmem:$0x1FFE0] =	vst v0;
	v0 =	vpop (erf)  }
0x9c: {  	(erf) = vpow2.f32 v23;
	v10 =	vadd.f32 v0, v4  }
0x9d: {  	v7 =	vmul.f32 $1.428571410e+01, v21;
	v6 =	vmul.f32 $1.442695020e+00, v6;
	v2 =	vpop (erf)  }
0x9e: {  	v26 =	vmul.f32 $1.428571410e+01, v22;
	v10 =	vadd.f32 v2, v10  }
0x9f: {  	v11 =	vld [tilespmem:$0x920];
	v7 =	vmul.f32 $1.442695020e+00, v7;
	(erf) = vpow2.f32 v6;
	v5 =	vpop (erf)  }
0xa0: {  	v9 =	vmul.f32 $1.428571410e+01, v24;
	v8 =	vmul.f32 $1.428571410e+01, v25;
	v10 =	vadd.f32 v5, v10  }
0xa1: {  	v27 =	vmul.f32 $1.442695020e+00, v26;
	(erf) = vpow2.f32 v7;
	v4 =	vpop (erf)  }
0xa2: {  	v10 =	vadd.f32 v4, v10  }
0xa3: {  	v12 =	vld [tilespmem:$0x930];
	v9 =	vmul.f32 $1.442695020e+00, v9;
	(erf) = vpow2.f32 v27;
	v3 =	vpop (erf)  }
0xa4: {  	v28 =	vmul.f32 $1.428571410e+01, v11;
	v10 =	vadd.f32 v3, v10  }
0xa5: {  	v13 =	vld [tilespmem:$0x940];
	v14 =	vmul.f32 $1.442695020e+00, v8;
	(erf) = vpow2.f32 v9;
	v8 =	vpop (erf)  }
0xa6: {  	v29 =	vld [tilespmem:$0x950];
	v10 =	vadd.f32 v8, v10  }
0xa7: {  	v30 =	vmul.f32 $1.442695020e+00, v28;
	(erf) = vpow2.f32 v14  }
0xa8: {  	v15 =	vld [tilespmem:$0x960];
	v12 =	vmul.f32 $1.428571410e+01, v12;
	v9 =	vpop (erf)  }
0xa9: {  	(erf) = vpow2.f32 v30;
	v16 =	vadd.f32 v9, v10  }
0xaa: {  	v13 =	vmul.f32 $1.428571410e+01, v13;
	v12 =	vmul.f32 $1.442695020e+00, v12;
	v10 =	vpop (erf)  }
0xab: {  	v31 =	vld [tilespmem:$0x970];
	v32 =	vmul.f32 $1.428571410e+01, v29;
	v16 =	vadd.f32 v10, v16  }
0xac: {  	v17 =	vld [tilespmem:$0x980];
	v13 =	vmul.f32 $1.442695020e+00, v13;
	(erf) = vpow2.f32 v12;
	v11 =	vpop (erf)  }
0xad: {  	v15 =	vmul.f32 $1.428571410e+01, v15;
	v16 =	vadd.f32 v11, v16  }
0xae: {  	v33 =	vmul.f32 $1.442695020e+00, v32;
	(erf) = vpow2.f32 v13;
	v12 =	vpop (erf)  }
0xaf: {  	v15 =	vmul.f32 $1.442695020e+00, v15;
	v16 =	vadd.f32 v12, v16  }
0xb0: {  	v18 =	vld [tilespmem:$0x990];
	v14 =	vmul.f32 $1.428571410e+01, v31;
	(erf) = vpow2.f32 v33;
	v6 =	vpop (erf)  }
0xb1: {  	v34 =	vmul.f32 $1.428571410e+01, v17;
	v16 =	vadd.f32 v6, v16  }
0xb2: {  	v19 =	vld [tilespmem:$0x9A0];
	v20 =	vmul.f32 $1.442695020e+00, v14;
	(erf) = vpow2.f32 v15;
	v7 =	vpop (erf)  }
0xb3: {  	v35 =	vld [tilespmem:$0x9B0];
	v16 =	vadd.f32 v7, v16  }
0xb4: {  	v36 =	vmul.f32 $1.442695020e+00, v34;
	(erf) = vpow2.f32 v20  }
0xb5: {  	v21 =	vld [tilespmem:$0x9C0];
	v18 =	vmul.f32 $1.428571410e+01, v18;
	v15 =	vpop (erf)  }
0xb6: {  	v37 =	vld [tilespmem:$0x9D0];
	(erf) = vpow2.f32 v36;
	v22 =	vadd.f32 v15, v16  }
0xb7: {  	v19 =	vmul.f32 $1.428571410e+01, v19;
	v18 =	vmul.f32 $1.442695020e+00, v18;
	v16 =	vpop (erf)  }
0xb8: {  	v38 =	vmul.f32 $1.428571410e+01, v35;
	v22 =	vadd.f32 v16, v22  }
0xb9: {  	v19 =	vmul.f32 $1.442695020e+00, v19;
	v23 =	vld [tilespmem:$0x9E0];
	(erf) = vpow2.f32 v18;
	v17 =	vpop (erf)  }
0xba: {  	v39 =	vmul.f32 $1.442695020e+00, v38;
	v21 =	vmul.f32 $1.428571410e+01, v21;
	v22 =	vadd.f32 v17, v22  }
0xbb: {  	v24 =	vld [tilespmem:$0x9F0];
	v20 =	vmul.f32 $1.428571410e+01, v37;
	(erf) = vpow2.f32 v19;
	v18 =	vpop (erf)  }
0xbc: {  	v22 =	vadd.f32 v18, v22  }
0xbd: {  	v25 =	vld [tilespmem:$0xA00];
	v21 =	vmul.f32 $1.442695020e+00, v21;
	(erf) = vpow2.f32 v39;
	v19 =	vpop (erf)  }
0xbe: {  	v40 =	vmul.f32 $1.428571410e+01, v23;
	v22 =	vadd.f32 v19, v22  }
0xbf: {  	v41 =	vld [tilespmem:$0xA10];
	v26 =	vmul.f32 $1.442695020e+00, v20;
	(erf) = vpow2.f32 v21;
	v20 =	vpop (erf)  }
0xc0: {  	v24 =	vmul.f32 $1.428571410e+01, v24;
	v22 =	vadd.f32 v20, v22  }
0xc1: {  	v42 =	vmul.f32 $1.442695020e+00, v40;
	(erf) = vpow2.f32 v26  }
0xc2: {  	v25 =	vmul.f32 $1.428571410e+01, v25;
	v27 =	vld [tilespmem:$0xA20];
	v21 =	vpop (erf)  }
0xc3: {  	v43 =	vld [tilespmem:$0xA30];
	v24 =	vmul.f32 $1.442695020e+00, v24;
	(erf) = vpow2.f32 v42;
	v28 =	vadd.f32 v21, v22  }
0xc4: {  	v44 =	vmul.f32 $1.428571410e+01, v41;
	v22 =	vpop (erf)  }
0xc5: {  	v29 =	vld [tilespmem:$0xA40];
	v25 =	vmul.f32 $1.442695020e+00, v25;
	(erf) = vpow2.f32 v24;
	v28 =	vadd.f32 v22, v28  }
0xc6: {  	v45 =	vmul.f32 $1.442695020e+00, v44;
	v23 =	vpop (erf)  }
0xc7: {  	v27 =	vmul.f32 $1.428571410e+01, v27;
	(erf) = vpow2.f32 v25;
	v28 =	vadd.f32 v23, v28  }
0xc8: {  	v26 =	vmul.f32 $1.428571410e+01, v43;
	v24 =	vpop (erf)  }
0xc9: {  	v30 =	vld [tilespmem:$0xA50];
	v27 =	vmul.f32 $1.442695020e+00, v27;
	(erf) = vpow2.f32 v45;
	v28 =	vadd.f32 v24, v28  }
0xca: {  	v46 =	vmul.f32 $1.428571410e+01, v29;
	v25 =	vpop (erf)  }
0xcb: {  	v31 =	vld [tilespmem:$0xA60];
	v32 =	vmul.f32 $1.442695020e+00, v26;
	(erf) = vpow2.f32 v27;
	v28 =	vadd.f32 v25, v28  }
0xcc: {  	v47 =	vld [tilespmem:$0xA70];
	v26 =	vpop (erf)  }
0xcd: {  	v48 =	vmul.f32 $1.442695020e+00, v46;
	(erf) = vpow2.f32 v32;
	v28 =	vadd.f32 v26, v28  }
0xce: {  	v30 =	vmul.f32 $1.428571410e+01, v30;
	v33 =	vld [tilespmem:$0xA80];
	v13 =	vpop (erf)  }
0xcf: {  	v49 =	vld [tilespmem:$0xA90];
	(erf) = vpow2.f32 v48;
	v34 =	vadd.f32 v13, v28  }
0xd0: {  	v31 =	vmul.f32 $1.428571410e+01, v31;
	v30 =	vmul.f32 $1.442695020e+00, v30;
	v14 =	vpop (erf)  }
0xd1: {  	v50 =	vmul.f32 $1.428571410e+01, v47;
	v34 =	vadd.f32 v14, v34  }
0xd2: {  	v35 =	vld [tilespmem:$0xAA0];
	v31 =	vmul.f32 $1.442695020e+00, v31;
	(erf) = vpow2.f32 v30;
	v29 =	vpop (erf)  }
0xd3: {  	v51 =	vmul.f32 $1.442695020e+00, v50;
	v33 =	vmul.f32 $1.428571410e+01, v33;
	v34 =	vadd.f32 v29, v34  }
0xd4: {  	v32 =	vmul.f32 $1.428571410e+01, v49;
	(erf) = vpow2.f32 v31;
	v30 =	vpop (erf)  }
0xd5: {  	v34 =	vadd.f32 v30, v34  }
0xd6: {  	v36 =	vld [tilespmem:$0xAB0];
	v33 =	vmul.f32 $1.442695020e+00, v33;
	(erf) = vpow2.f32 v51;
	v31 =	vpop (erf)  }
0xd7: {  	v52 =	vmul.f32 $1.428571410e+01, v35;
	v34 =	vadd.f32 v31, v34  }
0xd8: {  	v37 =	vld [tilespmem:$0xAC0];
	v38 =	vmul.f32 $1.442695020e+00, v32;
	(erf) = vpow2.f32 v33;
	v32 =	vpop (erf)  }
0xd9: {  	v53 =	vld [tilespmem:$0xAD0];
	v34 =	vadd.f32 v32, v34  }
0xda: {  	v54 =	vmul.f32 $1.442695020e+00, v52;
	(erf) = vpow2.f32 v38  }
0xdb: {  	v36 =	vmul.f32 $1.428571410e+01, v36;
	v39 =	vld [tilespmem:$0xAE0];
	v33 =	vpop (erf)  }
0xdc: {  	v55 =	vld [tilespmem:$0xAF0];
	(erf) = vpow2.f32 v54;
	v40 =	vadd.f32 v33, v34  }
0xdd: {  	v37 =	vmul.f32 $1.428571410e+01, v37;
	v36 =	vmul.f32 $1.442695020e+00, v36;
	v34 =	vpop (erf)  }
0xde: {  	v56 =	vmul.f32 $1.428571410e+01, v53;
	v40 =	vadd.f32 v34, v40  }
0xdf: {  	v41 =	vld [tilespmem:$0xB00];
	v37 =	vmul.f32 $1.442695020e+00, v37;
	(erf) = vpow2.f32 v36;
	v35 =	vpop (erf)  }
0xe0: {  	v57 =	vmul.f32 $1.442695020e+00, v56;
	v39 =	vmul.f32 $1.428571410e+01, v39;
	v40 =	vadd.f32 v35, v40  }
0xe1: {  	v38 =	vmul.f32 $1.428571410e+01, v55;
	(erf) = vpow2.f32 v37;
	v36 =	vpop (erf)  }
0xe2: {  	v40 =	vadd.f32 v36, v40  }
0xe3: {  	v42 =	vld [tilespmem:$0xB10];
	v39 =	vmul.f32 $1.442695020e+00, v39;
	(erf) = vpow2.f32 v57;
	v37 =	vpop (erf)  }
0xe4: {  	v58 =	vmul.f32 $1.428571410e+01, v41;
	v40 =	vadd.f32 v37, v40  }
0xe5: {  	v43 =	vld [tilespmem:$0xB20];
	v44 =	vmul.f32 $1.442695020e+00, v38;
	(erf) = vpow2.f32 v39;
	v38 =	vpop (erf)  }
0xe6: {  	v59 =	vld [tilespmem:$0xB30];
	v40 =	vadd.f32 v38, v40  }
0xe7: {  	v60 =	vmul.f32 $1.442695020e+00, v58;
	(erf) = vpow2.f32 v44  }
0xe8: {  	v42 =	vmul.f32 $1.428571410e+01, v42;
	v45 =	vld [tilespmem:$0xB40];
	v39 =	vpop (erf)  }
0xe9: {  	v61 =	vld [tilespmem:$0xB50];
	(erf) = vpow2.f32 v60;
	v46 =	vadd.f32 v39, v40  }
0xea: {  	v43 =	vmul.f32 $1.428571410e+01, v43;
	v42 =	vmul.f32 $1.442695020e+00, v42;
	v40 =	vpop (erf)  }
0xeb: {  	v62 =	vmul.f32 $1.428571410e+01, v59;
	v46 =	vadd.f32 v40, v46  }
0xec: {  	v47 =	vld [tilespmem:$0xB60];
	v43 =	vmul.f32 $1.442695020e+00, v43;
	(erf) = vpow2.f32 v42;
	v41 =	vpop (erf)  }
0xed: {  	v63 =	vmul.f32 $1.442695020e+00, v62;
	v45 =	vmul.f32 $1.428571410e+01, v45;
	v46 =	vadd.f32 v41, v46  }
0xee: {  	v44 =	vmul.f32 $1.428571410e+01, v61;
	(erf) = vpow2.f32 v43;
	v42 =	vpop (erf)  }
0xef: {  	v46 =	vadd.f32 v42, v46  }
0xf0: {  	v48 =	vld [tilespmem:$0xB70];
	v45 =	vmul.f32 $1.442695020e+00, v45;
	(erf) = vpow2.f32 v63;
	v43 =	vpop (erf)  }
0xf1: {  	v27 =	vmul.f32 $1.428571410e+01, v47;
	v46 =	vadd.f32 v43, v46  }
0xf2: {  	v49 =	vld [tilespmem:$0xB80];
	v50 =	vmul.f32 $1.442695020e+00, v44;
	(erf) = vpow2.f32 v45;
	v44 =	vpop (erf)  }
0xf3: {  	v46 =	vadd.f32 v44, v46  }
0xf4: {  	v56 =	vmul.f32 $1.442695020e+00, v27;
	(erf) = vpow2.f32 v50  }
0xf5: {  	v28 =	vld [tilespmem:$0xB90];
	v48 =	vmul.f32 $1.428571410e+01, v48;
	v45 =	vpop (erf)  }
0xf6: {  	v57 =	vld [tilespmem:$0xBB0];
	(erf) = vpow2.f32 v56;
	v52 =	vadd.f32 v45, v46  }
0xf7: {  	v49 =	vmul.f32 $1.428571410e+01, v49;
	v51 =	vld [tilespmem:$0xBA0];
	v48 =	vmul.f32 $1.442695020e+00, v48;
	v46 =	vpop (erf)  }
0xf8: {  	v52 =	vadd.f32 v46, v52  }
0xf9: {  	v49 =	vmul.f32 $1.442695020e+00, v49;
	v47 =	vpop (erf)  }
0xfa: {  	v53 =	vld [tilespmem:$0xBC0];
	(erf) = vpow2.f32 v48;
	v52 =	vadd.f32 v47, v52  }
0xfb: {  	v54 =	vld [tilespmem:$0xBD0];
	v50 =	vmul.f32 $1.428571410e+01, v57;
	(erf) = vpow2.f32 v49;
	v48 =	vpop (erf)  }
0xfc: {  	v58 =	vmul.f32 $1.428571410e+01, v28;
	v51 =	vmul.f32 $1.428571410e+01, v51;
	v52 =	vadd.f32 v48, v52  }
0xfd: {  	v49 =	vpop (erf)  }
0xfe: {  	v59 =	vmul.f32 $1.442695020e+00, v58;
	v51 =	vmul.f32 $1.442695020e+00, v51;
	v52 =	vadd.f32 v49, v52  }
0xff: {  	v55 =	vld [tilespmem:$0xBE0];
	v60 =	vmul.f32 $1.428571410e+01, v53;
	v56 =	vmul.f32 $1.442695020e+00, v50;
	v50 =	vpop (erf)  }
0x100: {  	v54 =	vmul.f32 $1.428571410e+01, v54;
	v61 =	vld [tilespmem:$0xBF0];
	(erf) = vpow2.f32 v59;
	v52 =	vadd.f32 v50, v52  }
0x101: {  	v62 =	vmul.f32 $1.442695020e+00, v60;
	v57 =	vld [tilespmem:$0xC00];
	(erf) = vpow2.f32 v51  }
0x102: {  	v54 =	vmul.f32 $1.442695020e+00, v54;
	v60 =	vld [tilespmem:$0xC30];
	(erf) = vpow2.f32 v56  }
0x103: {  	v63 =	vld [tilespmem:$0xC10];
	v51 =	vpop (erf);
	(erf) = vpow2.f32 v62  }
0x104: {  	v55 =	vmul.f32 $1.428571410e+01, v55;
	v59 =	vld [tilespmem:$0xC20];
	v58 =	vadd.f32 v51, v52;
	v52 =	vpop (erf);
	(erf) = vpow2.f32 v54  }
0x105: {  	v27 =	vmul.f32 $1.428571410e+01, v61  }
0x106: {  	v55 =	vmul.f32 $1.442695020e+00, v55;
	v57 =	vmul.f32 $1.428571410e+01, v57  }
0x107: {  	v28 =	vmul.f32 $1.442695020e+00, v27;
	v60 =	vmul.f32 $1.428571410e+01, v60  }
0x108: {  	v57 =	vmul.f32 $1.442695020e+00, v57;
	v56 =	vmul.f32 $1.428571410e+01, v63  }
0x109: {  	v27 =	vld [tilespmem:$0xC50];
	v63 =	vmul.f32 $1.428571410e+01, v59;
	v53 =	vpop (erf);
	(erf) = vpow2.f32 v55  }
0x10a: {  	v62 =	vmul.f32 $1.442695020e+00, v56;
	v54 =	vpop (erf);
	(erf) = vpow2.f32 v28  }
0x10b: {  	v58 =	vadd.f32 v52, v58;
	v28 =	vmul.f32 $1.442695020e+00, v63;
	v55 =	vpop (erf);
	(erf) = vpow2.f32 v57  }
0x10c: {  	v60 =	vmul.f32 $1.442695020e+00, v60;
	v56 =	vpop (erf);
	(erf) = vpow2.f32 v62  }
0x10d: {  	v61 =	vld [tilespmem:$0xC40];
	v58 =	vadd.f32 v53, v58;
	v57 =	vpop (erf);
	(erf) = vpow2.f32 v28  }
0x10e: {  	(erf) = vpow2.f32 v60;
	v60 =	vmul.f32 $1.428571410e+01, v27;
	v27 =	vld [tilespmem:$0x1FFD0]  }
0x10f: {  	v58 =	vadd.f32 v54, v58;
	_ =	sdelay $0x1  }
0x110: {  	v58 =	vadd.f32 v55, v58;
	_ =	sdelay $0x1  }
0x111: {  	v61 =	vmul.f32 $1.428571410e+01, v61;
	v58 =	vadd.f32 v56, v58;
	[tilespmem:$0x1040] =	vst v27;
	v27 =	vld [tilespmem:$0x1FFE0]  }
0x112: {  	v63 =	vld [tilespmem:$0xC60]  }
0x113: {  	v61 =	vmul.f32 $1.442695020e+00, v61  }
0x114: {  	[tilespmem:$0x1FFF0] =	vst v0;
	v62 =	vld [tilespmem:$0xC70];
	v0 =	vadd.f32 v57, v58  }
0x115: {  	v58 =	vpop (erf);
	(erf) = vpow2.f32 v61;
	v61 =	vld [tilespmem:$0xC80]  }
0x116: {  	v0 =	vadd.f32 v58, v0;
	[tilespmem:$0x1060] =	vst v27;
	v27 =	vld [tilespmem:$0x1FFF0]  }
0x117: {  	v63 =	vmul.f32 $1.428571410e+01, v63;
	v60 =	vmul.f32 $1.442695020e+00, v60;
	v59 =	vpop (erf)  }
0x118: {  	[tilespmem:$0x1050] =	vst v1;
	v1 =	vld [tilespmem:$0xC90];
	v0 =	vadd.f32 v59, v0  }
0x119: {  	v28 =	vpop (erf);
	(erf) = vpow2.f32 v60;
	v60 =	vmul.f32 $1.442695020e+00, v63  }
0x11a: {  	[tilespmem:$0x1080] =	vst v2;
	v62 =	vmul.f32 $1.428571410e+01, v62;
	v63 =	vld [tilespmem:$0xCA0];
	v0 =	vadd.f32 v28, v0  }
0x11b: {  	[tilespmem:$0x1070] =	vst v27;
	v27 =	vpop (erf);
	(erf) = vpow2.f32 v60;
	v60 =	vmul.f32 $1.428571410e+01, v61  }
0x11c: {  	[tilespmem:$0x1090] =	vst v5;
	v5 =	vld [tilespmem:$0xCB0];
	v62 =	vmul.f32 $1.442695020e+00, v62;
	v0 =	vadd.f32 v27, v0  }
0x11d: {  	v1 =	vmul.f32 $1.428571410e+01, v1;
	[tilespmem:$0x10A0] =	vst v4;
	v2 =	vpop (erf);
	v4 =	vmul.f32 $1.442695020e+00, v60  }
0x11e: {  	v61 =	vld [tilespmem:$0xCC0];
	(erf) = vpow2.f32 v62;
	v0 =	vadd.f32 v2, v0  }
0x11f: {  	v1 =	vmul.f32 $1.442695020e+00, v1;
	[tilespmem:$0x10B0] =	vst v3;
	v3 =	vpop (erf);
	v60 =	vmul.f32 $1.428571410e+01, v63;
	v63 =	vld [tilespmem:$0xCD0]  }
0x120: {  	(erf) = vpow2.f32 v4;
	v0 =	vadd.f32 v3, v0  }
0x121: {  	[tilespmem:$0x10C0] =	vst v8;
	(erf) = vpow2.f32 v1;
	v1 =	vmul.f32 $1.428571410e+01, v5;
	v4 =	vpop (erf)  }
0x122: {  	[tilespmem:$0x10D0] =	vst v9;
	v9 =	vld [tilespmem:$0xCE0];
	v60 =	vmul.f32 $1.442695020e+00, v60;
	v0 =	vadd.f32 v4, v0  }
0x123: {  	[tilespmem:$0x10E0] =	vst v10;
	v61 =	vmul.f32 $1.428571410e+01, v61;
	v5 =	vpop (erf);
	v1 =	vmul.f32 $1.442695020e+00, v1  }
0x124: {  	[tilespmem:$0x10F0] =	vst v11;
	v62 =	vld [tilespmem:$0xCF0];
	(erf) = vpow2.f32 v60;
	v8 =	vmul.f32 $1.428571410e+01, v63;
	v0 =	vadd.f32 v5, v0  }
0x125: {  	[tilespmem:$0x1110] =	vst v6;
	v63 =	vld [tilespmem:$0xD00];
	v6 =	vpop (erf);
	(erf) = vpow2.f32 v1;
	v1 =	vmul.f32 $1.442695020e+00, v61  }
0x126: {  	[tilespmem:$0x1100] =	vst v12;
	v0 =	vadd.f32 v6, v0  }
0x127: {  	[tilespmem:$0x1120] =	vst v7;
	v7 =	vpop (erf);
	(erf) = vpow2.f32 v1;
	v1 =	vmul.f32 $1.428571410e+01, v9  }
0x128: {  	[tilespmem:$0x1130] =	vst v15;
	v60 =	vmul.f32 $1.442695020e+00, v8;
	v61 =	vld [tilespmem:$0xD10];
	v0 =	vadd.f32 v7, v0  }
0x129: {  	[tilespmem:$0x1140] =	vst v16;
	v11 =	vmul.f32 $1.428571410e+01, v62;
	v8 =	vpop (erf);
	v1 =	vmul.f32 $1.442695020e+00, v1  }
0x12a: {  	[tilespmem:$0x1150] =	vst v17;
	v62 =	vmul.f32 $1.428571410e+01, v63;
	v63 =	vld [tilespmem:$0xD20];
	(erf) = vpow2.f32 v60;
	v0 =	vadd.f32 v8, v0  }
0x12b: {  	[tilespmem:$0x1160] =	vst v18;
	v9 =	vpop (erf);
	(erf) = vpow2.f32 v1;
	v1 =	vmul.f32 $1.442695020e+00, v11  }
0x12c: {  	[tilespmem:$0x1170] =	vst v19;
	v0 =	vadd.f32 v9, v0  }
0x12d: {  	[tilespmem:$0x1180] =	vst v20;
	v20 =	vld [tilespmem:$0xD30];
	v10 =	vpop (erf);
	(erf) = vpow2.f32 v1;
	v1 =	vmul.f32 $1.428571410e+01, v61  }
0x12e: {  	[tilespmem:$0x11B0] =	vst v23;
	v23 =	vld [tilespmem:$0xD40];
	v15 =	vmul.f32 $1.442695020e+00, v62;
	v0 =	vadd.f32 v10, v0  }
0x12f: {  	[tilespmem:$0x1190] =	vst v21;
	v16 =	vmul.f32 $1.428571410e+01, v63;
	v11 =	vpop (erf);
	v1 =	vmul.f32 $1.442695020e+00, v1  }
0x130: {  	[tilespmem:$0x11D0] =	vst v25;
	v25 =	vld [tilespmem:$0xD50];
	(erf) = vpow2.f32 v15;
	v0 =	vadd.f32 v11, v0  }
0x131: {  	[tilespmem:$0x11A0] =	vst v22;
	v12 =	vpop (erf);
	(erf) = vpow2.f32 v1;
	v1 =	vmul.f32 $1.442695020e+00, v16  }
0x132: {  	v17 =	vmul.f32 $1.428571410e+01, v20;
	[tilespmem:$0x11E0] =	vst v26;
	v0 =	vadd.f32 v12, v0  }
0x133: {  	v26 =	vld [tilespmem:$0xD60];
	[tilespmem:$0x11F0] =	vst v13;
	v13 =	vpop (erf);
	(erf) = vpow2.f32 v1;
	v1 =	vmul.f32 $1.428571410e+01, v23  }
0x134: {  	v17 =	vmul.f32 $1.442695020e+00, v17;
	[tilespmem:$0x1210] =	vst v29;
	v29 =	vld [tilespmem:$0xD70];
	v0 =	vadd.f32 v13, v0  }
0x135: {  	[tilespmem:$0x1200] =	vst v14;
	v18 =	vmul.f32 $1.428571410e+01, v25;
	v14 =	vpop (erf);
	v1 =	vmul.f32 $1.442695020e+00, v1  }
0x136: {  	[tilespmem:$0x1230] =	vst v31;
	v31 =	vld [tilespmem:$0xD80];
	(erf) = vpow2.f32 v17;
	v0 =	vadd.f32 v14, v0  }
0x137: {  	[tilespmem:$0x1220] =	vst v30;
	v15 =	vpop (erf);
	(erf) = vpow2.f32 v1;
	v1 =	vmul.f32 $1.442695020e+00, v18  }
0x138: {  	v30 =	vmul.f32 $1.428571410e+01, v26;
	[tilespmem:$0x1240] =	vst v32;
	v0 =	vadd.f32 v15, v0  }
0x139: {  	[tilespmem:$0x1250] =	vst v33;
	v32 =	vld [tilespmem:$0xD90];
	v16 =	vpop (erf);
	(erf) = vpow2.f32 v1;
	v1 =	vmul.f32 $1.428571410e+01, v29  }
0x13a: {  	v33 =	vmul.f32 $1.442695020e+00, v30;
	[tilespmem:$0x1260] =	vst v34;
	v34 =	vld [tilespmem:$0xDA0];
	v0 =	vadd.f32 v16, v0  }
0x13b: {  	[tilespmem:$0x1270] =	vst v35;
	v35 =	vmul.f32 $1.428571410e+01, v31;
	v17 =	vpop (erf);
	v1 =	vmul.f32 $1.442695020e+00, v1  }
0x13c: {  	[tilespmem:$0x1290] =	vst v37;
	v37 =	vld [tilespmem:$0xDB0];
	(erf) = vpow2.f32 v33;
	v0 =	vadd.f32 v17, v0  }
0x13d: {  	[tilespmem:$0x12A0] =	vst v38;
	v38 =	vld [tilespmem:$0xDC0];
	v18 =	vpop (erf);
	(erf) = vpow2.f32 v1;
	v1 =	vmul.f32 $1.442695020e+00, v35  }
0x13e: {  	[tilespmem:$0x1280] =	vst v36;
	v36 =	vmul.f32 $1.428571410e+01, v32;
	v0 =	vadd.f32 v18, v0  }
0x13f: {  	[tilespmem:$0x12B0] =	vst v39;
	v19 =	vpop (erf);
	(erf) = vpow2.f32 v1;
	v1 =	vmul.f32 $1.428571410e+01, v34  }
0x140: {  	v39 =	vmul.f32 $1.442695020e+00, v36;
	[tilespmem:$0x12D0] =	vst v41;
	v41 =	vld [tilespmem:$0xDD0];
	v0 =	vadd.f32 v19, v0  }
0x141: {  	[tilespmem:$0x12E0] =	vst v42;
	v42 =	vmul.f32 $1.428571410e+01, v37;
	v20 =	vpop (erf);
	v1 =	vmul.f32 $1.442695020e+00, v1  }
0x142: {  	[tilespmem:$0x12F0] =	vst v43;
	v43 =	vld [tilespmem:$0xDE0];
	v23 =	vmul.f32 $1.428571410e+01, v38;
	(erf) = vpow2.f32 v39;
	v0 =	vadd.f32 v20, v0  }
0x143: {  	[tilespmem:$0x11C0] =	vst v24;
	v21 =	vpop (erf);
	(erf) = vpow2.f32 v1;
	v1 =	vmul.f32 $1.442695020e+00, v42  }
0x144: {  	[tilespmem:$0x12C0] =	vst v40;
	v0 =	vadd.f32 v21, v0  }
0x145: {  	[tilespmem:$0x1300] =	vst v44;
	v44 =	vld [tilespmem:$0xDF0];
	v22 =	vpop (erf);
	(erf) = vpow2.f32 v1;
	v1 =	vmul.f32 $1.428571410e+01, v41  }
0x146: {  	[tilespmem:$0x1310] =	vst v45;
	v61 =	vld [tilespmem:$0xE00];
	v60 =	vmul.f32 $1.442695020e+00, v23;
	v0 =	vadd.f32 v22, v0  }
0x147: {  	v25 =	vmul.f32 $1.428571410e+01, v43;
	[tilespmem:$0x1320] =	vst v46;
	v23 =	vpop (erf);
	v1 =	vmul.f32 $1.442695020e+00, v1  }
0x148: {  	[tilespmem:$0x1330] =	vst v47;
	v62 =	vld [tilespmem:$0xE10];
	(erf) = vpow2.f32 v60;
	v0 =	vadd.f32 v23, v0  }
0x149: {  	[tilespmem:$0x1340] =	vst v48;
	v24 =	vpop (erf);
	(erf) = vpow2.f32 v1;
	v1 =	vmul.f32 $1.442695020e+00, v25  }
0x14a: {  	v26 =	vmul.f32 $1.428571410e+01, v44;
	[tilespmem:$0x1350] =	vst v49;
	v0 =	vadd.f32 v24, v0  }
0x14b: {  	[tilespmem:$0x1360] =	vst v50;
	v63 =	vld [tilespmem:$0xE20];
	v25 =	vpop (erf);
	(erf) = vpow2.f32 v1;
	v1 =	vmul.f32 $1.428571410e+01, v61  }
0x14c: {  	v36 =	vmul.f32 $1.442695020e+00, v26;
	[tilespmem:$0x1370] =	vst v51;
	v38 =	vld [tilespmem:$0xE30];
	v0 =	vadd.f32 v25, v0  }
0x14d: {  	[tilespmem:$0x1380] =	vst v52;
	v30 =	vmul.f32 $1.428571410e+01, v62;
	v37 =	vpop (erf);
	v1 =	vmul.f32 $1.442695020e+00, v1  }
0x14e: {  	v40 =	vld [tilespmem:$0xE40];
	[tilespmem:$0x1390] =	vst v53;
	(erf) = vpow2.f32 v36;
	v0 =	vadd.f32 v37, v0  }
0x14f: {  	[tilespmem:$0x13A0] =	vst v54;
	v39 =	vpop (erf);
	(erf) = vpow2.f32 v1;
	v1 =	vmul.f32 $1.442695020e+00, v30  }
0x150: {  	[tilespmem:$0x13B0] =	vst v55;
	v31 =	vmul.f32 $1.428571410e+01, v63;
	v0 =	vadd.f32 v39, v0  }
0x151: {  	[tilespmem:$0x13C0] =	vst v56;
	v41 =	vld [tilespmem:$0xE50];
	v42 =	vpop (erf);
	(erf) = vpow2.f32 v1;
	v1 =	vmul.f32 $1.428571410e+01, v38  }
0x152: {  	v44 =	vld [tilespmem:$0xE60];
	[tilespmem:$0x13D0] =	vst v57;
	v31 =	vmul.f32 $1.442695020e+00, v31;
	v0 =	vadd.f32 v42, v0  }
0x153: {  	v45 =	vmul.f32 $1.428571410e+01, v40;
	[tilespmem:$0x13E0] =	vst v58;
	v43 =	vpop (erf);
	v1 =	vmul.f32 $1.442695020e+00, v1  }
0x154: {  	v47 =	vld [tilespmem:$0xE70];
	[tilespmem:$0x13F0] =	vst v59;
	(erf) = vpow2.f32 v31;
	v0 =	vadd.f32 v43, v0  }
0x155: {  	[tilespmem:$0x1420] =	vst v2;
	v2 =	vld [tilespmem:$0xE80];
	v46 =	vpop (erf);
	(erf) = vpow2.f32 v1;
	v1 =	vmul.f32 $1.442695020e+00, v45  }
0x156: {  	[tilespmem:$0x1400] =	vst v28;
	v30 =	vmul.f32 $1.428571410e+01, v41;
	v0 =	vadd.f32 v46, v0  }
0x157: {  	[tilespmem:$0x1430] =	vst v3;
	v3 =	vpop (erf);
	(erf) = vpow2.f32 v1;
	v1 =	vmul.f32 $1.428571410e+01, v44  }
0x158: {  	v50 =	vld [tilespmem:$0xE90];
	[tilespmem:$0x1410] =	vst v27;
	v48 =	vmul.f32 $1.442695020e+00, v30;
	v0 =	vadd.f32 v3, v0  }
0x159: {  	v51 =	vmul.f32 $1.428571410e+01, v47;
	[tilespmem:$0x1440] =	vst v4;
	v49 =	vpop (erf);
	v1 =	vmul.f32 $1.442695020e+00, v1  }
0x15a: {  	v53 =	vld [tilespmem:$0xEA0];
	[tilespmem:$0x1450] =	vst v5;
	v2 =	vmul.f32 $1.428571410e+01, v2;
	(erf) = vpow2.f32 v48;
	v0 =	vadd.f32 v49, v0  }
0x15b: {  	[tilespmem:$0x1460] =	vst v6;
	v52 =	vpop (erf);
	(erf) = vpow2.f32 v1;
	v1 =	vmul.f32 $1.442695020e+00, v51  }
0x15c: {  	v2 =	vmul.f32 $1.442695020e+00, v2;
	[tilespmem:$0x1470] =	vst v7;
	v0 =	vadd.f32 v52, v0  }
0x15d: {  	v54 =	vld [tilespmem:$0xEB0];
	[tilespmem:$0x1480] =	vst v8;
	v55 =	vpop (erf);
	(erf) = vpow2.f32 v1;
	v1 =	vmul.f32 $1.428571410e+01, v50  }
0x15e: {  	[tilespmem:$0x1490] =	vst v9;
	v56 =	vpop (erf);
	(erf) = vpow2.f32 v2;
	v2 =	vld [tilespmem:$0xEC0];
	v0 =	vadd.f32 v55, v0  }
0x15f: {  	v57 =	vmul.f32 $1.428571410e+01, v53;
	[tilespmem:$0x14A0] =	vst v10;
	v1 =	vmul.f32 $1.442695020e+00, v1  }
0x160: {  	v59 =	vld [tilespmem:$0xED0];
	[tilespmem:$0x14B0] =	vst v11;
	v0 =	vadd.f32 v56, v0  }
0x161: {  	[tilespmem:$0x14C0] =	vst v12;
	v58 =	vpop (erf);
	(erf) = vpow2.f32 v1;
	v1 =	vmul.f32 $1.442695020e+00, v57  }
0x162: {  	v6 =	vmul.f32 $1.428571410e+01, v54;
	[tilespmem:$0x14D0] =	vst v13;
	v0 =	vadd.f32 v58, v0  }
0x163: {  	[tilespmem:$0x14E0] =	vst v14;
	v60 =	vld [tilespmem:$0xEE0];
	v61 =	vpop (erf);
	(erf) = vpow2.f32 v1;
	v1 =	vmul.f32 $1.428571410e+01, v2  }
0x164: {  	v6 =	vmul.f32 $1.442695020e+00, v6;
	v62 =	vld [tilespmem:$0xEF0];
	[tilespmem:$0x14F0] =	vst v15;
	v0 =	vadd.f32 v61, v0  }
0x165: {  	v11 =	vmul.f32 $1.428571410e+01, v59;
	[tilespmem:$0x1500] =	vst v16;
	v2 =	vpop (erf);
	v1 =	vmul.f32 $1.442695020e+00, v1  }
0x166: {  	[tilespmem:$0x1530] =	vst v19;
	v19 =	vld [tilespmem:$0xF00];
	(erf) = vpow2.f32 v6;
	v0 =	vadd.f32 v2, v0  }
0x167: {  	[tilespmem:$0x1510] =	vst v17;
	v63 =	vpop (erf);
	(erf) = vpow2.f32 v1;
	v1 =	vmul.f32 $1.442695020e+00, v11  }
0x168: {  	[tilespmem:$0x1520] =	vst v18;
	v9 =	vmul.f32 $1.428571410e+01, v60;
	v0 =	vadd.f32 v63, v0  }
0x169: {  	[tilespmem:$0x1540] =	vst v20;
	v20 =	vld [tilespmem:$0xF10];
	v28 =	vpop (erf);
	(erf) = vpow2.f32 v1;
	v1 =	vmul.f32 $1.428571410e+01, v62  }
0x16a: {  	[tilespmem:$0x1550] =	vst v21;
	v9 =	vmul.f32 $1.442695020e+00, v9;
	v31 =	vld [tilespmem:$0xF20];
	v0 =	vadd.f32 v28, v0  }
0x16b: {  	[tilespmem:$0x1560] =	vst v22;
	v14 =	vmul.f32 $1.428571410e+01, v19;
	v30 =	vpop (erf);
	v1 =	vmul.f32 $1.442695020e+00, v1  }
0x16c: {  	v35 =	vld [tilespmem:$0xF30];
	[tilespmem:$0x1570] =	vst v23;
	(erf) = vpow2.f32 v9;
	v0 =	vadd.f32 v30, v0  }
0x16d: {  	[tilespmem:$0x1580] =	vst v24;
	v33 =	vpop (erf);
	(erf) = vpow2.f32 v1;
	v1 =	vmul.f32 $1.442695020e+00, v14  }
0x16e: {  	[tilespmem:$0x1590] =	vst v25;
	v11 =	vmul.f32 $1.428571410e+01, v20;
	v0 =	vadd.f32 v33, v0  }
0x16f: {  	v36 =	vld [tilespmem:$0xF40];
	[tilespmem:$0x15A0] =	vst v37;
	v37 =	vpop (erf);
	(erf) = vpow2.f32 v1;
	v1 =	vmul.f32 $1.428571410e+01, v31  }
0x170: {  	[tilespmem:$0x15B0] =	vst v39;
	v39 =	vld [tilespmem:$0xF50];
	v11 =	vmul.f32 $1.442695020e+00, v11;
	v0 =	vadd.f32 v37, v0  }
0x171: {  	v17 =	vmul.f32 $1.428571410e+01, v35;
	[tilespmem:$0x15C0] =	vst v42;
	v38 =	vpop (erf);
	v1 =	vmul.f32 $1.442695020e+00, v1  }
0x172: {  	v40 =	vld [tilespmem:$0xF60];
	[tilespmem:$0x15D0] =	vst v43;
	(erf) = vpow2.f32 v11;
	v0 =	vadd.f32 v38, v0  }
0x173: {  	v41 =	vld [tilespmem:$0xF70];
	[tilespmem:$0x15F0] =	vst v3;
	v3 =	vpop (erf);
	(erf) = vpow2.f32 v1;
	v1 =	vmul.f32 $1.442695020e+00, v17  }
0x174: {  	[tilespmem:$0x15E0] =	vst v46;
	v44 =	vld [tilespmem:$0xF80];
	v14 =	vmul.f32 $1.428571410e+01, v36;
	v0 =	vadd.f32 v3, v0  }
0x175: {  	[tilespmem:$0x1660] =	vst v2;
	v2 =	vld [tilespmem:$0xFB0];
	v42 =	vpop (erf);
	(erf) = vpow2.f32 v1;
	v1 =	vmul.f32 $1.428571410e+01, v39  }
0x176: {  	v46 =	vld [tilespmem:$0xF90];
	[tilespmem:$0x1600] =	vst v49;
	v14 =	vmul.f32 $1.442695020e+00, v14;
	v0 =	vadd.f32 v42, v0  }
0x177: {  	v45 =	vmul.f32 $1.428571410e+01, v40;
	v48 =	vld [tilespmem:$0xFA0];
	[tilespmem:$0x1610] =	vst v52;
	v43 =	vpop (erf);
	v1 =	vmul.f32 $1.442695020e+00, v1  }
0x178: {  	v4 =	vmul.f32 $1.428571410e+01, v41;
	[tilespmem:$0x1620] =	vst v55;
	(erf) = vpow2.f32 v14;
	v0 =	vadd.f32 v43, v0  }
0x179: {  	[tilespmem:$0x1630] =	vst v56;
	v47 =	vpop (erf);
	(erf) = vpow2.f32 v1;
	v1 =	vmul.f32 $1.442695020e+00, v45  }
0x17a: {  	v4 =	vmul.f32 $1.442695020e+00, v4;
	[tilespmem:$0x1640] =	vst v58;
	v2 =	vmul.f32 $1.428571410e+01, v2;
	v0 =	vadd.f32 v47, v0  }
0x17b: {  	[tilespmem:$0x1650] =	vst v61;
	v49 =	vpop (erf);
	(erf) = vpow2.f32 v1;
	v1 =	vmul.f32 $1.428571410e+01, v44  }
0x17c: {  	v51 =	vmul.f32 $1.428571410e+01, v46;
	v52 =	vld [tilespmem:$0xFC0];
	v53 =	vmul.f32 $1.428571410e+01, v48;
	[tilespmem:$0x1670] =	vst v63;
	v0 =	vadd.f32 v49, v0  }
0x17d: {  	v56 =	vld [tilespmem:$0xFE0];
	[tilespmem:$0x1680] =	vst v28;
	v2 =	vmul.f32 $1.442695020e+00, v2;
	v50 =	vpop (erf);
	v1 =	vmul.f32 $1.442695020e+00, v1  }
0x17e: {  	[tilespmem:$0x1690] =	vst v30;
	(erf) = vpow2.f32 v4;
	v4 =	vmul.f32 $1.442695020e+00, v51;
	v0 =	vadd.f32 v50, v0  }
0x17f: {  	v54 =	vld [tilespmem:$0xFD0];
	[tilespmem:$0x16A0] =	vst v33;
	v55 =	vpop (erf);
	(erf) = vpow2.f32 v1;
	v1 =	vmul.f32 $1.442695020e+00, v53  }
0x180: {  	[tilespmem:$0x16B0] =	vst v37;
	(erf) = vpow2.f32 v4;
	v0 =	vadd.f32 v55, v0  }
0x181: {  	v57 =	vld [tilespmem:$0xFF0];
	[tilespmem:$0x16D0] =	vst v3;
	v3 =	vpop (erf);
	(erf) = vpow2.f32 v1;
	v1 =	vmul.f32 $1.428571410e+01, v52  }
0x182: {  	v59 =	vmul.f32 $1.428571410e+01, v56;
	[tilespmem:$0x16C0] =	vst v38;
	v0 =	vadd.f32 v3, v0  }
0x183: {  	[tilespmem:$0x16E0] =	vst v42;
	(erf) = vpow2.f32 v2;
	v2 =	vpop (erf);
	v1 =	vmul.f32 $1.442695020e+00, v1  }
0x184: {  	v58 =	vmul.f32 $1.428571410e+01, v54;
	[tilespmem:$0x16F0] =	vst v43;
	v0 =	vadd.f32 v2, v0  }
0x185: {  	[tilespmem:$0x1700] =	vst v47;
	v60 =	vpop (erf);
	(erf) = vpow2.f32 v1;
	v1 =	vmul.f32 $1.442695020e+00, v59  }
0x186: {  	v61 =	vmul.f32 $1.428571410e+01, v57;
	[tilespmem:$0x1710] =	vst v49;
	v4 =	vmul.f32 $1.442695020e+00, v58;
	v0 =	vadd.f32 v60, v0  }
0x187: {  	[tilespmem:$0x1720] =	vst v50;
	v62 =	vpop (erf)  }
0x188: {  	v63 =	vmul.f32 $1.442695020e+00, v61;
	[tilespmem:$0x1730] =	vst v55;
	(erf) = vpow2.f32 v4;
	v0 =	vadd.f32 v62, v0  }
0x189: {  	[tilespmem:$0x1740] =	vst v3;
	(erf) = vpow2.f32 v1;
	v1 =	vpop (erf)  }
0x18a: {  	[tilespmem:$0x1750] =	vst v2;
	(erf) = vpow2.f32 v63;
	v0 =	vadd.f32 v1, v0  }
0x18b: {  	[tilespmem:$0x1760] =	vst v60;
	v2 =	vpop (erf)  }
0x18c: {  	[tilespmem:$0x1770] =	vst v62;
	v0 =	vadd.f32 v2, v0  }
0x18d: {  	[tilespmem:$0x1780] =	vst v1;
	v1 =	vpop (erf)  }
0x18e: {  	[tilespmem:$0x1790] =	vst v2;
	v0 =	vadd.f32 v1, v0  }
0x18f: {  	[tilespmem:$0x17A0] =	vst v1;
	v2 =	vpop (erf)  }
0x190: {  	[tilespmem:$0x17B0] =	vst v2;
	v1 =	vpop (erf);
	v0 =	vadd.f32 v2, v0  }
0x191: {  	v3 =	vpop (erf);
	[tilespmem:$0x17C0] =	vst v1  }
0x192: {  	v2 =	vpop (erf);
	[tilespmem:$0x17D0] =	vst v3;
	v0 =	vadd.f32 v1, v0  }
0x193: {  	p0 =	sne.s32 s4, $0x1;
	[tilespmem:$0x17E0] =	vst v2;
	v1 =	vpop (erf)  }
.Ltmp0:
0x194: {  	[tilespmem:$0x17F0] =	vst v1;
	v0 =	vadd.f32 v3, v0;
	(pc) =	sbr.rel @p0 .LBB2_2-.Ltmp0, $4  }
0x195: {  	[hbm4b:s7+s2] =	stream.linear.scatter [tilespmem:s31], [sflag:$0x2], $0x800, $0x38;
	[tilespmem:$0x1880] =	vst v63  }
0x196: {  	_ =	swait.ge [sflag:s9], $0x800;
	v0 =	vadd.f32 v2, v0  }
0x197: {  	s8 =	sadd.s32 $0x100, s8;
	[sflag:s9] =	ssyncset.done $0x0  }
0x198: {  	s4 =	sadd.s32 $0xFFFFFFFF, s4;
	s7 =	sadd.s32 $0x100, s7;
	[sflag:s9] =	ssyncadd.s32 $0xFFFFF800;
	v0 =	vadd.f32 v1, v0  }
0x199: {  	_ = 	snop  }
0x19a: {  	s0 =	rddreg [dreg:$0x10];
	s1 =	simm.s32 $0x1800;
	[tilespmem:$0x1800] =	vst v0  }
0x19b: {  	[hbm4b:s0+s2] =	stream.linear.scatter [tilespmem:s1], [sflag:$0x2], $0x80, $0x38;
	[tilespmem:$0x1880] =	vst v63  }
0x19c: {  	_ =	swait.ge [sflag:s9], $0x80  }
0x19d: {  	s7 =	rddreg [dreg:$0x14]  }
0x19e: {  	s8 =	rddreg [dreg:$0x11];
	s1 =	sadd.s32 $0x1, s7  }
0x19f: {  	p0 =	sne.s32 s1, s8  }
.Ltmp1:
0x1a0: {  	_ = 	snop;
	(pc) =	sbr.rel @p0 .LBB2_1-.Ltmp1, $3  }
0x1a1: {  	_ =	sdelay $0x1  }
0x1a2: {  	[sflag:s9] =	ssyncset.done $0x0  }
0x1a3: {  	[sflag:s9] =	ssyncadd.s32 $0xFFFFFF80  }
0x1a4: {  	_ =	sfence.sel $0x180000  }
0x1a5: {  	[bflag:$0x0] =	sbarrier.arrive $0xFFFF  }
0x1a6: {  	_ =	strace $0x90000047  }
0x1a7: {  	s0 =	stileid.u32;
	[bflag:$0x2] =	sbarrier.arrive $0xFFFF  }
0x1a8: {  	p0 =	sne.s32 s0, $0x0;
	s0 =	rddreg [dreg:$0x2]  }
0x1a9: {  	s0 =	sadd.s32 @!p0 $0x100000, s0  }
0x1aa: {  	[sflag:s0] =	ssyncadd.tile.s32 @!p0 $0x1;
	_ =	shalt  }
.Lfunc_end2:
_tile_overlayer_lowered:
.L_overlay_start_2:
0x1ab: {  	(tag) =	ssettag $0x2  }
0x1ac: {  	s0 =	rddreg [dreg:$0x0];
	s2 =	stileid.u32  }
0x1ad: {  	s1 =	rddreg [dreg:$0x1];
	p0 =	sne.s32 s2, $0x0  }
0x1ae: {  	s3 =	rddreg [dreg:$0x2];
	[bflag:$0x3] =	sbarrier.arrive $0xFFFF;
	s2 =	simm.s32 @!p0 $0x1C02  }
0x1af: {  	[timem:s3], [sflag:s2] =	dma.local @!p0 [hbm:s0], s1  }
0x1b0: {  	s0 =	simm.s32 @!p0 $0x2  }
0x1b1: {  	_ =	swait.ge @!p0 [sflag:s0], s1  }
0x1b2: {  	s1 =	ssub.s32 @!p0 $0x0, s1;
	[sflag:s0] =	ssyncset.done @!p0 $0x0  }
0x1b3: {  	[sflag:s0] =	ssyncadd.s32 @!p0 s1  }
0x1b4: {  	[bflag:$0x3] =	sbarrier.arrive $0xFFFF  }
0x1b5: {  	_ =	shalt  }

</sc_bundles>
